<compile_context>
chip_gen: v7x
topology: tpu7x:2x2x1
jax: 0.10.2.dev20260603
libtpu: 0.0.44.dev20260713+nightly
codegen_flags: <defaults>
</compile_context>

<pallas_src>
import jax
import jax.numpy as jnp
from jax import lax
from jax.experimental import pallas as pl
from jax.experimental.pallas import tpu as pltpu
from jax.experimental.pallas import tpu_sc as plsc

N_NODES = 10000
N_EDGES = 320000
D = 128

NC = 2
NS = 16
EPW = N_EDGES // (NC * NS)
CHUNK = 40
NCHUNK = EPW // CHUNK
NBUF = 5
PD = 3
WSTRIDE = 128
NMAIN = (NCHUNK // NBUF) * NBUF
ROWS_PER_SUB = 624
ROWS_TAIL = N_NODES - NS * ROWS_PER_SUB


def _sc_aggregate(x, src4, dst4, w4, zeros):
    mesh = plsc.VectorSubcoreMesh(core_axis_name="c", subcore_axis_name="s")

    def body(x_hbm, src_hbm, dst_hbm, w_hbm, z_hbm, part_hbm,
             src_v, dst_v, wflat, rows, accum,
             g0, g1, g2, g3, g4, s0, s1, s2, s3, s4):
        G = [g0, g1, g2, g3, g4]
        S = [s0, s1, s2, s3, s4]
        cid = lax.axis_index("c")
        sid = lax.axis_index("s")

        pltpu.sync_copy(z_hbm.at[pl.ds(sid * ROWS_PER_SUB, ROWS_PER_SUB)],
                        accum.at[pl.ds(sid * ROWS_PER_SUB, ROWS_PER_SUB)])

        @pl.when(sid == NS - 1)
        def _():
            pltpu.sync_copy(z_hbm.at[pl.ds(NS * ROWS_PER_SUB, ROWS_TAIL)],
                            accum.at[pl.ds(NS * ROWS_PER_SUB, ROWS_TAIL)])

        plsc.subcore_barrier()

        pltpu.sync_copy(src_hbm.at[cid, sid], src_v)
        pltpu.sync_copy(dst_hbm.at[cid, sid], dst_v)

        def gather_start(c, b):
            pltpu.async_copy(x_hbm.at[src_v.at[c]], rows.at[b], G[b])
            pltpu.async_copy(w_hbm.at[cid, sid, c],
                             wflat.at[pl.ds(b * WSTRIDE, CHUNK)], G[b])

        def gather_wait(b):
            pltpu.make_async_copy(
                x_hbm.at[pl.ds(0, CHUNK)], rows.at[b], G[b]).wait()
            pltpu.make_async_copy(
                w_hbm.at[0, 0, 0], wflat.at[pl.ds(b * WSTRIDE, CHUNK)],
                G[b]).wait()

        def scatter_start(c, b):
            pltpu.async_copy(rows.at[b], accum.at[dst_v.at[c]], S[b], add=True)

        def scatter_wait(b):
            pltpu.make_async_copy(
                rows.at[b], accum.at[pl.ds(0, CHUNK)], S[b]).wait()

        def step(cc, b, prefetch):
            gather_wait(b)
            if prefetch:
                b2 = (b + PD) % NBUF

                @pl.when(cc + PD < NCHUNK)
                def _():
                    @pl.when(cc + PD >= NBUF)
                    def _():
                        scatter_wait(b2)
                    gather_start(cc + PD, b2)

            rb = rows.at[b]

            @pl.loop(0, CHUNK, unroll=5)
            def edge_loop(e):
                ie = jnp.full((16,), b * WSTRIDE + e, jnp.int32)
                wvec = plsc.load_gather(wflat, [ie])
                for j in range(D // 16):
                    seg = rb[e, pl.ds(j * 16, 16)]
                    rb[e, pl.ds(j * 16, 16)] = seg * wvec

            scatter_start(cc, b)

        for p in range(PD):
            gather_start(p, p)

        @pl.loop(0, NMAIN, step=NBUF)
        def chunk_loop(c):
            for b in range(NBUF):
                step(c + b, b, True)

        for cc in range(NMAIN, NCHUNK):
            step(cc, cc % NBUF, True)

        for b in range(NBUF):
            scatter_wait(b)

        plsc.subcore_barrier()
        pltpu.sync_copy(accum.at[pl.ds(sid * ROWS_PER_SUB, ROWS_PER_SUB)],
                        part_hbm.at[cid, pl.ds(sid * ROWS_PER_SUB, ROWS_PER_SUB)])

        @pl.when(sid == NS - 1)
        def _():
            pltpu.sync_copy(accum.at[pl.ds(NS * ROWS_PER_SUB, ROWS_TAIL)],
                            part_hbm.at[cid, pl.ds(NS * ROWS_PER_SUB, ROWS_TAIL)])

    fn = pl.kernel(
        body,
        out_type=jax.ShapeDtypeStruct((NC, N_NODES, D), jnp.float32),
        mesh=mesh,
        compiler_params=pltpu.CompilerParams(needs_layout_passes=False,
                                             use_tc_tiling_on_sc=False),
        scratch_types=[
            pltpu.VMEM((NCHUNK, CHUNK), jnp.int32),
            pltpu.VMEM((NCHUNK, CHUNK), jnp.int32),
            pltpu.VMEM((NBUF * WSTRIDE,), jnp.float32),
            pltpu.VMEM((NBUF, CHUNK, D), jnp.float32),
            pltpu.MemorySpace.VMEM_SHARED((N_NODES, D), jnp.float32),
        ] + [pltpu.SemaphoreType.DMA] * (2 * NBUF),
    )
    return fn(x, src4, dst4, w4, zeros)


def _mm_body(p_ref, w_ref, o_ref):
    acc = p_ref[0] + p_ref[1]
    o_ref[...] = jnp.maximum(
        jnp.dot(acc, w_ref[...], preferred_element_type=jnp.float32), 0.0)


def _tc_matmul_relu(partials, W):
    blk = 1000
    grid = N_NODES // blk
    return pl.pallas_call(
        _mm_body,
        grid=(grid,),
        in_specs=[
            pl.BlockSpec((NC, blk, D), lambda i: (0, i, 0)),
            pl.BlockSpec((D, D), lambda i: (0, 0)),
        ],
        out_specs=pl.BlockSpec((blk, D), lambda i: (i, 0)),
        out_shape=jax.ShapeDtypeStruct((N_NODES, D), jnp.float32),
    )(partials, W)


def kernel(x, edge_index, edge_weight, W):
    src4 = edge_index[0].astype(jnp.int32).reshape(NC, NS, NCHUNK, CHUNK)
    dst4 = edge_index[1].astype(jnp.int32).reshape(NC, NS, NCHUNK, CHUNK)
    w4 = edge_weight.astype(jnp.float32).reshape(NC, NS, NCHUNK, CHUNK)
    zeros = jnp.zeros((N_NODES, D), jnp.float32)
    partials = _sc_aggregate(x, src4, dst4, w4, zeros)
    return _tc_matmul_relu(partials, W)

# --- scband reference (transcript-rebuilt; emitter-appended) ---
"""Pipeline reference for scband-graph-convolution-36129264894614 (READ-ONLY COPY).

The authoritative reference and input builder live on the scoring server;
editing this copy changes nothing except your own understanding.
"""

import jax, jax.numpy as jnp
import numpy as np

N_NODES = 10000
N_EDGES = 320000
D_IN = 128
D_OUT = 128

def setup_inputs(seed: int = 0) -> dict:
    key = jax.random.key(seed)
    k1, k2, k3, k4 = jax.random.split(key, 4)
    x = jax.random.normal(k1, (N_NODES, D_IN), dtype=jnp.float32)
    edge_index = jax.random.randint(k2, (2, N_EDGES), 0, N_NODES, dtype=jnp.int64)
    edge_weight = jax.random.uniform(k3, (N_EDGES,), dtype=jnp.float32)
    init_range = np.sqrt(6.0 / (D_IN + D_OUT))
    W = jax.random.uniform(k4, (D_IN, D_OUT), minval=-init_range, maxval=init_range, dtype=jnp.float32)
    return {"x": x, "edge_index": edge_index, "edge_weight": edge_weight, "W": W}

def reference(x, edge_index, edge_weight, W):
    # dropout with keep_prob=1.0 is identity (dropout=0.0)
    h = jnp.matmul(x, W)                      # dense transform: [N, d_out]
    src = edge_index[0]
    dst = edge_index[1]
    # sparse_tensor_dense_matmul(adj, h): gather rows by src, weight, scatter-add to dst
    msgs = h[src] * edge_weight[:, None]      # gather: [E, d_out]
    agg = jax.ops.segment_sum(msgs, dst, num_segments=N_NODES)  # scatter-add
    return jax.nn.relu(agg)

if __name__ == "__main__":
    import jax
    _d = setup_inputs()
    print(jax.jit(kernel)(*tuple(_d.values())))

</pallas_src>

<mosaic_0001>
#map = affine_map<(d0, d1) -> (0, 0)>
#map1 = affine_map<(d0, d1) -> (0, 0, 0, 0)>
#map2 = affine_map<(d0, d1) -> (0, 0, 0)>
module attributes {stable_mosaic.version = 14 : i64} {
  func.func @body(%arg0: i32, %arg1: i32, %arg2: memref<10000x128xf32, #tpu.memory_space<hbm>>, %arg3: memref<2x16x250x40xi32, #tpu.memory_space<hbm>>, %arg4: memref<2x16x250x40xi32, #tpu.memory_space<hbm>>, %arg5: memref<2x16x250x40xf32, #tpu.memory_space<hbm>>, %arg6: memref<10000x128xf32, #tpu.memory_space<hbm>>, %arg7: memref<2x10000x128xf32, #tpu.memory_space<hbm>>, %arg8: memref<250x40xi32, #tpu.memory_space<vmem>>, %arg9: memref<250x40xi32, #tpu.memory_space<vmem>>, %arg10: memref<640xf32, #tpu.memory_space<vmem>>, %arg11: memref<5x40x128xf32, #tpu.memory_space<vmem>>, %arg12: memref<10000x128xf32, #tpu.memory_space<vmem_shared>>, %arg13: memref<!tpu.dma_semaphore, #tpu.memory_space<semaphore_mem>>, %arg14: memref<!tpu.dma_semaphore, #tpu.memory_space<semaphore_mem>>, %arg15: memref<!tpu.dma_semaphore, #tpu.memory_space<semaphore_mem>>, %arg16: memref<!tpu.dma_semaphore, #tpu.memory_space<semaphore_mem>>, %arg17: memref<!tpu.dma_semaphore, #tpu.memory_space<semaphore_mem>>, %arg18: memref<!tpu.dma_semaphore, #tpu.memory_space<semaphore_mem>>, %arg19: memref<!tpu.dma_semaphore, #tpu.memory_space<semaphore_mem>>, %arg20: memref<!tpu.dma_semaphore, #tpu.memory_space<semaphore_mem>>, %arg21: memref<!tpu.dma_semaphore, #tpu.memory_space<semaphore_mem>>, %arg22: memref<!tpu.dma_semaphore, #tpu.memory_space<semaphore_mem>>) attributes {dimension_semantics = [#tpu.dimension_semantics<core_parallel>, #tpu.dimension_semantics<subcore_parallel>], iteration_bounds = array<i64: 2, 16>, scalar_prefetch = 0 : i64, scratch_operands = 15 : i64, tpu.core_type = #tpu.core_type<sc_vector_subcore>, window_params = [{transform_indices = #map}, {transform_indices = #map1}, {transform_indices = #map1}, {transform_indices = #map1}, {transform_indices = #map}, {transform_indices = #map2}]} {
    %mul3A = arith.constant 624 : i32
    %mul3A_0 = arith.muli %arg1, %mul3A : i32
    %mul3A_1 = arith.constant 624 : i32
    %mul3A_2 = arith.muli %arg1, %mul3A_1 : i32
    "tpu.region"() ({
      %run_scoped3A = tpu.sem_alloc : memref<!tpu.dma_semaphore, #tpu.memory_space<semaphore_mem>>
      %dma_start3A_161 = arith.constant 0 : i32
      %dma_start3A_162 = tpu.memref_slice %arg12[%mul3A_2, %dma_start3A_161] : memref<10000x128xf32, #tpu.memory_space<vmem_shared>> -> memref<624x128xf32, #tpu.memory_space<vmem_shared>>
      %dma_start3A_163 = arith.constant 0 : i32
      %dma_start3A_164 = tpu.memref_slice %arg6[%mul3A_0, %dma_start3A_163] : memref<10000x128xf32, #tpu.memory_space<hbm>> -> memref<624x128xf32, #tpu.memory_space<hbm>>
      tpu.enqueue_dma source(%dma_start3A_164 : memref<624x128xf32, #tpu.memory_space<hbm>>) target(%dma_start3A_162 : memref<624x128xf32, #tpu.memory_space<vmem_shared>>) target_semaphore(%run_scoped3A : memref<!tpu.dma_semaphore, #tpu.memory_space<semaphore_mem>>)
      %dma_wait3A_165 = arith.constant 0 : i32
      %dma_wait3A_166 = tpu.memref_slice %arg12[%mul3A_2, %dma_wait3A_165] : memref<10000x128xf32, #tpu.memory_space<vmem_shared>> -> memref<624x128xf32, #tpu.memory_space<vmem_shared>>
      %dma_wait3A_167 = arith.constant 0 : i32
      %dma_wait3A_168 = tpu.memref_slice %arg6[%mul3A_0, %dma_wait3A_167] : memref<10000x128xf32, #tpu.memory_space<hbm>> -> memref<624x128xf32, #tpu.memory_space<hbm>>
      tpu.wait_dma2 semaphore(%run_scoped3A : memref<!tpu.dma_semaphore, #tpu.memory_space<semaphore_mem>>) src(%dma_wait3A_168 : memref<624x128xf32, #tpu.memory_space<hbm>>) dst(%dma_wait3A_166 : memref<624x128xf32, #tpu.memory_space<vmem_shared>>)
      tpu.yield
    }) : () -> ()
    %eq3A = arith.constant 15 : i32
    %eq3A_3 = arith.cmpi eq, %arg1, %eq3A : i32
    %convert_element_type3A = arith.extui %eq3A_3 : i1 to i32
    %cond3A = arith.constant 0 : i32
    %cond3A_4 = arith.cmpi ne, %convert_element_type3A, %cond3A : i32
    scf.if %cond3A_4 {
      "tpu.region"() ({
        %run_scoped3A = tpu.sem_alloc : memref<!tpu.dma_semaphore, #tpu.memory_space<semaphore_mem>>
        %dma_start3A_161 = arith.constant 9984 : i32
        %dma_start3A_162 = arith.constant 0 : i32
        %dma_start3A_163 = tpu.memref_slice %arg12[%dma_start3A_161, %dma_start3A_162] : memref<10000x128xf32, #tpu.memory_space<vmem_shared>> -> memref<16x128xf32, #tpu.memory_space<vmem_shared>>
        %dma_start3A_164 = arith.constant 9984 : i32
        %dma_start3A_165 = arith.constant 0 : i32
        %dma_start3A_166 = tpu.memref_slice %arg6[%dma_start3A_164, %dma_start3A_165] : memref<10000x128xf32, #tpu.memory_space<hbm>> -> memref<16x128xf32, #tpu.memory_space<hbm>>
        tpu.enqueue_dma source(%dma_start3A_166 : memref<16x128xf32, #tpu.memory_space<hbm>>) target(%dma_start3A_163 : memref<16x128xf32, #tpu.memory_space<vmem_shared>>) target_semaphore(%run_scoped3A : memref<!tpu.dma_semaphore, #tpu.memory_space<semaphore_mem>>)
        %dma_wait3A_167 = arith.constant 9984 : i32
        %dma_wait3A_168 = arith.constant 0 : i32
        %dma_wait3A_169 = tpu.memref_slice %arg12[%dma_wait3A_167, %dma_wait3A_168] : memref<10000x128xf32, #tpu.memory_space<vmem_shared>> -> memref<16x128xf32, #tpu.memory_space<vmem_shared>>
        %dma_wait3A_170 = arith.constant 9984 : i32
        %dma_wait3A_171 = arith.constant 0 : i32
        %dma_wait3A_172 = tpu.memref_slice %arg6[%dma_wait3A_170, %dma_wait3A_171] : memref<10000x128xf32, #tpu.memory_space<hbm>> -> memref<16x128xf32, #tpu.memory_space<hbm>>
        tpu.wait_dma2 semaphore(%run_scoped3A : memref<!tpu.dma_semaphore, #tpu.memory_space<semaphore_mem>>) src(%dma_wait3A_172 : memref<16x128xf32, #tpu.memory_space<hbm>>) dst(%dma_wait3A_169 : memref<16x128xf32, #tpu.memory_space<vmem_shared>>)
        tpu.yield
      }) : () -> ()
    } else {
    }
    %barrier3A = arith.constant 0 : index
    tpu.barrier barrier_id(%barrier3A)
    "tpu.region"() ({
      %run_scoped3A = tpu.sem_alloc : memref<!tpu.dma_semaphore, #tpu.memory_space<semaphore_mem>>
      %dma_start3A_161 = arith.constant 0 : i32
      %dma_start3A_162 = arith.constant 0 : i32
      %dma_start3A_163 = tpu.memref_slice %arg3[%arg0, %arg1, %dma_start3A_161, %dma_start3A_162] : memref<2x16x250x40xi32, #tpu.memory_space<hbm>> -> memref<1x1x250x40xi32, #tpu.memory_space<hbm>>
      %dma_start3A_164 = tpu.memref_squeeze %dma_start3A_163 : memref<1x1x250x40xi32, #tpu.memory_space<hbm>> -> memref<250x40xi32, #tpu.memory_space<hbm>>
      %dma_start3A_165 = arith.constant 0 : i32
      %dma_start3A_166 = arith.constant 0 : i32
      %dma_start3A_167 = tpu.memref_slice %arg3[%arg0, %arg1, %dma_start3A_165, %dma_start3A_166] : memref<2x16x250x40xi32, #tpu.memory_space<hbm>> -> memref<1x1x250x40xi32, #tpu.memory_space<hbm>>
      %dma_start3A_168 = tpu.memref_squeeze %dma_start3A_167 : memref<1x1x250x40xi32, #tpu.memory_space<hbm>> -> memref<250x40xi32, #tpu.memory_space<hbm>>
      tpu.enqueue_dma source(%dma_start3A_168 : memref<250x40xi32, #tpu.memory_space<hbm>>) target(%arg8 : memref<250x40xi32, #tpu.memory_space<vmem>>) target_semaphore(%run_scoped3A : memref<!tpu.dma_semaphore, #tpu.memory_space<semaphore_mem>>)
      %dma_wait3A_169 = arith.constant 0 : i32
      %dma_wait3A_170 = arith.constant 0 : i32
      %dma_wait3A_171 = tpu.memref_slice %arg3[%arg0, %arg1, %dma_wait3A_169, %dma_wait3A_170] : memref<2x16x250x40xi32, #tpu.memory_space<hbm>> -> memref<1x1x250x40xi32, #tpu.memory_space<hbm>>
      %dma_wait3A_172 = tpu.memref_squeeze %dma_wait3A_171 : memref<1x1x250x40xi32, #tpu.memory_space<hbm>> -> memref<250x40xi32, #tpu.memory_space<hbm>>
      %dma_wait3A_173 = arith.constant 0 : i32
      %dma_wait3A_174 = arith.constant 0 : i32
      %dma_wait3A_175 = tpu.memref_slice %arg3[%arg0, %arg1, %dma_wait3A_173, %dma_wait3A_174] : memref<2x16x250x40xi32, #tpu.memory_space<hbm>> -> memref<1x1x250x40xi32, #tpu.memory_space<hbm>>
      %dma_wait3A_176 = tpu.memref_squeeze %dma_wait3A_175 : memref<1x1x250x40xi32, #tpu.memory_space<hbm>> -> memref<250x40xi32, #tpu.memory_space<hbm>>
      tpu.wait_dma2 semaphore(%run_scoped3A : memref<!tpu.dma_semaphore, #tpu.memory_space<semaphore_mem>>) src(%dma_wait3A_176 : memref<250x40xi32, #tpu.memory_space<hbm>>) dst(%arg8 : memref<250x40xi32, #tpu.memory_space<vmem>>)
      tpu.yield
    }) : () -> ()
    "tpu.region"() ({
      %run_scoped3A = tpu.sem_alloc : memref<!tpu.dma_semaphore, #tpu.memory_space<semaphore_mem>>
      %dma_start3A_161 = arith.constant 0 : i32
      %dma_start3A_162 = arith.constant 0 : i32
      %dma_start3A_163 = tpu.memref_slice %arg4[%arg0, %arg1, %dma_start3A_161, %dma_start3A_162] : memref<2x16x250x40xi32, #tpu.memory_space<hbm>> -> memref<1x1x250x40xi32, #tpu.memory_space<hbm>>
      %dma_start3A_164 = tpu.memref_squeeze %dma_start3A_163 : memref<1x1x250x40xi32, #tpu.memory_space<hbm>> -> memref<250x40xi32, #tpu.memory_space<hbm>>
      %dma_start3A_165 = arith.constant 0 : i32
      %dma_start3A_166 = arith.constant 0 : i32
      %dma_start3A_167 = tpu.memref_slice %arg4[%arg0, %arg1, %dma_start3A_165, %dma_start3A_166] : memref<2x16x250x40xi32, #tpu.memory_space<hbm>> -> memref<1x1x250x40xi32, #tpu.memory_space<hbm>>
      %dma_start3A_168 = tpu.memref_squeeze %dma_start3A_167 : memref<1x1x250x40xi32, #tpu.memory_space<hbm>> -> memref<250x40xi32, #tpu.memory_space<hbm>>
      tpu.enqueue_dma source(%dma_start3A_168 : memref<250x40xi32, #tpu.memory_space<hbm>>) target(%arg9 : memref<250x40xi32, #tpu.memory_space<vmem>>) target_semaphore(%run_scoped3A : memref<!tpu.dma_semaphore, #tpu.memory_space<semaphore_mem>>)
      %dma_wait3A_169 = arith.constant 0 : i32
      %dma_wait3A_170 = arith.constant 0 : i32
      %dma_wait3A_171 = tpu.memref_slice %arg4[%arg0, %arg1, %dma_wait3A_169, %dma_wait3A_170] : memref<2x16x250x40xi32, #tpu.memory_space<hbm>> -> memref<1x1x250x40xi32, #tpu.memory_space<hbm>>
      %dma_wait3A_172 = tpu.memref_squeeze %dma_wait3A_171 : memref<1x1x250x40xi32, #tpu.memory_space<hbm>> -> memref<250x40xi32, #tpu.memory_space<hbm>>
      %dma_wait3A_173 = arith.constant 0 : i32
      %dma_wait3A_174 = arith.constant 0 : i32
      %dma_wait3A_175 = tpu.memref_slice %arg4[%arg0, %arg1, %dma_wait3A_173, %dma_wait3A_174] : memref<2x16x250x40xi32, #tpu.memory_space<hbm>> -> memref<1x1x250x40xi32, #tpu.memory_space<hbm>>
      %dma_wait3A_176 = tpu.memref_squeeze %dma_wait3A_175 : memref<1x1x250x40xi32, #tpu.memory_space<hbm>> -> memref<250x40xi32, #tpu.memory_space<hbm>>
      tpu.wait_dma2 semaphore(%run_scoped3A : memref<!tpu.dma_semaphore, #tpu.memory_space<semaphore_mem>>) src(%dma_wait3A_176 : memref<250x40xi32, #tpu.memory_space<hbm>>) dst(%arg9 : memref<250x40xi32, #tpu.memory_space<vmem>>)
      tpu.yield
    }) : () -> ()
    %dma_start3A = arith.constant 0 : i32
    %dma_start3A_5 = arith.constant 0 : i32
    %dma_start3A_6 = arith.constant 0 : i32
    %dma_start3A_7 = arith.constant 0 : i32
    %dma_start3A_8 = tpu.memref_slice %arg11[%dma_start3A_5, %dma_start3A_6, %dma_start3A_7] : memref<5x40x128xf32, #tpu.memory_space<vmem>> -> memref<1x40x128xf32, #tpu.memory_space<vmem>>
    %dma_start3A_9 = tpu.memref_squeeze %dma_start3A_8 : memref<1x40x128xf32, #tpu.memory_space<vmem>> -> memref<40x128xf32, #tpu.memory_space<vmem>>
    %dma_start3A_10 = arith.constant 0 : i32
    %dma_start3A_11 = tpu.memref_slice %arg8[%dma_start3A, %dma_start3A_10] : memref<250x40xi32, #tpu.memory_space<vmem>> -> memref<1x40xi32, #tpu.memory_space<vmem>>
    %dma_start3A_12 = tpu.memref_squeeze %dma_start3A_11 : memref<1x40xi32, #tpu.memory_space<vmem>> -> memref<40xi32, #tpu.memory_space<vmem>>
    %dma_start3A_13 = arith.constant 0 : i32
    %dma_start3A_14 = arith.constant 0 : i32
    %dma_start3A_15 = tpu.memref_slice %arg2[%dma_start3A_13, %dma_start3A_14] : memref<10000x128xf32, #tpu.memory_space<hbm>> -> memref<10000x128xf32, #tpu.memory_space<hbm>>
    tpu.enqueue_indirect_dma source(%dma_start3A_15 : memref<10000x128xf32, #tpu.memory_space<hbm>>) target(%dma_start3A_9 : memref<40x128xf32, #tpu.memory_space<vmem>>) offsets(%dma_start3A_12 : memref<40xi32, #tpu.memory_space<vmem>>) semaphore(%arg13 : memref<!tpu.dma_semaphore, #tpu.memory_space<semaphore_mem>>)
    %dma_start3A_16 = arith.constant 0 : i32
    %dma_start3A_17 = arith.constant 0 : i32
    %dma_start3A_18 = tpu.memref_slice %arg10[%dma_start3A_17] : memref<640xf32, #tpu.memory_space<vmem>> -> memref<40xf32, #tpu.memory_space<vmem>>
    %dma_start3A_19 = arith.constant 0 : i32
    %dma_start3A_20 = tpu.memref_slice %arg5[%arg0, %arg1, %dma_start3A_16, %dma_start3A_19] : memref<2x16x250x40xf32, #tpu.memory_space<hbm>> -> memref<1x1x1x40xf32, #tpu.memory_space<hbm>>
    %dma_start3A_21 = tpu.memref_squeeze %dma_start3A_20 : memref<1x1x1x40xf32, #tpu.memory_space<hbm>> -> memref<40xf32, #tpu.memory_space<hbm>>
    %dma_start3A_22 = arith.constant 0 : i32
    %dma_start3A_23 = tpu.memref_slice %arg10[%dma_start3A_22] : memref<640xf32, #tpu.memory_space<vmem>> -> memref<40xf32, #tpu.memory_space<vmem>>
    %dma_start3A_24 = arith.constant 0 : i32
    %dma_start3A_25 = tpu.memref_slice %arg5[%arg0, %arg1, %dma_start3A_16, %dma_start3A_24] : memref<2x16x250x40xf32, #tpu.memory_space<hbm>> -> memref<1x1x1x40xf32, #tpu.memory_space<hbm>>
    %dma_start3A_26 = tpu.memref_squeeze %dma_start3A_25 : memref<1x1x1x40xf32, #tpu.memory_space<hbm>> -> memref<40xf32, #tpu.memory_space<hbm>>
    tpu.enqueue_dma source(%dma_start3A_26 : memref<40xf32, #tpu.memory_space<hbm>>) target(%dma_start3A_23 : memref<40xf32, #tpu.memory_space<vmem>>) target_semaphore(%arg13 : memref<!tpu.dma_semaphore, #tpu.memory_space<semaphore_mem>>)
    %dma_start3A_27 = arith.constant 1 : i32
    %dma_start3A_28 = arith.constant 1 : i32
    %dma_start3A_29 = arith.constant 0 : i32
    %dma_start3A_30 = arith.constant 0 : i32
    %dma_start3A_31 = tpu.memref_slice %arg11[%dma_start3A_28, %dma_start3A_29, %dma_start3A_30] : memref<5x40x128xf32, #tpu.memory_space<vmem>> -> memref<1x40x128xf32, #tpu.memory_space<vmem>>
    %dma_start3A_32 = tpu.memref_squeeze %dma_start3A_31 : memref<1x40x128xf32, #tpu.memory_space<vmem>> -> memref<40x128xf32, #tpu.memory_space<vmem>>
    %dma_start3A_33 = arith.constant 0 : i32
    %dma_start3A_34 = tpu.memref_slice %arg8[%dma_start3A_27, %dma_start3A_33] : memref<250x40xi32, #tpu.memory_space<vmem>> -> memref<1x40xi32, #tpu.memory_space<vmem>>
    %dma_start3A_35 = tpu.memref_squeeze %dma_start3A_34 : memref<1x40xi32, #tpu.memory_space<vmem>> -> memref<40xi32, #tpu.memory_space<vmem>>
    %dma_start3A_36 = arith.constant 0 : i32
    %dma_start3A_37 = arith.constant 0 : i32
    %dma_start3A_38 = tpu.memref_slice %arg2[%dma_start3A_36, %dma_start3A_37] : memref<10000x128xf32, #tpu.memory_space<hbm>> -> memref<10000x128xf32, #tpu.memory_space<hbm>>
    tpu.enqueue_indirect_dma source(%dma_start3A_38 : memref<10000x128xf32, #tpu.memory_space<hbm>>) target(%dma_start3A_32 : memref<40x128xf32, #tpu.memory_space<vmem>>) offsets(%dma_start3A_35 : memref<40xi32, #tpu.memory_space<vmem>>) semaphore(%arg14 : memref<!tpu.dma_semaphore, #tpu.memory_space<semaphore_mem>>)
    %dma_start3A_39 = arith.constant 1 : i32
    %dma_start3A_40 = arith.constant 128 : i32
    %dma_start3A_41 = tpu.memref_slice %arg10[%dma_start3A_40] : memref<640xf32, #tpu.memory_space<vmem>> -> memref<40xf32, #tpu.memory_space<vmem>>
    %dma_start3A_42 = arith.constant 0 : i32
    %dma_start3A_43 = tpu.memref_slice %arg5[%arg0, %arg1, %dma_start3A_39, %dma_start3A_42] : memref<2x16x250x40xf32, #tpu.memory_space<hbm>> -> memref<1x1x1x40xf32, #tpu.memory_space<hbm>>
    %dma_start3A_44 = tpu.memref_squeeze %dma_start3A_43 : memref<1x1x1x40xf32, #tpu.memory_space<hbm>> -> memref<40xf32, #tpu.memory_space<hbm>>
    %dma_start3A_45 = arith.constant 128 : i32
    %dma_start3A_46 = tpu.memref_slice %arg10[%dma_start3A_45] : memref<640xf32, #tpu.memory_space<vmem>> -> memref<40xf32, #tpu.memory_space<vmem>>
    %dma_start3A_47 = arith.constant 0 : i32
    %dma_start3A_48 = tpu.memref_slice %arg5[%arg0, %arg1, %dma_start3A_39, %dma_start3A_47] : memref<2x16x250x40xf32, #tpu.memory_space<hbm>> -> memref<1x1x1x40xf32, #tpu.memory_space<hbm>>
    %dma_start3A_49 = tpu.memref_squeeze %dma_start3A_48 : memref<1x1x1x40xf32, #tpu.memory_space<hbm>> -> memref<40xf32, #tpu.memory_space<hbm>>
    tpu.enqueue_dma source(%dma_start3A_49 : memref<40xf32, #tpu.memory_space<hbm>>) target(%dma_start3A_46 : memref<40xf32, #tpu.memory_space<vmem>>) target_semaphore(%arg14 : memref<!tpu.dma_semaphore, #tpu.memory_space<semaphore_mem>>)
    %dma_start3A_50 = arith.constant 2 : i32
    %dma_start3A_51 = arith.constant 2 : i32
    %dma_start3A_52 = arith.constant 0 : i32
    %dma_start3A_53 = arith.constant 0 : i32
    %dma_start3A_54 = tpu.memref_slice %arg11[%dma_start3A_51, %dma_start3A_52, %dma_start3A_53] : memref<5x40x128xf32, #tpu.memory_space<vmem>> -> memref<1x40x128xf32, #tpu.memory_space<vmem>>
    %dma_start3A_55 = tpu.memref_squeeze %dma_start3A_54 : memref<1x40x128xf32, #tpu.memory_space<vmem>> -> memref<40x128xf32, #tpu.memory_space<vmem>>
    %dma_start3A_56 = arith.constant 0 : i32
    %dma_start3A_57 = tpu.memref_slice %arg8[%dma_start3A_50, %dma_start3A_56] : memref<250x40xi32, #tpu.memory_space<vmem>> -> memref<1x40xi32, #tpu.memory_space<vmem>>
    %dma_start3A_58 = tpu.memref_squeeze %dma_start3A_57 : memref<1x40xi32, #tpu.memory_space<vmem>> -> memref<40xi32, #tpu.memory_space<vmem>>
    %dma_start3A_59 = arith.constant 0 : i32
    %dma_start3A_60 = arith.constant 0 : i32
    %dma_start3A_61 = tpu.memref_slice %arg2[%dma_start3A_59, %dma_start3A_60] : memref<10000x128xf32, #tpu.memory_space<hbm>> -> memref<10000x128xf32, #tpu.memory_space<hbm>>
    tpu.enqueue_indirect_dma source(%dma_start3A_61 : memref<10000x128xf32, #tpu.memory_space<hbm>>) target(%dma_start3A_55 : memref<40x128xf32, #tpu.memory_space<vmem>>) offsets(%dma_start3A_58 : memref<40xi32, #tpu.memory_space<vmem>>) semaphore(%arg15 : memref<!tpu.dma_semaphore, #tpu.memory_space<semaphore_mem>>)
    %dma_start3A_62 = arith.constant 2 : i32
    %dma_start3A_63 = arith.constant 256 : i32
    %dma_start3A_64 = tpu.memref_slice %arg10[%dma_start3A_63] : memref<640xf32, #tpu.memory_space<vmem>> -> memref<40xf32, #tpu.memory_space<vmem>>
    %dma_start3A_65 = arith.constant 0 : i32
    %dma_start3A_66 = tpu.memref_slice %arg5[%arg0, %arg1, %dma_start3A_62, %dma_start3A_65] : memref<2x16x250x40xf32, #tpu.memory_space<hbm>> -> memref<1x1x1x40xf32, #tpu.memory_space<hbm>>
    %dma_start3A_67 = tpu.memref_squeeze %dma_start3A_66 : memref<1x1x1x40xf32, #tpu.memory_space<hbm>> -> memref<40xf32, #tpu.memory_space<hbm>>
    %dma_start3A_68 = arith.constant 256 : i32
    %dma_start3A_69 = tpu.memref_slice %arg10[%dma_start3A_68] : memref<640xf32, #tpu.memory_space<vmem>> -> memref<40xf32, #tpu.memory_space<vmem>>
    %dma_start3A_70 = arith.constant 0 : i32
    %dma_start3A_71 = tpu.memref_slice %arg5[%arg0, %arg1, %dma_start3A_62, %dma_start3A_70] : memref<2x16x250x40xf32, #tpu.memory_space<hbm>> -> memref<1x1x1x40xf32, #tpu.memory_space<hbm>>
    %dma_start3A_72 = tpu.memref_squeeze %dma_start3A_71 : memref<1x1x1x40xf32, #tpu.memory_space<hbm>> -> memref<40xf32, #tpu.memory_space<hbm>>
    tpu.enqueue_dma source(%dma_start3A_72 : memref<40xf32, #tpu.memory_space<hbm>>) target(%dma_start3A_69 : memref<40xf32, #tpu.memory_space<vmem>>) target_semaphore(%arg15 : memref<!tpu.dma_semaphore, #tpu.memory_space<semaphore_mem>>)
    %scan3A = arith.constant 0 : i32
    %scan3A_73 = arith.constant 50 : i32
    %scan3A_74 = arith.addi %scan3A, %scan3A_73 : i32
    %scan3A_75 = arith.constant 1 : i32
    scf.for %scan3A_161 = %scan3A to %scan3A_74 step %scan3A_75  : i32 {
      %mul3A_162 = arith.constant 5 : i32
      %mul3A_163 = arith.muli %scan3A_161, %mul3A_162 : i32
      %add3A = arith.constant 0 : i32
      %add3A_164 = arith.addi %add3A, %mul3A_163 : i32
      %add3A_165 = arith.constant 0 : i32
      %add3A_166 = arith.addi %add3A_164, %add3A_165 : i32
      %dma_wait3A_167 = arith.constant 0 : i32
      %dma_wait3A_168 = arith.constant 0 : i32
      %dma_wait3A_169 = arith.constant 0 : i32
      %dma_wait3A_170 = tpu.memref_slice %arg11[%dma_wait3A_167, %dma_wait3A_168, %dma_wait3A_169] : memref<5x40x128xf32, #tpu.memory_space<vmem>> -> memref<1x40x128xf32, #tpu.memory_space<vmem>>
      %dma_wait3A_171 = tpu.memref_squeeze %dma_wait3A_170 : memref<1x40x128xf32, #tpu.memory_space<vmem>> -> memref<40x128xf32, #tpu.memory_space<vmem>>
      %dma_wait3A_172 = arith.constant 0 : i32
      %dma_wait3A_173 = arith.constant 0 : i32
      %dma_wait3A_174 = tpu.memref_slice %arg2[%dma_wait3A_172, %dma_wait3A_173] : memref<10000x128xf32, #tpu.memory_space<hbm>> -> memref<40x128xf32, #tpu.memory_space<hbm>>
      %dma_wait3A_175 = arith.constant 0 : i32
      %dma_wait3A_176 = arith.constant 0 : i32
      %dma_wait3A_177 = tpu.memref_slice %arg11[%dma_wait3A_167, %dma_wait3A_175, %dma_wait3A_176] : memref<5x40x128xf32, #tpu.memory_space<vmem>> -> memref<1x40x128xf32, #tpu.memory_space<vmem>>
      %dma_wait3A_178 = tpu.memref_squeeze %dma_wait3A_177 : memref<1x40x128xf32, #tpu.memory_space<vmem>> -> memref<40x128xf32, #tpu.memory_space<vmem>>
      %dma_wait3A_179 = arith.constant 0 : i32
      %dma_wait3A_180 = arith.constant 0 : i32
      %dma_wait3A_181 = tpu.memref_slice %arg2[%dma_wait3A_179, %dma_wait3A_180] : memref<10000x128xf32, #tpu.memory_space<hbm>> -> memref<40x128xf32, #tpu.memory_space<hbm>>
      tpu.wait_dma2 semaphore(%arg13 : memref<!tpu.dma_semaphore, #tpu.memory_space<semaphore_mem>>) src(%dma_wait3A_181 : memref<40x128xf32, #tpu.memory_space<hbm>>) dst(%dma_wait3A_178 : memref<40x128xf32, #tpu.memory_space<vmem>>)
      %dma_wait3A_182 = arith.constant 0 : i32
      %dma_wait3A_183 = arith.constant 0 : i32
      %dma_wait3A_184 = arith.constant 0 : i32
      %dma_wait3A_185 = arith.constant 0 : i32
      %dma_wait3A_186 = tpu.memref_slice %arg10[%dma_wait3A_185] : memref<640xf32, #tpu.memory_space<vmem>> -> memref<40xf32, #tpu.memory_space<vmem>>
      %dma_wait3A_187 = arith.constant 0 : i32
      %dma_wait3A_188 = tpu.memref_slice %arg5[%dma_wait3A_182, %dma_wait3A_183, %dma_wait3A_184, %dma_wait3A_187] : memref<2x16x250x40xf32, #tpu.memory_space<hbm>> -> memref<1x1x1x40xf32, #tpu.memory_space<hbm>>
      %dma_wait3A_189 = tpu.memref_squeeze %dma_wait3A_188 : memref<1x1x1x40xf32, #tpu.memory_space<hbm>> -> memref<40xf32, #tpu.memory_space<hbm>>
      %dma_wait3A_190 = arith.constant 0 : i32
      %dma_wait3A_191 = tpu.memref_slice %arg10[%dma_wait3A_190] : memref<640xf32, #tpu.memory_space<vmem>> -> memref<40xf32, #tpu.memory_space<vmem>>
      %dma_wait3A_192 = arith.constant 0 : i32
      %dma_wait3A_193 = tpu.memref_slice %arg5[%dma_wait3A_182, %dma_wait3A_183, %dma_wait3A_184, %dma_wait3A_192] : memref<2x16x250x40xf32, #tpu.memory_space<hbm>> -> memref<1x1x1x40xf32, #tpu.memory_space<hbm>>
      %dma_wait3A_194 = tpu.memref_squeeze %dma_wait3A_193 : memref<1x1x1x40xf32, #tpu.memory_space<hbm>> -> memref<40xf32, #tpu.memory_space<hbm>>
      tpu.wait_dma2 semaphore(%arg13 : memref<!tpu.dma_semaphore, #tpu.memory_space<semaphore_mem>>) src(%dma_wait3A_194 : memref<40xf32, #tpu.memory_space<hbm>>) dst(%dma_wait3A_191 : memref<40xf32, #tpu.memory_space<vmem>>)
      %add3A_195 = arith.constant 3 : i32
      %add3A_196 = arith.addi %add3A_166, %add3A_195 : i32
      %lt3A = arith.constant 250 : i32
      %lt3A_197 = arith.cmpi slt, %add3A_196, %lt3A : i32
      %convert_element_type3A_198 = arith.extui %lt3A_197 : i1 to i32
      %cond3A_199 = arith.constant 0 : i32
      %cond3A_200 = arith.cmpi ne, %convert_element_type3A_198, %cond3A_199 : i32
      scf.if %cond3A_200 {
        %add3A_434 = arith.constant 3 : i32
        %add3A_435 = arith.addi %add3A_166, %add3A_434 : i32
        %ge3A = arith.constant 5 : i32
        %ge3A_436 = arith.cmpi sge, %add3A_435, %ge3A : i32
        %convert_element_type3A_437 = arith.extui %ge3A_436 : i1 to i32
        %cond3A_438 = arith.constant 0 : i32
        %cond3A_439 = arith.cmpi ne, %convert_element_type3A_437, %cond3A_438 : i32
        scf.if %cond3A_439 {
          %dma_wait3A_463 = arith.constant 3 : i32
          %dma_wait3A_464 = arith.constant 0 : i32
          %dma_wait3A_465 = arith.constant 0 : i32
          %dma_wait3A_466 = tpu.memref_slice %arg11[%dma_wait3A_463, %dma_wait3A_464, %dma_wait3A_465] : memref<5x40x128xf32, #tpu.memory_space<vmem>> -> memref<1x40x128xf32, #tpu.memory_space<vmem>>
          %dma_wait3A_467 = tpu.memref_squeeze %dma_wait3A_466 : memref<1x40x128xf32, #tpu.memory_space<vmem>> -> memref<40x128xf32, #tpu.memory_space<vmem>>
          %dma_wait3A_468 = arith.constant 0 : i32
          %dma_wait3A_469 = arith.constant 0 : i32
          %dma_wait3A_470 = tpu.memref_slice %arg12[%dma_wait3A_468, %dma_wait3A_469] : memref<10000x128xf32, #tpu.memory_space<vmem_shared>> -> memref<40x128xf32, #tpu.memory_space<vmem_shared>>
          %dma_wait3A_471 = arith.constant 0 : i32
          %dma_wait3A_472 = arith.constant 0 : i32
          %dma_wait3A_473 = tpu.memref_slice %arg12[%dma_wait3A_471, %dma_wait3A_472] : memref<10000x128xf32, #tpu.memory_space<vmem_shared>> -> memref<40x128xf32, #tpu.memory_space<vmem_shared>>
          %dma_wait3A_474 = arith.constant 0 : i32
          %dma_wait3A_475 = arith.constant 0 : i32
          %dma_wait3A_476 = tpu.memref_slice %arg11[%dma_wait3A_463, %dma_wait3A_474, %dma_wait3A_475] : memref<5x40x128xf32, #tpu.memory_space<vmem>> -> memref<1x40x128xf32, #tpu.memory_space<vmem>>
          %dma_wait3A_477 = tpu.memref_squeeze %dma_wait3A_476 : memref<1x40x128xf32, #tpu.memory_space<vmem>> -> memref<40x128xf32, #tpu.memory_space<vmem>>
          tpu.wait_dma2 semaphore(%arg21 : memref<!tpu.dma_semaphore, #tpu.memory_space<semaphore_mem>>) src(%dma_wait3A_477 : memref<40x128xf32, #tpu.memory_space<vmem>>) dst(%dma_wait3A_473 : memref<40x128xf32, #tpu.memory_space<vmem_shared>>)
        } else {
        }
        %add3A_440 = arith.constant 3 : i32
        %add3A_441 = arith.addi %add3A_166, %add3A_440 : i32
        %dma_start3A_442 = arith.constant 3 : i32
        %dma_start3A_443 = arith.constant 0 : i32
        %dma_start3A_444 = arith.constant 0 : i32
        %dma_start3A_445 = tpu.memref_slice %arg11[%dma_start3A_442, %dma_start3A_443, %dma_start3A_444] : memref<5x40x128xf32, #tpu.memory_space<vmem>> -> memref<1x40x128xf32, #tpu.memory_space<vmem>>
        %dma_start3A_446 = tpu.memref_squeeze %dma_start3A_445 : memref<1x40x128xf32, #tpu.memory_space<vmem>> -> memref<40x128xf32, #tpu.memory_space<vmem>>
        %dma_start3A_447 = arith.constant 0 : i32
        %dma_start3A_448 = tpu.memref_slice %arg8[%add3A_441, %dma_start3A_447] : memref<250x40xi32, #tpu.memory_space<vmem>> -> memref<1x40xi32, #tpu.memory_space<vmem>>
        %dma_start3A_449 = tpu.memref_squeeze %dma_start3A_448 : memref<1x40xi32, #tpu.memory_space<vmem>> -> memref<40xi32, #tpu.memory_space<vmem>>
        %dma_start3A_450 = arith.constant 0 : i32
        %dma_start3A_451 = arith.constant 0 : i32
        %dma_start3A_452 = tpu.memref_slice %arg2[%dma_start3A_450, %dma_start3A_451] : memref<10000x128xf32, #tpu.memory_space<hbm>> -> memref<10000x128xf32, #tpu.memory_space<hbm>>
        tpu.enqueue_indirect_dma source(%dma_start3A_452 : memref<10000x128xf32, #tpu.memory_space<hbm>>) target(%dma_start3A_446 : memref<40x128xf32, #tpu.memory_space<vmem>>) offsets(%dma_start3A_449 : memref<40xi32, #tpu.memory_space<vmem>>) semaphore(%arg16 : memref<!tpu.dma_semaphore, #tpu.memory_space<semaphore_mem>>)
        %dma_start3A_453 = arith.constant 384 : i32
        %dma_start3A_454 = tpu.memref_slice %arg10[%dma_start3A_453] : memref<640xf32, #tpu.memory_space<vmem>> -> memref<40xf32, #tpu.memory_space<vmem>>
        %dma_start3A_455 = arith.constant 0 : i32
        %dma_start3A_456 = tpu.memref_slice %arg5[%arg0, %arg1, %add3A_441, %dma_start3A_455] : memref<2x16x250x40xf32, #tpu.memory_space<hbm>> -> memref<1x1x1x40xf32, #tpu.memory_space<hbm>>
        %dma_start3A_457 = tpu.memref_squeeze %dma_start3A_456 : memref<1x1x1x40xf32, #tpu.memory_space<hbm>> -> memref<40xf32, #tpu.memory_space<hbm>>
        %dma_start3A_458 = arith.constant 384 : i32
        %dma_start3A_459 = tpu.memref_slice %arg10[%dma_start3A_458] : memref<640xf32, #tpu.memory_space<vmem>> -> memref<40xf32, #tpu.memory_space<vmem>>
        %dma_start3A_460 = arith.constant 0 : i32
        %dma_start3A_461 = tpu.memref_slice %arg5[%arg0, %arg1, %add3A_441, %dma_start3A_460] : memref<2x16x250x40xf32, #tpu.memory_space<hbm>> -> memref<1x1x1x40xf32, #tpu.memory_space<hbm>>
        %dma_start3A_462 = tpu.memref_squeeze %dma_start3A_461 : memref<1x1x1x40xf32, #tpu.memory_space<hbm>> -> memref<40xf32, #tpu.memory_space<hbm>>
        tpu.enqueue_dma source(%dma_start3A_462 : memref<40xf32, #tpu.memory_space<hbm>>) target(%dma_start3A_459 : memref<40xf32, #tpu.memory_space<vmem>>) target_semaphore(%arg16 : memref<!tpu.dma_semaphore, #tpu.memory_space<semaphore_mem>>)
      } else {
      }
      %scan3A_201 = arith.constant 0 : i32
      %scan3A_202 = arith.constant 0 : i32
      %scan3A_203 = arith.constant 40 : i32
      %scan3A_204 = arith.addi %scan3A_202, %scan3A_203 : i32
      %scan3A_205 = arith.constant 5 : i32
      scf.for %scan3A_434 = %scan3A_202 to %scan3A_204 step %scan3A_205  : i32 {
        %mul3A_435 = arith.constant 1 : i32
        %mul3A_436 = arith.muli %scan3A_434, %mul3A_435 : i32
        %add3A_437 = arith.constant 0 : i32
        %add3A_438 = arith.addi %add3A_437, %mul3A_436 : i32
        %add3A_439 = arith.constant 0 : i32
        %add3A_440 = arith.addi %add3A_439, %add3A_438 : i32
        %broadcast_in_dim3A = vector.broadcast %add3A_440 : i32 to vector<16xi32>
        %gather3A = tpu.vector_load_idx %arg10[%broadcast_in_dim3A] : memref<640xf32, #tpu.memory_space<vmem>>[vector<16xi32>], vector<16xf32>,
        %get3A = arith.constant 0 : i32
        %get3A_441 = arith.constant 0 : i32
        %get3A_442 = tpu.memref_slice %arg11[%scan3A_201, %get3A, %get3A_441] : memref<5x40x128xf32, #tpu.memory_space<vmem>> -> memref<1x40x128xf32, #tpu.memory_space<vmem>>
        %get3A_443 = tpu.memref_squeeze %get3A_442 : memref<1x40x128xf32, #tpu.memory_space<vmem>> -> memref<40x128xf32, #tpu.memory_space<vmem>>
        %get3A_444 = arith.index_cast %add3A_438 : i32 to index
        %get3A_445 = arith.constant 0 : index
        %get3A_446 = tpu.vector_load %get3A_443[%get3A_444, %get3A_445] {strides = array<i32>} : memref<40x128xf32, #tpu.memory_space<vmem>>, vector<16xf32>,
        %mul3A_447 = arith.mulf %get3A_446, %gather3A : vector<16xf32>
        %swap3A = arith.constant 0 : i32
        %swap3A_448 = arith.constant 0 : i32
        %swap3A_449 = tpu.memref_slice %arg11[%scan3A_201, %swap3A, %swap3A_448] : memref<5x40x128xf32, #tpu.memory_space<vmem>> -> memref<1x40x128xf32, #tpu.memory_space<vmem>>
        %swap3A_450 = tpu.memref_squeeze %swap3A_449 : memref<1x40x128xf32, #tpu.memory_space<vmem>> -> memref<40x128xf32, #tpu.memory_space<vmem>>
        %swap3A_451 = arith.index_cast %add3A_438 : i32 to index
        %swap3A_452 = arith.constant 0 : index
        %swap3A_453 = tpu.vector_load %swap3A_450[%swap3A_451, %swap3A_452] {strides = array<i32>} : memref<40x128xf32, #tpu.memory_space<vmem>>, vector<16xf32>,
        tpu.vector_store %swap3A_450[%swap3A_451, %swap3A_452], %mul3A_447 {strides = array<i32>} : memref<40x128xf32, #tpu.memory_space<vmem>>, vector<16xf32>,
        %get3A_454 = arith.constant 0 : i32
        %get3A_455 = arith.constant 0 : i32
        %get3A_456 = tpu.memref_slice %arg11[%scan3A_201, %get3A_454, %get3A_455] : memref<5x40x128xf32, #tpu.memory_space<vmem>> -> memref<1x40x128xf32, #tpu.memory_space<vmem>>
        %get3A_457 = tpu.memref_squeeze %get3A_456 : memref<1x40x128xf32, #tpu.memory_space<vmem>> -> memref<40x128xf32, #tpu.memory_space<vmem>>
        %get3A_458 = arith.index_cast %add3A_438 : i32 to index
        %get3A_459 = arith.constant 16 : index
        %get3A_460 = tpu.vector_load %get3A_457[%get3A_458, %get3A_459] {strides = array<i32>} : memref<40x128xf32, #tpu.memory_space<vmem>>, vector<16xf32>,
        %mul3A_461 = arith.mulf %get3A_460, %gather3A : vector<16xf32>
        %swap3A_462 = arith.constant 0 : i32
        %swap3A_463 = arith.constant 0 : i32
        %swap3A_464 = tpu.memref_slice %arg11[%scan3A_201, %swap3A_462, %swap3A_463] : memref<5x40x128xf32, #tpu.memory_space<vmem>> -> memref<1x40x128xf32, #tpu.memory_space<vmem>>
        %swap3A_465 = tpu.memref_squeeze %swap3A_464 : memref<1x40x128xf32, #tpu.memory_space<vmem>> -> memref<40x128xf32, #tpu.memory_space<vmem>>
        %swap3A_466 = arith.index_cast %add3A_438 : i32 to index
        %swap3A_467 = arith.constant 16 : index
        %swap3A_468 = tpu.vector_load %swap3A_465[%swap3A_466, %swap3A_467] {strides = array<i32>} : memref<40x128xf32, #tpu.memory_space<vmem>>, vector<16xf32>,
        tpu.vector_store %swap3A_465[%swap3A_466, %swap3A_467], %mul3A_461 {strides = array<i32>} : memref<40x128xf32, #tpu.memory_space<vmem>>, vector<16xf32>,
        %get3A_469 = arith.constant 0 : i32
        %get3A_470 = arith.constant 0 : i32
        %get3A_471 = tpu.memref_slice %arg11[%scan3A_201, %get3A_469, %get3A_470] : memref<5x40x128xf32, #tpu.memory_space<vmem>> -> memref<1x40x128xf32, #tpu.memory_space<vmem>>
        %get3A_472 = tpu.memref_squeeze %get3A_471 : memref<1x40x128xf32, #tpu.memory_space<vmem>> -> memref<40x128xf32, #tpu.memory_space<vmem>>
        %get3A_473 = arith.index_cast %add3A_438 : i32 to index
        %get3A_474 = arith.constant 32 : index
        %get3A_475 = tpu.vector_load %get3A_472[%get3A_473, %get3A_474] {strides = array<i32>} : memref<40x128xf32, #tpu.memory_space<vmem>>, vector<16xf32>,
        %mul3A_476 = arith.mulf %get3A_475, %gather3A : vector<16xf32>
        %swap3A_477 = arith.constant 0 : i32
        %swap3A_478 = arith.constant 0 : i32
        %swap3A_479 = tpu.memref_slice %arg11[%scan3A_201, %swap3A_477, %swap3A_478] : memref<5x40x128xf32, #tpu.memory_space<vmem>> -> memref<1x40x128xf32, #tpu.memory_space<vmem>>
        %swap3A_480 = tpu.memref_squeeze %swap3A_479 : memref<1x40x128xf32, #tpu.memory_space<vmem>> -> memref<40x128xf32, #tpu.memory_space<vmem>>
        %swap3A_481 = arith.index_cast %add3A_438 : i32 to index
        %swap3A_482 = arith.constant 32 : index
        %swap3A_483 = tpu.vector_load %swap3A_480[%swap3A_481, %swap3A_482] {strides = array<i32>} : memref<40x128xf32, #tpu.memory_space<vmem>>, vector<16xf32>,
        tpu.vector_store %swap3A_480[%swap3A_481, %swap3A_482], %mul3A_476 {strides = array<i32>} : memref<40x128xf32, #tpu.memory_space<vmem>>, vector<16xf32>,
        %get3A_484 = arith.constant 0 : i32
        %get3A_485 = arith.constant 0 : i32
        %get3A_486 = tpu.memref_slice %arg11[%scan3A_201, %get3A_484, %get3A_485] : memref<5x40x128xf32, #tpu.memory_space<vmem>> -> memref<1x40x128xf32, #tpu.memory_space<vmem>>
        %get3A_487 = tpu.memref_squeeze %get3A_486 : memref<1x40x128xf32, #tpu.memory_space<vmem>> -> memref<40x128xf32, #tpu.memory_space<vmem>>
        %get3A_488 = arith.index_cast %add3A_438 : i32 to index
        %get3A_489 = arith.constant 48 : index
        %get3A_490 = tpu.vector_load %get3A_487[%get3A_488, %get3A_489] {strides = array<i32>} : memref<40x128xf32, #tpu.memory_space<vmem>>, vector<16xf32>,
        %mul3A_491 = arith.mulf %get3A_490, %gather3A : vector<16xf32>
        %swap3A_492 = arith.constant 0 : i32
        %swap3A_493 = arith.constant 0 : i32
        %swap3A_494 = tpu.memref_slice %arg11[%scan3A_201, %swap3A_492, %swap3A_493] : memref<5x40x128xf32, #tpu.memory_space<vmem>> -> memref<1x40x128xf32, #tpu.memory_space<vmem>>
        %swap3A_495 = tpu.memref_squeeze %swap3A_494 : memref<1x40x128xf32, #tpu.memory_space<vmem>> -> memref<40x128xf32, #tpu.memory_space<vmem>>
        %swap3A_496 = arith.index_cast %add3A_438 : i32 to index
        %swap3A_497 = arith.constant 48 : index
        %swap3A_498 = tpu.vector_load %swap3A_495[%swap3A_496, %swap3A_497] {strides = array<i32>} : memref<40x128xf32, #tpu.memory_space<vmem>>, vector<16xf32>,
        tpu.vector_store %swap3A_495[%swap3A_496, %swap3A_497], %mul3A_491 {strides = array<i32>} : memref<40x128xf32, #tpu.memory_space<vmem>>, vector<16xf32>,
        %get3A_499 = arith.constant 0 : i32
        %get3A_500 = arith.constant 0 : i32
        %get3A_501 = tpu.memref_slice %arg11[%scan3A_201, %get3A_499, %get3A_500] : memref<5x40x128xf32, #tpu.memory_space<vmem>> -> memref<1x40x128xf32, #tpu.memory_space<vmem>>
        %get3A_502 = tpu.memref_squeeze %get3A_501 : memref<1x40x128xf32, #tpu.memory_space<vmem>> -> memref<40x128xf32, #tpu.memory_space<vmem>>
        %get3A_503 = arith.index_cast %add3A_438 : i32 to index
        %get3A_504 = arith.constant 64 : index
        %get3A_505 = tpu.vector_load %get3A_502[%get3A_503, %get3A_504] {strides = array<i32>} : memref<40x128xf32, #tpu.memory_space<vmem>>, vector<16xf32>,
        %mul3A_506 = arith.mulf %get3A_505, %gather3A : vector<16xf32>
        %swap3A_507 = arith.constant 0 : i32
        %swap3A_508 = arith.constant 0 : i32
        %swap3A_509 = tpu.memref_slice %arg11[%scan3A_201, %swap3A_507, %swap3A_508] : memref<5x40x128xf32, #tpu.memory_space<vmem>> -> memref<1x40x128xf32, #tpu.memory_space<vmem>>
        %swap3A_510 = tpu.memref_squeeze %swap3A_509 : memref<1x40x128xf32, #tpu.memory_space<vmem>> -> memref<40x128xf32, #tpu.memory_space<vmem>>
        %swap3A_511 = arith.index_cast %add3A_438 : i32 to index
        %swap3A_512 = arith.constant 64 : index
        %swap3A_513 = tpu.vector_load %swap3A_510[%swap3A_511, %swap3A_512] {strides = array<i32>} : memref<40x128xf32, #tpu.memory_space<vmem>>, vector<16xf32>,
        tpu.vector_store %swap3A_510[%swap3A_511, %swap3A_512], %mul3A_506 {strides = array<i32>} : memref<40x128xf32, #tpu.memory_space<vmem>>, vector<16xf32>,
        %get3A_514 = arith.constant 0 : i32
        %get3A_515 = arith.constant 0 : i32
        %get3A_516 = tpu.memref_slice %arg11[%scan3A_201, %get3A_514, %get3A_515] : memref<5x40x128xf32, #tpu.memory_space<vmem>> -> memref<1x40x128xf32, #tpu.memory_space<vmem>>
        %get3A_517 = tpu.memref_squeeze %get3A_516 : memref<1x40x128xf32, #tpu.memory_space<vmem>> -> memref<40x128xf32, #tpu.memory_space<vmem>>
        %get3A_518 = arith.index_cast %add3A_438 : i32 to index
        %get3A_519 = arith.constant 80 : index
        %get3A_520 = tpu.vector_load %get3A_517[%get3A_518, %get3A_519] {strides = array<i32>} : memref<40x128xf32, #tpu.memory_space<vmem>>, vector<16xf32>,
        %mul3A_521 = arith.mulf %get3A_520, %gather3A : vector<16xf32>
        %swap3A_522 = arith.constant 0 : i32
        %swap3A_523 = arith.constant 0 : i32
        %swap3A_524 = tpu.memref_slice %arg11[%scan3A_201, %swap3A_522, %swap3A_523] : memref<5x40x128xf32, #tpu.memory_space<vmem>> -> memref<1x40x128xf32, #tpu.memory_space<vmem>>
        %swap3A_525 = tpu.memref_squeeze %swap3A_524 : memref<1x40x128xf32, #tpu.memory_space<vmem>> -> memref<40x128xf32, #tpu.memory_space<vmem>>
        %swap3A_526 = arith.index_cast %add3A_438 : i32 to index
        %swap3A_527 = arith.constant 80 : index
        %swap3A_528 = tpu.vector_load %swap3A_525[%swap3A_526, %swap3A_527] {strides = array<i32>} : memref<40x128xf32, #tpu.memory_space<vmem>>, vector<16xf32>,
        tpu.vector_store %swap3A_525[%swap3A_526, %swap3A_527], %mul3A_521 {strides = array<i32>} : memref<40x128xf32, #tpu.memory_space<vmem>>, vector<16xf32>,
        %get3A_529 = arith.constant 0 : i32
        %get3A_530 = arith.constant 0 : i32
        %get3A_531 = tpu.memref_slice %arg11[%scan3A_201, %get3A_529, %get3A_530] : memref<5x40x128xf32, #tpu.memory_space<vmem>> -> memref<1x40x128xf32, #tpu.memory_space<vmem>>
        %get3A_532 = tpu.memref_squeeze %get3A_531 : memref<1x40x128xf32, #tpu.memory_space<vmem>> -> memref<40x128xf32, #tpu.memory_space<vmem>>
        %get3A_533 = arith.index_cast %add3A_438 : i32 to index
        %get3A_534 = arith.constant 96 : index
        %get3A_535 = tpu.vector_load %get3A_532[%get3A_533, %get3A_534] {strides = array<i32>} : memref<40x128xf32, #tpu.memory_space<vmem>>, vector<16xf32>,
        %mul3A_536 = arith.mulf %get3A_535, %gather3A : vector<16xf32>
        %swap3A_537 = arith.constant 0 : i32
        %swap3A_538 = arith.constant 0 : i32
        %swap3A_539 = tpu.memref_slice %arg11[%scan3A_201, %swap3A_537, %swap3A_538] : memref<5x40x128xf32, #tpu.memory_space<vmem>> -> memref<1x40x128xf32, #tpu.memory_space<vmem>>
        %swap3A_540 = tpu.memref_squeeze %swap3A_539 : memref<1x40x128xf32, #tpu.memory_space<vmem>> -> memref<40x128xf32, #tpu.memory_space<vmem>>
        %swap3A_541 = arith.index_cast %add3A_438 : i32 to index
        %swap3A_542 = arith.constant 96 : index
        %swap3A_543 = tpu.vector_load %swap3A_540[%swap3A_541, %swap3A_542] {strides = array<i32>} : memref<40x128xf32, #tpu.memory_space<vmem>>, vector<16xf32>,
        tpu.vector_store %swap3A_540[%swap3A_541, %swap3A_542], %mul3A_536 {strides = array<i32>} : memref<40x128xf32, #tpu.memory_space<vmem>>, vector<16xf32>,
        %get3A_544 = arith.constant 0 : i32
        %get3A_545 = arith.constant 0 : i32
        %get3A_546 = tpu.memref_slice %arg11[%scan3A_201, %get3A_544, %get3A_545] : memref<5x40x128xf32, #tpu.memory_space<vmem>> -> memref<1x40x128xf32, #tpu.memory_space<vmem>>
        %get3A_547 = tpu.memref_squeeze %get3A_546 : memref<1x40x128xf32, #tpu.memory_space<vmem>> -> memref<40x128xf32, #tpu.memory_space<vmem>>
        %get3A_548 = arith.index_cast %add3A_438 : i32 to index
        %get3A_549 = arith.constant 112 : index
        %get3A_550 = tpu.vector_load %get3A_547[%get3A_548, %get3A_549] {strides = array<i32>} : memref<40x128xf32, #tpu.memory_space<vmem>>, vector<16xf32>,
        %mul3A_551 = arith.mulf %get3A_550, %gather3A : vector<16xf32>
        %swap3A_552 = arith.constant 0 : i32
        %swap3A_553 = arith.constant 0 : i32
        %swap3A_554 = tpu.memref_slice %arg11[%scan3A_201, %swap3A_552, %swap3A_553] : memref<5x40x128xf32, #tpu.memory_space<vmem>> -> memref<1x40x128xf32, #tpu.memory_space<vmem>>
        %swap3A_555 = tpu.memref_squeeze %swap3A_554 : memref<1x40x128xf32, #tpu.memory_space<vmem>> -> memref<40x128xf32, #tpu.memory_space<vmem>>
        %swap3A_556 = arith.index_cast %add3A_438 : i32 to index
        %swap3A_557 = arith.constant 112 : index
        %swap3A_558 = tpu.vector_load %swap3A_555[%swap3A_556, %swap3A_557] {strides = array<i32>} : memref<40x128xf32, #tpu.memory_space<vmem>>, vector<16xf32>,
        tpu.vector_store %swap3A_555[%swap3A_556, %swap3A_557], %mul3A_551 {strides = array<i32>} : memref<40x128xf32, #tpu.memory_space<vmem>>, vector<16xf32>,
        %scan3A_559 = arith.constant 1 : i32
        %scan3A_560 = arith.addi %scan3A_434, %scan3A_559 : i32
        %mul3A_561 = arith.constant 1 : i32
        %mul3A_562 = arith.muli %scan3A_560, %mul3A_561 : i32
        %add3A_563 = arith.constant 0 : i32
        %add3A_564 = arith.addi %add3A_563, %mul3A_562 : i32
        %add3A_565 = arith.constant 0 : i32
        %add3A_566 = arith.addi %add3A_565, %add3A_564 : i32
        %broadcast_in_dim3A_567 = vector.broadcast %add3A_566 : i32 to vector<16xi32>
        %gather3A_568 = tpu.vector_load_idx %arg10[%broadcast_in_dim3A_567] : memref<640xf32, #tpu.memory_space<vmem>>[vector<16xi32>], vector<16xf32>,
        %get3A_569 = arith.constant 0 : i32
        %get3A_570 = arith.constant 0 : i32
        %get3A_571 = tpu.memref_slice %arg11[%scan3A_201, %get3A_569, %get3A_570] : memref<5x40x128xf32, #tpu.memory_space<vmem>> -> memref<1x40x128xf32, #tpu.memory_space<vmem>>
        %get3A_572 = tpu.memref_squeeze %get3A_571 : memref<1x40x128xf32, #tpu.memory_space<vmem>> -> memref<40x128xf32, #tpu.memory_space<vmem>>
        %get3A_573 = arith.index_cast %add3A_564 : i32 to index
        %get3A_574 = arith.constant 0 : index
        %get3A_575 = tpu.vector_load %get3A_572[%get3A_573, %get3A_574] {strides = array<i32>} : memref<40x128xf32, #tpu.memory_space<vmem>>, vector<16xf32>,
        %mul3A_576 = arith.mulf %get3A_575, %gather3A_568 : vector<16xf32>
        %swap3A_577 = arith.constant 0 : i32
        %swap3A_578 = arith.constant 0 : i32
        %swap3A_579 = tpu.memref_slice %arg11[%scan3A_201, %swap3A_577, %swap3A_578] : memref<5x40x128xf32, #tpu.memory_space<vmem>> -> memref<1x40x128xf32, #tpu.memory_space<vmem>>
        %swap3A_580 = tpu.memref_squeeze %swap3A_579 : memref<1x40x128xf32, #tpu.memory_space<vmem>> -> memref<40x128xf32, #tpu.memory_space<vmem>>
        %swap3A_581 = arith.index_cast %add3A_564 : i32 to index
        %swap3A_582 = arith.constant 0 : index
        %swap3A_583 = tpu.vector_load %swap3A_580[%swap3A_581, %swap3A_582] {strides = array<i32>} : memref<40x128xf32, #tpu.memory_space<vmem>>, vector<16xf32>,
        tpu.vector_store %swap3A_580[%swap3A_581, %swap3A_582], %mul3A_576 {strides = array<i32>} : memref<40x128xf32, #tpu.memory_space<vmem>>, vector<16xf32>,
        %get3A_584 = arith.constant 0 : i32
        %get3A_585 = arith.constant 0 : i32
        %get3A_586 = tpu.memref_slice %arg11[%scan3A_201, %get3A_584, %get3A_585] : memref<5x40x128xf32, #tpu.memory_space<vmem>> -> memref<1x40x128xf32, #tpu.memory_space<vmem>>
        %get3A_587 = tpu.memref_squeeze %get3A_586 : memref<1x40x128xf32, #tpu.memory_space<vmem>> -> memref<40x128xf32, #tpu.memory_space<vmem>>
        %get3A_588 = arith.index_cast %add3A_564 : i32 to index
        %get3A_589 = arith.constant 16 : index
        %get3A_590 = tpu.vector_load %get3A_587[%get3A_588, %get3A_589] {strides = array<i32>} : memref<40x128xf32, #tpu.memory_space<vmem>>, vector<16xf32>,
        %mul3A_591 = arith.mulf %get3A_590, %gather3A_568 : vector<16xf32>
        %swap3A_592 = arith.constant 0 : i32
        %swap3A_593 = arith.constant 0 : i32
        %swap3A_594 = tpu.memref_slice %arg11[%scan3A_201, %swap3A_592, %swap3A_593] : memref<5x40x128xf32, #tpu.memory_space<vmem>> -> memref<1x40x128xf32, #tpu.memory_space<vmem>>
        %swap3A_595 = tpu.memref_squeeze %swap3A_594 : memref<1x40x128xf32, #tpu.memory_space<vmem>> -> memref<40x128xf32, #tpu.memory_space<vmem>>
        %swap3A_596 = arith.index_cast %add3A_564 : i32 to index
        %swap3A_597 = arith.constant 16 : index
        %swap3A_598 = tpu.vector_load %swap3A_595[%swap3A_596, %swap3A_597] {strides = array<i32>} : memref<40x128xf32, #tpu.memory_space<vmem>>, vector<16xf32>,
        tpu.vector_store %swap3A_595[%swap3A_596, %swap3A_597], %mul3A_591 {strides = array<i32>} : memref<40x128xf32, #tpu.memory_space<vmem>>, vector<16xf32>,
        %get3A_599 = arith.constant 0 : i32
        %get3A_600 = arith.constant 0 : i32
        %get3A_601 = tpu.memref_slice %arg11[%scan3A_201, %get3A_599, %get3A_600] : memref<5x40x128xf32, #tpu.memory_space<vmem>> -> memref<1x40x128xf32, #tpu.memory_space<vmem>>
        %get3A_602 = tpu.memref_squeeze %get3A_601 : memref<1x40x128xf32, #tpu.memory_space<vmem>> -> memref<40x128xf32, #tpu.memory_space<vmem>>
        %get3A_603 = arith.index_cast %add3A_564 : i32 to index
        %get3A_604 = arith.constant 32 : index
        %get3A_605 = tpu.vector_load %get3A_602[%get3A_603, %get3A_604] {strides = array<i32>} : memref<40x128xf32, #tpu.memory_space<vmem>>, vector<16xf32>,
        %mul3A_606 = arith.mulf %get3A_605, %gather3A_568 : vector<16xf32>
        %swap3A_607 = arith.constant 0 : i32
        %swap3A_608 = arith.constant 0 : i32
        %swap3A_609 = tpu.memref_slice %arg11[%scan3A_201, %swap3A_607, %swap3A_608] : memref<5x40x128xf32, #tpu.memory_space<vmem>> -> memref<1x40x128xf32, #tpu.memory_space<vmem>>
        %swap3A_610 = tpu.memref_squeeze %swap3A_609 : memref<1x40x128xf32, #tpu.memory_space<vmem>> -> memref<40x128xf32, #tpu.memory_space<vmem>>
        %swap3A_611 = arith.index_cast %add3A_564 : i32 to index
        %swap3A_612 = arith.constant 32 : index
        %swap3A_613 = tpu.vector_load %swap3A_610[%swap3A_611, %swap3A_612] {strides = array<i32>} : memref<40x128xf32, #tpu.memory_space<vmem>>, vector<16xf32>,
        tpu.vector_store %swap3A_610[%swap3A_611, %swap3A_612], %mul3A_606 {strides = array<i32>} : memref<40x128xf32, #tpu.memory_space<vmem>>, vector<16xf32>,
        %get3A_614 = arith.constant 0 : i32
        %get3A_615 = arith.constant 0 : i32
        %get3A_616 = tpu.memref_slice %arg11[%scan3A_201, %get3A_614, %get3A_615] : memref<5x40x128xf32, #tpu.memory_space<vmem>> -> memref<1x40x128xf32, #tpu.memory_space<vmem>>
        %get3A_617 = tpu.memref_squeeze %get3A_616 : memref<1x40x128xf32, #tpu.memory_space<vmem>> -> memref<40x128xf32, #tpu.memory_space<vmem>>
        %get3A_618 = arith.index_cast %add3A_564 : i32 to index
        %get3A_619 = arith.constant 48 : index
        %get3A_620 = tpu.vector_load %get3A_617[%get3A_618, %get3A_619] {strides = array<i32>} : memref<40x128xf32, #tpu.memory_space<vmem>>, vector<16xf32>,
        %mul3A_621 = arith.mulf %get3A_620, %gather3A_568 : vector<16xf32>
        %swap3A_622 = arith.constant 0 : i32
        %swap3A_623 = arith.constant 0 : i32
        %swap3A_624 = tpu.memref_slice %arg11[%scan3A_201, %swap3A_622, %swap3A_623] : memref<5x40x128xf32, #tpu.memory_space<vmem>> -> memref<1x40x128xf32, #tpu.memory_space<vmem>>
        %swap3A_625 = tpu.memref_squeeze %swap3A_624 : memref<1x40x128xf32, #tpu.memory_space<vmem>> -> memref<40x128xf32, #tpu.memory_space<vmem>>
        %swap3A_626 = arith.index_cast %add3A_564 : i32 to index
        %swap3A_627 = arith.constant 48 : index
        %swap3A_628 = tpu.vector_load %swap3A_625[%swap3A_626, %swap3A_627] {strides = array<i32>} : memref<40x128xf32, #tpu.memory_space<vmem>>, vector<16xf32>,
        tpu.vector_store %swap3A_625[%swap3A_626, %swap3A_627], %mul3A_621 {strides = array<i32>} : memref<40x128xf32, #tpu.memory_space<vmem>>, vector<16xf32>,
        %get3A_629 = arith.constant 0 : i32
        %get3A_630 = arith.constant 0 : i32
        %get3A_631 = tpu.memref_slice %arg11[%scan3A_201, %get3A_629, %get3A_630] : memref<5x40x128xf32, #tpu.memory_space<vmem>> -> memref<1x40x128xf32, #tpu.memory_space<vmem>>
        %get3A_632 = tpu.memref_squeeze %get3A_631 : memref<1x40x128xf32, #tpu.memory_space<vmem>> -> memref<40x128xf32, #tpu.memory_space<vmem>>
        %get3A_633 = arith.index_cast %add3A_564 : i32 to index
        %get3A_634 = arith.constant 64 : index
        %get3A_635 = tpu.vector_load %get3A_632[%get3A_633, %get3A_634] {strides = array<i32>} : memref<40x128xf32, #tpu.memory_space<vmem>>, vector<16xf32>,
        %mul3A_636 = arith.mulf %get3A_635, %gather3A_568 : vector<16xf32>
        %swap3A_637 = arith.constant 0 : i32
        %swap3A_638 = arith.constant 0 : i32
        %swap3A_639 = tpu.memref_slice %arg11[%scan3A_201, %swap3A_637, %swap3A_638] : memref<5x40x128xf32, #tpu.memory_space<vmem>> -> memref<1x40x128xf32, #tpu.memory_space<vmem>>
        %swap3A_640 = tpu.memref_squeeze %swap3A_639 : memref<1x40x128xf32, #tpu.memory_space<vmem>> -> memref<40x128xf32, #tpu.memory_space<vmem>>
        %swap3A_641 = arith.index_cast %add3A_564 : i32 to index
        %swap3A_642 = arith.constant 64 : index
        %swap3A_643 = tpu.vector_load %swap3A_640[%swap3A_641, %swap3A_642] {strides = array<i32>} : memref<40x128xf32, #tpu.memory_space<vmem>>, vector<16xf32>,
        tpu.vector_store %swap3A_640[%swap3A_641, %swap3A_642], %mul3A_636 {strides = array<i32>} : memref<40x128xf32, #tpu.memory_space<vmem>>, vector<16xf32>,
        %get3A_644 = arith.constant 0 : i32
        %get3A_645 = arith.constant 0 : i32
        %get3A_646 = tpu.memref_slice %arg11[%scan3A_201, %get3A_644, %get3A_645] : memref<5x40x128xf32, #tpu.memory_space<vmem>> -> memref<1x40x128xf32, #tpu.memory_space<vmem>>
        %get3A_647 = tpu.memref_squeeze %get3A_646 : memref<1x40x128xf32, #tpu.memory_space<vmem>> -> memref<40x128xf32, #tpu.memory_space<vmem>>
        %get3A_648 = arith.index_cast %add3A_564 : i32 to index
        %get3A_649 = arith.constant 80 : index
        %get3A_650 = tpu.vector_load %get3A_647[%get3A_648, %get3A_649] {strides = array<i32>} : memref<40x128xf32, #tpu.memory_space<vmem>>, vector<16xf32>,
        %mul3A_651 = arith.mulf %get3A_650, %gather3A_568 : vector<16xf32>
        %swap3A_652 = arith.constant 0 : i32
        %swap3A_653 = arith.constant 0 : i32
        %swap3A_654 = tpu.memref_slice %arg11[%scan3A_201, %swap3A_652, %swap3A_653] : memref<5x40x128xf32, #tpu.memory_space<vmem>> -> memref<1x40x128xf32, #tpu.memory_space<vmem>>
        %swap3A_655 = tpu.memref_squeeze %swap3A_654 : memref<1x40x128xf32, #tpu.memory_space<vmem>> -> memref<40x128xf32, #tpu.memory_space<vmem>>
        %swap3A_656 = arith.index_cast %add3A_564 : i32 to index
        %swap3A_657 = arith.constant 80 : index
        %swap3A_658 = tpu.vector_load %swap3A_655[%swap3A_656, %swap3A_657] {strides = array<i32>} : memref<40x128xf32, #tpu.memory_space<vmem>>, vector<16xf32>,
        tpu.vector_store %swap3A_655[%swap3A_656, %swap3A_657], %mul3A_651 {strides = array<i32>} : memref<40x128xf32, #tpu.memory_space<vmem>>, vector<16xf32>,
        %get3A_659 = arith.constant 0 : i32
        %get3A_660 = arith.constant 0 : i32
        %get3A_661 = tpu.memref_slice %arg11[%scan3A_201, %get3A_659, %get3A_660] : memref<5x40x128xf32, #tpu.memory_space<vmem>> -> memref<1x40x128xf32, #tpu.memory_space<vmem>>
        %get3A_662 = tpu.memref_squeeze %get3A_661 : memref<1x40x128xf32, #tpu.memory_space<vmem>> -> memref<40x128xf32, #tpu.memory_space<vmem>>
        %get3A_663 = arith.index_cast %add3A_564 : i32 to index
        %get3A_664 = arith.constant 96 : index
        %get3A_665 = tpu.vector_load %get3A_662[%get3A_663, %get3A_664] {strides = array<i32>} : memref<40x128xf32, #tpu.memory_space<vmem>>, vector<16xf32>,
        %mul3A_666 = arith.mulf %get3A_665, %gather3A_568 : vector<16xf32>
        %swap3A_667 = arith.constant 0 : i32
        %swap3A_668 = arith.constant 0 : i32
        %swap3A_669 = tpu.memref_slice %arg11[%scan3A_201, %swap3A_667, %swap3A_668] : memref<5x40x128xf32, #tpu.memory_space<vmem>> -> memref<1x40x128xf32, #tpu.memory_space<vmem>>
        %swap3A_670 = tpu.memref_squeeze %swap3A_669 : memref<1x40x128xf32, #tpu.memory_space<vmem>> -> memref<40x128xf32, #tpu.memory_space<vmem>>
        %swap3A_671 = arith.index_cast %add3A_564 : i32 to index
        %swap3A_672 = arith.constant 96 : index
        %swap3A_673 = tpu.vector_load %swap3A_670[%swap3A_671, %swap3A_672] {strides = array<i32>} : memref<40x128xf32, #tpu.memory_space<vmem>>, vector<16xf32>,
        tpu.vector_store %swap3A_670[%swap3A_671, %swap3A_672], %mul3A_666 {strides = array<i32>} : memref<40x128xf32, #tpu.memory_space<vmem>>, vector<16xf32>,
        %get3A_674 = arith.constant 0 : i32
        %get3A_675 = arith.constant 0 : i32
        %get3A_676 = tpu.memref_slice %arg11[%scan3A_201, %get3A_674, %get3A_675] : memref<5x40x128xf32, #tpu.memory_space<vmem>> -> memref<1x40x128xf32, #tpu.memory_space<vmem>>
        %get3A_677 = tpu.memref_squeeze %get3A_676 : memref<1x40x128xf32, #tpu.memory_space<vmem>> -> memref<40x128xf32, #tpu.memory_space<vmem>>
        %get3A_678 = arith.index_cast %add3A_564 : i32 to index
        %get3A_679 = arith.constant 112 : index
        %get3A_680 = tpu.vector_load %get3A_677[%get3A_678, %get3A_679] {strides = array<i32>} : memref<40x128xf32, #tpu.memory_space<vmem>>, vector<16xf32>,
        %mul3A_681 = arith.mulf %get3A_680, %gather3A_568 : vector<16xf32>
        %swap3A_682 = arith.constant 0 : i32
        %swap3A_683 = arith.constant 0 : i32
        %swap3A_684 = tpu.memref_slice %arg11[%scan3A_201, %swap3A_682, %swap3A_683] : memref<5x40x128xf32, #tpu.memory_space<vmem>> -> memref<1x40x128xf32, #tpu.memory_space<vmem>>
        %swap3A_685 = tpu.memref_squeeze %swap3A_684 : memref<1x40x128xf32, #tpu.memory_space<vmem>> -> memref<40x128xf32, #tpu.memory_space<vmem>>
        %swap3A_686 = arith.index_cast %add3A_564 : i32 to index
        %swap3A_687 = arith.constant 112 : index
        %swap3A_688 = tpu.vector_load %swap3A_685[%swap3A_686, %swap3A_687] {strides = array<i32>} : memref<40x128xf32, #tpu.memory_space<vmem>>, vector<16xf32>,
        tpu.vector_store %swap3A_685[%swap3A_686, %swap3A_687], %mul3A_681 {strides = array<i32>} : memref<40x128xf32, #tpu.memory_space<vmem>>, vector<16xf32>,
        %scan3A_689 = arith.constant 2 : i32
        %scan3A_690 = arith.addi %scan3A_434, %scan3A_689 : i32
        %mul3A_691 = arith.constant 1 : i32
        %mul3A_692 = arith.muli %scan3A_690, %mul3A_691 : i32
        %add3A_693 = arith.constant 0 : i32
        %add3A_694 = arith.addi %add3A_693, %mul3A_692 : i32
        %add3A_695 = arith.constant 0 : i32
        %add3A_696 = arith.addi %add3A_695, %add3A_694 : i32
        %broadcast_in_dim3A_697 = vector.broadcast %add3A_696 : i32 to vector<16xi32>
        %gather3A_698 = tpu.vector_load_idx %arg10[%broadcast_in_dim3A_697] : memref<640xf32, #tpu.memory_space<vmem>>[vector<16xi32>], vector<16xf32>,
        %get3A_699 = arith.constant 0 : i32
        %get3A_700 = arith.constant 0 : i32
        %get3A_701 = tpu.memref_slice %arg11[%scan3A_201, %get3A_699, %get3A_700] : memref<5x40x128xf32, #tpu.memory_space<vmem>> -> memref<1x40x128xf32, #tpu.memory_space<vmem>>
        %get3A_702 = tpu.memref_squeeze %get3A_701 : memref<1x40x128xf32, #tpu.memory_space<vmem>> -> memref<40x128xf32, #tpu.memory_space<vmem>>
        %get3A_703 = arith.index_cast %add3A_694 : i32 to index
        %get3A_704 = arith.constant 0 : index
        %get3A_705 = tpu.vector_load %get3A_702[%get3A_703, %get3A_704] {strides = array<i32>} : memref<40x128xf32, #tpu.memory_space<vmem>>, vector<16xf32>,
        %mul3A_706 = arith.mulf %get3A_705, %gather3A_698 : vector<16xf32>
        %swap3A_707 = arith.constant 0 : i32
        %swap3A_708 = arith.constant 0 : i32
        %swap3A_709 = tpu.memref_slice %arg11[%scan3A_201, %swap3A_707, %swap3A_708] : memref<5x40x128xf32, #tpu.memory_space<vmem>> -> memref<1x40x128xf32, #tpu.memory_space<vmem>>
        %swap3A_710 = tpu.memref_squeeze %swap3A_709 : memref<1x40x128xf32, #tpu.memory_space<vmem>> -> memref<40x128xf32, #tpu.memory_space<vmem>>
        %swap3A_711 = arith.index_cast %add3A_694 : i32 to index
        %swap3A_712 = arith.constant 0 : index
        %swap3A_713 = tpu.vector_load %swap3A_710[%swap3A_711, %swap3A_712] {strides = array<i32>} : memref<40x128xf32, #tpu.memory_space<vmem>>, vector<16xf32>,
        tpu.vector_store %swap3A_710[%swap3A_711, %swap3A_712], %mul3A_706 {strides = array<i32>} : memref<40x128xf32, #tpu.memory_space<vmem>>, vector<16xf32>,
        %get3A_714 = arith.constant 0 : i32
        %get3A_715 = arith.constant 0 : i32
        %get3A_716 = tpu.memref_slice %arg11[%scan3A_201, %get3A_714, %get3A_715] : memref<5x40x128xf32, #tpu.memory_space<vmem>> -> memref<1x40x128xf32, #tpu.memory_space<vmem>>
        %get3A_717 = tpu.memref_squeeze %get3A_716 : memref<1x40x128xf32, #tpu.memory_space<vmem>> -> memref<40x128xf32, #tpu.memory_space<vmem>>
        %get3A_718 = arith.index_cast %add3A_694 : i32 to index
        %get3A_719 = arith.constant 16 : index
        %get3A_720 = tpu.vector_load %get3A_717[%get3A_718, %get3A_719] {strides = array<i32>} : memref<40x128xf32, #tpu.memory_space<vmem>>, vector<16xf32>,
        %mul3A_721 = arith.mulf %get3A_720, %gather3A_698 : vector<16xf32>
        %swap3A_722 = arith.constant 0 : i32
        %swap3A_723 = arith.constant 0 : i32
        %swap3A_724 = tpu.memref_slice %arg11[%scan3A_201, %swap3A_722, %swap3A_723] : memref<5x40x128xf32, #tpu.memory_space<vmem>> -> memref<1x40x128xf32, #tpu.memory_space<vmem>>
        %swap3A_725 = tpu.memref_squeeze %swap3A_724 : memref<1x40x128xf32, #tpu.memory_space<vmem>> -> memref<40x128xf32, #tpu.memory_space<vmem>>
        %swap3A_726 = arith.index_cast %add3A_694 : i32 to index
        %swap3A_727 = arith.constant 16 : index
        %swap3A_728 = tpu.vector_load %swap3A_725[%swap3A_726, %swap3A_727] {strides = array<i32>} : memref<40x128xf32, #tpu.memory_space<vmem>>, vector<16xf32>,
        tpu.vector_store %swap3A_725[%swap3A_726, %swap3A_727], %mul3A_721 {strides = array<i32>} : memref<40x128xf32, #tpu.memory_space<vmem>>, vector<16xf32>,
        %get3A_729 = arith.constant 0 : i32
        %get3A_730 = arith.constant 0 : i32
        %get3A_731 = tpu.memref_slice %arg11[%scan3A_201, %get3A_729, %get3A_730] : memref<5x40x128xf32, #tpu.memory_space<vmem>> -> memref<1x40x128xf32, #tpu.memory_space<vmem>>
        %get3A_732 = tpu.memref_squeeze %get3A_731 : memref<1x40x128xf32, #tpu.memory_space<vmem>> -> memref<40x128xf32, #tpu.memory_space<vmem>>
        %get3A_733 = arith.index_cast %add3A_694 : i32 to index
        %get3A_734 = arith.constant 32 : index
        %get3A_735 = tpu.vector_load %get3A_732[%get3A_733, %get3A_734] {strides = array<i32>} : memref<40x128xf32, #tpu.memory_space<vmem>>, vector<16xf32>,
        %mul3A_736 = arith.mulf %get3A_735, %gather3A_698 : vector<16xf32>
        %swap3A_737 = arith.constant 0 : i32
        %swap3A_738 = arith.constant 0 : i32
        %swap3A_739 = tpu.memref_slice %arg11[%scan3A_201, %swap3A_737, %swap3A_738] : memref<5x40x128xf32, #tpu.memory_space<vmem>> -> memref<1x40x128xf32, #tpu.memory_space<vmem>>
        %swap3A_740 = tpu.memref_squeeze %swap3A_739 : memref<1x40x128xf32, #tpu.memory_space<vmem>> -> memref<40x128xf32, #tpu.memory_space<vmem>>
        %swap3A_741 = arith.index_cast %add3A_694 : i32 to index
        %swap3A_742 = arith.constant 32 : index
        %swap3A_743 = tpu.vector_load %swap3A_740[%swap3A_741, %swap3A_742] {strides = array<i32>} : memref<40x128xf32, #tpu.memory_space<vmem>>, vector<16xf32>,
        tpu.vector_store %swap3A_740[%swap3A_741, %swap3A_742], %mul3A_736 {strides = array<i32>} : memref<40x128xf32, #tpu.memory_space<vmem>>, vector<16xf32>,
        %get3A_744 = arith.constant 0 : i32
        %get3A_745 = arith.constant 0 : i32
        %get3A_746 = tpu.memref_slice %arg11[%scan3A_201, %get3A_744, %get3A_745] : memref<5x40x128xf32, #tpu.memory_space<vmem>> -> memref<1x40x128xf32, #tpu.memory_space<vmem>>
        %get3A_747 = tpu.memref_squeeze %get3A_746 : memref<1x40x128xf32, #tpu.memory_space<vmem>> -> memref<40x128xf32, #tpu.memory_space<vmem>>
        %get3A_748 = arith.index_cast %add3A_694 : i32 to index
        %get3A_749 = arith.constant 48 : index
        %get3A_750 = tpu.vector_load %get3A_747[%get3A_748, %get3A_749] {strides = array<i32>} : memref<40x128xf32, #tpu.memory_space<vmem>>, vector<16xf32>,
        %mul3A_751 = arith.mulf %get3A_750, %gather3A_698 : vector<16xf32>
        %swap3A_752 = arith.constant 0 : i32
        %swap3A_753 = arith.constant 0 : i32
        %swap3A_754 = tpu.memref_slice %arg11[%scan3A_201, %swap3A_752, %swap3A_753] : memref<5x40x128xf32, #tpu.memory_space<vmem>> -> memref<1x40x128xf32, #tpu.memory_space<vmem>>
        %swap3A_755 = tpu.memref_squeeze %swap3A_754 : memref<1x40x128xf32, #tpu.memory_space<vmem>> -> memref<40x128xf32, #tpu.memory_space<vmem>>
        %swap3A_756 = arith.index_cast %add3A_694 : i32 to index
        %swap3A_757 = arith.constant 48 : index
        %swap3A_758 = tpu.vector_load %swap3A_755[%swap3A_756, %swap3A_757] {strides = array<i32>} : memref<40x128xf32, #tpu.memory_space<vmem>>, vector<16xf32>,
        tpu.vector_store %swap3A_755[%swap3A_756, %swap3A_757], %mul3A_751 {strides = array<i32>} : memref<40x128xf32, #tpu.memory_space<vmem>>, vector<16xf32>,
        %get3A_759 = arith.constant 0 : i32
        %get3A_760 = arith.constant 0 : i32
        %get3A_761 = tpu.memref_slice %arg11[%scan3A_201, %get3A_759, %get3A_760] : memref<5x40x128xf32, #tpu.memory_space<vmem>> -> memref<1x40x128xf32, #tpu.memory_space<vmem>>
        %get3A_762 = tpu.memref_squeeze %get3A_761 : memref<1x40x128xf32, #tpu.memory_space<vmem>> -> memref<40x128xf32, #tpu.memory_space<vmem>>
        %get3A_763 = arith.index_cast %add3A_694 : i32 to index
        %get3A_764 = arith.constant 64 : index
        %get3A_765 = tpu.vector_load %get3A_762[%get3A_763, %get3A_764] {strides = array<i32>} : memref<40x128xf32, #tpu.memory_space<vmem>>, vector<16xf32>,
        %mul3A_766 = arith.mulf %get3A_765, %gather3A_698 : vector<16xf32>
        %swap3A_767 = arith.constant 0 : i32
        %swap3A_768 = arith.constant 0 : i32
        %swap3A_769 = tpu.memref_slice %arg11[%scan3A_201, %swap3A_767, %swap3A_768] : memref<5x40x128xf32, #tpu.memory_space<vmem>> -> memref<1x40x128xf32, #tpu.memory_space<vmem>>
        %swap3A_770 = tpu.memref_squeeze %swap3A_769 : memref<1x40x128xf32, #tpu.memory_space<vmem>> -> memref<40x128xf32, #tpu.memory_space<vmem>>
        %swap3A_771 = arith.index_cast %add3A_694 : i32 to index
        %swap3A_772 = arith.constant 64 : index
        %swap3A_773 = tpu.vector_load %swap3A_770[%swap3A_771, %swap3A_772] {strides = array<i32>} : memref<40x128xf32, #tpu.memory_space<vmem>>, vector<16xf32>,
        tpu.vector_store %swap3A_770[%swap3A_771, %swap3A_772], %mul3A_766 {strides = array<i32>} : memref<40x128xf32, #tpu.memory_space<vmem>>, vector<16xf32>,
        %get3A_774 = arith.constant 0 : i32
        %get3A_775 = arith.constant 0 : i32
        %get3A_776 = tpu.memref_slice %arg11[%scan3A_201, %get3A_774, %get3A_775] : memref<5x40x128xf32, #tpu.memory_space<vmem>> -> memref<1x40x128xf32, #tpu.memory_space<vmem>>
        %get3A_777 = tpu.memref_squeeze %get3A_776 : memref<1x40x128xf32, #tpu.memory_space<vmem>> -> memref<40x128xf32, #tpu.memory_space<vmem>>
        %get3A_778 = arith.index_cast %add3A_694 : i32 to index
        %get3A_779 = arith.constant 80 : index
        %get3A_780 = tpu.vector_load %get3A_777[%get3A_778, %get3A_779] {strides = array<i32>} : memref<40x128xf32, #tpu.memory_space<vmem>>, vector<16xf32>,
        %mul3A_781 = arith.mulf %get3A_780, %gather3A_698 : vector<16xf32>
        %swap3A_782 = arith.constant 0 : i32
        %swap3A_783 = arith.constant 0 : i32
        %swap3A_784 = tpu.memref_slice %arg11[%scan3A_201, %swap3A_782, %swap3A_783] : memref<5x40x128xf32, #tpu.memory_space<vmem>> -> memref<1x40x128xf32, #tpu.memory_space<vmem>>
        %swap3A_785 = tpu.memref_squeeze %swap3A_784 : memref<1x40x128xf32, #tpu.memory_space<vmem>> -> memref<40x128xf32, #tpu.memory_space<vmem>>
        %swap3A_786 = arith.index_cast %add3A_694 : i32 to index
        %swap3A_787 = arith.constant 80 : index
        %swap3A_788 = tpu.vector_load %swap3A_785[%swap3A_786, %swap3A_787] {strides = array<i32>} : memref<40x128xf32, #tpu.memory_space<vmem>>, vector<16xf32>,
        tpu.vector_store %swap3A_785[%swap3A_786, %swap3A_787], %mul3A_781 {strides = array<i32>} : memref<40x128xf32, #tpu.memory_space<vmem>>, vector<16xf32>,
        %get3A_789 = arith.constant 0 : i32
        %get3A_790 = arith.constant 0 : i32
        %get3A_791 = tpu.memref_slice %arg11[%scan3A_201, %get3A_789, %get3A_790] : memref<5x40x128xf32, #tpu.memory_space<vmem>> -> memref<1x40x128xf32, #tpu.memory_space<vmem>>
        %get3A_792 = tpu.memref_squeeze %get3A_791 : memref<1x40x128xf32, #tpu.memory_space<vmem>> -> memref<40x128xf32, #tpu.memory_space<vmem>>
        %get3A_793 = arith.index_cast %add3A_694 : i32 to index
        %get3A_794 = arith.constant 96 : index
        %get3A_795 = tpu.vector_load %get3A_792[%get3A_793, %get3A_794] {strides = array<i32>} : memref<40x128xf32, #tpu.memory_space<vmem>>, vector<16xf32>,
        %mul3A_796 = arith.mulf %get3A_795, %gather3A_698 : vector<16xf32>
        %swap3A_797 = arith.constant 0 : i32
        %swap3A_798 = arith.constant 0 : i32
        %swap3A_799 = tpu.memref_slice %arg11[%scan3A_201, %swap3A_797, %swap3A_798] : memref<5x40x128xf32, #tpu.memory_space<vmem>> -> memref<1x40x128xf32, #tpu.memory_space<vmem>>
        %swap3A_800 = tpu.memref_squeeze %swap3A_799 : memref<1x40x128xf32, #tpu.memory_space<vmem>> -> memref<40x128xf32, #tpu.memory_space<vmem>>
        %swap3A_801 = arith.index_cast %add3A_694 : i32 to index
        %swap3A_802 = arith.constant 96 : index
        %swap3A_803 = tpu.vector_load %swap3A_800[%swap3A_801, %swap3A_802] {strides = array<i32>} : memref<40x128xf32, #tpu.memory_space<vmem>>, vector<16xf32>,
        tpu.vector_store %swap3A_800[%swap3A_801, %swap3A_802], %mul3A_796 {strides = array<i32>} : memref<40x128xf32, #tpu.memory_space<vmem>>, vector<16xf32>,
        %get3A_804 = arith.constant 0 : i32
        %get3A_805 = arith.constant 0 : i32
        %get3A_806 = tpu.memref_slice %arg11[%scan3A_201, %get3A_804, %get3A_805] : memref<5x40x128xf32, #tpu.memory_space<vmem>> -> memref<1x40x128xf32, #tpu.memory_space<vmem>>
        %get3A_807 = tpu.memref_squeeze %get3A_806 : memref<1x40x128xf32, #tpu.memory_space<vmem>> -> memref<40x128xf32, #tpu.memory_space<vmem>>
        %get3A_808 = arith.index_cast %add3A_694 : i32 to index
        %get3A_809 = arith.constant 112 : index
        %get3A_810 = tpu.vector_load %get3A_807[%get3A_808, %get3A_809] {strides = array<i32>} : memref<40x128xf32, #tpu.memory_space<vmem>>, vector<16xf32>,
        %mul3A_811 = arith.mulf %get3A_810, %gather3A_698 : vector<16xf32>
        %swap3A_812 = arith.constant 0 : i32
        %swap3A_813 = arith.constant 0 : i32
        %swap3A_814 = tpu.memref_slice %arg11[%scan3A_201, %swap3A_812, %swap3A_813] : memref<5x40x128xf32, #tpu.memory_space<vmem>> -> memref<1x40x128xf32, #tpu.memory_space<vmem>>
        %swap3A_815 = tpu.memref_squeeze %swap3A_814 : memref<1x40x128xf32, #tpu.memory_space<vmem>> -> memref<40x128xf32, #tpu.memory_space<vmem>>
        %swap3A_816 = arith.index_cast %add3A_694 : i32 to index
        %swap3A_817 = arith.constant 112 : index
        %swap3A_818 = tpu.vector_load %swap3A_815[%swap3A_816, %swap3A_817] {strides = array<i32>} : memref<40x128xf32, #tpu.memory_space<vmem>>, vector<16xf32>,
        tpu.vector_store %swap3A_815[%swap3A_816, %swap3A_817], %mul3A_811 {strides = array<i32>} : memref<40x128xf32, #tpu.memory_space<vmem>>, vector<16xf32>,
        %scan3A_819 = arith.constant 3 : i32
        %scan3A_820 = arith.addi %scan3A_434, %scan3A_819 : i32
        %mul3A_821 = arith.constant 1 : i32
        %mul3A_822 = arith.muli %scan3A_820, %mul3A_821 : i32
        %add3A_823 = arith.constant 0 : i32
        %add3A_824 = arith.addi %add3A_823, %mul3A_822 : i32
        %add3A_825 = arith.constant 0 : i32
        %add3A_826 = arith.addi %add3A_825, %add3A_824 : i32
        %broadcast_in_dim3A_827 = vector.broadcast %add3A_826 : i32 to vector<16xi32>
        %gather3A_828 = tpu.vector_load_idx %arg10[%broadcast_in_dim3A_827] : memref<640xf32, #tpu.memory_space<vmem>>[vector<16xi32>], vector<16xf32>,
        %get3A_829 = arith.constant 0 : i32
        %get3A_830 = arith.constant 0 : i32
        %get3A_831 = tpu.memref_slice %arg11[%scan3A_201, %get3A_829, %get3A_830] : memref<5x40x128xf32, #tpu.memory_space<vmem>> -> memref<1x40x128xf32, #tpu.memory_space<vmem>>
        %get3A_832 = tpu.memref_squeeze %get3A_831 : memref<1x40x128xf32, #tpu.memory_space<vmem>> -> memref<40x128xf32, #tpu.memory_space<vmem>>
        %get3A_833 = arith.index_cast %add3A_824 : i32 to index
        %get3A_834 = arith.constant 0 : index
        %get3A_835 = tpu.vector_load %get3A_832[%get3A_833, %get3A_834] {strides = array<i32>} : memref<40x128xf32, #tpu.memory_space<vmem>>, vector<16xf32>,
        %mul3A_836 = arith.mulf %get3A_835, %gather3A_828 : vector<16xf32>
        %swap3A_837 = arith.constant 0 : i32
        %swap3A_838 = arith.constant 0 : i32
        %swap3A_839 = tpu.memref_slice %arg11[%scan3A_201, %swap3A_837, %swap3A_838] : memref<5x40x128xf32, #tpu.memory_space<vmem>> -> memref<1x40x128xf32, #tpu.memory_space<vmem>>
        %swap3A_840 = tpu.memref_squeeze %swap3A_839 : memref<1x40x128xf32, #tpu.memory_space<vmem>> -> memref<40x128xf32, #tpu.memory_space<vmem>>
        %swap3A_841 = arith.index_cast %add3A_824 : i32 to index
        %swap3A_842 = arith.constant 0 : index
        %swap3A_843 = tpu.vector_load %swap3A_840[%swap3A_841, %swap3A_842] {strides = array<i32>} : memref<40x128xf32, #tpu.memory_space<vmem>>, vector<16xf32>,
        tpu.vector_store %swap3A_840[%swap3A_841, %swap3A_842], %mul3A_836 {strides = array<i32>} : memref<40x128xf32, #tpu.memory_space<vmem>>, vector<16xf32>,
        %get3A_844 = arith.constant 0 : i32
        %get3A_845 = arith.constant 0 : i32
        %get3A_846 = tpu.memref_slice %arg11[%scan3A_201, %get3A_844, %get3A_845] : memref<5x40x128xf32, #tpu.memory_space<vmem>> -> memref<1x40x128xf32, #tpu.memory_space<vmem>>
        %get3A_847 = tpu.memref_squeeze %get3A_846 : memref<1x40x128xf32, #tpu.memory_space<vmem>> -> memref<40x128xf32, #tpu.memory_space<vmem>>
        %get3A_848 = arith.index_cast %add3A_824 : i32 to index
        %get3A_849 = arith.constant 16 : index
        %get3A_850 = tpu.vector_load %get3A_847[%get3A_848, %get3A_849] {strides = array<i32>} : memref<40x128xf32, #tpu.memory_space<vmem>>, vector<16xf32>,
        %mul3A_851 = arith.mulf %get3A_850, %gather3A_828 : vector<16xf32>
        %swap3A_852 = arith.constant 0 : i32
        %swap3A_853 = arith.constant 0 : i32
        %swap3A_854 = tpu.memref_slice %arg11[%scan3A_201, %swap3A_852, %swap3A_853] : memref<5x40x128xf32, #tpu.memory_space<vmem>> -> memref<1x40x128xf32, #tpu.memory_space<vmem>>
        %swap3A_855 = tpu.memref_squeeze %swap3A_854 : memref<1x40x128xf32, #tpu.memory_space<vmem>> -> memref<40x128xf32, #tpu.memory_space<vmem>>
        %swap3A_856 = arith.index_cast %add3A_824 : i32 to index
        %swap3A_857 = arith.constant 16 : index
        %swap3A_858 = tpu.vector_load %swap3A_855[%swap3A_856, %swap3A_857] {strides = array<i32>} : memref<40x128xf32, #tpu.memory_space<vmem>>, vector<16xf32>,
        tpu.vector_store %swap3A_855[%swap3A_856, %swap3A_857], %mul3A_851 {strides = array<i32>} : memref<40x128xf32, #tpu.memory_space<vmem>>, vector<16xf32>,
        %get3A_859 = arith.constant 0 : i32
        %get3A_860 = arith.constant 0 : i32
        %get3A_861 = tpu.memref_slice %arg11[%scan3A_201, %get3A_859, %get3A_860] : memref<5x40x128xf32, #tpu.memory_space<vmem>> -> memref<1x40x128xf32, #tpu.memory_space<vmem>>
        %get3A_862 = tpu.memref_squeeze %get3A_861 : memref<1x40x128xf32, #tpu.memory_space<vmem>> -> memref<40x128xf32, #tpu.memory_space<vmem>>
        %get3A_863 = arith.index_cast %add3A_824 : i32 to index
        %get3A_864 = arith.constant 32 : index
        %get3A_865 = tpu.vector_load %get3A_862[%get3A_863, %get3A_864] {strides = array<i32>} : memref<40x128xf32, #tpu.memory_space<vmem>>, vector<16xf32>,
        %mul3A_866 = arith.mulf %get3A_865, %gather3A_828 : vector<16xf32>
        %swap3A_867 = arith.constant 0 : i32
        %swap3A_868 = arith.constant 0 : i32
        %swap3A_869 = tpu.memref_slice %arg11[%scan3A_201, %swap3A_867, %swap3A_868] : memref<5x40x128xf32, #tpu.memory_space<vmem>> -> memref<1x40x128xf32, #tpu.memory_space<vmem>>
        %swap3A_870 = tpu.memref_squeeze %swap3A_869 : memref<1x40x128xf32, #tpu.memory_space<vmem>> -> memref<40x128xf32, #tpu.memory_space<vmem>>
        %swap3A_871 = arith.index_cast %add3A_824 : i32 to index
        %swap3A_872 = arith.constant 32 : index
        %swap3A_873 = tpu.vector_load %swap3A_870[%swap3A_871, %swap3A_872] {strides = array<i32>} : memref<40x128xf32, #tpu.memory_space<vmem>>, vector<16xf32>,
        tpu.vector_store %swap3A_870[%swap3A_871, %swap3A_872], %mul3A_866 {strides = array<i32>} : memref<40x128xf32, #tpu.memory_space<vmem>>, vector<16xf32>,
        %get3A_874 = arith.constant 0 : i32
        %get3A_875 = arith.constant 0 : i32
        %get3A_876 = tpu.memref_slice %arg11[%scan3A_201, %get3A_874, %get3A_875] : memref<5x40x128xf32, #tpu.memory_space<vmem>> -> memref<1x40x128xf32, #tpu.memory_space<vmem>>
        %get3A_877 = tpu.memref_squeeze %get3A_876 : memref<1x40x128xf32, #tpu.memory_space<vmem>> -> memref<40x128xf32, #tpu.memory_space<vmem>>
        %get3A_878 = arith.index_cast %add3A_824 : i32 to index
        %get3A_879 = arith.constant 48 : index
        %get3A_880 = tpu.vector_load %get3A_877[%get3A_878, %get3A_879] {strides = array<i32>} : memref<40x128xf32, #tpu.memory_space<vmem>>, vector<16xf32>,
        %mul3A_881 = arith.mulf %get3A_880, %gather3A_828 : vector<16xf32>
        %swap3A_882 = arith.constant 0 : i32
        %swap3A_883 = arith.constant 0 : i32
        %swap3A_884 = tpu.memref_slice %arg11[%scan3A_201, %swap3A_882, %swap3A_883] : memref<5x40x128xf32, #tpu.memory_space<vmem>> -> memref<1x40x128xf32, #tpu.memory_space<vmem>>
        %swap3A_885 = tpu.memref_squeeze %swap3A_884 : memref<1x40x128xf32, #tpu.memory_space<vmem>> -> memref<40x128xf32, #tpu.memory_space<vmem>>
        %swap3A_886 = arith.index_cast %add3A_824 : i32 to index
        %swap3A_887 = arith.constant 48 : index
        %swap3A_888 = tpu.vector_load %swap3A_885[%swap3A_886, %swap3A_887] {strides = array<i32>} : memref<40x128xf32, #tpu.memory_space<vmem>>, vector<16xf32>,
        tpu.vector_store %swap3A_885[%swap3A_886, %swap3A_887], %mul3A_881 {strides = array<i32>} : memref<40x128xf32, #tpu.memory_space<vmem>>, vector<16xf32>,
        %get3A_889 = arith.constant 0 : i32
        %get3A_890 = arith.constant 0 : i32
        %get3A_891 = tpu.memref_slice %arg11[%scan3A_201, %get3A_889, %get3A_890] : memref<5x40x128xf32, #tpu.memory_space<vmem>> -> memref<1x40x128xf32, #tpu.memory_space<vmem>>
        %get3A_892 = tpu.memref_squeeze %get3A_891 : memref<1x40x128xf32, #tpu.memory_space<vmem>> -> memref<40x128xf32, #tpu.memory_space<vmem>>
        %get3A_893 = arith.index_cast %add3A_824 : i32 to index
        %get3A_894 = arith.constant 64 : index
        %get3A_895 = tpu.vector_load %get3A_892[%get3A_893, %get3A_894] {strides = array<i32>} : memref<40x128xf32, #tpu.memory_space<vmem>>, vector<16xf32>,
        %mul3A_896 = arith.mulf %get3A_895, %gather3A_828 : vector<16xf32>
        %swap3A_897 = arith.constant 0 : i32
        %swap3A_898 = arith.constant 0 : i32
        %swap3A_899 = tpu.memref_slice %arg11[%scan3A_201, %swap3A_897, %swap3A_898] : memref<5x40x128xf32, #tpu.memory_space<vmem>> -> memref<1x40x128xf32, #tpu.memory_space<vmem>>
        %swap3A_900 = tpu.memref_squeeze %swap3A_899 : memref<1x40x128xf32, #tpu.memory_space<vmem>> -> memref<40x128xf32, #tpu.memory_space<vmem>>
        %swap3A_901 = arith.index_cast %add3A_824 : i32 to index
        %swap3A_902 = arith.constant 64 : index
        %swap3A_903 = tpu.vector_load %swap3A_900[%swap3A_901, %swap3A_902] {strides = array<i32>} : memref<40x128xf32, #tpu.memory_space<vmem>>, vector<16xf32>,
        tpu.vector_store %swap3A_900[%swap3A_901, %swap3A_902], %mul3A_896 {strides = array<i32>} : memref<40x128xf32, #tpu.memory_space<vmem>>, vector<16xf32>,
        %get3A_904 = arith.constant 0 : i32
        %get3A_905 = arith.constant 0 : i32
        %get3A_906 = tpu.memref_slice %arg11[%scan3A_201, %get3A_904, %get3A_905] : memref<5x40x128xf32, #tpu.memory_space<vmem>> -> memref<1x40x128xf32, #tpu.memory_space<vmem>>
        %get3A_907 = tpu.memref_squeeze %get3A_906 : memref<1x40x128xf32, #tpu.memory_space<vmem>> -> memref<40x128xf32, #tpu.memory_space<vmem>>
        %get3A_908 = arith.index_cast %add3A_824 : i32 to index
        %get3A_909 = arith.constant 80 : index
        %get3A_910 = tpu.vector_load %get3A_907[%get3A_908, %get3A_909] {strides = array<i32>} : memref<40x128xf32, #tpu.memory_space<vmem>>, vector<16xf32>,
        %mul3A_911 = arith.mulf %get3A_910, %gather3A_828 : vector<16xf32>
        %swap3A_912 = arith.constant 0 : i32
        %swap3A_913 = arith.constant 0 : i32
        %swap3A_914 = tpu.memref_slice %arg11[%scan3A_201, %swap3A_912, %swap3A_913] : memref<5x40x128xf32, #tpu.memory_space<vmem>> -> memref<1x40x128xf32, #tpu.memory_space<vmem>>
        %swap3A_915 = tpu.memref_squeeze %swap3A_914 : memref<1x40x128xf32, #tpu.memory_space<vmem>> -> memref<40x128xf32, #tpu.memory_space<vmem>>
        %swap3A_916 = arith.index_cast %add3A_824 : i32 to index
        %swap3A_917 = arith.constant 80 : index
        %swap3A_918 = tpu.vector_load %swap3A_915[%swap3A_916, %swap3A_917] {strides = array<i32>} : memref<40x128xf32, #tpu.memory_space<vmem>>, vector<16xf32>,
        tpu.vector_store %swap3A_915[%swap3A_916, %swap3A_917], %mul3A_911 {strides = array<i32>} : memref<40x128xf32, #tpu.memory_space<vmem>>, vector<16xf32>,
        %get3A_919 = arith.constant 0 : i32
        %get3A_920 = arith.constant 0 : i32
        %get3A_921 = tpu.memref_slice %arg11[%scan3A_201, %get3A_919, %get3A_920] : memref<5x40x128xf32, #tpu.memory_space<vmem>> -> memref<1x40x128xf32, #tpu.memory_space<vmem>>
        %get3A_922 = tpu.memref_squeeze %get3A_921 : memref<1x40x128xf32, #tpu.memory_space<vmem>> -> memref<40x128xf32, #tpu.memory_space<vmem>>
        %get3A_923 = arith.index_cast %add3A_824 : i32 to index
        %get3A_924 = arith.constant 96 : index
        %get3A_925 = tpu.vector_load %get3A_922[%get3A_923, %get3A_924] {strides = array<i32>} : memref<40x128xf32, #tpu.memory_space<vmem>>, vector<16xf32>,
        %mul3A_926 = arith.mulf %get3A_925, %gather3A_828 : vector<16xf32>
        %swap3A_927 = arith.constant 0 : i32
        %swap3A_928 = arith.constant 0 : i32
        %swap3A_929 = tpu.memref_slice %arg11[%scan3A_201, %swap3A_927, %swap3A_928] : memref<5x40x128xf32, #tpu.memory_space<vmem>> -> memref<1x40x128xf32, #tpu.memory_space<vmem>>
        %swap3A_930 = tpu.memref_squeeze %swap3A_929 : memref<1x40x128xf32, #tpu.memory_space<vmem>> -> memref<40x128xf32, #tpu.memory_space<vmem>>
        %swap3A_931 = arith.index_cast %add3A_824 : i32 to index
        %swap3A_932 = arith.constant 96 : index
        %swap3A_933 = tpu.vector_load %swap3A_930[%swap3A_931, %swap3A_932] {strides = array<i32>} : memref<40x128xf32, #tpu.memory_space<vmem>>, vector<16xf32>,
        tpu.vector_store %swap3A_930[%swap3A_931, %swap3A_932], %mul3A_926 {strides = array<i32>} : memref<40x128xf32, #tpu.memory_space<vmem>>, vector<16xf32>,
        %get3A_934 = arith.constant 0 : i32
        %get3A_935 = arith.constant 0 : i32
        %get3A_936 = tpu.memref_slice %arg11[%scan3A_201, %get3A_934, %get3A_935] : memref<5x40x128xf32, #tpu.memory_space<vmem>> -> memref<1x40x128xf32, #tpu.memory_space<vmem>>
        %get3A_937 = tpu.memref_squeeze %get3A_936 : memref<1x40x128xf32, #tpu.memory_space<vmem>> -> memref<40x128xf32, #tpu.memory_space<vmem>>
        %get3A_938 = arith.index_cast %add3A_824 : i32 to index
        %get3A_939 = arith.constant 112 : index
        %get3A_940 = tpu.vector_load %get3A_937[%get3A_938, %get3A_939] {strides = array<i32>} : memref<40x128xf32, #tpu.memory_space<vmem>>, vector<16xf32>,
        %mul3A_941 = arith.mulf %get3A_940, %gather3A_828 : vector<16xf32>
        %swap3A_942 = arith.constant 0 : i32
        %swap3A_943 = arith.constant 0 : i32
        %swap3A_944 = tpu.memref_slice %arg11[%scan3A_201, %swap3A_942, %swap3A_943] : memref<5x40x128xf32, #tpu.memory_space<vmem>> -> memref<1x40x128xf32, #tpu.memory_space<vmem>>
        %swap3A_945 = tpu.memref_squeeze %swap3A_944 : memref<1x40x128xf32, #tpu.memory_space<vmem>> -> memref<40x128xf32, #tpu.memory_space<vmem>>
        %swap3A_946 = arith.index_cast %add3A_824 : i32 to index
        %swap3A_947 = arith.constant 112 : index
        %swap3A_948 = tpu.vector_load %swap3A_945[%swap3A_946, %swap3A_947] {strides = array<i32>} : memref<40x128xf32, #tpu.memory_space<vmem>>, vector<16xf32>,
        tpu.vector_store %swap3A_945[%swap3A_946, %swap3A_947], %mul3A_941 {strides = array<i32>} : memref<40x128xf32, #tpu.memory_space<vmem>>, vector<16xf32>,
        %scan3A_949 = arith.constant 4 : i32
        %scan3A_950 = arith.addi %scan3A_434, %scan3A_949 : i32
        %mul3A_951 = arith.constant 1 : i32
        %mul3A_952 = arith.muli %scan3A_950, %mul3A_951 : i32
        %add3A_953 = arith.constant 0 : i32
        %add3A_954 = arith.addi %add3A_953, %mul3A_952 : i32
        %add3A_955 = arith.constant 0 : i32
        %add3A_956 = arith.addi %add3A_955, %add3A_954 : i32
        %broadcast_in_dim3A_957 = vector.broadcast %add3A_956 : i32 to vector<16xi32>
        %gather3A_958 = tpu.vector_load_idx %arg10[%broadcast_in_dim3A_957] : memref<640xf32, #tpu.memory_space<vmem>>[vector<16xi32>], vector<16xf32>,
        %get3A_959 = arith.constant 0 : i32
        %get3A_960 = arith.constant 0 : i32
        %get3A_961 = tpu.memref_slice %arg11[%scan3A_201, %get3A_959, %get3A_960] : memref<5x40x128xf32, #tpu.memory_space<vmem>> -> memref<1x40x128xf32, #tpu.memory_space<vmem>>
        %get3A_962 = tpu.memref_squeeze %get3A_961 : memref<1x40x128xf32, #tpu.memory_space<vmem>> -> memref<40x128xf32, #tpu.memory_space<vmem>>
        %get3A_963 = arith.index_cast %add3A_954 : i32 to index
        %get3A_964 = arith.constant 0 : index
        %get3A_965 = tpu.vector_load %get3A_962[%get3A_963, %get3A_964] {strides = array<i32>} : memref<40x128xf32, #tpu.memory_space<vmem>>, vector<16xf32>,
        %mul3A_966 = arith.mulf %get3A_965, %gather3A_958 : vector<16xf32>
        %swap3A_967 = arith.constant 0 : i32
        %swap3A_968 = arith.constant 0 : i32
        %swap3A_969 = tpu.memref_slice %arg11[%scan3A_201, %swap3A_967, %swap3A_968] : memref<5x40x128xf32, #tpu.memory_space<vmem>> -> memref<1x40x128xf32, #tpu.memory_space<vmem>>
        %swap3A_970 = tpu.memref_squeeze %swap3A_969 : memref<1x40x128xf32, #tpu.memory_space<vmem>> -> memref<40x128xf32, #tpu.memory_space<vmem>>
        %swap3A_971 = arith.index_cast %add3A_954 : i32 to index
        %swap3A_972 = arith.constant 0 : index
        %swap3A_973 = tpu.vector_load %swap3A_970[%swap3A_971, %swap3A_972] {strides = array<i32>} : memref<40x128xf32, #tpu.memory_space<vmem>>, vector<16xf32>,
        tpu.vector_store %swap3A_970[%swap3A_971, %swap3A_972], %mul3A_966 {strides = array<i32>} : memref<40x128xf32, #tpu.memory_space<vmem>>, vector<16xf32>,
        %get3A_974 = arith.constant 0 : i32
        %get3A_975 = arith.constant 0 : i32
        %get3A_976 = tpu.memref_slice %arg11[%scan3A_201, %get3A_974, %get3A_975] : memref<5x40x128xf32, #tpu.memory_space<vmem>> -> memref<1x40x128xf32, #tpu.memory_space<vmem>>
        %get3A_977 = tpu.memref_squeeze %get3A_976 : memref<1x40x128xf32, #tpu.memory_space<vmem>> -> memref<40x128xf32, #tpu.memory_space<vmem>>
        %get3A_978 = arith.index_cast %add3A_954 : i32 to index
        %get3A_979 = arith.constant 16 : index
        %get3A_980 = tpu.vector_load %get3A_977[%get3A_978, %get3A_979] {strides = array<i32>} : memref<40x128xf32, #tpu.memory_space<vmem>>, vector<16xf32>,
        %mul3A_981 = arith.mulf %get3A_980, %gather3A_958 : vector<16xf32>
        %swap3A_982 = arith.constant 0 : i32
        %swap3A_983 = arith.constant 0 : i32
        %swap3A_984 = tpu.memref_slice %arg11[%scan3A_201, %swap3A_982, %swap3A_983] : memref<5x40x128xf32, #tpu.memory_space<vmem>> -> memref<1x40x128xf32, #tpu.memory_space<vmem>>
        %swap3A_985 = tpu.memref_squeeze %swap3A_984 : memref<1x40x128xf32, #tpu.memory_space<vmem>> -> memref<40x128xf32, #tpu.memory_space<vmem>>
        %swap3A_986 = arith.index_cast %add3A_954 : i32 to index
        %swap3A_987 = arith.constant 16 : index
        %swap3A_988 = tpu.vector_load %swap3A_985[%swap3A_986, %swap3A_987] {strides = array<i32>} : memref<40x128xf32, #tpu.memory_space<vmem>>, vector<16xf32>,
        tpu.vector_store %swap3A_985[%swap3A_986, %swap3A_987], %mul3A_981 {strides = array<i32>} : memref<40x128xf32, #tpu.memory_space<vmem>>, vector<16xf32>,
        %get3A_989 = arith.constant 0 : i32
        %get3A_990 = arith.constant 0 : i32
        %get3A_991 = tpu.memref_slice %arg11[%scan3A_201, %get3A_989, %get3A_990] : memref<5x40x128xf32, #tpu.memory_space<vmem>> -> memref<1x40x128xf32, #tpu.memory_space<vmem>>
        %get3A_992 = tpu.memref_squeeze %get3A_991 : memref<1x40x128xf32, #tpu.memory_space<vmem>> -> memref<40x128xf32, #tpu.memory_space<vmem>>
        %get3A_993 = arith.index_cast %add3A_954 : i32 to index
        %get3A_994 = arith.constant 32 : index
        %get3A_995 = tpu.vector_load %get3A_992[%get3A_993, %get3A_994] {strides = array<i32>} : memref<40x128xf32, #tpu.memory_space<vmem>>, vector<16xf32>,
        %mul3A_996 = arith.mulf %get3A_995, %gather3A_958 : vector<16xf32>
        %swap3A_997 = arith.constant 0 : i32
        %swap3A_998 = arith.constant 0 : i32
        %swap3A_999 = tpu.memref_slice %arg11[%scan3A_201, %swap3A_997, %swap3A_998] : memref<5x40x128xf32, #tpu.memory_space<vmem>> -> memref<1x40x128xf32, #tpu.memory_space<vmem>>
        %swap3A_1000 = tpu.memref_squeeze %swap3A_999 : memref<1x40x128xf32, #tpu.memory_space<vmem>> -> memref<40x128xf32, #tpu.memory_space<vmem>>
        %swap3A_1001 = arith.index_cast %add3A_954 : i32 to index
        %swap3A_1002 = arith.constant 32 : index
        %swap3A_1003 = tpu.vector_load %swap3A_1000[%swap3A_1001, %swap3A_1002] {strides = array<i32>} : memref<40x128xf32, #tpu.memory_space<vmem>>, vector<16xf32>,
        tpu.vector_store %swap3A_1000[%swap3A_1001, %swap3A_1002], %mul3A_996 {strides = array<i32>} : memref<40x128xf32, #tpu.memory_space<vmem>>, vector<16xf32>,
        %get3A_1004 = arith.constant 0 : i32
        %get3A_1005 = arith.constant 0 : i32
        %get3A_1006 = tpu.memref_slice %arg11[%scan3A_201, %get3A_1004, %get3A_1005] : memref<5x40x128xf32, #tpu.memory_space<vmem>> -> memref<1x40x128xf32, #tpu.memory_space<vmem>>
        %get3A_1007 = tpu.memref_squeeze %get3A_1006 : memref<1x40x128xf32, #tpu.memory_space<vmem>> -> memref<40x128xf32, #tpu.memory_space<vmem>>
        %get3A_1008 = arith.index_cast %add3A_954 : i32 to index
        %get3A_1009 = arith.constant 48 : index
        %get3A_1010 = tpu.vector_load %get3A_1007[%get3A_1008, %get3A_1009] {strides = array<i32>} : memref<40x128xf32, #tpu.memory_space<vmem>>, vector<16xf32>,
        %mul3A_1011 = arith.mulf %get3A_1010, %gather3A_958 : vector<16xf32>
        %swap3A_1012 = arith.constant 0 : i32
        %swap3A_1013 = arith.constant 0 : i32
        %swap3A_1014 = tpu.memref_slice %arg11[%scan3A_201, %swap3A_1012, %swap3A_1013] : memref<5x40x128xf32, #tpu.memory_space<vmem>> -> memref<1x40x128xf32, #tpu.memory_space<vmem>>
        %swap3A_1015 = tpu.memref_squeeze %swap3A_1014 : memref<1x40x128xf32, #tpu.memory_space<vmem>> -> memref<40x128xf32, #tpu.memory_space<vmem>>
        %swap3A_1016 = arith.index_cast %add3A_954 : i32 to index
        %swap3A_1017 = arith.constant 48 : index
        %swap3A_1018 = tpu.vector_load %swap3A_1015[%swap3A_1016, %swap3A_1017] {strides = array<i32>} : memref<40x128xf32, #tpu.memory_space<vmem>>, vector<16xf32>,
        tpu.vector_store %swap3A_1015[%swap3A_1016, %swap3A_1017], %mul3A_1011 {strides = array<i32>} : memref<40x128xf32, #tpu.memory_space<vmem>>, vector<16xf32>,
        %get3A_1019 = arith.constant 0 : i32
        %get3A_1020 = arith.constant 0 : i32
        %get3A_1021 = tpu.memref_slice %arg11[%scan3A_201, %get3A_1019, %get3A_1020] : memref<5x40x128xf32, #tpu.memory_space<vmem>> -> memref<1x40x128xf32, #tpu.memory_space<vmem>>
        %get3A_1022 = tpu.memref_squeeze %get3A_1021 : memref<1x40x128xf32, #tpu.memory_space<vmem>> -> memref<40x128xf32, #tpu.memory_space<vmem>>
        %get3A_1023 = arith.index_cast %add3A_954 : i32 to index
        %get3A_1024 = arith.constant 64 : index
        %get3A_1025 = tpu.vector_load %get3A_1022[%get3A_1023, %get3A_1024] {strides = array<i32>} : memref<40x128xf32, #tpu.memory_space<vmem>>, vector<16xf32>,
        %mul3A_1026 = arith.mulf %get3A_1025, %gather3A_958 : vector<16xf32>
        %swap3A_1027 = arith.constant 0 : i32
        %swap3A_1028 = arith.constant 0 : i32
        %swap3A_1029 = tpu.memref_slice %arg11[%scan3A_201, %swap3A_1027, %swap3A_1028] : memref<5x40x128xf32, #tpu.memory_space<vmem>> -> memref<1x40x128xf32, #tpu.memory_space<vmem>>
        %swap3A_1030 = tpu.memref_squeeze %swap3A_1029 : memref<1x40x128xf32, #tpu.memory_space<vmem>> -> memref<40x128xf32, #tpu.memory_space<vmem>>
        %swap3A_1031 = arith.index_cast %add3A_954 : i32 to index
        %swap3A_1032 = arith.constant 64 : index
        %swap3A_1033 = tpu.vector_load %swap3A_1030[%swap3A_1031, %swap3A_1032] {strides = array<i32>} : memref<40x128xf32, #tpu.memory_space<vmem>>, vector<16xf32>,
        tpu.vector_store %swap3A_1030[%swap3A_1031, %swap3A_1032], %mul3A_1026 {strides = array<i32>} : memref<40x128xf32, #tpu.memory_space<vmem>>, vector<16xf32>,
        %get3A_1034 = arith.constant 0 : i32
        %get3A_1035 = arith.constant 0 : i32
        %get3A_1036 = tpu.memref_slice %arg11[%scan3A_201, %get3A_1034, %get3A_1035] : memref<5x40x128xf32, #tpu.memory_space<vmem>> -> memref<1x40x128xf32, #tpu.memory_space<vmem>>
        %get3A_1037 = tpu.memref_squeeze %get3A_1036 : memref<1x40x128xf32, #tpu.memory_space<vmem>> -> memref<40x128xf32, #tpu.memory_space<vmem>>
        %get3A_1038 = arith.index_cast %add3A_954 : i32 to index
        %get3A_1039 = arith.constant 80 : index
        %get3A_1040 = tpu.vector_load %get3A_1037[%get3A_1038, %get3A_1039] {strides = array<i32>} : memref<40x128xf32, #tpu.memory_space<vmem>>, vector<16xf32>,
        %mul3A_1041 = arith.mulf %get3A_1040, %gather3A_958 : vector<16xf32>
        %swap3A_1042 = arith.constant 0 : i32
        %swap3A_1043 = arith.constant 0 : i32
        %swap3A_1044 = tpu.memref_slice %arg11[%scan3A_201, %swap3A_1042, %swap3A_1043] : memref<5x40x128xf32, #tpu.memory_space<vmem>> -> memref<1x40x128xf32, #tpu.memory_space<vmem>>
        %swap3A_1045 = tpu.memref_squeeze %swap3A_1044 : memref<1x40x128xf32, #tpu.memory_space<vmem>> -> memref<40x128xf32, #tpu.memory_space<vmem>>
        %swap3A_1046 = arith.index_cast %add3A_954 : i32 to index
        %swap3A_1047 = arith.constant 80 : index
        %swap3A_1048 = tpu.vector_load %swap3A_1045[%swap3A_1046, %swap3A_1047] {strides = array<i32>} : memref<40x128xf32, #tpu.memory_space<vmem>>, vector<16xf32>,
        tpu.vector_store %swap3A_1045[%swap3A_1046, %swap3A_1047], %mul3A_1041 {strides = array<i32>} : memref<40x128xf32, #tpu.memory_space<vmem>>, vector<16xf32>,
        %get3A_1049 = arith.constant 0 : i32
        %get3A_1050 = arith.constant 0 : i32
        %get3A_1051 = tpu.memref_slice %arg11[%scan3A_201, %get3A_1049, %get3A_1050] : memref<5x40x128xf32, #tpu.memory_space<vmem>> -> memref<1x40x128xf32, #tpu.memory_space<vmem>>
        %get3A_1052 = tpu.memref_squeeze %get3A_1051 : memref<1x40x128xf32, #tpu.memory_space<vmem>> -> memref<40x128xf32, #tpu.memory_space<vmem>>
        %get3A_1053 = arith.index_cast %add3A_954 : i32 to index
        %get3A_1054 = arith.constant 96 : index
        %get3A_1055 = tpu.vector_load %get3A_1052[%get3A_1053, %get3A_1054] {strides = array<i32>} : memref<40x128xf32, #tpu.memory_space<vmem>>, vector<16xf32>,
        %mul3A_1056 = arith.mulf %get3A_1055, %gather3A_958 : vector<16xf32>
        %swap3A_1057 = arith.constant 0 : i32
        %swap3A_1058 = arith.constant 0 : i32
        %swap3A_1059 = tpu.memref_slice %arg11[%scan3A_201, %swap3A_1057, %swap3A_1058] : memref<5x40x128xf32, #tpu.memory_space<vmem>> -> memref<1x40x128xf32, #tpu.memory_space<vmem>>
        %swap3A_1060 = tpu.memref_squeeze %swap3A_1059 : memref<1x40x128xf32, #tpu.memory_space<vmem>> -> memref<40x128xf32, #tpu.memory_space<vmem>>
        %swap3A_1061 = arith.index_cast %add3A_954 : i32 to index
        %swap3A_1062 = arith.constant 96 : index
        %swap3A_1063 = tpu.vector_load %swap3A_1060[%swap3A_1061, %swap3A_1062] {strides = array<i32>} : memref<40x128xf32, #tpu.memory_space<vmem>>, vector<16xf32>,
        tpu.vector_store %swap3A_1060[%swap3A_1061, %swap3A_1062], %mul3A_1056 {strides = array<i32>} : memref<40x128xf32, #tpu.memory_space<vmem>>, vector<16xf32>,
        %get3A_1064 = arith.constant 0 : i32
        %get3A_1065 = arith.constant 0 : i32
        %get3A_1066 = tpu.memref_slice %arg11[%scan3A_201, %get3A_1064, %get3A_1065] : memref<5x40x128xf32, #tpu.memory_space<vmem>> -> memref<1x40x128xf32, #tpu.memory_space<vmem>>
        %get3A_1067 = tpu.memref_squeeze %get3A_1066 : memref<1x40x128xf32, #tpu.memory_space<vmem>> -> memref<40x128xf32, #tpu.memory_space<vmem>>
        %get3A_1068 = arith.index_cast %add3A_954 : i32 to index
        %get3A_1069 = arith.constant 112 : index
        %get3A_1070 = tpu.vector_load %get3A_1067[%get3A_1068, %get3A_1069] {strides = array<i32>} : memref<40x128xf32, #tpu.memory_space<vmem>>, vector<16xf32>,
        %mul3A_1071 = arith.mulf %get3A_1070, %gather3A_958 : vector<16xf32>
        %swap3A_1072 = arith.constant 0 : i32
        %swap3A_1073 = arith.constant 0 : i32
        %swap3A_1074 = tpu.memref_slice %arg11[%scan3A_201, %swap3A_1072, %swap3A_1073] : memref<5x40x128xf32, #tpu.memory_space<vmem>> -> memref<1x40x128xf32, #tpu.memory_space<vmem>>
        %swap3A_1075 = tpu.memref_squeeze %swap3A_1074 : memref<1x40x128xf32, #tpu.memory_space<vmem>> -> memref<40x128xf32, #tpu.memory_space<vmem>>
        %swap3A_1076 = arith.index_cast %add3A_954 : i32 to index
        %swap3A_1077 = arith.constant 112 : index
        %swap3A_1078 = tpu.vector_load %swap3A_1075[%swap3A_1076, %swap3A_1077] {strides = array<i32>} : memref<40x128xf32, #tpu.memory_space<vmem>>, vector<16xf32>,
        tpu.vector_store %swap3A_1075[%swap3A_1076, %swap3A_1077], %mul3A_1071 {strides = array<i32>} : memref<40x128xf32, #tpu.memory_space<vmem>>, vector<16xf32>,
      }
      %scan3A_206 = arith.constant 40 : i32
      %dma_start3A_207 = arith.constant 0 : i32
      %dma_start3A_208 = arith.constant 0 : i32
      %dma_start3A_209 = arith.constant 0 : i32
      %dma_start3A_210 = tpu.memref_slice %arg11[%dma_start3A_207, %dma_start3A_208, %dma_start3A_209] : memref<5x40x128xf32, #tpu.memory_space<vmem>> -> memref<1x40x128xf32, #tpu.memory_space<vmem>>
      %dma_start3A_211 = tpu.memref_squeeze %dma_start3A_210 : memref<1x40x128xf32, #tpu.memory_space<vmem>> -> memref<40x128xf32, #tpu.memory_space<vmem>>
      %dma_start3A_212 = arith.constant 0 : i32
      %dma_start3A_213 = tpu.memref_slice %arg9[%add3A_166, %dma_start3A_212] : memref<250x40xi32, #tpu.memory_space<vmem>> -> memref<1x40xi32, #tpu.memory_space<vmem>>
      %dma_start3A_214 = tpu.memref_squeeze %dma_start3A_213 : memref<1x40xi32, #tpu.memory_space<vmem>> -> memref<40xi32, #tpu.memory_space<vmem>>
      %dma_start3A_215 = arith.constant 0 : i32
      %dma_start3A_216 = arith.constant 0 : i32
      %dma_start3A_217 = tpu.memref_slice %arg12[%dma_start3A_215, %dma_start3A_216] : memref<10000x128xf32, #tpu.memory_space<vmem_shared>> -> memref<10000x128xf32, #tpu.memory_space<vmem_shared>>
      tpu.enqueue_indirect_dma source(%dma_start3A_211 : memref<40x128xf32, #tpu.memory_space<vmem>>) target(%dma_start3A_217 : memref<10000x128xf32, #tpu.memory_space<vmem_shared>>) offsets(%dma_start3A_214 : memref<40xi32, #tpu.memory_space<vmem>>) semaphore(%arg18 : memref<!tpu.dma_semaphore, #tpu.memory_space<semaphore_mem>>) {add = true}
      %add3A_218 = arith.constant 1 : i32
      %add3A_219 = arith.addi %add3A_164, %add3A_218 : i32
      %dma_wait3A_220 = arith.constant 1 : i32
      %dma_wait3A_221 = arith.constant 0 : i32
      %dma_wait3A_222 = arith.constant 0 : i32
      %dma_wait3A_223 = tpu.memref_slice %arg11[%dma_wait3A_220, %dma_wait3A_221, %dma_wait3A_222] : memref<5x40x128xf32, #tpu.memory_space<vmem>> -> memref<1x40x128xf32, #tpu.memory_space<vmem>>
      %dma_wait3A_224 = tpu.memref_squeeze %dma_wait3A_223 : memref<1x40x128xf32, #tpu.memory_space<vmem>> -> memref<40x128xf32, #tpu.memory_space<vmem>>
      %dma_wait3A_225 = arith.constant 0 : i32
      %dma_wait3A_226 = arith.constant 0 : i32
      %dma_wait3A_227 = tpu.memref_slice %arg2[%dma_wait3A_225, %dma_wait3A_226] : memref<10000x128xf32, #tpu.memory_space<hbm>> -> memref<40x128xf32, #tpu.memory_space<hbm>>
      %dma_wait3A_228 = arith.constant 0 : i32
      %dma_wait3A_229 = arith.constant 0 : i32
      %dma_wait3A_230 = tpu.memref_slice %arg11[%dma_wait3A_220, %dma_wait3A_228, %dma_wait3A_229] : memref<5x40x128xf32, #tpu.memory_space<vmem>> -> memref<1x40x128xf32, #tpu.memory_space<vmem>>
      %dma_wait3A_231 = tpu.memref_squeeze %dma_wait3A_230 : memref<1x40x128xf32, #tpu.memory_space<vmem>> -> memref<40x128xf32, #tpu.memory_space<vmem>>
      %dma_wait3A_232 = arith.constant 0 : i32
      %dma_wait3A_233 = arith.constant 0 : i32
      %dma_wait3A_234 = tpu.memref_slice %arg2[%dma_wait3A_232, %dma_wait3A_233] : memref<10000x128xf32, #tpu.memory_space<hbm>> -> memref<40x128xf32, #tpu.memory_space<hbm>>
      tpu.wait_dma2 semaphore(%arg14 : memref<!tpu.dma_semaphore, #tpu.memory_space<semaphore_mem>>) src(%dma_wait3A_234 : memref<40x128xf32, #tpu.memory_space<hbm>>) dst(%dma_wait3A_231 : memref<40x128xf32, #tpu.memory_space<vmem>>)
      %dma_wait3A_235 = arith.constant 0 : i32
      %dma_wait3A_236 = arith.constant 0 : i32
      %dma_wait3A_237 = arith.constant 0 : i32
      %dma_wait3A_238 = arith.constant 128 : i32
      %dma_wait3A_239 = tpu.memref_slice %arg10[%dma_wait3A_238] : memref<640xf32, #tpu.memory_space<vmem>> -> memref<40xf32, #tpu.memory_space<vmem>>
      %dma_wait3A_240 = arith.constant 0 : i32
      %dma_wait3A_241 = tpu.memref_slice %arg5[%dma_wait3A_235, %dma_wait3A_236, %dma_wait3A_237, %dma_wait3A_240] : memref<2x16x250x40xf32, #tpu.memory_space<hbm>> -> memref<1x1x1x40xf32, #tpu.memory_space<hbm>>
      %dma_wait3A_242 = tpu.memref_squeeze %dma_wait3A_241 : memref<1x1x1x40xf32, #tpu.memory_space<hbm>> -> memref<40xf32, #tpu.memory_space<hbm>>
      %dma_wait3A_243 = arith.constant 128 : i32
      %dma_wait3A_244 = tpu.memref_slice %arg10[%dma_wait3A_243] : memref<640xf32, #tpu.memory_space<vmem>> -> memref<40xf32, #tpu.memory_space<vmem>>
      %dma_wait3A_245 = arith.constant 0 : i32
      %dma_wait3A_246 = tpu.memref_slice %arg5[%dma_wait3A_235, %dma_wait3A_236, %dma_wait3A_237, %dma_wait3A_245] : memref<2x16x250x40xf32, #tpu.memory_space<hbm>> -> memref<1x1x1x40xf32, #tpu.memory_space<hbm>>
      %dma_wait3A_247 = tpu.memref_squeeze %dma_wait3A_246 : memref<1x1x1x40xf32, #tpu.memory_space<hbm>> -> memref<40xf32, #tpu.memory_space<hbm>>
      tpu.wait_dma2 semaphore(%arg14 : memref<!tpu.dma_semaphore, #tpu.memory_space<semaphore_mem>>) src(%dma_wait3A_247 : memref<40xf32, #tpu.memory_space<hbm>>) dst(%dma_wait3A_244 : memref<40xf32, #tpu.memory_space<vmem>>)
      %add3A_248 = arith.constant 3 : i32
      %add3A_249 = arith.addi %add3A_219, %add3A_248 : i32
      %lt3A_250 = arith.constant 250 : i32
      %lt3A_251 = arith.cmpi slt, %add3A_249, %lt3A_250 : i32
      %convert_element_type3A_252 = arith.extui %lt3A_251 : i1 to i32
      %cond3A_253 = arith.constant 0 : i32
      %cond3A_254 = arith.cmpi ne, %convert_element_type3A_252, %cond3A_253 : i32
      scf.if %cond3A_254 {
        %add3A_434 = arith.constant 3 : i32
        %add3A_435 = arith.addi %add3A_219, %add3A_434 : i32
        %ge3A = arith.constant 5 : i32
        %ge3A_436 = arith.cmpi sge, %add3A_435, %ge3A : i32
        %convert_element_type3A_437 = arith.extui %ge3A_436 : i1 to i32
        %cond3A_438 = arith.constant 0 : i32
        %cond3A_439 = arith.cmpi ne, %convert_element_type3A_437, %cond3A_438 : i32
        scf.if %cond3A_439 {
          %dma_wait3A_463 = arith.constant 4 : i32
          %dma_wait3A_464 = arith.constant 0 : i32
          %dma_wait3A_465 = arith.constant 0 : i32
          %dma_wait3A_466 = tpu.memref_slice %arg11[%dma_wait3A_463, %dma_wait3A_464, %dma_wait3A_465] : memref<5x40x128xf32, #tpu.memory_space<vmem>> -> memref<1x40x128xf32, #tpu.memory_space<vmem>>
          %dma_wait3A_467 = tpu.memref_squeeze %dma_wait3A_466 : memref<1x40x128xf32, #tpu.memory_space<vmem>> -> memref<40x128xf32, #tpu.memory_space<vmem>>
          %dma_wait3A_468 = arith.constant 0 : i32
          %dma_wait3A_469 = arith.constant 0 : i32
          %dma_wait3A_470 = tpu.memref_slice %arg12[%dma_wait3A_468, %dma_wait3A_469] : memref<10000x128xf32, #tpu.memory_space<vmem_shared>> -> memref<40x128xf32, #tpu.memory_space<vmem_shared>>
          %dma_wait3A_471 = arith.constant 0 : i32
          %dma_wait3A_472 = arith.constant 0 : i32
          %dma_wait3A_473 = tpu.memref_slice %arg12[%dma_wait3A_471, %dma_wait3A_472] : memref<10000x128xf32, #tpu.memory_space<vmem_shared>> -> memref<40x128xf32, #tpu.memory_space<vmem_shared>>
          %dma_wait3A_474 = arith.constant 0 : i32
          %dma_wait3A_475 = arith.constant 0 : i32
          %dma_wait3A_476 = tpu.memref_slice %arg11[%dma_wait3A_463, %dma_wait3A_474, %dma_wait3A_475] : memref<5x40x128xf32, #tpu.memory_space<vmem>> -> memref<1x40x128xf32, #tpu.memory_space<vmem>>
          %dma_wait3A_477 = tpu.memref_squeeze %dma_wait3A_476 : memref<1x40x128xf32, #tpu.memory_space<vmem>> -> memref<40x128xf32, #tpu.memory_space<vmem>>
          tpu.wait_dma2 semaphore(%arg22 : memref<!tpu.dma_semaphore, #tpu.memory_space<semaphore_mem>>) src(%dma_wait3A_477 : memref<40x128xf32, #tpu.memory_space<vmem>>) dst(%dma_wait3A_473 : memref<40x128xf32, #tpu.memory_space<vmem_shared>>)
        } else {
        }
        %add3A_440 = arith.constant 3 : i32
        %add3A_441 = arith.addi %add3A_219, %add3A_440 : i32
        %dma_start3A_442 = arith.constant 4 : i32
        %dma_start3A_443 = arith.constant 0 : i32
        %dma_start3A_444 = arith.constant 0 : i32
        %dma_start3A_445 = tpu.memref_slice %arg11[%dma_start3A_442, %dma_start3A_443, %dma_start3A_444] : memref<5x40x128xf32, #tpu.memory_space<vmem>> -> memref<1x40x128xf32, #tpu.memory_space<vmem>>
        %dma_start3A_446 = tpu.memref_squeeze %dma_start3A_445 : memref<1x40x128xf32, #tpu.memory_space<vmem>> -> memref<40x128xf32, #tpu.memory_space<vmem>>
        %dma_start3A_447 = arith.constant 0 : i32
        %dma_start3A_448 = tpu.memref_slice %arg8[%add3A_441, %dma_start3A_447] : memref<250x40xi32, #tpu.memory_space<vmem>> -> memref<1x40xi32, #tpu.memory_space<vmem>>
        %dma_start3A_449 = tpu.memref_squeeze %dma_start3A_448 : memref<1x40xi32, #tpu.memory_space<vmem>> -> memref<40xi32, #tpu.memory_space<vmem>>
        %dma_start3A_450 = arith.constant 0 : i32
        %dma_start3A_451 = arith.constant 0 : i32
        %dma_start3A_452 = tpu.memref_slice %arg2[%dma_start3A_450, %dma_start3A_451] : memref<10000x128xf32, #tpu.memory_space<hbm>> -> memref<10000x128xf32, #tpu.memory_space<hbm>>
        tpu.enqueue_indirect_dma source(%dma_start3A_452 : memref<10000x128xf32, #tpu.memory_space<hbm>>) target(%dma_start3A_446 : memref<40x128xf32, #tpu.memory_space<vmem>>) offsets(%dma_start3A_449 : memref<40xi32, #tpu.memory_space<vmem>>) semaphore(%arg17 : memref<!tpu.dma_semaphore, #tpu.memory_space<semaphore_mem>>)
        %dma_start3A_453 = arith.constant 512 : i32
        %dma_start3A_454 = tpu.memref_slice %arg10[%dma_start3A_453] : memref<640xf32, #tpu.memory_space<vmem>> -> memref<40xf32, #tpu.memory_space<vmem>>
        %dma_start3A_455 = arith.constant 0 : i32
        %dma_start3A_456 = tpu.memref_slice %arg5[%arg0, %arg1, %add3A_441, %dma_start3A_455] : memref<2x16x250x40xf32, #tpu.memory_space<hbm>> -> memref<1x1x1x40xf32, #tpu.memory_space<hbm>>
        %dma_start3A_457 = tpu.memref_squeeze %dma_start3A_456 : memref<1x1x1x40xf32, #tpu.memory_space<hbm>> -> memref<40xf32, #tpu.memory_space<hbm>>
        %dma_start3A_458 = arith.constant 512 : i32
        %dma_start3A_459 = tpu.memref_slice %arg10[%dma_start3A_458] : memref<640xf32, #tpu.memory_space<vmem>> -> memref<40xf32, #tpu.memory_space<vmem>>
        %dma_start3A_460 = arith.constant 0 : i32
        %dma_start3A_461 = tpu.memref_slice %arg5[%arg0, %arg1, %add3A_441, %dma_start3A_460] : memref<2x16x250x40xf32, #tpu.memory_space<hbm>> -> memref<1x1x1x40xf32, #tpu.memory_space<hbm>>
        %dma_start3A_462 = tpu.memref_squeeze %dma_start3A_461 : memref<1x1x1x40xf32, #tpu.memory_space<hbm>> -> memref<40xf32, #tpu.memory_space<hbm>>
        tpu.enqueue_dma source(%dma_start3A_462 : memref<40xf32, #tpu.memory_space<hbm>>) target(%dma_start3A_459 : memref<40xf32, #tpu.memory_space<vmem>>) target_semaphore(%arg17 : memref<!tpu.dma_semaphore, #tpu.memory_space<semaphore_mem>>)
      } else {
      }
      %scan3A_255 = arith.constant 1 : i32
      %scan3A_256 = arith.constant 0 : i32
      %scan3A_257 = arith.constant 40 : i32
      %scan3A_258 = arith.addi %scan3A_256, %scan3A_257 : i32
      %scan3A_259 = arith.constant 5 : i32
      scf.for %scan3A_434 = %scan3A_256 to %scan3A_258 step %scan3A_259  : i32 {
        %mul3A_435 = arith.constant 1 : i32
        %mul3A_436 = arith.muli %scan3A_434, %mul3A_435 : i32
        %add3A_437 = arith.constant 0 : i32
        %add3A_438 = arith.addi %add3A_437, %mul3A_436 : i32
        %add3A_439 = arith.constant 128 : i32
        %add3A_440 = arith.addi %add3A_439, %add3A_438 : i32
        %broadcast_in_dim3A = vector.broadcast %add3A_440 : i32 to vector<16xi32>
        %gather3A = tpu.vector_load_idx %arg10[%broadcast_in_dim3A] : memref<640xf32, #tpu.memory_space<vmem>>[vector<16xi32>], vector<16xf32>,
        %get3A = arith.constant 0 : i32
        %get3A_441 = arith.constant 0 : i32
        %get3A_442 = tpu.memref_slice %arg11[%scan3A_255, %get3A, %get3A_441] : memref<5x40x128xf32, #tpu.memory_space<vmem>> -> memref<1x40x128xf32, #tpu.memory_space<vmem>>
        %get3A_443 = tpu.memref_squeeze %get3A_442 : memref<1x40x128xf32, #tpu.memory_space<vmem>> -> memref<40x128xf32, #tpu.memory_space<vmem>>
        %get3A_444 = arith.index_cast %add3A_438 : i32 to index
        %get3A_445 = arith.constant 0 : index
        %get3A_446 = tpu.vector_load %get3A_443[%get3A_444, %get3A_445] {strides = array<i32>} : memref<40x128xf32, #tpu.memory_space<vmem>>, vector<16xf32>,
        %mul3A_447 = arith.mulf %get3A_446, %gather3A : vector<16xf32>
        %swap3A = arith.constant 0 : i32
        %swap3A_448 = arith.constant 0 : i32
        %swap3A_449 = tpu.memref_slice %arg11[%scan3A_255, %swap3A, %swap3A_448] : memref<5x40x128xf32, #tpu.memory_space<vmem>> -> memref<1x40x128xf32, #tpu.memory_space<vmem>>
        %swap3A_450 = tpu.memref_squeeze %swap3A_449 : memref<1x40x128xf32, #tpu.memory_space<vmem>> -> memref<40x128xf32, #tpu.memory_space<vmem>>
        %swap3A_451 = arith.index_cast %add3A_438 : i32 to index
        %swap3A_452 = arith.constant 0 : index
        %swap3A_453 = tpu.vector_load %swap3A_450[%swap3A_451, %swap3A_452] {strides = array<i32>} : memref<40x128xf32, #tpu.memory_space<vmem>>, vector<16xf32>,
        tpu.vector_store %swap3A_450[%swap3A_451, %swap3A_452], %mul3A_447 {strides = array<i32>} : memref<40x128xf32, #tpu.memory_space<vmem>>, vector<16xf32>,
        %get3A_454 = arith.constant 0 : i32
        %get3A_455 = arith.constant 0 : i32
        %get3A_456 = tpu.memref_slice %arg11[%scan3A_255, %get3A_454, %get3A_455] : memref<5x40x128xf32, #tpu.memory_space<vmem>> -> memref<1x40x128xf32, #tpu.memory_space<vmem>>
        %get3A_457 = tpu.memref_squeeze %get3A_456 : memref<1x40x128xf32, #tpu.memory_space<vmem>> -> memref<40x128xf32, #tpu.memory_space<vmem>>
        %get3A_458 = arith.index_cast %add3A_438 : i32 to index
        %get3A_459 = arith.constant 16 : index
        %get3A_460 = tpu.vector_load %get3A_457[%get3A_458, %get3A_459] {strides = array<i32>} : memref<40x128xf32, #tpu.memory_space<vmem>>, vector<16xf32>,
        %mul3A_461 = arith.mulf %get3A_460, %gather3A : vector<16xf32>
        %swap3A_462 = arith.constant 0 : i32
        %swap3A_463 = arith.constant 0 : i32
        %swap3A_464 = tpu.memref_slice %arg11[%scan3A_255, %swap3A_462, %swap3A_463] : memref<5x40x128xf32, #tpu.memory_space<vmem>> -> memref<1x40x128xf32, #tpu.memory_space<vmem>>
        %swap3A_465 = tpu.memref_squeeze %swap3A_464 : memref<1x40x128xf32, #tpu.memory_space<vmem>> -> memref<40x128xf32, #tpu.memory_space<vmem>>
        %swap3A_466 = arith.index_cast %add3A_438 : i32 to index
        %swap3A_467 = arith.constant 16 : index
        %swap3A_468 = tpu.vector_load %swap3A_465[%swap3A_466, %swap3A_467] {strides = array<i32>} : memref<40x128xf32, #tpu.memory_space<vmem>>, vector<16xf32>,
        tpu.vector_store %swap3A_465[%swap3A_466, %swap3A_467], %mul3A_461 {strides = array<i32>} : memref<40x128xf32, #tpu.memory_space<vmem>>, vector<16xf32>,
        %get3A_469 = arith.constant 0 : i32
        %get3A_470 = arith.constant 0 : i32
        %get3A_471 = tpu.memref_slice %arg11[%scan3A_255, %get3A_469, %get3A_470] : memref<5x40x128xf32, #tpu.memory_space<vmem>> -> memref<1x40x128xf32, #tpu.memory_space<vmem>>
        %get3A_472 = tpu.memref_squeeze %get3A_471 : memref<1x40x128xf32, #tpu.memory_space<vmem>> -> memref<40x128xf32, #tpu.memory_space<vmem>>
        %get3A_473 = arith.index_cast %add3A_438 : i32 to index
        %get3A_474 = arith.constant 32 : index
        %get3A_475 = tpu.vector_load %get3A_472[%get3A_473, %get3A_474] {strides = array<i32>} : memref<40x128xf32, #tpu.memory_space<vmem>>, vector<16xf32>,
        %mul3A_476 = arith.mulf %get3A_475, %gather3A : vector<16xf32>
        %swap3A_477 = arith.constant 0 : i32
        %swap3A_478 = arith.constant 0 : i32
        %swap3A_479 = tpu.memref_slice %arg11[%scan3A_255, %swap3A_477, %swap3A_478] : memref<5x40x128xf32, #tpu.memory_space<vmem>> -> memref<1x40x128xf32, #tpu.memory_space<vmem>>
        %swap3A_480 = tpu.memref_squeeze %swap3A_479 : memref<1x40x128xf32, #tpu.memory_space<vmem>> -> memref<40x128xf32, #tpu.memory_space<vmem>>
        %swap3A_481 = arith.index_cast %add3A_438 : i32 to index
        %swap3A_482 = arith.constant 32 : index
        %swap3A_483 = tpu.vector_load %swap3A_480[%swap3A_481, %swap3A_482] {strides = array<i32>} : memref<40x128xf32, #tpu.memory_space<vmem>>, vector<16xf32>,
        tpu.vector_store %swap3A_480[%swap3A_481, %swap3A_482], %mul3A_476 {strides = array<i32>} : memref<40x128xf32, #tpu.memory_space<vmem>>, vector<16xf32>,
        %get3A_484 = arith.constant 0 : i32
        %get3A_485 = arith.constant 0 : i32
        %get3A_486 = tpu.memref_slice %arg11[%scan3A_255, %get3A_484, %get3A_485] : memref<5x40x128xf32, #tpu.memory_space<vmem>> -> memref<1x40x128xf32, #tpu.memory_space<vmem>>
        %get3A_487 = tpu.memref_squeeze %get3A_486 : memref<1x40x128xf32, #tpu.memory_space<vmem>> -> memref<40x128xf32, #tpu.memory_space<vmem>>
        %get3A_488 = arith.index_cast %add3A_438 : i32 to index
        %get3A_489 = arith.constant 48 : index
        %get3A_490 = tpu.vector_load %get3A_487[%get3A_488, %get3A_489] {strides = array<i32>} : memref<40x128xf32, #tpu.memory_space<vmem>>, vector<16xf32>,
        %mul3A_491 = arith.mulf %get3A_490, %gather3A : vector<16xf32>
        %swap3A_492 = arith.constant 0 : i32
        %swap3A_493 = arith.constant 0 : i32
        %swap3A_494 = tpu.memref_slice %arg11[%scan3A_255, %swap3A_492, %swap3A_493] : memref<5x40x128xf32, #tpu.memory_space<vmem>> -> memref<1x40x128xf32, #tpu.memory_space<vmem>>
        %swap3A_495 = tpu.memref_squeeze %swap3A_494 : memref<1x40x128xf32, #tpu.memory_space<vmem>> -> memref<40x128xf32, #tpu.memory_space<vmem>>
        %swap3A_496 = arith.index_cast %add3A_438 : i32 to index
        %swap3A_497 = arith.constant 48 : index
        %swap3A_498 = tpu.vector_load %swap3A_495[%swap3A_496, %swap3A_497] {strides = array<i32>} : memref<40x128xf32, #tpu.memory_space<vmem>>, vector<16xf32>,
        tpu.vector_store %swap3A_495[%swap3A_496, %swap3A_497], %mul3A_491 {strides = array<i32>} : memref<40x128xf32, #tpu.memory_space<vmem>>, vector<16xf32>,
        %get3A_499 = arith.constant 0 : i32
        %get3A_500 = arith.constant 0 : i32
        %get3A_501 = tpu.memref_slice %arg11[%scan3A_255, %get3A_499, %get3A_500] : memref<5x40x128xf32, #tpu.memory_space<vmem>> -> memref<1x40x128xf32, #tpu.memory_space<vmem>>
        %get3A_502 = tpu.memref_squeeze %get3A_501 : memref<1x40x128xf32, #tpu.memory_space<vmem>> -> memref<40x128xf32, #tpu.memory_space<vmem>>
        %get3A_503 = arith.index_cast %add3A_438 : i32 to index
        %get3A_504 = arith.constant 64 : index
        %get3A_505 = tpu.vector_load %get3A_502[%get3A_503, %get3A_504] {strides = array<i32>} : memref<40x128xf32, #tpu.memory_space<vmem>>, vector<16xf32>,
        %mul3A_506 = arith.mulf %get3A_505, %gather3A : vector<16xf32>
        %swap3A_507 = arith.constant 0 : i32
        %swap3A_508 = arith.constant 0 : i32
        %swap3A_509 = tpu.memref_slice %arg11[%scan3A_255, %swap3A_507, %swap3A_508] : memref<5x40x128xf32, #tpu.memory_space<vmem>> -> memref<1x40x128xf32, #tpu.memory_space<vmem>>
        %swap3A_510 = tpu.memref_squeeze %swap3A_509 : memref<1x40x128xf32, #tpu.memory_space<vmem>> -> memref<40x128xf32, #tpu.memory_space<vmem>>
        %swap3A_511 = arith.index_cast %add3A_438 : i32 to index
        %swap3A_512 = arith.constant 64 : index
        %swap3A_513 = tpu.vector_load %swap3A_510[%swap3A_511, %swap3A_512] {strides = array<i32>} : memref<40x128xf32, #tpu.memory_space<vmem>>, vector<16xf32>,
        tpu.vector_store %swap3A_510[%swap3A_511, %swap3A_512], %mul3A_506 {strides = array<i32>} : memref<40x128xf32, #tpu.memory_space<vmem>>, vector<16xf32>,
        %get3A_514 = arith.constant 0 : i32
        %get3A_515 = arith.constant 0 : i32
        %get3A_516 = tpu.memref_slice %arg11[%scan3A_255, %get3A_514, %get3A_515] : memref<5x40x128xf32, #tpu.memory_space<vmem>> -> memref<1x40x128xf32, #tpu.memory_space<vmem>>
        %get3A_517 = tpu.memref_squeeze %get3A_516 : memref<1x40x128xf32, #tpu.memory_space<vmem>> -> memref<40x128xf32, #tpu.memory_space<vmem>>
        %get3A_518 = arith.index_cast %add3A_438 : i32 to index
        %get3A_519 = arith.constant 80 : index
        %get3A_520 = tpu.vector_load %get3A_517[%get3A_518, %get3A_519] {strides = array<i32>} : memref<40x128xf32, #tpu.memory_space<vmem>>, vector<16xf32>,
        %mul3A_521 = arith.mulf %get3A_520, %gather3A : vector<16xf32>
        %swap3A_522 = arith.constant 0 : i32
        %swap3A_523 = arith.constant 0 : i32
        %swap3A_524 = tpu.memref_slice %arg11[%scan3A_255, %swap3A_522, %swap3A_523] : memref<5x40x128xf32, #tpu.memory_space<vmem>> -> memref<1x40x128xf32, #tpu.memory_space<vmem>>
        %swap3A_525 = tpu.memref_squeeze %swap3A_524 : memref<1x40x128xf32, #tpu.memory_space<vmem>> -> memref<40x128xf32, #tpu.memory_space<vmem>>
        %swap3A_526 = arith.index_cast %add3A_438 : i32 to index
        %swap3A_527 = arith.constant 80 : index
        %swap3A_528 = tpu.vector_load %swap3A_525[%swap3A_526, %swap3A_527] {strides = array<i32>} : memref<40x128xf32, #tpu.memory_space<vmem>>, vector<16xf32>,
        tpu.vector_store %swap3A_525[%swap3A_526, %swap3A_527], %mul3A_521 {strides = array<i32>} : memref<40x128xf32, #tpu.memory_space<vmem>>, vector<16xf32>,
        %get3A_529 = arith.constant 0 : i32
        %get3A_530 = arith.constant 0 : i32
        %get3A_531 = tpu.memref_slice %arg11[%scan3A_255, %get3A_529, %get3A_530] : memref<5x40x128xf32, #tpu.memory_space<vmem>> -> memref<1x40x128xf32, #tpu.memory_space<vmem>>
        %get3A_532 = tpu.memref_squeeze %get3A_531 : memref<1x40x128xf32, #tpu.memory_space<vmem>> -> memref<40x128xf32, #tpu.memory_space<vmem>>
        %get3A_533 = arith.index_cast %add3A_438 : i32 to index
        %get3A_534 = arith.constant 96 : index
        %get3A_535 = tpu.vector_load %get3A_532[%get3A_533, %get3A_534] {strides = array<i32>} : memref<40x128xf32, #tpu.memory_space<vmem>>, vector<16xf32>,
        %mul3A_536 = arith.mulf %get3A_535, %gather3A : vector<16xf32>
        %swap3A_537 = arith.constant 0 : i32
        %swap3A_538 = arith.constant 0 : i32
        %swap3A_539 = tpu.memref_slice %arg11[%scan3A_255, %swap3A_537, %swap3A_538] : memref<5x40x128xf32, #tpu.memory_space<vmem>> -> memref<1x40x128xf32, #tpu.memory_space<vmem>>
        %swap3A_540 = tpu.memref_squeeze %swap3A_539 : memref<1x40x128xf32, #tpu.memory_space<vmem>> -> memref<40x128xf32, #tpu.memory_space<vmem>>
        %swap3A_541 = arith.index_cast %add3A_438 : i32 to index
        %swap3A_542 = arith.constant 96 : index
        %swap3A_543 = tpu.vector_load %swap3A_540[%swap3A_541, %swap3A_542] {strides = array<i32>} : memref<40x128xf32, #tpu.memory_space<vmem>>, vector<16xf32>,
        tpu.vector_store %swap3A_540[%swap3A_541, %swap3A_542], %mul3A_536 {strides = array<i32>} : memref<40x128xf32, #tpu.memory_space<vmem>>, vector<16xf32>,
        %get3A_544 = arith.constant 0 : i32
        %get3A_545 = arith.constant 0 : i32
        %get3A_546 = tpu.memref_slice %arg11[%scan3A_255, %get3A_544, %get3A_545] : memref<5x40x128xf32, #tpu.memory_space<vmem>> -> memref<1x40x128xf32, #tpu.memory_space<vmem>>
        %get3A_547 = tpu.memref_squeeze %get3A_546 : memref<1x40x128xf32, #tpu.memory_space<vmem>> -> memref<40x128xf32, #tpu.memory_space<vmem>>
        %get3A_548 = arith.index_cast %add3A_438 : i32 to index
        %get3A_549 = arith.constant 112 : index
        %get3A_550 = tpu.vector_load %get3A_547[%get3A_548, %get3A_549] {strides = array<i32>} : memref<40x128xf32, #tpu.memory_space<vmem>>, vector<16xf32>,
        %mul3A_551 = arith.mulf %get3A_550, %gather3A : vector<16xf32>
        %swap3A_552 = arith.constant 0 : i32
        %swap3A_553 = arith.constant 0 : i32
        %swap3A_554 = tpu.memref_slice %arg11[%scan3A_255, %swap3A_552, %swap3A_553] : memref<5x40x128xf32, #tpu.memory_space<vmem>> -> memref<1x40x128xf32, #tpu.memory_space<vmem>>
        %swap3A_555 = tpu.memref_squeeze %swap3A_554 : memref<1x40x128xf32, #tpu.memory_space<vmem>> -> memref<40x128xf32, #tpu.memory_space<vmem>>
        %swap3A_556 = arith.index_cast %add3A_438 : i32 to index
        %swap3A_557 = arith.constant 112 : index
        %swap3A_558 = tpu.vector_load %swap3A_555[%swap3A_556, %swap3A_557] {strides = array<i32>} : memref<40x128xf32, #tpu.memory_space<vmem>>, vector<16xf32>,
        tpu.vector_store %swap3A_555[%swap3A_556, %swap3A_557], %mul3A_551 {strides = array<i32>} : memref<40x128xf32, #tpu.memory_space<vmem>>, vector<16xf32>,
        %scan3A_559 = arith.constant 1 : i32
        %scan3A_560 = arith.addi %scan3A_434, %scan3A_559 : i32
        %mul3A_561 = arith.constant 1 : i32
        %mul3A_562 = arith.muli %scan3A_560, %mul3A_561 : i32
        %add3A_563 = arith.constant 0 : i32
        %add3A_564 = arith.addi %add3A_563, %mul3A_562 : i32
        %add3A_565 = arith.constant 128 : i32
        %add3A_566 = arith.addi %add3A_565, %add3A_564 : i32
        %broadcast_in_dim3A_567 = vector.broadcast %add3A_566 : i32 to vector<16xi32>
        %gather3A_568 = tpu.vector_load_idx %arg10[%broadcast_in_dim3A_567] : memref<640xf32, #tpu.memory_space<vmem>>[vector<16xi32>], vector<16xf32>,
        %get3A_569 = arith.constant 0 : i32
        %get3A_570 = arith.constant 0 : i32
        %get3A_571 = tpu.memref_slice %arg11[%scan3A_255, %get3A_569, %get3A_570] : memref<5x40x128xf32, #tpu.memory_space<vmem>> -> memref<1x40x128xf32, #tpu.memory_space<vmem>>
        %get3A_572 = tpu.memref_squeeze %get3A_571 : memref<1x40x128xf32, #tpu.memory_space<vmem>> -> memref<40x128xf32, #tpu.memory_space<vmem>>
        %get3A_573 = arith.index_cast %add3A_564 : i32 to index
        %get3A_574 = arith.constant 0 : index
        %get3A_575 = tpu.vector_load %get3A_572[%get3A_573, %get3A_574] {strides = array<i32>} : memref<40x128xf32, #tpu.memory_space<vmem>>, vector<16xf32>,
        %mul3A_576 = arith.mulf %get3A_575, %gather3A_568 : vector<16xf32>
        %swap3A_577 = arith.constant 0 : i32
        %swap3A_578 = arith.constant 0 : i32
        %swap3A_579 = tpu.memref_slice %arg11[%scan3A_255, %swap3A_577, %swap3A_578] : memref<5x40x128xf32, #tpu.memory_space<vmem>> -> memref<1x40x128xf32, #tpu.memory_space<vmem>>
        %swap3A_580 = tpu.memref_squeeze %swap3A_579 : memref<1x40x128xf32, #tpu.memory_space<vmem>> -> memref<40x128xf32, #tpu.memory_space<vmem>>
        %swap3A_581 = arith.index_cast %add3A_564 : i32 to index
        %swap3A_582 = arith.constant 0 : index
        %swap3A_583 = tpu.vector_load %swap3A_580[%swap3A_581, %swap3A_582] {strides = array<i32>} : memref<40x128xf32, #tpu.memory_space<vmem>>, vector<16xf32>,
        tpu.vector_store %swap3A_580[%swap3A_581, %swap3A_582], %mul3A_576 {strides = array<i32>} : memref<40x128xf32, #tpu.memory_space<vmem>>, vector<16xf32>,
        %get3A_584 = arith.constant 0 : i32
        %get3A_585 = arith.constant 0 : i32
        %get3A_586 = tpu.memref_slice %arg11[%scan3A_255, %get3A_584, %get3A_585] : memref<5x40x128xf32, #tpu.memory_space<vmem>> -> memref<1x40x128xf32, #tpu.memory_space<vmem>>
        %get3A_587 = tpu.memref_squeeze %get3A_586 : memref<1x40x128xf32, #tpu.memory_space<vmem>> -> memref<40x128xf32, #tpu.memory_space<vmem>>
        %get3A_588 = arith.index_cast %add3A_564 : i32 to index
        %get3A_589 = arith.constant 16 : index
        %get3A_590 = tpu.vector_load %get3A_587[%get3A_588, %get3A_589] {strides = array<i32>} : memref<40x128xf32, #tpu.memory_space<vmem>>, vector<16xf32>,
        %mul3A_591 = arith.mulf %get3A_590, %gather3A_568 : vector<16xf32>
        %swap3A_592 = arith.constant 0 : i32
        %swap3A_593 = arith.constant 0 : i32
        %swap3A_594 = tpu.memref_slice %arg11[%scan3A_255, %swap3A_592, %swap3A_593] : memref<5x40x128xf32, #tpu.memory_space<vmem>> -> memref<1x40x128xf32, #tpu.memory_space<vmem>>
        %swap3A_595 = tpu.memref_squeeze %swap3A_594 : memref<1x40x128xf32, #tpu.memory_space<vmem>> -> memref<40x128xf32, #tpu.memory_space<vmem>>
        %swap3A_596 = arith.index_cast %add3A_564 : i32 to index
        %swap3A_597 = arith.constant 16 : index
        %swap3A_598 = tpu.vector_load %swap3A_595[%swap3A_596, %swap3A_597] {strides = array<i32>} : memref<40x128xf32, #tpu.memory_space<vmem>>, vector<16xf32>,
        tpu.vector_store %swap3A_595[%swap3A_596, %swap3A_597], %mul3A_591 {strides = array<i32>} : memref<40x128xf32, #tpu.memory_space<vmem>>, vector<16xf32>,
        %get3A_599 = arith.constant 0 : i32
        %get3A_600 = arith.constant 0 : i32
        %get3A_601 = tpu.memref_slice %arg11[%scan3A_255, %get3A_599, %get3A_600] : memref<5x40x128xf32, #tpu.memory_space<vmem>> -> memref<1x40x128xf32, #tpu.memory_space<vmem>>
        %get3A_602 = tpu.memref_squeeze %get3A_601 : memref<1x40x128xf32, #tpu.memory_space<vmem>> -> memref<40x128xf32, #tpu.memory_space<vmem>>
        %get3A_603 = arith.index_cast %add3A_564 : i32 to index
        %get3A_604 = arith.constant 32 : index
        %get3A_605 = tpu.vector_load %get3A_602[%get3A_603, %get3A_604] {strides = array<i32>} : memref<40x128xf32, #tpu.memory_space<vmem>>, vector<16xf32>,
        %mul3A_606 = arith.mulf %get3A_605, %gather3A_568 : vector<16xf32>
        %swap3A_607 = arith.constant 0 : i32
        %swap3A_608 = arith.constant 0 : i32
        %swap3A_609 = tpu.memref_slice %arg11[%scan3A_255, %swap3A_607, %swap3A_608] : memref<5x40x128xf32, #tpu.memory_space<vmem>> -> memref<1x40x128xf32, #tpu.memory_space<vmem>>
        %swap3A_610 = tpu.memref_squeeze %swap3A_609 : memref<1x40x128xf32, #tpu.memory_space<vmem>> -> memref<40x128xf32, #tpu.memory_space<vmem>>
        %swap3A_611 = arith.index_cast %add3A_564 : i32 to index
        %swap3A_612 = arith.constant 32 : index
        %swap3A_613 = tpu.vector_load %swap3A_610[%swap3A_611, %swap3A_612] {strides = array<i32>} : memref<40x128xf32, #tpu.memory_space<vmem>>, vector<16xf32>,
        tpu.vector_store %swap3A_610[%swap3A_611, %swap3A_612], %mul3A_606 {strides = array<i32>} : memref<40x128xf32, #tpu.memory_space<vmem>>, vector<16xf32>,
        %get3A_614 = arith.constant 0 : i32
        %get3A_615 = arith.constant 0 : i32
        %get3A_616 = tpu.memref_slice %arg11[%scan3A_255, %get3A_614, %get3A_615] : memref<5x40x128xf32, #tpu.memory_space<vmem>> -> memref<1x40x128xf32, #tpu.memory_space<vmem>>
        %get3A_617 = tpu.memref_squeeze %get3A_616 : memref<1x40x128xf32, #tpu.memory_space<vmem>> -> memref<40x128xf32, #tpu.memory_space<vmem>>
        %get3A_618 = arith.index_cast %add3A_564 : i32 to index
        %get3A_619 = arith.constant 48 : index
        %get3A_620 = tpu.vector_load %get3A_617[%get3A_618, %get3A_619] {strides = array<i32>} : memref<40x128xf32, #tpu.memory_space<vmem>>, vector<16xf32>,
        %mul3A_621 = arith.mulf %get3A_620, %gather3A_568 : vector<16xf32>
        %swap3A_622 = arith.constant 0 : i32
        %swap3A_623 = arith.constant 0 : i32
        %swap3A_624 = tpu.memref_slice %arg11[%scan3A_255, %swap3A_622, %swap3A_623] : memref<5x40x128xf32, #tpu.memory_space<vmem>> -> memref<1x40x128xf32, #tpu.memory_space<vmem>>
        %swap3A_625 = tpu.memref_squeeze %swap3A_624 : memref<1x40x128xf32, #tpu.memory_space<vmem>> -> memref<40x128xf32, #tpu.memory_space<vmem>>
        %swap3A_626 = arith.index_cast %add3A_564 : i32 to index
        %swap3A_627 = arith.constant 48 : index
        %swap3A_628 = tpu.vector_load %swap3A_625[%swap3A_626, %swap3A_627] {strides = array<i32>} : memref<40x128xf32, #tpu.memory_space<vmem>>, vector<16xf32>,
        tpu.vector_store %swap3A_625[%swap3A_626, %swap3A_627], %mul3A_621 {strides = array<i32>} : memref<40x128xf32, #tpu.memory_space<vmem>>, vector<16xf32>,
        %get3A_629 = arith.constant 0 : i32
        %get3A_630 = arith.constant 0 : i32
        %get3A_631 = tpu.memref_slice %arg11[%scan3A_255, %get3A_629, %get3A_630] : memref<5x40x128xf32, #tpu.memory_space<vmem>> -> memref<1x40x128xf32, #tpu.memory_space<vmem>>
        %get3A_632 = tpu.memref_squeeze %get3A_631 : memref<1x40x128xf32, #tpu.memory_space<vmem>> -> memref<40x128xf32, #tpu.memory_space<vmem>>
        %get3A_633 = arith.index_cast %add3A_564 : i32 to index
        %get3A_634 = arith.constant 64 : index
        %get3A_635 = tpu.vector_load %get3A_632[%get3A_633, %get3A_634] {strides = array<i32>} : memref<40x128xf32, #tpu.memory_space<vmem>>, vector<16xf32>,
        %mul3A_636 = arith.mulf %get3A_635, %gather3A_568 : vector<16xf32>
        %swap3A_637 = arith.constant 0 : i32
        %swap3A_638 = arith.constant 0 : i32
        %swap3A_639 = tpu.memref_slice %arg11[%scan3A_255, %swap3A_637, %swap3A_638] : memref<5x40x128xf32, #tpu.memory_space<vmem>> -> memref<1x40x128xf32, #tpu.memory_space<vmem>>
        %swap3A_640 = tpu.memref_squeeze %swap3A_639 : memref<1x40x128xf32, #tpu.memory_space<vmem>> -> memref<40x128xf32, #tpu.memory_space<vmem>>
        %swap3A_641 = arith.index_cast %add3A_564 : i32 to index
        %swap3A_642 = arith.constant 64 : index
        %swap3A_643 = tpu.vector_load %swap3A_640[%swap3A_641, %swap3A_642] {strides = array<i32>} : memref<40x128xf32, #tpu.memory_space<vmem>>, vector<16xf32>,
        tpu.vector_store %swap3A_640[%swap3A_641, %swap3A_642], %mul3A_636 {strides = array<i32>} : memref<40x128xf32, #tpu.memory_space<vmem>>, vector<16xf32>,
        %get3A_644 = arith.constant 0 : i32
        %get3A_645 = arith.constant 0 : i32
        %get3A_646 = tpu.memref_slice %arg11[%scan3A_255, %get3A_644, %get3A_645] : memref<5x40x128xf32, #tpu.memory_space<vmem>> -> memref<1x40x128xf32, #tpu.memory_space<vmem>>
        %get3A_647 = tpu.memref_squeeze %get3A_646 : memref<1x40x128xf32, #tpu.memory_space<vmem>> -> memref<40x128xf32, #tpu.memory_space<vmem>>
        %get3A_648 = arith.index_cast %add3A_564 : i32 to index
        %get3A_649 = arith.constant 80 : index
        %get3A_650 = tpu.vector_load %get3A_647[%get3A_648, %get3A_649] {strides = array<i32>} : memref<40x128xf32, #tpu.memory_space<vmem>>, vector<16xf32>,
        %mul3A_651 = arith.mulf %get3A_650, %gather3A_568 : vector<16xf32>
        %swap3A_652 = arith.constant 0 : i32
        %swap3A_653 = arith.constant 0 : i32
        %swap3A_654 = tpu.memref_slice %arg11[%scan3A_255, %swap3A_652, %swap3A_653] : memref<5x40x128xf32, #tpu.memory_space<vmem>> -> memref<1x40x128xf32, #tpu.memory_space<vmem>>
        %swap3A_655 = tpu.memref_squeeze %swap3A_654 : memref<1x40x128xf32, #tpu.memory_space<vmem>> -> memref<40x128xf32, #tpu.memory_space<vmem>>
        %swap3A_656 = arith.index_cast %add3A_564 : i32 to index
        %swap3A_657 = arith.constant 80 : index
        %swap3A_658 = tpu.vector_load %swap3A_655[%swap3A_656, %swap3A_657] {strides = array<i32>} : memref<40x128xf32, #tpu.memory_space<vmem>>, vector<16xf32>,
        tpu.vector_store %swap3A_655[%swap3A_656, %swap3A_657], %mul3A_651 {strides = array<i32>} : memref<40x128xf32, #tpu.memory_space<vmem>>, vector<16xf32>,
        %get3A_659 = arith.constant 0 : i32
        %get3A_660 = arith.constant 0 : i32
        %get3A_661 = tpu.memref_slice %arg11[%scan3A_255, %get3A_659, %get3A_660] : memref<5x40x128xf32, #tpu.memory_space<vmem>> -> memref<1x40x128xf32, #tpu.memory_space<vmem>>
        %get3A_662 = tpu.memref_squeeze %get3A_661 : memref<1x40x128xf32, #tpu.memory_space<vmem>> -> memref<40x128xf32, #tpu.memory_space<vmem>>
        %get3A_663 = arith.index_cast %add3A_564 : i32 to index
        %get3A_664 = arith.constant 96 : index
        %get3A_665 = tpu.vector_load %get3A_662[%get3A_663, %get3A_664] {strides = array<i32>} : memref<40x128xf32, #tpu.memory_space<vmem>>, vector<16xf32>,
        %mul3A_666 = arith.mulf %get3A_665, %gather3A_568 : vector<16xf32>
        %swap3A_667 = arith.constant 0 : i32
        %swap3A_668 = arith.constant 0 : i32
        %swap3A_669 = tpu.memref_slice %arg11[%scan3A_255, %swap3A_667, %swap3A_668] : memref<5x40x128xf32, #tpu.memory_space<vmem>> -> memref<1x40x128xf32, #tpu.memory_space<vmem>>
        %swap3A_670 = tpu.memref_squeeze %swap3A_669 : memref<1x40x128xf32, #tpu.memory_space<vmem>> -> memref<40x128xf32, #tpu.memory_space<vmem>>
        %swap3A_671 = arith.index_cast %add3A_564 : i32 to index
        %swap3A_672 = arith.constant 96 : index
        %swap3A_673 = tpu.vector_load %swap3A_670[%swap3A_671, %swap3A_672] {strides = array<i32>} : memref<40x128xf32, #tpu.memory_space<vmem>>, vector<16xf32>,
        tpu.vector_store %swap3A_670[%swap3A_671, %swap3A_672], %mul3A_666 {strides = array<i32>} : memref<40x128xf32, #tpu.memory_space<vmem>>, vector<16xf32>,
        %get3A_674 = arith.constant 0 : i32
        %get3A_675 = arith.constant 0 : i32
        %get3A_676 = tpu.memref_slice %arg11[%scan3A_255, %get3A_674, %get3A_675] : memref<5x40x128xf32, #tpu.memory_space<vmem>> -> memref<1x40x128xf32, #tpu.memory_space<vmem>>
        %get3A_677 = tpu.memref_squeeze %get3A_676 : memref<1x40x128xf32, #tpu.memory_space<vmem>> -> memref<40x128xf32, #tpu.memory_space<vmem>>
        %get3A_678 = arith.index_cast %add3A_564 : i32 to index
        %get3A_679 = arith.constant 112 : index
        %get3A_680 = tpu.vector_load %get3A_677[%get3A_678, %get3A_679] {strides = array<i32>} : memref<40x128xf32, #tpu.memory_space<vmem>>, vector<16xf32>,
        %mul3A_681 = arith.mulf %get3A_680, %gather3A_568 : vector<16xf32>
        %swap3A_682 = arith.constant 0 : i32
        %swap3A_683 = arith.constant 0 : i32
        %swap3A_684 = tpu.memref_slice %arg11[%scan3A_255, %swap3A_682, %swap3A_683] : memref<5x40x128xf32, #tpu.memory_space<vmem>> -> memref<1x40x128xf32, #tpu.memory_space<vmem>>
        %swap3A_685 = tpu.memref_squeeze %swap3A_684 : memref<1x40x128xf32, #tpu.memory_space<vmem>> -> memref<40x128xf32, #tpu.memory_space<vmem>>
        %swap3A_686 = arith.index_cast %add3A_564 : i32 to index
        %swap3A_687 = arith.constant 112 : index
        %swap3A_688 = tpu.vector_load %swap3A_685[%swap3A_686, %swap3A_687] {strides = array<i32>} : memref<40x128xf32, #tpu.memory_space<vmem>>, vector<16xf32>,
        tpu.vector_store %swap3A_685[%swap3A_686, %swap3A_687], %mul3A_681 {strides = array<i32>} : memref<40x128xf32, #tpu.memory_space<vmem>>, vector<16xf32>,
        %scan3A_689 = arith.constant 2 : i32
        %scan3A_690 = arith.addi %scan3A_434, %scan3A_689 : i32
        %mul3A_691 = arith.constant 1 : i32
        %mul3A_692 = arith.muli %scan3A_690, %mul3A_691 : i32
        %add3A_693 = arith.constant 0 : i32
        %add3A_694 = arith.addi %add3A_693, %mul3A_692 : i32
        %add3A_695 = arith.constant 128 : i32
        %add3A_696 = arith.addi %add3A_695, %add3A_694 : i32
        %broadcast_in_dim3A_697 = vector.broadcast %add3A_696 : i32 to vector<16xi32>
        %gather3A_698 = tpu.vector_load_idx %arg10[%broadcast_in_dim3A_697] : memref<640xf32, #tpu.memory_space<vmem>>[vector<16xi32>], vector<16xf32>,
        %get3A_699 = arith.constant 0 : i32
        %get3A_700 = arith.constant 0 : i32
        %get3A_701 = tpu.memref_slice %arg11[%scan3A_255, %get3A_699, %get3A_700] : memref<5x40x128xf32, #tpu.memory_space<vmem>> -> memref<1x40x128xf32, #tpu.memory_space<vmem>>
        %get3A_702 = tpu.memref_squeeze %get3A_701 : memref<1x40x128xf32, #tpu.memory_space<vmem>> -> memref<40x128xf32, #tpu.memory_space<vmem>>
        %get3A_703 = arith.index_cast %add3A_694 : i32 to index
        %get3A_704 = arith.constant 0 : index
        %get3A_705 = tpu.vector_load %get3A_702[%get3A_703, %get3A_704] {strides = array<i32>} : memref<40x128xf32, #tpu.memory_space<vmem>>, vector<16xf32>,
        %mul3A_706 = arith.mulf %get3A_705, %gather3A_698 : vector<16xf32>
        %swap3A_707 = arith.constant 0 : i32
        %swap3A_708 = arith.constant 0 : i32
        %swap3A_709 = tpu.memref_slice %arg11[%scan3A_255, %swap3A_707, %swap3A_708] : memref<5x40x128xf32, #tpu.memory_space<vmem>> -> memref<1x40x128xf32, #tpu.memory_space<vmem>>
        %swap3A_710 = tpu.memref_squeeze %swap3A_709 : memref<1x40x128xf32, #tpu.memory_space<vmem>> -> memref<40x128xf32, #tpu.memory_space<vmem>>
        %swap3A_711 = arith.index_cast %add3A_694 : i32 to index
        %swap3A_712 = arith.constant 0 : index
        %swap3A_713 = tpu.vector_load %swap3A_710[%swap3A_711, %swap3A_712] {strides = array<i32>} : memref<40x128xf32, #tpu.memory_space<vmem>>, vector<16xf32>,
        tpu.vector_store %swap3A_710[%swap3A_711, %swap3A_712], %mul3A_706 {strides = array<i32>} : memref<40x128xf32, #tpu.memory_space<vmem>>, vector<16xf32>,
        %get3A_714 = arith.constant 0 : i32
        %get3A_715 = arith.constant 0 : i32
        %get3A_716 = tpu.memref_slice %arg11[%scan3A_255, %get3A_714, %get3A_715] : memref<5x40x128xf32, #tpu.memory_space<vmem>> -> memref<1x40x128xf32, #tpu.memory_space<vmem>>
        %get3A_717 = tpu.memref_squeeze %get3A_716 : memref<1x40x128xf32, #tpu.memory_space<vmem>> -> memref<40x128xf32, #tpu.memory_space<vmem>>
        %get3A_718 = arith.index_cast %add3A_694 : i32 to index
        %get3A_719 = arith.constant 16 : index
        %get3A_720 = tpu.vector_load %get3A_717[%get3A_718, %get3A_719] {strides = array<i32>} : memref<40x128xf32, #tpu.memory_space<vmem>>, vector<16xf32>,
        %mul3A_721 = arith.mulf %get3A_720, %gather3A_698 : vector<16xf32>
        %swap3A_722 = arith.constant 0 : i32
        %swap3A_723 = arith.constant 0 : i32
        %swap3A_724 = tpu.memref_slice %arg11[%scan3A_255, %swap3A_722, %swap3A_723] : memref<5x40x128xf32, #tpu.memory_space<vmem>> -> memref<1x40x128xf32, #tpu.memory_space<vmem>>
        %swap3A_725 = tpu.memref_squeeze %swap3A_724 : memref<1x40x128xf32, #tpu.memory_space<vmem>> -> memref<40x128xf32, #tpu.memory_space<vmem>>
        %swap3A_726 = arith.index_cast %add3A_694 : i32 to index
        %swap3A_727 = arith.constant 16 : index
        %swap3A_728 = tpu.vector_load %swap3A_725[%swap3A_726, %swap3A_727] {strides = array<i32>} : memref<40x128xf32, #tpu.memory_space<vmem>>, vector<16xf32>,
        tpu.vector_store %swap3A_725[%swap3A_726, %swap3A_727], %mul3A_721 {strides = array<i32>} : memref<40x128xf32, #tpu.memory_space<vmem>>, vector<16xf32>,
        %get3A_729 = arith.constant 0 : i32
        %get3A_730 = arith.constant 0 : i32
        %get3A_731 = tpu.memref_slice %arg11[%scan3A_255, %get3A_729, %get3A_730] : memref<5x40x128xf32, #tpu.memory_space<vmem>> -> memref<1x40x128xf32, #tpu.memory_space<vmem>>
        %get3A_732 = tpu.memref_squeeze %get3A_731 : memref<1x40x128xf32, #tpu.memory_space<vmem>> -> memref<40x128xf32, #tpu.memory_space<vmem>>
        %get3A_733 = arith.index_cast %add3A_694 : i32 to index
        %get3A_734 = arith.constant 32 : index
        %get3A_735 = tpu.vector_load %get3A_732[%get3A_733, %get3A_734] {strides = array<i32>} : memref<40x128xf32, #tpu.memory_space<vmem>>, vector<16xf32>,
        %mul3A_736 = arith.mulf %get3A_735, %gather3A_698 : vector<16xf32>
        %swap3A_737 = arith.constant 0 : i32
        %swap3A_738 = arith.constant 0 : i32
        %swap3A_739 = tpu.memref_slice %arg11[%scan3A_255, %swap3A_737, %swap3A_738] : memref<5x40x128xf32, #tpu.memory_space<vmem>> -> memref<1x40x128xf32, #tpu.memory_space<vmem>>
        %swap3A_740 = tpu.memref_squeeze %swap3A_739 : memref<1x40x128xf32, #tpu.memory_space<vmem>> -> memref<40x128xf32, #tpu.memory_space<vmem>>
        %swap3A_741 = arith.index_cast %add3A_694 : i32 to index
        %swap3A_742 = arith.constant 32 : index
        %swap3A_743 = tpu.vector_load %swap3A_740[%swap3A_741, %swap3A_742] {strides = array<i32>} : memref<40x128xf32, #tpu.memory_space<vmem>>, vector<16xf32>,
        tpu.vector_store %swap3A_740[%swap3A_741, %swap3A_742], %mul3A_736 {strides = array<i32>} : memref<40x128xf32, #tpu.memory_space<vmem>>, vector<16xf32>,
        %get3A_744 = arith.constant 0 : i32
        %get3A_745 = arith.constant 0 : i32
        %get3A_746 = tpu.memref_slice %arg11[%scan3A_255, %get3A_744, %get3A_745] : memref<5x40x128xf32, #tpu.memory_space<vmem>> -> memref<1x40x128xf32, #tpu.memory_space<vmem>>
        %get3A_747 = tpu.memref_squeeze %get3A_746 : memref<1x40x128xf32, #tpu.memory_space<vmem>> -> memref<40x128xf32, #tpu.memory_space<vmem>>
        %get3A_748 = arith.index_cast %add3A_694 : i32 to index
        %get3A_749 = arith.constant 48 : index
        %get3A_750 = tpu.vector_load %get3A_747[%get3A_748, %get3A_749] {strides = array<i32>} : memref<40x128xf32, #tpu.memory_space<vmem>>, vector<16xf32>,
        %mul3A_751 = arith.mulf %get3A_750, %gather3A_698 : vector<16xf32>
        %swap3A_752 = arith.constant 0 : i32
        %swap3A_753 = arith.constant 0 : i32
        %swap3A_754 = tpu.memref_slice %arg11[%scan3A_255, %swap3A_752, %swap3A_753] : memref<5x40x128xf32, #tpu.memory_space<vmem>> -> memref<1x40x128xf32, #tpu.memory_space<vmem>>
        %swap3A_755 = tpu.memref_squeeze %swap3A_754 : memref<1x40x128xf32, #tpu.memory_space<vmem>> -> memref<40x128xf32, #tpu.memory_space<vmem>>
        %swap3A_756 = arith.index_cast %add3A_694 : i32 to index
        %swap3A_757 = arith.constant 48 : index
        %swap3A_758 = tpu.vector_load %swap3A_755[%swap3A_756, %swap3A_757] {strides = array<i32>} : memref<40x128xf32, #tpu.memory_space<vmem>>, vector<16xf32>,
        tpu.vector_store %swap3A_755[%swap3A_756, %swap3A_757], %mul3A_751 {strides = array<i32>} : memref<40x128xf32, #tpu.memory_space<vmem>>, vector<16xf32>,
        %get3A_759 = arith.constant 0 : i32
        %get3A_760 = arith.constant 0 : i32
        %get3A_761 = tpu.memref_slice %arg11[%scan3A_255, %get3A_759, %get3A_760] : memref<5x40x128xf32, #tpu.memory_space<vmem>> -> memref<1x40x128xf32, #tpu.memory_space<vmem>>
        %get3A_762 = tpu.memref_squeeze %get3A_761 : memref<1x40x128xf32, #tpu.memory_space<vmem>> -> memref<40x128xf32, #tpu.memory_space<vmem>>
        %get3A_763 = arith.index_cast %add3A_694 : i32 to index
        %get3A_764 = arith.constant 64 : index
        %get3A_765 = tpu.vector_load %get3A_762[%get3A_763, %get3A_764] {strides = array<i32>} : memref<40x128xf32, #tpu.memory_space<vmem>>, vector<16xf32>,
        %mul3A_766 = arith.mulf %get3A_765, %gather3A_698 : vector<16xf32>
        %swap3A_767 = arith.constant 0 : i32
        %swap3A_768 = arith.constant 0 : i32
        %swap3A_769 = tpu.memref_slice %arg11[%scan3A_255, %swap3A_767, %swap3A_768] : memref<5x40x128xf32, #tpu.memory_space<vmem>> -> memref<1x40x128xf32, #tpu.memory_space<vmem>>
        %swap3A_770 = tpu.memref_squeeze %swap3A_769 : memref<1x40x128xf32, #tpu.memory_space<vmem>> -> memref<40x128xf32, #tpu.memory_space<vmem>>
        %swap3A_771 = arith.index_cast %add3A_694 : i32 to index
        %swap3A_772 = arith.constant 64 : index
        %swap3A_773 = tpu.vector_load %swap3A_770[%swap3A_771, %swap3A_772] {strides = array<i32>} : memref<40x128xf32, #tpu.memory_space<vmem>>, vector<16xf32>,
        tpu.vector_store %swap3A_770[%swap3A_771, %swap3A_772], %mul3A_766 {strides = array<i32>} : memref<40x128xf32, #tpu.memory_space<vmem>>, vector<16xf32>,
        %get3A_774 = arith.constant 0 : i32
        %get3A_775 = arith.constant 0 : i32
        %get3A_776 = tpu.memref_slice %arg11[%scan3A_255, %get3A_774, %get3A_775] : memref<5x40x128xf32, #tpu.memory_space<vmem>> -> memref<1x40x128xf32, #tpu.memory_space<vmem>>
        %get3A_777 = tpu.memref_squeeze %get3A_776 : memref<1x40x128xf32, #tpu.memory_space<vmem>> -> memref<40x128xf32, #tpu.memory_space<vmem>>
        %get3A_778 = arith.index_cast %add3A_694 : i32 to index
        %get3A_779 = arith.constant 80 : index
        %get3A_780 = tpu.vector_load %get3A_777[%get3A_778, %get3A_779] {strides = array<i32>} : memref<40x128xf32, #tpu.memory_space<vmem>>, vector<16xf32>,
        %mul3A_781 = arith.mulf %get3A_780, %gather3A_698 : vector<16xf32>
        %swap3A_782 = arith.constant 0 : i32
        %swap3A_783 = arith.constant 0 : i32
        %swap3A_784 = tpu.memref_slice %arg11[%scan3A_255, %swap3A_782, %swap3A_783] : memref<5x40x128xf32, #tpu.memory_space<vmem>> -> memref<1x40x128xf32, #tpu.memory_space<vmem>>
        %swap3A_785 = tpu.memref_squeeze %swap3A_784 : memref<1x40x128xf32, #tpu.memory_space<vmem>> -> memref<40x128xf32, #tpu.memory_space<vmem>>
        %swap3A_786 = arith.index_cast %add3A_694 : i32 to index
        %swap3A_787 = arith.constant 80 : index
        %swap3A_788 = tpu.vector_load %swap3A_785[%swap3A_786, %swap3A_787] {strides = array<i32>} : memref<40x128xf32, #tpu.memory_space<vmem>>, vector<16xf32>,
        tpu.vector_store %swap3A_785[%swap3A_786, %swap3A_787], %mul3A_781 {strides = array<i32>} : memref<40x128xf32, #tpu.memory_space<vmem>>, vector<16xf32>,
        %get3A_789 = arith.constant 0 : i32
        %get3A_790 = arith.constant 0 : i32
        %get3A_791 = tpu.memref_slice %arg11[%scan3A_255, %get3A_789, %get3A_790] : memref<5x40x128xf32, #tpu.memory_space<vmem>> -> memref<1x40x128xf32, #tpu.memory_space<vmem>>
        %get3A_792 = tpu.memref_squeeze %get3A_791 : memref<1x40x128xf32, #tpu.memory_space<vmem>> -> memref<40x128xf32, #tpu.memory_space<vmem>>
        %get3A_793 = arith.index_cast %add3A_694 : i32 to index
        %get3A_794 = arith.constant 96 : index
        %get3A_795 = tpu.vector_load %get3A_792[%get3A_793, %get3A_794] {strides = array<i32>} : memref<40x128xf32, #tpu.memory_space<vmem>>, vector<16xf32>,
        %mul3A_796 = arith.mulf %get3A_795, %gather3A_698 : vector<16xf32>
        %swap3A_797 = arith.constant 0 : i32
        %swap3A_798 = arith.constant 0 : i32
        %swap3A_799 = tpu.memref_slice %arg11[%scan3A_255, %swap3A_797, %swap3A_798] : memref<5x40x128xf32, #tpu.memory_space<vmem>> -> memref<1x40x128xf32, #tpu.memory_space<vmem>>
        %swap3A_800 = tpu.memref_squeeze %swap3A_799 : memref<1x40x128xf32, #tpu.memory_space<vmem>> -> memref<40x128xf32, #tpu.memory_space<vmem>>
        %swap3A_801 = arith.index_cast %add3A_694 : i32 to index
        %swap3A_802 = arith.constant 96 : index
        %swap3A_803 = tpu.vector_load %swap3A_800[%swap3A_801, %swap3A_802] {strides = array<i32>} : memref<40x128xf32, #tpu.memory_space<vmem>>, vector<16xf32>,
        tpu.vector_store %swap3A_800[%swap3A_801, %swap3A_802], %mul3A_796 {strides = array<i32>} : memref<40x128xf32, #tpu.memory_space<vmem>>, vector<16xf32>,
        %get3A_804 = arith.constant 0 : i32
        %get3A_805 = arith.constant 0 : i32
        %get3A_806 = tpu.memref_slice %arg11[%scan3A_255, %get3A_804, %get3A_805] : memref<5x40x128xf32, #tpu.memory_space<vmem>> -> memref<1x40x128xf32, #tpu.memory_space<vmem>>
        %get3A_807 = tpu.memref_squeeze %get3A_806 : memref<1x40x128xf32, #tpu.memory_space<vmem>> -> memref<40x128xf32, #tpu.memory_space<vmem>>
        %get3A_808 = arith.index_cast %add3A_694 : i32 to index
        %get3A_809 = arith.constant 112 : index
        %get3A_810 = tpu.vector_load %get3A_807[%get3A_808, %get3A_809] {strides = array<i32>} : memref<40x128xf32, #tpu.memory_space<vmem>>, vector<16xf32>,
        %mul3A_811 = arith.mulf %get3A_810, %gather3A_698 : vector<16xf32>
        %swap3A_812 = arith.constant 0 : i32
        %swap3A_813 = arith.constant 0 : i32
        %swap3A_814 = tpu.memref_slice %arg11[%scan3A_255, %swap3A_812, %swap3A_813] : memref<5x40x128xf32, #tpu.memory_space<vmem>> -> memref<1x40x128xf32, #tpu.memory_space<vmem>>
        %swap3A_815 = tpu.memref_squeeze %swap3A_814 : memref<1x40x128xf32, #tpu.memory_space<vmem>> -> memref<40x128xf32, #tpu.memory_space<vmem>>
        %swap3A_816 = arith.index_cast %add3A_694 : i32 to index
        %swap3A_817 = arith.constant 112 : index
        %swap3A_818 = tpu.vector_load %swap3A_815[%swap3A_816, %swap3A_817] {strides = array<i32>} : memref<40x128xf32, #tpu.memory_space<vmem>>, vector<16xf32>,
        tpu.vector_store %swap3A_815[%swap3A_816, %swap3A_817], %mul3A_811 {strides = array<i32>} : memref<40x128xf32, #tpu.memory_space<vmem>>, vector<16xf32>,
        %scan3A_819 = arith.constant 3 : i32
        %scan3A_820 = arith.addi %scan3A_434, %scan3A_819 : i32
        %mul3A_821 = arith.constant 1 : i32
        %mul3A_822 = arith.muli %scan3A_820, %mul3A_821 : i32
        %add3A_823 = arith.constant 0 : i32
        %add3A_824 = arith.addi %add3A_823, %mul3A_822 : i32
        %add3A_825 = arith.constant 128 : i32
        %add3A_826 = arith.addi %add3A_825, %add3A_824 : i32
        %broadcast_in_dim3A_827 = vector.broadcast %add3A_826 : i32 to vector<16xi32>
        %gather3A_828 = tpu.vector_load_idx %arg10[%broadcast_in_dim3A_827] : memref<640xf32, #tpu.memory_space<vmem>>[vector<16xi32>], vector<16xf32>,
        %get3A_829 = arith.constant 0 : i32
        %get3A_830 = arith.constant 0 : i32
        %get3A_831 = tpu.memref_slice %arg11[%scan3A_255, %get3A_829, %get3A_830] : memref<5x40x128xf32, #tpu.memory_space<vmem>> -> memref<1x40x128xf32, #tpu.memory_space<vmem>>
        %get3A_832 = tpu.memref_squeeze %get3A_831 : memref<1x40x128xf32, #tpu.memory_space<vmem>> -> memref<40x128xf32, #tpu.memory_space<vmem>>
        %get3A_833 = arith.index_cast %add3A_824 : i32 to index
        %get3A_834 = arith.constant 0 : index
        %get3A_835 = tpu.vector_load %get3A_832[%get3A_833, %get3A_834] {strides = array<i32>} : memref<40x128xf32, #tpu.memory_space<vmem>>, vector<16xf32>,
        %mul3A_836 = arith.mulf %get3A_835, %gather3A_828 : vector<16xf32>
        %swap3A_837 = arith.constant 0 : i32
        %swap3A_838 = arith.constant 0 : i32
        %swap3A_839 = tpu.memref_slice %arg11[%scan3A_255, %swap3A_837, %swap3A_838] : memref<5x40x128xf32, #tpu.memory_space<vmem>> -> memref<1x40x128xf32, #tpu.memory_space<vmem>>
        %swap3A_840 = tpu.memref_squeeze %swap3A_839 : memref<1x40x128xf32, #tpu.memory_space<vmem>> -> memref<40x128xf32, #tpu.memory_space<vmem>>
        %swap3A_841 = arith.index_cast %add3A_824 : i32 to index
        %swap3A_842 = arith.constant 0 : index
        %swap3A_843 = tpu.vector_load %swap3A_840[%swap3A_841, %swap3A_842] {strides = array<i32>} : memref<40x128xf32, #tpu.memory_space<vmem>>, vector<16xf32>,
        tpu.vector_store %swap3A_840[%swap3A_841, %swap3A_842], %mul3A_836 {strides = array<i32>} : memref<40x128xf32, #tpu.memory_space<vmem>>, vector<16xf32>,
        %get3A_844 = arith.constant 0 : i32
        %get3A_845 = arith.constant 0 : i32
        %get3A_846 = tpu.memref_slice %arg11[%scan3A_255, %get3A_844, %get3A_845] : memref<5x40x128xf32, #tpu.memory_space<vmem>> -> memref<1x40x128xf32, #tpu.memory_space<vmem>>
        %get3A_847 = tpu.memref_squeeze %get3A_846 : memref<1x40x128xf32, #tpu.memory_space<vmem>> -> memref<40x128xf32, #tpu.memory_space<vmem>>
        %get3A_848 = arith.index_cast %add3A_824 : i32 to index
        %get3A_849 = arith.constant 16 : index
        %get3A_850 = tpu.vector_load %get3A_847[%get3A_848, %get3A_849] {strides = array<i32>} : memref<40x128xf32, #tpu.memory_space<vmem>>, vector<16xf32>,
        %mul3A_851 = arith.mulf %get3A_850, %gather3A_828 : vector<16xf32>
        %swap3A_852 = arith.constant 0 : i32
        %swap3A_853 = arith.constant 0 : i32
        %swap3A_854 = tpu.memref_slice %arg11[%scan3A_255, %swap3A_852, %swap3A_853] : memref<5x40x128xf32, #tpu.memory_space<vmem>> -> memref<1x40x128xf32, #tpu.memory_space<vmem>>
        %swap3A_855 = tpu.memref_squeeze %swap3A_854 : memref<1x40x128xf32, #tpu.memory_space<vmem>> -> memref<40x128xf32, #tpu.memory_space<vmem>>
        %swap3A_856 = arith.index_cast %add3A_824 : i32 to index
        %swap3A_857 = arith.constant 16 : index
        %swap3A_858 = tpu.vector_load %swap3A_855[%swap3A_856, %swap3A_857] {strides = array<i32>} : memref<40x128xf32, #tpu.memory_space<vmem>>, vector<16xf32>,
        tpu.vector_store %swap3A_855[%swap3A_856, %swap3A_857], %mul3A_851 {strides = array<i32>} : memref<40x128xf32, #tpu.memory_space<vmem>>, vector<16xf32>,
        %get3A_859 = arith.constant 0 : i32
        %get3A_860 = arith.constant 0 : i32
        %get3A_861 = tpu.memref_slice %arg11[%scan3A_255, %get3A_859, %get3A_860] : memref<5x40x128xf32, #tpu.memory_space<vmem>> -> memref<1x40x128xf32, #tpu.memory_space<vmem>>
        %get3A_862 = tpu.memref_squeeze %get3A_861 : memref<1x40x128xf32, #tpu.memory_space<vmem>> -> memref<40x128xf32, #tpu.memory_space<vmem>>
        %get3A_863 = arith.index_cast %add3A_824 : i32 to index
        %get3A_864 = arith.constant 32 : index
        %get3A_865 = tpu.vector_load %get3A_862[%get3A_863, %get3A_864] {strides = array<i32>} : memref<40x128xf32, #tpu.memory_space<vmem>>, vector<16xf32>,
        %mul3A_866 = arith.mulf %get3A_865, %gather3A_828 : vector<16xf32>
        %swap3A_867 = arith.constant 0 : i32
        %swap3A_868 = arith.constant 0 : i32
        %swap3A_869 = tpu.memref_slice %arg11[%scan3A_255, %swap3A_867, %swap3A_868] : memref<5x40x128xf32, #tpu.memory_space<vmem>> -> memref<1x40x128xf32, #tpu.memory_space<vmem>>
        %swap3A_870 = tpu.memref_squeeze %swap3A_869 : memref<1x40x128xf32, #tpu.memory_space<vmem>> -> memref<40x128xf32, #tpu.memory_space<vmem>>
        %swap3A_871 = arith.index_cast %add3A_824 : i32 to index
        %swap3A_872 = arith.constant 32 : index
        %swap3A_873 = tpu.vector_load %swap3A_870[%swap3A_871, %swap3A_872] {strides = array<i32>} : memref<40x128xf32, #tpu.memory_space<vmem>>, vector<16xf32>,
        tpu.vector_store %swap3A_870[%swap3A_871, %swap3A_872], %mul3A_866 {strides = array<i32>} : memref<40x128xf32, #tpu.memory_space<vmem>>, vector<16xf32>,
        %get3A_874 = arith.constant 0 : i32
        %get3A_875 = arith.constant 0 : i32
        %get3A_876 = tpu.memref_slice %arg11[%scan3A_255, %get3A_874, %get3A_875] : memref<5x40x128xf32, #tpu.memory_space<vmem>> -> memref<1x40x128xf32, #tpu.memory_space<vmem>>
        %get3A_877 = tpu.memref_squeeze %get3A_876 : memref<1x40x128xf32, #tpu.memory_space<vmem>> -> memref<40x128xf32, #tpu.memory_space<vmem>>
        %get3A_878 = arith.index_cast %add3A_824 : i32 to index
        %get3A_879 = arith.constant 48 : index
        %get3A_880 = tpu.vector_load %get3A_877[%get3A_878, %get3A_879] {strides = array<i32>} : memref<40x128xf32, #tpu.memory_space<vmem>>, vector<16xf32>,
        %mul3A_881 = arith.mulf %get3A_880, %gather3A_828 : vector<16xf32>
        %swap3A_882 = arith.constant 0 : i32
        %swap3A_883 = arith.constant 0 : i32
        %swap3A_884 = tpu.memref_slice %arg11[%scan3A_255, %swap3A_882, %swap3A_883] : memref<5x40x128xf32, #tpu.memory_space<vmem>> -> memref<1x40x128xf32, #tpu.memory_space<vmem>>
        %swap3A_885 = tpu.memref_squeeze %swap3A_884 : memref<1x40x128xf32, #tpu.memory_space<vmem>> -> memref<40x128xf32, #tpu.memory_space<vmem>>
        %swap3A_886 = arith.index_cast %add3A_824 : i32 to index
        %swap3A_887 = arith.constant 48 : index
        %swap3A_888 = tpu.vector_load %swap3A_885[%swap3A_886, %swap3A_887] {strides = array<i32>} : memref<40x128xf32, #tpu.memory_space<vmem>>, vector<16xf32>,
        tpu.vector_store %swap3A_885[%swap3A_886, %swap3A_887], %mul3A_881 {strides = array<i32>} : memref<40x128xf32, #tpu.memory_space<vmem>>, vector<16xf32>,
        %get3A_889 = arith.constant 0 : i32
        %get3A_890 = arith.constant 0 : i32
        %get3A_891 = tpu.memref_slice %arg11[%scan3A_255, %get3A_889, %get3A_890] : memref<5x40x128xf32, #tpu.memory_space<vmem>> -> memref<1x40x128xf32, #tpu.memory_space<vmem>>
        %get3A_892 = tpu.memref_squeeze %get3A_891 : memref<1x40x128xf32, #tpu.memory_space<vmem>> -> memref<40x128xf32, #tpu.memory_space<vmem>>
        %get3A_893 = arith.index_cast %add3A_824 : i32 to index
        %get3A_894 = arith.constant 64 : index
        %get3A_895 = tpu.vector_load %get3A_892[%get3A_893, %get3A_894] {strides = array<i32>} : memref<40x128xf32, #tpu.memory_space<vmem>>, vector<16xf32>,
        %mul3A_896 = arith.mulf %get3A_895, %gather3A_828 : vector<16xf32>
        %swap3A_897 = arith.constant 0 : i32
        %swap3A_898 = arith.constant 0 : i32
        %swap3A_899 = tpu.memref_slice %arg11[%scan3A_255, %swap3A_897, %swap3A_898] : memref<5x40x128xf32, #tpu.memory_space<vmem>> -> memref<1x40x128xf32, #tpu.memory_space<vmem>>
        %swap3A_900 = tpu.memref_squeeze %swap3A_899 : memref<1x40x128xf32, #tpu.memory_space<vmem>> -> memref<40x128xf32, #tpu.memory_space<vmem>>
        %swap3A_901 = arith.index_cast %add3A_824 : i32 to index
        %swap3A_902 = arith.constant 64 : index
        %swap3A_903 = tpu.vector_load %swap3A_900[%swap3A_901, %swap3A_902] {strides = array<i32>} : memref<40x128xf32, #tpu.memory_space<vmem>>, vector<16xf32>,
        tpu.vector_store %swap3A_900[%swap3A_901, %swap3A_902], %mul3A_896 {strides = array<i32>} : memref<40x128xf32, #tpu.memory_space<vmem>>, vector<16xf32>,
        %get3A_904 = arith.constant 0 : i32
        %get3A_905 = arith.constant 0 : i32
        %get3A_906 = tpu.memref_slice %arg11[%scan3A_255, %get3A_904, %get3A_905] : memref<5x40x128xf32, #tpu.memory_space<vmem>> -> memref<1x40x128xf32, #tpu.memory_space<vmem>>
        %get3A_907 = tpu.memref_squeeze %get3A_906 : memref<1x40x128xf32, #tpu.memory_space<vmem>> -> memref<40x128xf32, #tpu.memory_space<vmem>>
        %get3A_908 = arith.index_cast %add3A_824 : i32 to index
        %get3A_909 = arith.constant 80 : index
        %get3A_910 = tpu.vector_load %get3A_907[%get3A_908, %get3A_909] {strides = array<i32>} : memref<40x128xf32, #tpu.memory_space<vmem>>, vector<16xf32>,
        %mul3A_911 = arith.mulf %get3A_910, %gather3A_828 : vector<16xf32>
        %swap3A_912 = arith.constant 0 : i32
        %swap3A_913 = arith.constant 0 : i32
        %swap3A_914 = tpu.memref_slice %arg11[%scan3A_255, %swap3A_912, %swap3A_913] : memref<5x40x128xf32, #tpu.memory_space<vmem>> -> memref<1x40x128xf32, #tpu.memory_space<vmem>>
        %swap3A_915 = tpu.memref_squeeze %swap3A_914 : memref<1x40x128xf32, #tpu.memory_space<vmem>> -> memref<40x128xf32, #tpu.memory_space<vmem>>
        %swap3A_916 = arith.index_cast %add3A_824 : i32 to index
        %swap3A_917 = arith.constant 80 : index
        %swap3A_918 = tpu.vector_load %swap3A_915[%swap3A_916, %swap3A_917] {strides = array<i32>} : memref<40x128xf32, #tpu.memory_space<vmem>>, vector<16xf32>,
        tpu.vector_store %swap3A_915[%swap3A_916, %swap3A_917], %mul3A_911 {strides = array<i32>} : memref<40x128xf32, #tpu.memory_space<vmem>>, vector<16xf32>,
        %get3A_919 = arith.constant 0 : i32
        %get3A_920 = arith.constant 0 : i32
        %get3A_921 = tpu.memref_slice %arg11[%scan3A_255, %get3A_919, %get3A_920] : memref<5x40x128xf32, #tpu.memory_space<vmem>> -> memref<1x40x128xf32, #tpu.memory_space<vmem>>
        %get3A_922 = tpu.memref_squeeze %get3A_921 : memref<1x40x128xf32, #tpu.memory_space<vmem>> -> memref<40x128xf32, #tpu.memory_space<vmem>>
        %get3A_923 = arith.index_cast %add3A_824 : i32 to index
        %get3A_924 = arith.constant 96 : index
        %get3A_925 = tpu.vector_load %get3A_922[%get3A_923, %get3A_924] {strides = array<i32>} : memref<40x128xf32, #tpu.memory_space<vmem>>, vector<16xf32>,
        %mul3A_926 = arith.mulf %get3A_925, %gather3A_828 : vector<16xf32>
        %swap3A_927 = arith.constant 0 : i32
        %swap3A_928 = arith.constant 0 : i32
        %swap3A_929 = tpu.memref_slice %arg11[%scan3A_255, %swap3A_927, %swap3A_928] : memref<5x40x128xf32, #tpu.memory_space<vmem>> -> memref<1x40x128xf32, #tpu.memory_space<vmem>>
        %swap3A_930 = tpu.memref_squeeze %swap3A_929 : memref<1x40x128xf32, #tpu.memory_space<vmem>> -> memref<40x128xf32, #tpu.memory_space<vmem>>
        %swap3A_931 = arith.index_cast %add3A_824 : i32 to index
        %swap3A_932 = arith.constant 96 : index
        %swap3A_933 = tpu.vector_load %swap3A_930[%swap3A_931, %swap3A_932] {strides = array<i32>} : memref<40x128xf32, #tpu.memory_space<vmem>>, vector<16xf32>,
        tpu.vector_store %swap3A_930[%swap3A_931, %swap3A_932], %mul3A_926 {strides = array<i32>} : memref<40x128xf32, #tpu.memory_space<vmem>>, vector<16xf32>,
        %get3A_934 = arith.constant 0 : i32
        %get3A_935 = arith.constant 0 : i32
        %get3A_936 = tpu.memref_slice %arg11[%scan3A_255, %get3A_934, %get3A_935] : memref<5x40x128xf32, #tpu.memory_space<vmem>> -> memref<1x40x128xf32, #tpu.memory_space<vmem>>
        %get3A_937 = tpu.memref_squeeze %get3A_936 : memref<1x40x128xf32, #tpu.memory_space<vmem>> -> memref<40x128xf32, #tpu.memory_space<vmem>>
        %get3A_938 = arith.index_cast %add3A_824 : i32 to index
        %get3A_939 = arith.constant 112 : index
        %get3A_940 = tpu.vector_load %get3A_937[%get3A_938, %get3A_939] {strides = array<i32>} : memref<40x128xf32, #tpu.memory_space<vmem>>, vector<16xf32>,
        %mul3A_941 = arith.mulf %get3A_940, %gather3A_828 : vector<16xf32>
        %swap3A_942 = arith.constant 0 : i32
        %swap3A_943 = arith.constant 0 : i32
        %swap3A_944 = tpu.memref_slice %arg11[%scan3A_255, %swap3A_942, %swap3A_943] : memref<5x40x128xf32, #tpu.memory_space<vmem>> -> memref<1x40x128xf32, #tpu.memory_space<vmem>>
        %swap3A_945 = tpu.memref_squeeze %swap3A_944 : memref<1x40x128xf32, #tpu.memory_space<vmem>> -> memref<40x128xf32, #tpu.memory_space<vmem>>
        %swap3A_946 = arith.index_cast %add3A_824 : i32 to index
        %swap3A_947 = arith.constant 112 : index
        %swap3A_948 = tpu.vector_load %swap3A_945[%swap3A_946, %swap3A_947] {strides = array<i32>} : memref<40x128xf32, #tpu.memory_space<vmem>>, vector<16xf32>,
        tpu.vector_store %swap3A_945[%swap3A_946, %swap3A_947], %mul3A_941 {strides = array<i32>} : memref<40x128xf32, #tpu.memory_space<vmem>>, vector<16xf32>,
        %scan3A_949 = arith.constant 4 : i32
        %scan3A_950 = arith.addi %scan3A_434, %scan3A_949 : i32
        %mul3A_951 = arith.constant 1 : i32
        %mul3A_952 = arith.muli %scan3A_950, %mul3A_951 : i32
        %add3A_953 = arith.constant 0 : i32
        %add3A_954 = arith.addi %add3A_953, %mul3A_952 : i32
        %add3A_955 = arith.constant 128 : i32
        %add3A_956 = arith.addi %add3A_955, %add3A_954 : i32
        %broadcast_in_dim3A_957 = vector.broadcast %add3A_956 : i32 to vector<16xi32>
        %gather3A_958 = tpu.vector_load_idx %arg10[%broadcast_in_dim3A_957] : memref<640xf32, #tpu.memory_space<vmem>>[vector<16xi32>], vector<16xf32>,
        %get3A_959 = arith.constant 0 : i32
        %get3A_960 = arith.constant 0 : i32
        %get3A_961 = tpu.memref_slice %arg11[%scan3A_255, %get3A_959, %get3A_960] : memref<5x40x128xf32, #tpu.memory_space<vmem>> -> memref<1x40x128xf32, #tpu.memory_space<vmem>>
        %get3A_962 = tpu.memref_squeeze %get3A_961 : memref<1x40x128xf32, #tpu.memory_space<vmem>> -> memref<40x128xf32, #tpu.memory_space<vmem>>
        %get3A_963 = arith.index_cast %add3A_954 : i32 to index
        %get3A_964 = arith.constant 0 : index
        %get3A_965 = tpu.vector_load %get3A_962[%get3A_963, %get3A_964] {strides = array<i32>} : memref<40x128xf32, #tpu.memory_space<vmem>>, vector<16xf32>,
        %mul3A_966 = arith.mulf %get3A_965, %gather3A_958 : vector<16xf32>
        %swap3A_967 = arith.constant 0 : i32
        %swap3A_968 = arith.constant 0 : i32
        %swap3A_969 = tpu.memref_slice %arg11[%scan3A_255, %swap3A_967, %swap3A_968] : memref<5x40x128xf32, #tpu.memory_space<vmem>> -> memref<1x40x128xf32, #tpu.memory_space<vmem>>
        %swap3A_970 = tpu.memref_squeeze %swap3A_969 : memref<1x40x128xf32, #tpu.memory_space<vmem>> -> memref<40x128xf32, #tpu.memory_space<vmem>>
        %swap3A_971 = arith.index_cast %add3A_954 : i32 to index
        %swap3A_972 = arith.constant 0 : index
        %swap3A_973 = tpu.vector_load %swap3A_970[%swap3A_971, %swap3A_972] {strides = array<i32>} : memref<40x128xf32, #tpu.memory_space<vmem>>, vector<16xf32>,
        tpu.vector_store %swap3A_970[%swap3A_971, %swap3A_972], %mul3A_966 {strides = array<i32>} : memref<40x128xf32, #tpu.memory_space<vmem>>, vector<16xf32>,
        %get3A_974 = arith.constant 0 : i32
        %get3A_975 = arith.constant 0 : i32
        %get3A_976 = tpu.memref_slice %arg11[%scan3A_255, %get3A_974, %get3A_975] : memref<5x40x128xf32, #tpu.memory_space<vmem>> -> memref<1x40x128xf32, #tpu.memory_space<vmem>>
        %get3A_977 = tpu.memref_squeeze %get3A_976 : memref<1x40x128xf32, #tpu.memory_space<vmem>> -> memref<40x128xf32, #tpu.memory_space<vmem>>
        %get3A_978 = arith.index_cast %add3A_954 : i32 to index
        %get3A_979 = arith.constant 16 : index
        %get3A_980 = tpu.vector_load %get3A_977[%get3A_978, %get3A_979] {strides = array<i32>} : memref<40x128xf32, #tpu.memory_space<vmem>>, vector<16xf32>,
        %mul3A_981 = arith.mulf %get3A_980, %gather3A_958 : vector<16xf32>
        %swap3A_982 = arith.constant 0 : i32
        %swap3A_983 = arith.constant 0 : i32
        %swap3A_984 = tpu.memref_slice %arg11[%scan3A_255, %swap3A_982, %swap3A_983] : memref<5x40x128xf32, #tpu.memory_space<vmem>> -> memref<1x40x128xf32, #tpu.memory_space<vmem>>
        %swap3A_985 = tpu.memref_squeeze %swap3A_984 : memref<1x40x128xf32, #tpu.memory_space<vmem>> -> memref<40x128xf32, #tpu.memory_space<vmem>>
        %swap3A_986 = arith.index_cast %add3A_954 : i32 to index
        %swap3A_987 = arith.constant 16 : index
        %swap3A_988 = tpu.vector_load %swap3A_985[%swap3A_986, %swap3A_987] {strides = array<i32>} : memref<40x128xf32, #tpu.memory_space<vmem>>, vector<16xf32>,
        tpu.vector_store %swap3A_985[%swap3A_986, %swap3A_987], %mul3A_981 {strides = array<i32>} : memref<40x128xf32, #tpu.memory_space<vmem>>, vector<16xf32>,
        %get3A_989 = arith.constant 0 : i32
        %get3A_990 = arith.constant 0 : i32
        %get3A_991 = tpu.memref_slice %arg11[%scan3A_255, %get3A_989, %get3A_990] : memref<5x40x128xf32, #tpu.memory_space<vmem>> -> memref<1x40x128xf32, #tpu.memory_space<vmem>>
        %get3A_992 = tpu.memref_squeeze %get3A_991 : memref<1x40x128xf32, #tpu.memory_space<vmem>> -> memref<40x128xf32, #tpu.memory_space<vmem>>
        %get3A_993 = arith.index_cast %add3A_954 : i32 to index
        %get3A_994 = arith.constant 32 : index
        %get3A_995 = tpu.vector_load %get3A_992[%get3A_993, %get3A_994] {strides = array<i32>} : memref<40x128xf32, #tpu.memory_space<vmem>>, vector<16xf32>,
        %mul3A_996 = arith.mulf %get3A_995, %gather3A_958 : vector<16xf32>
        %swap3A_997 = arith.constant 0 : i32
        %swap3A_998 = arith.constant 0 : i32
        %swap3A_999 = tpu.memref_slice %arg11[%scan3A_255, %swap3A_997, %swap3A_998] : memref<5x40x128xf32, #tpu.memory_space<vmem>> -> memref<1x40x128xf32, #tpu.memory_space<vmem>>
        %swap3A_1000 = tpu.memref_squeeze %swap3A_999 : memref<1x40x128xf32, #tpu.memory_space<vmem>> -> memref<40x128xf32, #tpu.memory_space<vmem>>
        %swap3A_1001 = arith.index_cast %add3A_954 : i32 to index
        %swap3A_1002 = arith.constant 32 : index
        %swap3A_1003 = tpu.vector_load %swap3A_1000[%swap3A_1001, %swap3A_1002] {strides = array<i32>} : memref<40x128xf32, #tpu.memory_space<vmem>>, vector<16xf32>,
        tpu.vector_store %swap3A_1000[%swap3A_1001, %swap3A_1002], %mul3A_996 {strides = array<i32>} : memref<40x128xf32, #tpu.memory_space<vmem>>, vector<16xf32>,
        %get3A_1004 = arith.constant 0 : i32
        %get3A_1005 = arith.constant 0 : i32
        %get3A_1006 = tpu.memref_slice %arg11[%scan3A_255, %get3A_1004, %get3A_1005] : memref<5x40x128xf32, #tpu.memory_space<vmem>> -> memref<1x40x128xf32, #tpu.memory_space<vmem>>
        %get3A_1007 = tpu.memref_squeeze %get3A_1006 : memref<1x40x128xf32, #tpu.memory_space<vmem>> -> memref<40x128xf32, #tpu.memory_space<vmem>>
        %get3A_1008 = arith.index_cast %add3A_954 : i32 to index
        %get3A_1009 = arith.constant 48 : index
        %get3A_1010 = tpu.vector_load %get3A_1007[%get3A_1008, %get3A_1009] {strides = array<i32>} : memref<40x128xf32, #tpu.memory_space<vmem>>, vector<16xf32>,
        %mul3A_1011 = arith.mulf %get3A_1010, %gather3A_958 : vector<16xf32>
        %swap3A_1012 = arith.constant 0 : i32
        %swap3A_1013 = arith.constant 0 : i32
        %swap3A_1014 = tpu.memref_slice %arg11[%scan3A_255, %swap3A_1012, %swap3A_1013] : memref<5x40x128xf32, #tpu.memory_space<vmem>> -> memref<1x40x128xf32, #tpu.memory_space<vmem>>
        %swap3A_1015 = tpu.memref_squeeze %swap3A_1014 : memref<1x40x128xf32, #tpu.memory_space<vmem>> -> memref<40x128xf32, #tpu.memory_space<vmem>>
        %swap3A_1016 = arith.index_cast %add3A_954 : i32 to index
        %swap3A_1017 = arith.constant 48 : index
        %swap3A_1018 = tpu.vector_load %swap3A_1015[%swap3A_1016, %swap3A_1017] {strides = array<i32>} : memref<40x128xf32, #tpu.memory_space<vmem>>, vector<16xf32>,
        tpu.vector_store %swap3A_1015[%swap3A_1016, %swap3A_1017], %mul3A_1011 {strides = array<i32>} : memref<40x128xf32, #tpu.memory_space<vmem>>, vector<16xf32>,
        %get3A_1019 = arith.constant 0 : i32
        %get3A_1020 = arith.constant 0 : i32
        %get3A_1021 = tpu.memref_slice %arg11[%scan3A_255, %get3A_1019, %get3A_1020] : memref<5x40x128xf32, #tpu.memory_space<vmem>> -> memref<1x40x128xf32, #tpu.memory_space<vmem>>
        %get3A_1022 = tpu.memref_squeeze %get3A_1021 : memref<1x40x128xf32, #tpu.memory_space<vmem>> -> memref<40x128xf32, #tpu.memory_space<vmem>>
        %get3A_1023 = arith.index_cast %add3A_954 : i32 to index
        %get3A_1024 = arith.constant 64 : index
        %get3A_1025 = tpu.vector_load %get3A_1022[%get3A_1023, %get3A_1024] {strides = array<i32>} : memref<40x128xf32, #tpu.memory_space<vmem>>, vector<16xf32>,
        %mul3A_1026 = arith.mulf %get3A_1025, %gather3A_958 : vector<16xf32>
        %swap3A_1027 = arith.constant 0 : i32
        %swap3A_1028 = arith.constant 0 : i32
        %swap3A_1029 = tpu.memref_slice %arg11[%scan3A_255, %swap3A_1027, %swap3A_1028] : memref<5x40x128xf32, #tpu.memory_space<vmem>> -> memref<1x40x128xf32, #tpu.memory_space<vmem>>
        %swap3A_1030 = tpu.memref_squeeze %swap3A_1029 : memref<1x40x128xf32, #tpu.memory_space<vmem>> -> memref<40x128xf32, #tpu.memory_space<vmem>>
        %swap3A_1031 = arith.index_cast %add3A_954 : i32 to index
        %swap3A_1032 = arith.constant 64 : index
        %swap3A_1033 = tpu.vector_load %swap3A_1030[%swap3A_1031, %swap3A_1032] {strides = array<i32>} : memref<40x128xf32, #tpu.memory_space<vmem>>, vector<16xf32>,
        tpu.vector_store %swap3A_1030[%swap3A_1031, %swap3A_1032], %mul3A_1026 {strides = array<i32>} : memref<40x128xf32, #tpu.memory_space<vmem>>, vector<16xf32>,
        %get3A_1034 = arith.constant 0 : i32
        %get3A_1035 = arith.constant 0 : i32
        %get3A_1036 = tpu.memref_slice %arg11[%scan3A_255, %get3A_1034, %get3A_1035] : memref<5x40x128xf32, #tpu.memory_space<vmem>> -> memref<1x40x128xf32, #tpu.memory_space<vmem>>
        %get3A_1037 = tpu.memref_squeeze %get3A_1036 : memref<1x40x128xf32, #tpu.memory_space<vmem>> -> memref<40x128xf32, #tpu.memory_space<vmem>>
        %get3A_1038 = arith.index_cast %add3A_954 : i32 to index
        %get3A_1039 = arith.constant 80 : index
        %get3A_1040 = tpu.vector_load %get3A_1037[%get3A_1038, %get3A_1039] {strides = array<i32>} : memref<40x128xf32, #tpu.memory_space<vmem>>, vector<16xf32>,
        %mul3A_1041 = arith.mulf %get3A_1040, %gather3A_958 : vector<16xf32>
        %swap3A_1042 = arith.constant 0 : i32
        %swap3A_1043 = arith.constant 0 : i32
        %swap3A_1044 = tpu.memref_slice %arg11[%scan3A_255, %swap3A_1042, %swap3A_1043] : memref<5x40x128xf32, #tpu.memory_space<vmem>> -> memref<1x40x128xf32, #tpu.memory_space<vmem>>
        %swap3A_1045 = tpu.memref_squeeze %swap3A_1044 : memref<1x40x128xf32, #tpu.memory_space<vmem>> -> memref<40x128xf32, #tpu.memory_space<vmem>>
        %swap3A_1046 = arith.index_cast %add3A_954 : i32 to index
        %swap3A_1047 = arith.constant 80 : index
        %swap3A_1048 = tpu.vector_load %swap3A_1045[%swap3A_1046, %swap3A_1047] {strides = array<i32>} : memref<40x128xf32, #tpu.memory_space<vmem>>, vector<16xf32>,
        tpu.vector_store %swap3A_1045[%swap3A_1046, %swap3A_1047], %mul3A_1041 {strides = array<i32>} : memref<40x128xf32, #tpu.memory_space<vmem>>, vector<16xf32>,
        %get3A_1049 = arith.constant 0 : i32
        %get3A_1050 = arith.constant 0 : i32
        %get3A_1051 = tpu.memref_slice %arg11[%scan3A_255, %get3A_1049, %get3A_1050] : memref<5x40x128xf32, #tpu.memory_space<vmem>> -> memref<1x40x128xf32, #tpu.memory_space<vmem>>
        %get3A_1052 = tpu.memref_squeeze %get3A_1051 : memref<1x40x128xf32, #tpu.memory_space<vmem>> -> memref<40x128xf32, #tpu.memory_space<vmem>>
        %get3A_1053 = arith.index_cast %add3A_954 : i32 to index
        %get3A_1054 = arith.constant 96 : index
        %get3A_1055 = tpu.vector_load %get3A_1052[%get3A_1053, %get3A_1054] {strides = array<i32>} : memref<40x128xf32, #tpu.memory_space<vmem>>, vector<16xf32>,
        %mul3A_1056 = arith.mulf %get3A_1055, %gather3A_958 : vector<16xf32>
        %swap3A_1057 = arith.constant 0 : i32
        %swap3A_1058 = arith.constant 0 : i32
        %swap3A_1059 = tpu.memref_slice %arg11[%scan3A_255, %swap3A_1057, %swap3A_1058] : memref<5x40x128xf32, #tpu.memory_space<vmem>> -> memref<1x40x128xf32, #tpu.memory_space<vmem>>
        %swap3A_1060 = tpu.memref_squeeze %swap3A_1059 : memref<1x40x128xf32, #tpu.memory_space<vmem>> -> memref<40x128xf32, #tpu.memory_space<vmem>>
        %swap3A_1061 = arith.index_cast %add3A_954 : i32 to index
        %swap3A_1062 = arith.constant 96 : index
        %swap3A_1063 = tpu.vector_load %swap3A_1060[%swap3A_1061, %swap3A_1062] {strides = array<i32>} : memref<40x128xf32, #tpu.memory_space<vmem>>, vector<16xf32>,
        tpu.vector_store %swap3A_1060[%swap3A_1061, %swap3A_1062], %mul3A_1056 {strides = array<i32>} : memref<40x128xf32, #tpu.memory_space<vmem>>, vector<16xf32>,
        %get3A_1064 = arith.constant 0 : i32
        %get3A_1065 = arith.constant 0 : i32
        %get3A_1066 = tpu.memref_slice %arg11[%scan3A_255, %get3A_1064, %get3A_1065] : memref<5x40x128xf32, #tpu.memory_space<vmem>> -> memref<1x40x128xf32, #tpu.memory_space<vmem>>
        %get3A_1067 = tpu.memref_squeeze %get3A_1066 : memref<1x40x128xf32, #tpu.memory_space<vmem>> -> memref<40x128xf32, #tpu.memory_space<vmem>>
        %get3A_1068 = arith.index_cast %add3A_954 : i32 to index
        %get3A_1069 = arith.constant 112 : index
        %get3A_1070 = tpu.vector_load %get3A_1067[%get3A_1068, %get3A_1069] {strides = array<i32>} : memref<40x128xf32, #tpu.memory_space<vmem>>, vector<16xf32>,
        %mul3A_1071 = arith.mulf %get3A_1070, %gather3A_958 : vector<16xf32>
        %swap3A_1072 = arith.constant 0 : i32
        %swap3A_1073 = arith.constant 0 : i32
        %swap3A_1074 = tpu.memref_slice %arg11[%scan3A_255, %swap3A_1072, %swap3A_1073] : memref<5x40x128xf32, #tpu.memory_space<vmem>> -> memref<1x40x128xf32, #tpu.memory_space<vmem>>
        %swap3A_1075 = tpu.memref_squeeze %swap3A_1074 : memref<1x40x128xf32, #tpu.memory_space<vmem>> -> memref<40x128xf32, #tpu.memory_space<vmem>>
        %swap3A_1076 = arith.index_cast %add3A_954 : i32 to index
        %swap3A_1077 = arith.constant 112 : index
        %swap3A_1078 = tpu.vector_load %swap3A_1075[%swap3A_1076, %swap3A_1077] {strides = array<i32>} : memref<40x128xf32, #tpu.memory_space<vmem>>, vector<16xf32>,
        tpu.vector_store %swap3A_1075[%swap3A_1076, %swap3A_1077], %mul3A_1071 {strides = array<i32>} : memref<40x128xf32, #tpu.memory_space<vmem>>, vector<16xf32>,
      }
      %scan3A_260 = arith.constant 40 : i32
      %dma_start3A_261 = arith.constant 1 : i32
      %dma_start3A_262 = arith.constant 0 : i32
      %dma_start3A_263 = arith.constant 0 : i32
      %dma_start3A_264 = tpu.memref_slice %arg11[%dma_start3A_261, %dma_start3A_262, %dma_start3A_263] : memref<5x40x128xf32, #tpu.memory_space<vmem>> -> memref<1x40x128xf32, #tpu.memory_space<vmem>>
      %dma_start3A_265 = tpu.memref_squeeze %dma_start3A_264 : memref<1x40x128xf32, #tpu.memory_space<vmem>> -> memref<40x128xf32, #tpu.memory_space<vmem>>
      %dma_start3A_266 = arith.constant 0 : i32
      %dma_start3A_267 = tpu.memref_slice %arg9[%add3A_219, %dma_start3A_266] : memref<250x40xi32, #tpu.memory_space<vmem>> -> memref<1x40xi32, #tpu.memory_space<vmem>>
      %dma_start3A_268 = tpu.memref_squeeze %dma_start3A_267 : memref<1x40xi32, #tpu.memory_space<vmem>> -> memref<40xi32, #tpu.memory_space<vmem>>
      %dma_start3A_269 = arith.constant 0 : i32
      %dma_start3A_270 = arith.constant 0 : i32
      %dma_start3A_271 = tpu.memref_slice %arg12[%dma_start3A_269, %dma_start3A_270] : memref<10000x128xf32, #tpu.memory_space<vmem_shared>> -> memref<10000x128xf32, #tpu.memory_space<vmem_shared>>
      tpu.enqueue_indirect_dma source(%dma_start3A_265 : memref<40x128xf32, #tpu.memory_space<vmem>>) target(%dma_start3A_271 : memref<10000x128xf32, #tpu.memory_space<vmem_shared>>) offsets(%dma_start3A_268 : memref<40xi32, #tpu.memory_space<vmem>>) semaphore(%arg19 : memref<!tpu.dma_semaphore, #tpu.memory_space<semaphore_mem>>) {add = true}
      %add3A_272 = arith.constant 2 : i32
      %add3A_273 = arith.addi %add3A_164, %add3A_272 : i32
      %dma_wait3A_274 = arith.constant 2 : i32
      %dma_wait3A_275 = arith.constant 0 : i32
      %dma_wait3A_276 = arith.constant 0 : i32
      %dma_wait3A_277 = tpu.memref_slice %arg11[%dma_wait3A_274, %dma_wait3A_275, %dma_wait3A_276] : memref<5x40x128xf32, #tpu.memory_space<vmem>> -> memref<1x40x128xf32, #tpu.memory_space<vmem>>
      %dma_wait3A_278 = tpu.memref_squeeze %dma_wait3A_277 : memref<1x40x128xf32, #tpu.memory_space<vmem>> -> memref<40x128xf32, #tpu.memory_space<vmem>>
      %dma_wait3A_279 = arith.constant 0 : i32
      %dma_wait3A_280 = arith.constant 0 : i32
      %dma_wait3A_281 = tpu.memref_slice %arg2[%dma_wait3A_279, %dma_wait3A_280] : memref<10000x128xf32, #tpu.memory_space<hbm>> -> memref<40x128xf32, #tpu.memory_space<hbm>>
      %dma_wait3A_282 = arith.constant 0 : i32
      %dma_wait3A_283 = arith.constant 0 : i32
      %dma_wait3A_284 = tpu.memref_slice %arg11[%dma_wait3A_274, %dma_wait3A_282, %dma_wait3A_283] : memref<5x40x128xf32, #tpu.memory_space<vmem>> -> memref<1x40x128xf32, #tpu.memory_space<vmem>>
      %dma_wait3A_285 = tpu.memref_squeeze %dma_wait3A_284 : memref<1x40x128xf32, #tpu.memory_space<vmem>> -> memref<40x128xf32, #tpu.memory_space<vmem>>
      %dma_wait3A_286 = arith.constant 0 : i32
      %dma_wait3A_287 = arith.constant 0 : i32
      %dma_wait3A_288 = tpu.memref_slice %arg2[%dma_wait3A_286, %dma_wait3A_287] : memref<10000x128xf32, #tpu.memory_space<hbm>> -> memref<40x128xf32, #tpu.memory_space<hbm>>
      tpu.wait_dma2 semaphore(%arg15 : memref<!tpu.dma_semaphore, #tpu.memory_space<semaphore_mem>>) src(%dma_wait3A_288 : memref<40x128xf32, #tpu.memory_space<hbm>>) dst(%dma_wait3A_285 : memref<40x128xf32, #tpu.memory_space<vmem>>)
      %dma_wait3A_289 = arith.constant 0 : i32
      %dma_wait3A_290 = arith.constant 0 : i32
      %dma_wait3A_291 = arith.constant 0 : i32
      %dma_wait3A_292 = arith.constant 256 : i32
      %dma_wait3A_293 = tpu.memref_slice %arg10[%dma_wait3A_292] : memref<640xf32, #tpu.memory_space<vmem>> -> memref<40xf32, #tpu.memory_space<vmem>>
      %dma_wait3A_294 = arith.constant 0 : i32
      %dma_wait3A_295 = tpu.memref_slice %arg5[%dma_wait3A_289, %dma_wait3A_290, %dma_wait3A_291, %dma_wait3A_294] : memref<2x16x250x40xf32, #tpu.memory_space<hbm>> -> memref<1x1x1x40xf32, #tpu.memory_space<hbm>>
      %dma_wait3A_296 = tpu.memref_squeeze %dma_wait3A_295 : memref<1x1x1x40xf32, #tpu.memory_space<hbm>> -> memref<40xf32, #tpu.memory_space<hbm>>
      %dma_wait3A_297 = arith.constant 256 : i32
      %dma_wait3A_298 = tpu.memref_slice %arg10[%dma_wait3A_297] : memref<640xf32, #tpu.memory_space<vmem>> -> memref<40xf32, #tpu.memory_space<vmem>>
      %dma_wait3A_299 = arith.constant 0 : i32
      %dma_wait3A_300 = tpu.memref_slice %arg5[%dma_wait3A_289, %dma_wait3A_290, %dma_wait3A_291, %dma_wait3A_299] : memref<2x16x250x40xf32, #tpu.memory_space<hbm>> -> memref<1x1x1x40xf32, #tpu.memory_space<hbm>>
      %dma_wait3A_301 = tpu.memref_squeeze %dma_wait3A_300 : memref<1x1x1x40xf32, #tpu.memory_space<hbm>> -> memref<40xf32, #tpu.memory_space<hbm>>
      tpu.wait_dma2 semaphore(%arg15 : memref<!tpu.dma_semaphore, #tpu.memory_space<semaphore_mem>>) src(%dma_wait3A_301 : memref<40xf32, #tpu.memory_space<hbm>>) dst(%dma_wait3A_298 : memref<40xf32, #tpu.memory_space<vmem>>)
      %add3A_302 = arith.constant 3 : i32
      %add3A_303 = arith.addi %add3A_273, %add3A_302 : i32
      %lt3A_304 = arith.constant 250 : i32
      %lt3A_305 = arith.cmpi slt, %add3A_303, %lt3A_304 : i32
      %convert_element_type3A_306 = arith.extui %lt3A_305 : i1 to i32
      %cond3A_307 = arith.constant 0 : i32
      %cond3A_308 = arith.cmpi ne, %convert_element_type3A_306, %cond3A_307 : i32
      scf.if %cond3A_308 {
        %add3A_434 = arith.constant 3 : i32
        %add3A_435 = arith.addi %add3A_273, %add3A_434 : i32
        %ge3A = arith.constant 5 : i32
        %ge3A_436 = arith.cmpi sge, %add3A_435, %ge3A : i32
        %convert_element_type3A_437 = arith.extui %ge3A_436 : i1 to i32
        %cond3A_438 = arith.constant 0 : i32
        %cond3A_439 = arith.cmpi ne, %convert_element_type3A_437, %cond3A_438 : i32
        scf.if %cond3A_439 {
          %dma_wait3A_463 = arith.constant 0 : i32
          %dma_wait3A_464 = arith.constant 0 : i32
          %dma_wait3A_465 = arith.constant 0 : i32
          %dma_wait3A_466 = tpu.memref_slice %arg11[%dma_wait3A_463, %dma_wait3A_464, %dma_wait3A_465] : memref<5x40x128xf32, #tpu.memory_space<vmem>> -> memref<1x40x128xf32, #tpu.memory_space<vmem>>
          %dma_wait3A_467 = tpu.memref_squeeze %dma_wait3A_466 : memref<1x40x128xf32, #tpu.memory_space<vmem>> -> memref<40x128xf32, #tpu.memory_space<vmem>>
          %dma_wait3A_468 = arith.constant 0 : i32
          %dma_wait3A_469 = arith.constant 0 : i32
          %dma_wait3A_470 = tpu.memref_slice %arg12[%dma_wait3A_468, %dma_wait3A_469] : memref<10000x128xf32, #tpu.memory_space<vmem_shared>> -> memref<40x128xf32, #tpu.memory_space<vmem_shared>>
          %dma_wait3A_471 = arith.constant 0 : i32
          %dma_wait3A_472 = arith.constant 0 : i32
          %dma_wait3A_473 = tpu.memref_slice %arg12[%dma_wait3A_471, %dma_wait3A_472] : memref<10000x128xf32, #tpu.memory_space<vmem_shared>> -> memref<40x128xf32, #tpu.memory_space<vmem_shared>>
          %dma_wait3A_474 = arith.constant 0 : i32
          %dma_wait3A_475 = arith.constant 0 : i32
          %dma_wait3A_476 = tpu.memref_slice %arg11[%dma_wait3A_463, %dma_wait3A_474, %dma_wait3A_475] : memref<5x40x128xf32, #tpu.memory_space<vmem>> -> memref<1x40x128xf32, #tpu.memory_space<vmem>>
          %dma_wait3A_477 = tpu.memref_squeeze %dma_wait3A_476 : memref<1x40x128xf32, #tpu.memory_space<vmem>> -> memref<40x128xf32, #tpu.memory_space<vmem>>
          tpu.wait_dma2 semaphore(%arg18 : memref<!tpu.dma_semaphore, #tpu.memory_space<semaphore_mem>>) src(%dma_wait3A_477 : memref<40x128xf32, #tpu.memory_space<vmem>>) dst(%dma_wait3A_473 : memref<40x128xf32, #tpu.memory_space<vmem_shared>>)
        } else {
        }
        %add3A_440 = arith.constant 3 : i32
        %add3A_441 = arith.addi %add3A_273, %add3A_440 : i32
        %dma_start3A_442 = arith.constant 0 : i32
        %dma_start3A_443 = arith.constant 0 : i32
        %dma_start3A_444 = arith.constant 0 : i32
        %dma_start3A_445 = tpu.memref_slice %arg11[%dma_start3A_442, %dma_start3A_443, %dma_start3A_444] : memref<5x40x128xf32, #tpu.memory_space<vmem>> -> memref<1x40x128xf32, #tpu.memory_space<vmem>>
        %dma_start3A_446 = tpu.memref_squeeze %dma_start3A_445 : memref<1x40x128xf32, #tpu.memory_space<vmem>> -> memref<40x128xf32, #tpu.memory_space<vmem>>
        %dma_start3A_447 = arith.constant 0 : i32
        %dma_start3A_448 = tpu.memref_slice %arg8[%add3A_441, %dma_start3A_447] : memref<250x40xi32, #tpu.memory_space<vmem>> -> memref<1x40xi32, #tpu.memory_space<vmem>>
        %dma_start3A_449 = tpu.memref_squeeze %dma_start3A_448 : memref<1x40xi32, #tpu.memory_space<vmem>> -> memref<40xi32, #tpu.memory_space<vmem>>
        %dma_start3A_450 = arith.constant 0 : i32
        %dma_start3A_451 = arith.constant 0 : i32
        %dma_start3A_452 = tpu.memref_slice %arg2[%dma_start3A_450, %dma_start3A_451] : memref<10000x128xf32, #tpu.memory_space<hbm>> -> memref<10000x128xf32, #tpu.memory_space<hbm>>
        tpu.enqueue_indirect_dma source(%dma_start3A_452 : memref<10000x128xf32, #tpu.memory_space<hbm>>) target(%dma_start3A_446 : memref<40x128xf32, #tpu.memory_space<vmem>>) offsets(%dma_start3A_449 : memref<40xi32, #tpu.memory_space<vmem>>) semaphore(%arg13 : memref<!tpu.dma_semaphore, #tpu.memory_space<semaphore_mem>>)
        %dma_start3A_453 = arith.constant 0 : i32
        %dma_start3A_454 = tpu.memref_slice %arg10[%dma_start3A_453] : memref<640xf32, #tpu.memory_space<vmem>> -> memref<40xf32, #tpu.memory_space<vmem>>
        %dma_start3A_455 = arith.constant 0 : i32
        %dma_start3A_456 = tpu.memref_slice %arg5[%arg0, %arg1, %add3A_441, %dma_start3A_455] : memref<2x16x250x40xf32, #tpu.memory_space<hbm>> -> memref<1x1x1x40xf32, #tpu.memory_space<hbm>>
        %dma_start3A_457 = tpu.memref_squeeze %dma_start3A_456 : memref<1x1x1x40xf32, #tpu.memory_space<hbm>> -> memref<40xf32, #tpu.memory_space<hbm>>
        %dma_start3A_458 = arith.constant 0 : i32
        %dma_start3A_459 = tpu.memref_slice %arg10[%dma_start3A_458] : memref<640xf32, #tpu.memory_space<vmem>> -> memref<40xf32, #tpu.memory_space<vmem>>
        %dma_start3A_460 = arith.constant 0 : i32
        %dma_start3A_461 = tpu.memref_slice %arg5[%arg0, %arg1, %add3A_441, %dma_start3A_460] : memref<2x16x250x40xf32, #tpu.memory_space<hbm>> -> memref<1x1x1x40xf32, #tpu.memory_space<hbm>>
        %dma_start3A_462 = tpu.memref_squeeze %dma_start3A_461 : memref<1x1x1x40xf32, #tpu.memory_space<hbm>> -> memref<40xf32, #tpu.memory_space<hbm>>
        tpu.enqueue_dma source(%dma_start3A_462 : memref<40xf32, #tpu.memory_space<hbm>>) target(%dma_start3A_459 : memref<40xf32, #tpu.memory_space<vmem>>) target_semaphore(%arg13 : memref<!tpu.dma_semaphore, #tpu.memory_space<semaphore_mem>>)
      } else {
      }
      %scan3A_309 = arith.constant 2 : i32
      %scan3A_310 = arith.constant 0 : i32
      %scan3A_311 = arith.constant 40 : i32
      %scan3A_312 = arith.addi %scan3A_310, %scan3A_311 : i32
      %scan3A_313 = arith.constant 5 : i32
      scf.for %scan3A_434 = %scan3A_310 to %scan3A_312 step %scan3A_313  : i32 {
        %mul3A_435 = arith.constant 1 : i32
        %mul3A_436 = arith.muli %scan3A_434, %mul3A_435 : i32
        %add3A_437 = arith.constant 0 : i32
        %add3A_438 = arith.addi %add3A_437, %mul3A_436 : i32
        %add3A_439 = arith.constant 256 : i32
        %add3A_440 = arith.addi %add3A_439, %add3A_438 : i32
        %broadcast_in_dim3A = vector.broadcast %add3A_440 : i32 to vector<16xi32>
        %gather3A = tpu.vector_load_idx %arg10[%broadcast_in_dim3A] : memref<640xf32, #tpu.memory_space<vmem>>[vector<16xi32>], vector<16xf32>,
        %get3A = arith.constant 0 : i32
        %get3A_441 = arith.constant 0 : i32
        %get3A_442 = tpu.memref_slice %arg11[%scan3A_309, %get3A, %get3A_441] : memref<5x40x128xf32, #tpu.memory_space<vmem>> -> memref<1x40x128xf32, #tpu.memory_space<vmem>>
        %get3A_443 = tpu.memref_squeeze %get3A_442 : memref<1x40x128xf32, #tpu.memory_space<vmem>> -> memref<40x128xf32, #tpu.memory_space<vmem>>
        %get3A_444 = arith.index_cast %add3A_438 : i32 to index
        %get3A_445 = arith.constant 0 : index
        %get3A_446 = tpu.vector_load %get3A_443[%get3A_444, %get3A_445] {strides = array<i32>} : memref<40x128xf32, #tpu.memory_space<vmem>>, vector<16xf32>,
        %mul3A_447 = arith.mulf %get3A_446, %gather3A : vector<16xf32>
        %swap3A = arith.constant 0 : i32
        %swap3A_448 = arith.constant 0 : i32
        %swap3A_449 = tpu.memref_slice %arg11[%scan3A_309, %swap3A, %swap3A_448] : memref<5x40x128xf32, #tpu.memory_space<vmem>> -> memref<1x40x128xf32, #tpu.memory_space<vmem>>
        %swap3A_450 = tpu.memref_squeeze %swap3A_449 : memref<1x40x128xf32, #tpu.memory_space<vmem>> -> memref<40x128xf32, #tpu.memory_space<vmem>>
        %swap3A_451 = arith.index_cast %add3A_438 : i32 to index
        %swap3A_452 = arith.constant 0 : index
        %swap3A_453 = tpu.vector_load %swap3A_450[%swap3A_451, %swap3A_452] {strides = array<i32>} : memref<40x128xf32, #tpu.memory_space<vmem>>, vector<16xf32>,
        tpu.vector_store %swap3A_450[%swap3A_451, %swap3A_452], %mul3A_447 {strides = array<i32>} : memref<40x128xf32, #tpu.memory_space<vmem>>, vector<16xf32>,
        %get3A_454 = arith.constant 0 : i32
        %get3A_455 = arith.constant 0 : i32
        %get3A_456 = tpu.memref_slice %arg11[%scan3A_309, %get3A_454, %get3A_455] : memref<5x40x128xf32, #tpu.memory_space<vmem>> -> memref<1x40x128xf32, #tpu.memory_space<vmem>>
        %get3A_457 = tpu.memref_squeeze %get3A_456 : memref<1x40x128xf32, #tpu.memory_space<vmem>> -> memref<40x128xf32, #tpu.memory_space<vmem>>
        %get3A_458 = arith.index_cast %add3A_438 : i32 to index
        %get3A_459 = arith.constant 16 : index
        %get3A_460 = tpu.vector_load %get3A_457[%get3A_458, %get3A_459] {strides = array<i32>} : memref<40x128xf32, #tpu.memory_space<vmem>>, vector<16xf32>,
        %mul3A_461 = arith.mulf %get3A_460, %gather3A : vector<16xf32>
        %swap3A_462 = arith.constant 0 : i32
        %swap3A_463 = arith.constant 0 : i32
        %swap3A_464 = tpu.memref_slice %arg11[%scan3A_309, %swap3A_462, %swap3A_463] : memref<5x40x128xf32, #tpu.memory_space<vmem>> -> memref<1x40x128xf32, #tpu.memory_space<vmem>>
        %swap3A_465 = tpu.memref_squeeze %swap3A_464 : memref<1x40x128xf32, #tpu.memory_space<vmem>> -> memref<40x128xf32, #tpu.memory_space<vmem>>
        %swap3A_466 = arith.index_cast %add3A_438 : i32 to index
        %swap3A_467 = arith.constant 16 : index
        %swap3A_468 = tpu.vector_load %swap3A_465[%swap3A_466, %swap3A_467] {strides = array<i32>} : memref<40x128xf32, #tpu.memory_space<vmem>>, vector<16xf32>,
        tpu.vector_store %swap3A_465[%swap3A_466, %swap3A_467], %mul3A_461 {strides = array<i32>} : memref<40x128xf32, #tpu.memory_space<vmem>>, vector<16xf32>,
        %get3A_469 = arith.constant 0 : i32
        %get3A_470 = arith.constant 0 : i32
        %get3A_471 = tpu.memref_slice %arg11[%scan3A_309, %get3A_469, %get3A_470] : memref<5x40x128xf32, #tpu.memory_space<vmem>> -> memref<1x40x128xf32, #tpu.memory_space<vmem>>
        %get3A_472 = tpu.memref_squeeze %get3A_471 : memref<1x40x128xf32, #tpu.memory_space<vmem>> -> memref<40x128xf32, #tpu.memory_space<vmem>>
        %get3A_473 = arith.index_cast %add3A_438 : i32 to index
        %get3A_474 = arith.constant 32 : index
        %get3A_475 = tpu.vector_load %get3A_472[%get3A_473, %get3A_474] {strides = array<i32>} : memref<40x128xf32, #tpu.memory_space<vmem>>, vector<16xf32>,
        %mul3A_476 = arith.mulf %get3A_475, %gather3A : vector<16xf32>
        %swap3A_477 = arith.constant 0 : i32
        %swap3A_478 = arith.constant 0 : i32
        %swap3A_479 = tpu.memref_slice %arg11[%scan3A_309, %swap3A_477, %swap3A_478] : memref<5x40x128xf32, #tpu.memory_space<vmem>> -> memref<1x40x128xf32, #tpu.memory_space<vmem>>
        %swap3A_480 = tpu.memref_squeeze %swap3A_479 : memref<1x40x128xf32, #tpu.memory_space<vmem>> -> memref<40x128xf32, #tpu.memory_space<vmem>>
        %swap3A_481 = arith.index_cast %add3A_438 : i32 to index
        %swap3A_482 = arith.constant 32 : index
        %swap3A_483 = tpu.vector_load %swap3A_480[%swap3A_481, %swap3A_482] {strides = array<i32>} : memref<40x128xf32, #tpu.memory_space<vmem>>, vector<16xf32>,
        tpu.vector_store %swap3A_480[%swap3A_481, %swap3A_482], %mul3A_476 {strides = array<i32>} : memref<40x128xf32, #tpu.memory_space<vmem>>, vector<16xf32>,
        %get3A_484 = arith.constant 0 : i32
        %get3A_485 = arith.constant 0 : i32
        %get3A_486 = tpu.memref_slice %arg11[%scan3A_309, %get3A_484, %get3A_485] : memref<5x40x128xf32, #tpu.memory_space<vmem>> -> memref<1x40x128xf32, #tpu.memory_space<vmem>>
        %get3A_487 = tpu.memref_squeeze %get3A_486 : memref<1x40x128xf32, #tpu.memory_space<vmem>> -> memref<40x128xf32, #tpu.memory_space<vmem>>
        %get3A_488 = arith.index_cast %add3A_438 : i32 to index
        %get3A_489 = arith.constant 48 : index
        %get3A_490 = tpu.vector_load %get3A_487[%get3A_488, %get3A_489] {strides = array<i32>} : memref<40x128xf32, #tpu.memory_space<vmem>>, vector<16xf32>,
        %mul3A_491 = arith.mulf %get3A_490, %gather3A : vector<16xf32>
        %swap3A_492 = arith.constant 0 : i32
        %swap3A_493 = arith.constant 0 : i32
        %swap3A_494 = tpu.memref_slice %arg11[%scan3A_309, %swap3A_492, %swap3A_493] : memref<5x40x128xf32, #tpu.memory_space<vmem>> -> memref<1x40x128xf32, #tpu.memory_space<vmem>>
        %swap3A_495 = tpu.memref_squeeze %swap3A_494 : memref<1x40x128xf32, #tpu.memory_space<vmem>> -> memref<40x128xf32, #tpu.memory_space<vmem>>
        %swap3A_496 = arith.index_cast %add3A_438 : i32 to index
        %swap3A_497 = arith.constant 48 : index
        %swap3A_498 = tpu.vector_load %swap3A_495[%swap3A_496, %swap3A_497] {strides = array<i32>} : memref<40x128xf32, #tpu.memory_space<vmem>>, vector<16xf32>,
        tpu.vector_store %swap3A_495[%swap3A_496, %swap3A_497], %mul3A_491 {strides = array<i32>} : memref<40x128xf32, #tpu.memory_space<vmem>>, vector<16xf32>,
        %get3A_499 = arith.constant 0 : i32
        %get3A_500 = arith.constant 0 : i32
        %get3A_501 = tpu.memref_slice %arg11[%scan3A_309, %get3A_499, %get3A_500] : memref<5x40x128xf32, #tpu.memory_space<vmem>> -> memref<1x40x128xf32, #tpu.memory_space<vmem>>
        %get3A_502 = tpu.memref_squeeze %get3A_501 : memref<1x40x128xf32, #tpu.memory_space<vmem>> -> memref<40x128xf32, #tpu.memory_space<vmem>>
        %get3A_503 = arith.index_cast %add3A_438 : i32 to index
        %get3A_504 = arith.constant 64 : index
        %get3A_505 = tpu.vector_load %get3A_502[%get3A_503, %get3A_504] {strides = array<i32>} : memref<40x128xf32, #tpu.memory_space<vmem>>, vector<16xf32>,
        %mul3A_506 = arith.mulf %get3A_505, %gather3A : vector<16xf32>
        %swap3A_507 = arith.constant 0 : i32
        %swap3A_508 = arith.constant 0 : i32
        %swap3A_509 = tpu.memref_slice %arg11[%scan3A_309, %swap3A_507, %swap3A_508] : memref<5x40x128xf32, #tpu.memory_space<vmem>> -> memref<1x40x128xf32, #tpu.memory_space<vmem>>
        %swap3A_510 = tpu.memref_squeeze %swap3A_509 : memref<1x40x128xf32, #tpu.memory_space<vmem>> -> memref<40x128xf32, #tpu.memory_space<vmem>>
        %swap3A_511 = arith.index_cast %add3A_438 : i32 to index
        %swap3A_512 = arith.constant 64 : index
        %swap3A_513 = tpu.vector_load %swap3A_510[%swap3A_511, %swap3A_512] {strides = array<i32>} : memref<40x128xf32, #tpu.memory_space<vmem>>, vector<16xf32>,
        tpu.vector_store %swap3A_510[%swap3A_511, %swap3A_512], %mul3A_506 {strides = array<i32>} : memref<40x128xf32, #tpu.memory_space<vmem>>, vector<16xf32>,
        %get3A_514 = arith.constant 0 : i32
        %get3A_515 = arith.constant 0 : i32
        %get3A_516 = tpu.memref_slice %arg11[%scan3A_309, %get3A_514, %get3A_515] : memref<5x40x128xf32, #tpu.memory_space<vmem>> -> memref<1x40x128xf32, #tpu.memory_space<vmem>>
        %get3A_517 = tpu.memref_squeeze %get3A_516 : memref<1x40x128xf32, #tpu.memory_space<vmem>> -> memref<40x128xf32, #tpu.memory_space<vmem>>
        %get3A_518 = arith.index_cast %add3A_438 : i32 to index
        %get3A_519 = arith.constant 80 : index
        %get3A_520 = tpu.vector_load %get3A_517[%get3A_518, %get3A_519] {strides = array<i32>} : memref<40x128xf32, #tpu.memory_space<vmem>>, vector<16xf32>,
        %mul3A_521 = arith.mulf %get3A_520, %gather3A : vector<16xf32>
        %swap3A_522 = arith.constant 0 : i32
        %swap3A_523 = arith.constant 0 : i32
        %swap3A_524 = tpu.memref_slice %arg11[%scan3A_309, %swap3A_522, %swap3A_523] : memref<5x40x128xf32, #tpu.memory_space<vmem>> -> memref<1x40x128xf32, #tpu.memory_space<vmem>>
        %swap3A_525 = tpu.memref_squeeze %swap3A_524 : memref<1x40x128xf32, #tpu.memory_space<vmem>> -> memref<40x128xf32, #tpu.memory_space<vmem>>
        %swap3A_526 = arith.index_cast %add3A_438 : i32 to index
        %swap3A_527 = arith.constant 80 : index
        %swap3A_528 = tpu.vector_load %swap3A_525[%swap3A_526, %swap3A_527] {strides = array<i32>} : memref<40x128xf32, #tpu.memory_space<vmem>>, vector<16xf32>,
        tpu.vector_store %swap3A_525[%swap3A_526, %swap3A_527], %mul3A_521 {strides = array<i32>} : memref<40x128xf32, #tpu.memory_space<vmem>>, vector<16xf32>,
        %get3A_529 = arith.constant 0 : i32
        %get3A_530 = arith.constant 0 : i32
        %get3A_531 = tpu.memref_slice %arg11[%scan3A_309, %get3A_529, %get3A_530] : memref<5x40x128xf32, #tpu.memory_space<vmem>> -> memref<1x40x128xf32, #tpu.memory_space<vmem>>
        %get3A_532 = tpu.memref_squeeze %get3A_531 : memref<1x40x128xf32, #tpu.memory_space<vmem>> -> memref<40x128xf32, #tpu.memory_space<vmem>>
        %get3A_533 = arith.index_cast %add3A_438 : i32 to index
        %get3A_534 = arith.constant 96 : index
        %get3A_535 = tpu.vector_load %get3A_532[%get3A_533, %get3A_534] {strides = array<i32>} : memref<40x128xf32, #tpu.memory_space<vmem>>, vector<16xf32>,
        %mul3A_536 = arith.mulf %get3A_535, %gather3A : vector<16xf32>
        %swap3A_537 = arith.constant 0 : i32
        %swap3A_538 = arith.constant 0 : i32
        %swap3A_539 = tpu.memref_slice %arg11[%scan3A_309, %swap3A_537, %swap3A_538] : memref<5x40x128xf32, #tpu.memory_space<vmem>> -> memref<1x40x128xf32, #tpu.memory_space<vmem>>
        %swap3A_540 = tpu.memref_squeeze %swap3A_539 : memref<1x40x128xf32, #tpu.memory_space<vmem>> -> memref<40x128xf32, #tpu.memory_space<vmem>>
        %swap3A_541 = arith.index_cast %add3A_438 : i32 to index
        %swap3A_542 = arith.constant 96 : index
        %swap3A_543 = tpu.vector_load %swap3A_540[%swap3A_541, %swap3A_542] {strides = array<i32>} : memref<40x128xf32, #tpu.memory_space<vmem>>, vector<16xf32>,
        tpu.vector_store %swap3A_540[%swap3A_541, %swap3A_542], %mul3A_536 {strides = array<i32>} : memref<40x128xf32, #tpu.memory_space<vmem>>, vector<16xf32>,
        %get3A_544 = arith.constant 0 : i32
        %get3A_545 = arith.constant 0 : i32
        %get3A_546 = tpu.memref_slice %arg11[%scan3A_309, %get3A_544, %get3A_545] : memref<5x40x128xf32, #tpu.memory_space<vmem>> -> memref<1x40x128xf32, #tpu.memory_space<vmem>>
        %get3A_547 = tpu.memref_squeeze %get3A_546 : memref<1x40x128xf32, #tpu.memory_space<vmem>> -> memref<40x128xf32, #tpu.memory_space<vmem>>
        %get3A_548 = arith.index_cast %add3A_438 : i32 to index
        %get3A_549 = arith.constant 112 : index
        %get3A_550 = tpu.vector_load %get3A_547[%get3A_548, %get3A_549] {strides = array<i32>} : memref<40x128xf32, #tpu.memory_space<vmem>>, vector<16xf32>,
        %mul3A_551 = arith.mulf %get3A_550, %gather3A : vector<16xf32>
        %swap3A_552 = arith.constant 0 : i32
        %swap3A_553 = arith.constant 0 : i32
        %swap3A_554 = tpu.memref_slice %arg11[%scan3A_309, %swap3A_552, %swap3A_553] : memref<5x40x128xf32, #tpu.memory_space<vmem>> -> memref<1x40x128xf32, #tpu.memory_space<vmem>>
        %swap3A_555 = tpu.memref_squeeze %swap3A_554 : memref<1x40x128xf32, #tpu.memory_space<vmem>> -> memref<40x128xf32, #tpu.memory_space<vmem>>
        %swap3A_556 = arith.index_cast %add3A_438 : i32 to index
        %swap3A_557 = arith.constant 112 : index
        %swap3A_558 = tpu.vector_load %swap3A_555[%swap3A_556, %swap3A_557] {strides = array<i32>} : memref<40x128xf32, #tpu.memory_space<vmem>>, vector<16xf32>,
        tpu.vector_store %swap3A_555[%swap3A_556, %swap3A_557], %mul3A_551 {strides = array<i32>} : memref<40x128xf32, #tpu.memory_space<vmem>>, vector<16xf32>,
        %scan3A_559 = arith.constant 1 : i32
        %scan3A_560 = arith.addi %scan3A_434, %scan3A_559 : i32
        %mul3A_561 = arith.constant 1 : i32
        %mul3A_562 = arith.muli %scan3A_560, %mul3A_561 : i32
        %add3A_563 = arith.constant 0 : i32
        %add3A_564 = arith.addi %add3A_563, %mul3A_562 : i32
        %add3A_565 = arith.constant 256 : i32
        %add3A_566 = arith.addi %add3A_565, %add3A_564 : i32
        %broadcast_in_dim3A_567 = vector.broadcast %add3A_566 : i32 to vector<16xi32>
        %gather3A_568 = tpu.vector_load_idx %arg10[%broadcast_in_dim3A_567] : memref<640xf32, #tpu.memory_space<vmem>>[vector<16xi32>], vector<16xf32>,
        %get3A_569 = arith.constant 0 : i32
        %get3A_570 = arith.constant 0 : i32
        %get3A_571 = tpu.memref_slice %arg11[%scan3A_309, %get3A_569, %get3A_570] : memref<5x40x128xf32, #tpu.memory_space<vmem>> -> memref<1x40x128xf32, #tpu.memory_space<vmem>>
        %get3A_572 = tpu.memref_squeeze %get3A_571 : memref<1x40x128xf32, #tpu.memory_space<vmem>> -> memref<40x128xf32, #tpu.memory_space<vmem>>
        %get3A_573 = arith.index_cast %add3A_564 : i32 to index
        %get3A_574 = arith.constant 0 : index
        %get3A_575 = tpu.vector_load %get3A_572[%get3A_573, %get3A_574] {strides = array<i32>} : memref<40x128xf32, #tpu.memory_space<vmem>>, vector<16xf32>,
        %mul3A_576 = arith.mulf %get3A_575, %gather3A_568 : vector<16xf32>
        %swap3A_577 = arith.constant 0 : i32
        %swap3A_578 = arith.constant 0 : i32
        %swap3A_579 = tpu.memref_slice %arg11[%scan3A_309, %swap3A_577, %swap3A_578] : memref<5x40x128xf32, #tpu.memory_space<vmem>> -> memref<1x40x128xf32, #tpu.memory_space<vmem>>
        %swap3A_580 = tpu.memref_squeeze %swap3A_579 : memref<1x40x128xf32, #tpu.memory_space<vmem>> -> memref<40x128xf32, #tpu.memory_space<vmem>>
        %swap3A_581 = arith.index_cast %add3A_564 : i32 to index
        %swap3A_582 = arith.constant 0 : index
        %swap3A_583 = tpu.vector_load %swap3A_580[%swap3A_581, %swap3A_582] {strides = array<i32>} : memref<40x128xf32, #tpu.memory_space<vmem>>, vector<16xf32>,
        tpu.vector_store %swap3A_580[%swap3A_581, %swap3A_582], %mul3A_576 {strides = array<i32>} : memref<40x128xf32, #tpu.memory_space<vmem>>, vector<16xf32>,
        %get3A_584 = arith.constant 0 : i32
        %get3A_585 = arith.constant 0 : i32
        %get3A_586 = tpu.memref_slice %arg11[%scan3A_309, %get3A_584, %get3A_585] : memref<5x40x128xf32, #tpu.memory_space<vmem>> -> memref<1x40x128xf32, #tpu.memory_space<vmem>>
        %get3A_587 = tpu.memref_squeeze %get3A_586 : memref<1x40x128xf32, #tpu.memory_space<vmem>> -> memref<40x128xf32, #tpu.memory_space<vmem>>
        %get3A_588 = arith.index_cast %add3A_564 : i32 to index
        %get3A_589 = arith.constant 16 : index
        %get3A_590 = tpu.vector_load %get3A_587[%get3A_588, %get3A_589] {strides = array<i32>} : memref<40x128xf32, #tpu.memory_space<vmem>>, vector<16xf32>,
        %mul3A_591 = arith.mulf %get3A_590, %gather3A_568 : vector<16xf32>
        %swap3A_592 = arith.constant 0 : i32
        %swap3A_593 = arith.constant 0 : i32
        %swap3A_594 = tpu.memref_slice %arg11[%scan3A_309, %swap3A_592, %swap3A_593] : memref<5x40x128xf32, #tpu.memory_space<vmem>> -> memref<1x40x128xf32, #tpu.memory_space<vmem>>
        %swap3A_595 = tpu.memref_squeeze %swap3A_594 : memref<1x40x128xf32, #tpu.memory_space<vmem>> -> memref<40x128xf32, #tpu.memory_space<vmem>>
        %swap3A_596 = arith.index_cast %add3A_564 : i32 to index
        %swap3A_597 = arith.constant 16 : index
        %swap3A_598 = tpu.vector_load %swap3A_595[%swap3A_596, %swap3A_597] {strides = array<i32>} : memref<40x128xf32, #tpu.memory_space<vmem>>, vector<16xf32>,
        tpu.vector_store %swap3A_595[%swap3A_596, %swap3A_597], %mul3A_591 {strides = array<i32>} : memref<40x128xf32, #tpu.memory_space<vmem>>, vector<16xf32>,
        %get3A_599 = arith.constant 0 : i32
        %get3A_600 = arith.constant 0 : i32
        %get3A_601 = tpu.memref_slice %arg11[%scan3A_309, %get3A_599, %get3A_600] : memref<5x40x128xf32, #tpu.memory_space<vmem>> -> memref<1x40x128xf32, #tpu.memory_space<vmem>>
        %get3A_602 = tpu.memref_squeeze %get3A_601 : memref<1x40x128xf32, #tpu.memory_space<vmem>> -> memref<40x128xf32, #tpu.memory_space<vmem>>
        %get3A_603 = arith.index_cast %add3A_564 : i32 to index
        %get3A_604 = arith.constant 32 : index
        %get3A_605 = tpu.vector_load %get3A_602[%get3A_603, %get3A_604] {strides = array<i32>} : memref<40x128xf32, #tpu.memory_space<vmem>>, vector<16xf32>,
        %mul3A_606 = arith.mulf %get3A_605, %gather3A_568 : vector<16xf32>
        %swap3A_607 = arith.constant 0 : i32
        %swap3A_608 = arith.constant 0 : i32
        %swap3A_609 = tpu.memref_slice %arg11[%scan3A_309, %swap3A_607, %swap3A_608] : memref<5x40x128xf32, #tpu.memory_space<vmem>> -> memref<1x40x128xf32, #tpu.memory_space<vmem>>
        %swap3A_610 = tpu.memref_squeeze %swap3A_609 : memref<1x40x128xf32, #tpu.memory_space<vmem>> -> memref<40x128xf32, #tpu.memory_space<vmem>>
        %swap3A_611 = arith.index_cast %add3A_564 : i32 to index
        %swap3A_612 = arith.constant 32 : index
        %swap3A_613 = tpu.vector_load %swap3A_610[%swap3A_611, %swap3A_612] {strides = array<i32>} : memref<40x128xf32, #tpu.memory_space<vmem>>, vector<16xf32>,
        tpu.vector_store %swap3A_610[%swap3A_611, %swap3A_612], %mul3A_606 {strides = array<i32>} : memref<40x128xf32, #tpu.memory_space<vmem>>, vector<16xf32>,
        %get3A_614 = arith.constant 0 : i32
        %get3A_615 = arith.constant 0 : i32
        %get3A_616 = tpu.memref_slice %arg11[%scan3A_309, %get3A_614, %get3A_615] : memref<5x40x128xf32, #tpu.memory_space<vmem>> -> memref<1x40x128xf32, #tpu.memory_space<vmem>>
        %get3A_617 = tpu.memref_squeeze %get3A_616 : memref<1x40x128xf32, #tpu.memory_space<vmem>> -> memref<40x128xf32, #tpu.memory_space<vmem>>
        %get3A_618 = arith.index_cast %add3A_564 : i32 to index
        %get3A_619 = arith.constant 48 : index
        %get3A_620 = tpu.vector_load %get3A_617[%get3A_618, %get3A_619] {strides = array<i32>} : memref<40x128xf32, #tpu.memory_space<vmem>>, vector<16xf32>,
        %mul3A_621 = arith.mulf %get3A_620, %gather3A_568 : vector<16xf32>
        %swap3A_622 = arith.constant 0 : i32
        %swap3A_623 = arith.constant 0 : i32
        %swap3A_624 = tpu.memref_slice %arg11[%scan3A_309, %swap3A_622, %swap3A_623] : memref<5x40x128xf32, #tpu.memory_space<vmem>> -> memref<1x40x128xf32, #tpu.memory_space<vmem>>
        %swap3A_625 = tpu.memref_squeeze %swap3A_624 : memref<1x40x128xf32, #tpu.memory_space<vmem>> -> memref<40x128xf32, #tpu.memory_space<vmem>>
        %swap3A_626 = arith.index_cast %add3A_564 : i32 to index
        %swap3A_627 = arith.constant 48 : index
        %swap3A_628 = tpu.vector_load %swap3A_625[%swap3A_626, %swap3A_627] {strides = array<i32>} : memref<40x128xf32, #tpu.memory_space<vmem>>, vector<16xf32>,
        tpu.vector_store %swap3A_625[%swap3A_626, %swap3A_627], %mul3A_621 {strides = array<i32>} : memref<40x128xf32, #tpu.memory_space<vmem>>, vector<16xf32>,
        %get3A_629 = arith.constant 0 : i32
        %get3A_630 = arith.constant 0 : i32
        %get3A_631 = tpu.memref_slice %arg11[%scan3A_309, %get3A_629, %get3A_630] : memref<5x40x128xf32, #tpu.memory_space<vmem>> -> memref<1x40x128xf32, #tpu.memory_space<vmem>>
        %get3A_632 = tpu.memref_squeeze %get3A_631 : memref<1x40x128xf32, #tpu.memory_space<vmem>> -> memref<40x128xf32, #tpu.memory_space<vmem>>
        %get3A_633 = arith.index_cast %add3A_564 : i32 to index
        %get3A_634 = arith.constant 64 : index
        %get3A_635 = tpu.vector_load %get3A_632[%get3A_633, %get3A_634] {strides = array<i32>} : memref<40x128xf32, #tpu.memory_space<vmem>>, vector<16xf32>,
        %mul3A_636 = arith.mulf %get3A_635, %gather3A_568 : vector<16xf32>
        %swap3A_637 = arith.constant 0 : i32
        %swap3A_638 = arith.constant 0 : i32
        %swap3A_639 = tpu.memref_slice %arg11[%scan3A_309, %swap3A_637, %swap3A_638] : memref<5x40x128xf32, #tpu.memory_space<vmem>> -> memref<1x40x128xf32, #tpu.memory_space<vmem>>
        %swap3A_640 = tpu.memref_squeeze %swap3A_639 : memref<1x40x128xf32, #tpu.memory_space<vmem>> -> memref<40x128xf32, #tpu.memory_space<vmem>>
        %swap3A_641 = arith.index_cast %add3A_564 : i32 to index
        %swap3A_642 = arith.constant 64 : index
        %swap3A_643 = tpu.vector_load %swap3A_640[%swap3A_641, %swap3A_642] {strides = array<i32>} : memref<40x128xf32, #tpu.memory_space<vmem>>, vector<16xf32>,
        tpu.vector_store %swap3A_640[%swap3A_641, %swap3A_642], %mul3A_636 {strides = array<i32>} : memref<40x128xf32, #tpu.memory_space<vmem>>, vector<16xf32>,
        %get3A_644 = arith.constant 0 : i32
        %get3A_645 = arith.constant 0 : i32
        %get3A_646 = tpu.memref_slice %arg11[%scan3A_309, %get3A_644, %get3A_645] : memref<5x40x128xf32, #tpu.memory_space<vmem>> -> memref<1x40x128xf32, #tpu.memory_space<vmem>>
        %get3A_647 = tpu.memref_squeeze %get3A_646 : memref<1x40x128xf32, #tpu.memory_space<vmem>> -> memref<40x128xf32, #tpu.memory_space<vmem>>
        %get3A_648 = arith.index_cast %add3A_564 : i32 to index
        %get3A_649 = arith.constant 80 : index
        %get3A_650 = tpu.vector_load %get3A_647[%get3A_648, %get3A_649] {strides = array<i32>} : memref<40x128xf32, #tpu.memory_space<vmem>>, vector<16xf32>,
        %mul3A_651 = arith.mulf %get3A_650, %gather3A_568 : vector<16xf32>
        %swap3A_652 = arith.constant 0 : i32
        %swap3A_653 = arith.constant 0 : i32
        %swap3A_654 = tpu.memref_slice %arg11[%scan3A_309, %swap3A_652, %swap3A_653] : memref<5x40x128xf32, #tpu.memory_space<vmem>> -> memref<1x40x128xf32, #tpu.memory_space<vmem>>
        %swap3A_655 = tpu.memref_squeeze %swap3A_654 : memref<1x40x128xf32, #tpu.memory_space<vmem>> -> memref<40x128xf32, #tpu.memory_space<vmem>>
        %swap3A_656 = arith.index_cast %add3A_564 : i32 to index
        %swap3A_657 = arith.constant 80 : index
        %swap3A_658 = tpu.vector_load %swap3A_655[%swap3A_656, %swap3A_657] {strides = array<i32>} : memref<40x128xf32, #tpu.memory_space<vmem>>, vector<16xf32>,
        tpu.vector_store %swap3A_655[%swap3A_656, %swap3A_657], %mul3A_651 {strides = array<i32>} : memref<40x128xf32, #tpu.memory_space<vmem>>, vector<16xf32>,
        %get3A_659 = arith.constant 0 : i32
        %get3A_660 = arith.constant 0 : i32
        %get3A_661 = tpu.memref_slice %arg11[%scan3A_309, %get3A_659, %get3A_660] : memref<5x40x128xf32, #tpu.memory_space<vmem>> -> memref<1x40x128xf32, #tpu.memory_space<vmem>>
        %get3A_662 = tpu.memref_squeeze %get3A_661 : memref<1x40x128xf32, #tpu.memory_space<vmem>> -> memref<40x128xf32, #tpu.memory_space<vmem>>
        %get3A_663 = arith.index_cast %add3A_564 : i32 to index
        %get3A_664 = arith.constant 96 : index
        %get3A_665 = tpu.vector_load %get3A_662[%get3A_663, %get3A_664] {strides = array<i32>} : memref<40x128xf32, #tpu.memory_space<vmem>>, vector<16xf32>,
        %mul3A_666 = arith.mulf %get3A_665, %gather3A_568 : vector<16xf32>
        %swap3A_667 = arith.constant 0 : i32
        %swap3A_668 = arith.constant 0 : i32
        %swap3A_669 = tpu.memref_slice %arg11[%scan3A_309, %swap3A_667, %swap3A_668] : memref<5x40x128xf32, #tpu.memory_space<vmem>> -> memref<1x40x128xf32, #tpu.memory_space<vmem>>
        %swap3A_670 = tpu.memref_squeeze %swap3A_669 : memref<1x40x128xf32, #tpu.memory_space<vmem>> -> memref<40x128xf32, #tpu.memory_space<vmem>>
        %swap3A_671 = arith.index_cast %add3A_564 : i32 to index
        %swap3A_672 = arith.constant 96 : index
        %swap3A_673 = tpu.vector_load %swap3A_670[%swap3A_671, %swap3A_672] {strides = array<i32>} : memref<40x128xf32, #tpu.memory_space<vmem>>, vector<16xf32>,
        tpu.vector_store %swap3A_670[%swap3A_671, %swap3A_672], %mul3A_666 {strides = array<i32>} : memref<40x128xf32, #tpu.memory_space<vmem>>, vector<16xf32>,
        %get3A_674 = arith.constant 0 : i32
        %get3A_675 = arith.constant 0 : i32
        %get3A_676 = tpu.memref_slice %arg11[%scan3A_309, %get3A_674, %get3A_675] : memref<5x40x128xf32, #tpu.memory_space<vmem>> -> memref<1x40x128xf32, #tpu.memory_space<vmem>>
        %get3A_677 = tpu.memref_squeeze %get3A_676 : memref<1x40x128xf32, #tpu.memory_space<vmem>> -> memref<40x128xf32, #tpu.memory_space<vmem>>
        %get3A_678 = arith.index_cast %add3A_564 : i32 to index
        %get3A_679 = arith.constant 112 : index
        %get3A_680 = tpu.vector_load %get3A_677[%get3A_678, %get3A_679] {strides = array<i32>} : memref<40x128xf32, #tpu.memory_space<vmem>>, vector<16xf32>,
        %mul3A_681 = arith.mulf %get3A_680, %gather3A_568 : vector<16xf32>
        %swap3A_682 = arith.constant 0 : i32
        %swap3A_683 = arith.constant 0 : i32
        %swap3A_684 = tpu.memref_slice %arg11[%scan3A_309, %swap3A_682, %swap3A_683] : memref<5x40x128xf32, #tpu.memory_space<vmem>> -> memref<1x40x128xf32, #tpu.memory_space<vmem>>
        %swap3A_685 = tpu.memref_squeeze %swap3A_684 : memref<1x40x128xf32, #tpu.memory_space<vmem>> -> memref<40x128xf32, #tpu.memory_space<vmem>>
        %swap3A_686 = arith.index_cast %add3A_564 : i32 to index
        %swap3A_687 = arith.constant 112 : index
        %swap3A_688 = tpu.vector_load %swap3A_685[%swap3A_686, %swap3A_687] {strides = array<i32>} : memref<40x128xf32, #tpu.memory_space<vmem>>, vector<16xf32>,
        tpu.vector_store %swap3A_685[%swap3A_686, %swap3A_687], %mul3A_681 {strides = array<i32>} : memref<40x128xf32, #tpu.memory_space<vmem>>, vector<16xf32>,
        %scan3A_689 = arith.constant 2 : i32
        %scan3A_690 = arith.addi %scan3A_434, %scan3A_689 : i32
        %mul3A_691 = arith.constant 1 : i32
        %mul3A_692 = arith.muli %scan3A_690, %mul3A_691 : i32
        %add3A_693 = arith.constant 0 : i32
        %add3A_694 = arith.addi %add3A_693, %mul3A_692 : i32
        %add3A_695 = arith.constant 256 : i32
        %add3A_696 = arith.addi %add3A_695, %add3A_694 : i32
        %broadcast_in_dim3A_697 = vector.broadcast %add3A_696 : i32 to vector<16xi32>
        %gather3A_698 = tpu.vector_load_idx %arg10[%broadcast_in_dim3A_697] : memref<640xf32, #tpu.memory_space<vmem>>[vector<16xi32>], vector<16xf32>,
        %get3A_699 = arith.constant 0 : i32
        %get3A_700 = arith.constant 0 : i32
        %get3A_701 = tpu.memref_slice %arg11[%scan3A_309, %get3A_699, %get3A_700] : memref<5x40x128xf32, #tpu.memory_space<vmem>> -> memref<1x40x128xf32, #tpu.memory_space<vmem>>
        %get3A_702 = tpu.memref_squeeze %get3A_701 : memref<1x40x128xf32, #tpu.memory_space<vmem>> -> memref<40x128xf32, #tpu.memory_space<vmem>>
        %get3A_703 = arith.index_cast %add3A_694 : i32 to index
        %get3A_704 = arith.constant 0 : index
        %get3A_705 = tpu.vector_load %get3A_702[%get3A_703, %get3A_704] {strides = array<i32>} : memref<40x128xf32, #tpu.memory_space<vmem>>, vector<16xf32>,
        %mul3A_706 = arith.mulf %get3A_705, %gather3A_698 : vector<16xf32>
        %swap3A_707 = arith.constant 0 : i32
        %swap3A_708 = arith.constant 0 : i32
        %swap3A_709 = tpu.memref_slice %arg11[%scan3A_309, %swap3A_707, %swap3A_708] : memref<5x40x128xf32, #tpu.memory_space<vmem>> -> memref<1x40x128xf32, #tpu.memory_space<vmem>>
        %swap3A_710 = tpu.memref_squeeze %swap3A_709 : memref<1x40x128xf32, #tpu.memory_space<vmem>> -> memref<40x128xf32, #tpu.memory_space<vmem>>
        %swap3A_711 = arith.index_cast %add3A_694 : i32 to index
        %swap3A_712 = arith.constant 0 : index
        %swap3A_713 = tpu.vector_load %swap3A_710[%swap3A_711, %swap3A_712] {strides = array<i32>} : memref<40x128xf32, #tpu.memory_space<vmem>>, vector<16xf32>,
        tpu.vector_store %swap3A_710[%swap3A_711, %swap3A_712], %mul3A_706 {strides = array<i32>} : memref<40x128xf32, #tpu.memory_space<vmem>>, vector<16xf32>,
        %get3A_714 = arith.constant 0 : i32
        %get3A_715 = arith.constant 0 : i32
        %get3A_716 = tpu.memref_slice %arg11[%scan3A_309, %get3A_714, %get3A_715] : memref<5x40x128xf32, #tpu.memory_space<vmem>> -> memref<1x40x128xf32, #tpu.memory_space<vmem>>
        %get3A_717 = tpu.memref_squeeze %get3A_716 : memref<1x40x128xf32, #tpu.memory_space<vmem>> -> memref<40x128xf32, #tpu.memory_space<vmem>>
        %get3A_718 = arith.index_cast %add3A_694 : i32 to index
        %get3A_719 = arith.constant 16 : index
        %get3A_720 = tpu.vector_load %get3A_717[%get3A_718, %get3A_719] {strides = array<i32>} : memref<40x128xf32, #tpu.memory_space<vmem>>, vector<16xf32>,
        %mul3A_721 = arith.mulf %get3A_720, %gather3A_698 : vector<16xf32>
        %swap3A_722 = arith.constant 0 : i32
        %swap3A_723 = arith.constant 0 : i32
        %swap3A_724 = tpu.memref_slice %arg11[%scan3A_309, %swap3A_722, %swap3A_723] : memref<5x40x128xf32, #tpu.memory_space<vmem>> -> memref<1x40x128xf32, #tpu.memory_space<vmem>>
        %swap3A_725 = tpu.memref_squeeze %swap3A_724 : memref<1x40x128xf32, #tpu.memory_space<vmem>> -> memref<40x128xf32, #tpu.memory_space<vmem>>
        %swap3A_726 = arith.index_cast %add3A_694 : i32 to index
        %swap3A_727 = arith.constant 16 : index
        %swap3A_728 = tpu.vector_load %swap3A_725[%swap3A_726, %swap3A_727] {strides = array<i32>} : memref<40x128xf32, #tpu.memory_space<vmem>>, vector<16xf32>,
        tpu.vector_store %swap3A_725[%swap3A_726, %swap3A_727], %mul3A_721 {strides = array<i32>} : memref<40x128xf32, #tpu.memory_space<vmem>>, vector<16xf32>,
        %get3A_729 = arith.constant 0 : i32
        %get3A_730 = arith.constant 0 : i32
        %get3A_731 = tpu.memref_slice %arg11[%scan3A_309, %get3A_729, %get3A_730] : memref<5x40x128xf32, #tpu.memory_space<vmem>> -> memref<1x40x128xf32, #tpu.memory_space<vmem>>
        %get3A_732 = tpu.memref_squeeze %get3A_731 : memref<1x40x128xf32, #tpu.memory_space<vmem>> -> memref<40x128xf32, #tpu.memory_space<vmem>>
        %get3A_733 = arith.index_cast %add3A_694 : i32 to index
        %get3A_734 = arith.constant 32 : index
        %get3A_735 = tpu.vector_load %get3A_732[%get3A_733, %get3A_734] {strides = array<i32>} : memref<40x128xf32, #tpu.memory_space<vmem>>, vector<16xf32>,
        %mul3A_736 = arith.mulf %get3A_735, %gather3A_698 : vector<16xf32>
        %swap3A_737 = arith.constant 0 : i32
        %swap3A_738 = arith.constant 0 : i32
        %swap3A_739 = tpu.memref_slice %arg11[%scan3A_309, %swap3A_737, %swap3A_738] : memref<5x40x128xf32, #tpu.memory_space<vmem>> -> memref<1x40x128xf32, #tpu.memory_space<vmem>>
        %swap3A_740 = tpu.memref_squeeze %swap3A_739 : memref<1x40x128xf32, #tpu.memory_space<vmem>> -> memref<40x128xf32, #tpu.memory_space<vmem>>
        %swap3A_741 = arith.index_cast %add3A_694 : i32 to index
        %swap3A_742 = arith.constant 32 : index
        %swap3A_743 = tpu.vector_load %swap3A_740[%swap3A_741, %swap3A_742] {strides = array<i32>} : memref<40x128xf32, #tpu.memory_space<vmem>>, vector<16xf32>,
        tpu.vector_store %swap3A_740[%swap3A_741, %swap3A_742], %mul3A_736 {strides = array<i32>} : memref<40x128xf32, #tpu.memory_space<vmem>>, vector<16xf32>,
        %get3A_744 = arith.constant 0 : i32
        %get3A_745 = arith.constant 0 : i32
        %get3A_746 = tpu.memref_slice %arg11[%scan3A_309, %get3A_744, %get3A_745] : memref<5x40x128xf32, #tpu.memory_space<vmem>> -> memref<1x40x128xf32, #tpu.memory_space<vmem>>
        %get3A_747 = tpu.memref_squeeze %get3A_746 : memref<1x40x128xf32, #tpu.memory_space<vmem>> -> memref<40x128xf32, #tpu.memory_space<vmem>>
        %get3A_748 = arith.index_cast %add3A_694 : i32 to index
        %get3A_749 = arith.constant 48 : index
        %get3A_750 = tpu.vector_load %get3A_747[%get3A_748, %get3A_749] {strides = array<i32>} : memref<40x128xf32, #tpu.memory_space<vmem>>, vector<16xf32>,
        %mul3A_751 = arith.mulf %get3A_750, %gather3A_698 : vector<16xf32>
        %swap3A_752 = arith.constant 0 : i32
        %swap3A_753 = arith.constant 0 : i32
        %swap3A_754 = tpu.memref_slice %arg11[%scan3A_309, %swap3A_752, %swap3A_753] : memref<5x40x128xf32, #tpu.memory_space<vmem>> -> memref<1x40x128xf32, #tpu.memory_space<vmem>>
        %swap3A_755 = tpu.memref_squeeze %swap3A_754 : memref<1x40x128xf32, #tpu.memory_space<vmem>> -> memref<40x128xf32, #tpu.memory_space<vmem>>
        %swap3A_756 = arith.index_cast %add3A_694 : i32 to index
        %swap3A_757 = arith.constant 48 : index
        %swap3A_758 = tpu.vector_load %swap3A_755[%swap3A_756, %swap3A_757] {strides = array<i32>} : memref<40x128xf32, #tpu.memory_space<vmem>>, vector<16xf32>,
        tpu.vector_store %swap3A_755[%swap3A_756, %swap3A_757], %mul3A_751 {strides = array<i32>} : memref<40x128xf32, #tpu.memory_space<vmem>>, vector<16xf32>,
        %get3A_759 = arith.constant 0 : i32
        %get3A_760 = arith.constant 0 : i32
        %get3A_761 = tpu.memref_slice %arg11[%scan3A_309, %get3A_759, %get3A_760] : memref<5x40x128xf32, #tpu.memory_space<vmem>> -> memref<1x40x128xf32, #tpu.memory_space<vmem>>
        %get3A_762 = tpu.memref_squeeze %get3A_761 : memref<1x40x128xf32, #tpu.memory_space<vmem>> -> memref<40x128xf32, #tpu.memory_space<vmem>>
        %get3A_763 = arith.index_cast %add3A_694 : i32 to index
        %get3A_764 = arith.constant 64 : index
        %get3A_765 = tpu.vector_load %get3A_762[%get3A_763, %get3A_764] {strides = array<i32>} : memref<40x128xf32, #tpu.memory_space<vmem>>, vector<16xf32>,
        %mul3A_766 = arith.mulf %get3A_765, %gather3A_698 : vector<16xf32>
        %swap3A_767 = arith.constant 0 : i32
        %swap3A_768 = arith.constant 0 : i32
        %swap3A_769 = tpu.memref_slice %arg11[%scan3A_309, %swap3A_767, %swap3A_768] : memref<5x40x128xf32, #tpu.memory_space<vmem>> -> memref<1x40x128xf32, #tpu.memory_space<vmem>>
        %swap3A_770 = tpu.memref_squeeze %swap3A_769 : memref<1x40x128xf32, #tpu.memory_space<vmem>> -> memref<40x128xf32, #tpu.memory_space<vmem>>
        %swap3A_771 = arith.index_cast %add3A_694 : i32 to index
        %swap3A_772 = arith.constant 64 : index
        %swap3A_773 = tpu.vector_load %swap3A_770[%swap3A_771, %swap3A_772] {strides = array<i32>} : memref<40x128xf32, #tpu.memory_space<vmem>>, vector<16xf32>,
        tpu.vector_store %swap3A_770[%swap3A_771, %swap3A_772], %mul3A_766 {strides = array<i32>} : memref<40x128xf32, #tpu.memory_space<vmem>>, vector<16xf32>,
        %get3A_774 = arith.constant 0 : i32
        %get3A_775 = arith.constant 0 : i32
        %get3A_776 = tpu.memref_slice %arg11[%scan3A_309, %get3A_774, %get3A_775] : memref<5x40x128xf32, #tpu.memory_space<vmem>> -> memref<1x40x128xf32, #tpu.memory_space<vmem>>
        %get3A_777 = tpu.memref_squeeze %get3A_776 : memref<1x40x128xf32, #tpu.memory_space<vmem>> -> memref<40x128xf32, #tpu.memory_space<vmem>>
        %get3A_778 = arith.index_cast %add3A_694 : i32 to index
        %get3A_779 = arith.constant 80 : index
        %get3A_780 = tpu.vector_load %get3A_777[%get3A_778, %get3A_779] {strides = array<i32>} : memref<40x128xf32, #tpu.memory_space<vmem>>, vector<16xf32>,
        %mul3A_781 = arith.mulf %get3A_780, %gather3A_698 : vector<16xf32>
        %swap3A_782 = arith.constant 0 : i32
        %swap3A_783 = arith.constant 0 : i32
        %swap3A_784 = tpu.memref_slice %arg11[%scan3A_309, %swap3A_782, %swap3A_783] : memref<5x40x128xf32, #tpu.memory_space<vmem>> -> memref<1x40x128xf32, #tpu.memory_space<vmem>>
        %swap3A_785 = tpu.memref_squeeze %swap3A_784 : memref<1x40x128xf32, #tpu.memory_space<vmem>> -> memref<40x128xf32, #tpu.memory_space<vmem>>
        %swap3A_786 = arith.index_cast %add3A_694 : i32 to index
        %swap3A_787 = arith.constant 80 : index
        %swap3A_788 = tpu.vector_load %swap3A_785[%swap3A_786, %swap3A_787] {strides = array<i32>} : memref<40x128xf32, #tpu.memory_space<vmem>>, vector<16xf32>,
        tpu.vector_store %swap3A_785[%swap3A_786, %swap3A_787], %mul3A_781 {strides = array<i32>} : memref<40x128xf32, #tpu.memory_space<vmem>>, vector<16xf32>,
        %get3A_789 = arith.constant 0 : i32
        %get3A_790 = arith.constant 0 : i32
        %get3A_791 = tpu.memref_slice %arg11[%scan3A_309, %get3A_789, %get3A_790] : memref<5x40x128xf32, #tpu.memory_space<vmem>> -> memref<1x40x128xf32, #tpu.memory_space<vmem>>
        %get3A_792 = tpu.memref_squeeze %get3A_791 : memref<1x40x128xf32, #tpu.memory_space<vmem>> -> memref<40x128xf32, #tpu.memory_space<vmem>>
        %get3A_793 = arith.index_cast %add3A_694 : i32 to index
        %get3A_794 = arith.constant 96 : index
        %get3A_795 = tpu.vector_load %get3A_792[%get3A_793, %get3A_794] {strides = array<i32>} : memref<40x128xf32, #tpu.memory_space<vmem>>, vector<16xf32>,
        %mul3A_796 = arith.mulf %get3A_795, %gather3A_698 : vector<16xf32>
        %swap3A_797 = arith.constant 0 : i32
        %swap3A_798 = arith.constant 0 : i32
        %swap3A_799 = tpu.memref_slice %arg11[%scan3A_309, %swap3A_797, %swap3A_798] : memref<5x40x128xf32, #tpu.memory_space<vmem>> -> memref<1x40x128xf32, #tpu.memory_space<vmem>>
        %swap3A_800 = tpu.memref_squeeze %swap3A_799 : memref<1x40x128xf32, #tpu.memory_space<vmem>> -> memref<40x128xf32, #tpu.memory_space<vmem>>
        %swap3A_801 = arith.index_cast %add3A_694 : i32 to index
        %swap3A_802 = arith.constant 96 : index
        %swap3A_803 = tpu.vector_load %swap3A_800[%swap3A_801, %swap3A_802] {strides = array<i32>} : memref<40x128xf32, #tpu.memory_space<vmem>>, vector<16xf32>,
        tpu.vector_store %swap3A_800[%swap3A_801, %swap3A_802], %mul3A_796 {strides = array<i32>} : memref<40x128xf32, #tpu.memory_space<vmem>>, vector<16xf32>,
        %get3A_804 = arith.constant 0 : i32
        %get3A_805 = arith.constant 0 : i32
        %get3A_806 = tpu.memref_slice %arg11[%scan3A_309, %get3A_804, %get3A_805] : memref<5x40x128xf32, #tpu.memory_space<vmem>> -> memref<1x40x128xf32, #tpu.memory_space<vmem>>
        %get3A_807 = tpu.memref_squeeze %get3A_806 : memref<1x40x128xf32, #tpu.memory_space<vmem>> -> memref<40x128xf32, #tpu.memory_space<vmem>>
        %get3A_808 = arith.index_cast %add3A_694 : i32 to index
        %get3A_809 = arith.constant 112 : index
        %get3A_810 = tpu.vector_load %get3A_807[%get3A_808, %get3A_809] {strides = array<i32>} : memref<40x128xf32, #tpu.memory_space<vmem>>, vector<16xf32>,
        %mul3A_811 = arith.mulf %get3A_810, %gather3A_698 : vector<16xf32>
        %swap3A_812 = arith.constant 0 : i32
        %swap3A_813 = arith.constant 0 : i32
        %swap3A_814 = tpu.memref_slice %arg11[%scan3A_309, %swap3A_812, %swap3A_813] : memref<5x40x128xf32, #tpu.memory_space<vmem>> -> memref<1x40x128xf32, #tpu.memory_space<vmem>>
        %swap3A_815 = tpu.memref_squeeze %swap3A_814 : memref<1x40x128xf32, #tpu.memory_space<vmem>> -> memref<40x128xf32, #tpu.memory_space<vmem>>
        %swap3A_816 = arith.index_cast %add3A_694 : i32 to index
        %swap3A_817 = arith.constant 112 : index
        %swap3A_818 = tpu.vector_load %swap3A_815[%swap3A_816, %swap3A_817] {strides = array<i32>} : memref<40x128xf32, #tpu.memory_space<vmem>>, vector<16xf32>,
        tpu.vector_store %swap3A_815[%swap3A_816, %swap3A_817], %mul3A_811 {strides = array<i32>} : memref<40x128xf32, #tpu.memory_space<vmem>>, vector<16xf32>,
        %scan3A_819 = arith.constant 3 : i32
        %scan3A_820 = arith.addi %scan3A_434, %scan3A_819 : i32
        %mul3A_821 = arith.constant 1 : i32
        %mul3A_822 = arith.muli %scan3A_820, %mul3A_821 : i32
        %add3A_823 = arith.constant 0 : i32
        %add3A_824 = arith.addi %add3A_823, %mul3A_822 : i32
        %add3A_825 = arith.constant 256 : i32
        %add3A_826 = arith.addi %add3A_825, %add3A_824 : i32
        %broadcast_in_dim3A_827 = vector.broadcast %add3A_826 : i32 to vector<16xi32>
        %gather3A_828 = tpu.vector_load_idx %arg10[%broadcast_in_dim3A_827] : memref<640xf32, #tpu.memory_space<vmem>>[vector<16xi32>], vector<16xf32>,
        %get3A_829 = arith.constant 0 : i32
        %get3A_830 = arith.constant 0 : i32
        %get3A_831 = tpu.memref_slice %arg11[%scan3A_309, %get3A_829, %get3A_830] : memref<5x40x128xf32, #tpu.memory_space<vmem>> -> memref<1x40x128xf32, #tpu.memory_space<vmem>>
        %get3A_832 = tpu.memref_squeeze %get3A_831 : memref<1x40x128xf32, #tpu.memory_space<vmem>> -> memref<40x128xf32, #tpu.memory_space<vmem>>
        %get3A_833 = arith.index_cast %add3A_824 : i32 to index
        %get3A_834 = arith.constant 0 : index
        %get3A_835 = tpu.vector_load %get3A_832[%get3A_833, %get3A_834] {strides = array<i32>} : memref<40x128xf32, #tpu.memory_space<vmem>>, vector<16xf32>,
        %mul3A_836 = arith.mulf %get3A_835, %gather3A_828 : vector<16xf32>
        %swap3A_837 = arith.constant 0 : i32
        %swap3A_838 = arith.constant 0 : i32
        %swap3A_839 = tpu.memref_slice %arg11[%scan3A_309, %swap3A_837, %swap3A_838] : memref<5x40x128xf32, #tpu.memory_space<vmem>> -> memref<1x40x128xf32, #tpu.memory_space<vmem>>
        %swap3A_840 = tpu.memref_squeeze %swap3A_839 : memref<1x40x128xf32, #tpu.memory_space<vmem>> -> memref<40x128xf32, #tpu.memory_space<vmem>>
        %swap3A_841 = arith.index_cast %add3A_824 : i32 to index
        %swap3A_842 = arith.constant 0 : index
        %swap3A_843 = tpu.vector_load %swap3A_840[%swap3A_841, %swap3A_842] {strides = array<i32>} : memref<40x128xf32, #tpu.memory_space<vmem>>, vector<16xf32>,
        tpu.vector_store %swap3A_840[%swap3A_841, %swap3A_842], %mul3A_836 {strides = array<i32>} : memref<40x128xf32, #tpu.memory_space<vmem>>, vector<16xf32>,
        %get3A_844 = arith.constant 0 : i32
        %get3A_845 = arith.constant 0 : i32
        %get3A_846 = tpu.memref_slice %arg11[%scan3A_309, %get3A_844, %get3A_845] : memref<5x40x128xf32, #tpu.memory_space<vmem>> -> memref<1x40x128xf32, #tpu.memory_space<vmem>>
        %get3A_847 = tpu.memref_squeeze %get3A_846 : memref<1x40x128xf32, #tpu.memory_space<vmem>> -> memref<40x128xf32, #tpu.memory_space<vmem>>
        %get3A_848 = arith.index_cast %add3A_824 : i32 to index
        %get3A_849 = arith.constant 16 : index
        %get3A_850 = tpu.vector_load %get3A_847[%get3A_848, %get3A_849] {strides = array<i32>} : memref<40x128xf32, #tpu.memory_space<vmem>>, vector<16xf32>,
        %mul3A_851 = arith.mulf %get3A_850, %gather3A_828 : vector<16xf32>
        %swap3A_852 = arith.constant 0 : i32
        %swap3A_853 = arith.constant 0 : i32
        %swap3A_854 = tpu.memref_slice %arg11[%scan3A_309, %swap3A_852, %swap3A_853] : memref<5x40x128xf32, #tpu.memory_space<vmem>> -> memref<1x40x128xf32, #tpu.memory_space<vmem>>
        %swap3A_855 = tpu.memref_squeeze %swap3A_854 : memref<1x40x128xf32, #tpu.memory_space<vmem>> -> memref<40x128xf32, #tpu.memory_space<vmem>>
        %swap3A_856 = arith.index_cast %add3A_824 : i32 to index
        %swap3A_857 = arith.constant 16 : index
        %swap3A_858 = tpu.vector_load %swap3A_855[%swap3A_856, %swap3A_857] {strides = array<i32>} : memref<40x128xf32, #tpu.memory_space<vmem>>, vector<16xf32>,
        tpu.vector_store %swap3A_855[%swap3A_856, %swap3A_857], %mul3A_851 {strides = array<i32>} : memref<40x128xf32, #tpu.memory_space<vmem>>, vector<16xf32>,
        %get3A_859 = arith.constant 0 : i32
        %get3A_860 = arith.constant 0 : i32
        %get3A_861 = tpu.memref_slice %arg11[%scan3A_309, %get3A_859, %get3A_860] : memref<5x40x128xf32, #tpu.memory_space<vmem>> -> memref<1x40x128xf32, #tpu.memory_space<vmem>>
        %get3A_862 = tpu.memref_squeeze %get3A_861 : memref<1x40x128xf32, #tpu.memory_space<vmem>> -> memref<40x128xf32, #tpu.memory_space<vmem>>
        %get3A_863 = arith.index_cast %add3A_824 : i32 to index
        %get3A_864 = arith.constant 32 : index
        %get3A_865 = tpu.vector_load %get3A_862[%get3A_863, %get3A_864] {strides = array<i32>} : memref<40x128xf32, #tpu.memory_space<vmem>>, vector<16xf32>,
        %mul3A_866 = arith.mulf %get3A_865, %gather3A_828 : vector<16xf32>
        %swap3A_867 = arith.constant 0 : i32
        %swap3A_868 = arith.constant 0 : i32
        %swap3A_869 = tpu.memref_slice %arg11[%scan3A_309, %swap3A_867, %swap3A_868] : memref<5x40x128xf32, #tpu.memory_space<vmem>> -> memref<1x40x128xf32, #tpu.memory_space<vmem>>
        %swap3A_870 = tpu.memref_squeeze %swap3A_869 : memref<1x40x128xf32, #tpu.memory_space<vmem>> -> memref<40x128xf32, #tpu.memory_space<vmem>>
        %swap3A_871 = arith.index_cast %add3A_824 : i32 to index
        %swap3A_872 = arith.constant 32 : index
        %swap3A_873 = tpu.vector_load %swap3A_870[%swap3A_871, %swap3A_872] {strides = array<i32>} : memref<40x128xf32, #tpu.memory_space<vmem>>, vector<16xf32>,
        tpu.vector_store %swap3A_870[%swap3A_871, %swap3A_872], %mul3A_866 {strides = array<i32>} : memref<40x128xf32, #tpu.memory_space<vmem>>, vector<16xf32>,
        %get3A_874 = arith.constant 0 : i32
        %get3A_875 = arith.constant 0 : i32
        %get3A_876 = tpu.memref_slice %arg11[%scan3A_309, %get3A_874, %get3A_875] : memref<5x40x128xf32, #tpu.memory_space<vmem>> -> memref<1x40x128xf32, #tpu.memory_space<vmem>>
        %get3A_877 = tpu.memref_squeeze %get3A_876 : memref<1x40x128xf32, #tpu.memory_space<vmem>> -> memref<40x128xf32, #tpu.memory_space<vmem>>
        %get3A_878 = arith.index_cast %add3A_824 : i32 to index
        %get3A_879 = arith.constant 48 : index
        %get3A_880 = tpu.vector_load %get3A_877[%get3A_878, %get3A_879] {strides = array<i32>} : memref<40x128xf32, #tpu.memory_space<vmem>>, vector<16xf32>,
        %mul3A_881 = arith.mulf %get3A_880, %gather3A_828 : vector<16xf32>
        %swap3A_882 = arith.constant 0 : i32
        %swap3A_883 = arith.constant 0 : i32
        %swap3A_884 = tpu.memref_slice %arg11[%scan3A_309, %swap3A_882, %swap3A_883] : memref<5x40x128xf32, #tpu.memory_space<vmem>> -> memref<1x40x128xf32, #tpu.memory_space<vmem>>
        %swap3A_885 = tpu.memref_squeeze %swap3A_884 : memref<1x40x128xf32, #tpu.memory_space<vmem>> -> memref<40x128xf32, #tpu.memory_space<vmem>>
        %swap3A_886 = arith.index_cast %add3A_824 : i32 to index
        %swap3A_887 = arith.constant 48 : index
        %swap3A_888 = tpu.vector_load %swap3A_885[%swap3A_886, %swap3A_887] {strides = array<i32>} : memref<40x128xf32, #tpu.memory_space<vmem>>, vector<16xf32>,
        tpu.vector_store %swap3A_885[%swap3A_886, %swap3A_887], %mul3A_881 {strides = array<i32>} : memref<40x128xf32, #tpu.memory_space<vmem>>, vector<16xf32>,
        %get3A_889 = arith.constant 0 : i32
        %get3A_890 = arith.constant 0 : i32
        %get3A_891 = tpu.memref_slice %arg11[%scan3A_309, %get3A_889, %get3A_890] : memref<5x40x128xf32, #tpu.memory_space<vmem>> -> memref<1x40x128xf32, #tpu.memory_space<vmem>>
        %get3A_892 = tpu.memref_squeeze %get3A_891 : memref<1x40x128xf32, #tpu.memory_space<vmem>> -> memref<40x128xf32, #tpu.memory_space<vmem>>
        %get3A_893 = arith.index_cast %add3A_824 : i32 to index
        %get3A_894 = arith.constant 64 : index
        %get3A_895 = tpu.vector_load %get3A_892[%get3A_893, %get3A_894] {strides = array<i32>} : memref<40x128xf32, #tpu.memory_space<vmem>>, vector<16xf32>,
        %mul3A_896 = arith.mulf %get3A_895, %gather3A_828 : vector<16xf32>
        %swap3A_897 = arith.constant 0 : i32
        %swap3A_898 = arith.constant 0 : i32
        %swap3A_899 = tpu.memref_slice %arg11[%scan3A_309, %swap3A_897, %swap3A_898] : memref<5x40x128xf32, #tpu.memory_space<vmem>> -> memref<1x40x128xf32, #tpu.memory_space<vmem>>
        %swap3A_900 = tpu.memref_squeeze %swap3A_899 : memref<1x40x128xf32, #tpu.memory_space<vmem>> -> memref<40x128xf32, #tpu.memory_space<vmem>>
        %swap3A_901 = arith.index_cast %add3A_824 : i32 to index
        %swap3A_902 = arith.constant 64 : index
        %swap3A_903 = tpu.vector_load %swap3A_900[%swap3A_901, %swap3A_902] {strides = array<i32>} : memref<40x128xf32, #tpu.memory_space<vmem>>, vector<16xf32>,
        tpu.vector_store %swap3A_900[%swap3A_901, %swap3A_902], %mul3A_896 {strides = array<i32>} : memref<40x128xf32, #tpu.memory_space<vmem>>, vector<16xf32>,
        %get3A_904 = arith.constant 0 : i32
        %get3A_905 = arith.constant 0 : i32
        %get3A_906 = tpu.memref_slice %arg11[%scan3A_309, %get3A_904, %get3A_905] : memref<5x40x128xf32, #tpu.memory_space<vmem>> -> memref<1x40x128xf32, #tpu.memory_space<vmem>>
        %get3A_907 = tpu.memref_squeeze %get3A_906 : memref<1x40x128xf32, #tpu.memory_space<vmem>> -> memref<40x128xf32, #tpu.memory_space<vmem>>
        %get3A_908 = arith.index_cast %add3A_824 : i32 to index
        %get3A_909 = arith.constant 80 : index
        %get3A_910 = tpu.vector_load %get3A_907[%get3A_908, %get3A_909] {strides = array<i32>} : memref<40x128xf32, #tpu.memory_space<vmem>>, vector<16xf32>,
        %mul3A_911 = arith.mulf %get3A_910, %gather3A_828 : vector<16xf32>
        %swap3A_912 = arith.constant 0 : i32
        %swap3A_913 = arith.constant 0 : i32
        %swap3A_914 = tpu.memref_slice %arg11[%scan3A_309, %swap3A_912, %swap3A_913] : memref<5x40x128xf32, #tpu.memory_space<vmem>> -> memref<1x40x128xf32, #tpu.memory_space<vmem>>
        %swap3A_915 = tpu.memref_squeeze %swap3A_914 : memref<1x40x128xf32, #tpu.memory_space<vmem>> -> memref<40x128xf32, #tpu.memory_space<vmem>>
        %swap3A_916 = arith.index_cast %add3A_824 : i32 to index
        %swap3A_917 = arith.constant 80 : index
        %swap3A_918 = tpu.vector_load %swap3A_915[%swap3A_916, %swap3A_917] {strides = array<i32>} : memref<40x128xf32, #tpu.memory_space<vmem>>, vector<16xf32>,
        tpu.vector_store %swap3A_915[%swap3A_916, %swap3A_917], %mul3A_911 {strides = array<i32>} : memref<40x128xf32, #tpu.memory_space<vmem>>, vector<16xf32>,
        %get3A_919 = arith.constant 0 : i32
        %get3A_920 = arith.constant 0 : i32
        %get3A_921 = tpu.memref_slice %arg11[%scan3A_309, %get3A_919, %get3A_920] : memref<5x40x128xf32, #tpu.memory_space<vmem>> -> memref<1x40x128xf32, #tpu.memory_space<vmem>>
        %get3A_922 = tpu.memref_squeeze %get3A_921 : memref<1x40x128xf32, #tpu.memory_space<vmem>> -> memref<40x128xf32, #tpu.memory_space<vmem>>
        %get3A_923 = arith.index_cast %add3A_824 : i32 to index
        %get3A_924 = arith.constant 96 : index
        %get3A_925 = tpu.vector_load %get3A_922[%get3A_923, %get3A_924] {strides = array<i32>} : memref<40x128xf32, #tpu.memory_space<vmem>>, vector<16xf32>,
        %mul3A_926 = arith.mulf %get3A_925, %gather3A_828 : vector<16xf32>
        %swap3A_927 = arith.constant 0 : i32
        %swap3A_928 = arith.constant 0 : i32
        %swap3A_929 = tpu.memref_slice %arg11[%scan3A_309, %swap3A_927, %swap3A_928] : memref<5x40x128xf32, #tpu.memory_space<vmem>> -> memref<1x40x128xf32, #tpu.memory_space<vmem>>
        %swap3A_930 = tpu.memref_squeeze %swap3A_929 : memref<1x40x128xf32, #tpu.memory_space<vmem>> -> memref<40x128xf32, #tpu.memory_space<vmem>>
        %swap3A_931 = arith.index_cast %add3A_824 : i32 to index
        %swap3A_932 = arith.constant 96 : index
        %swap3A_933 = tpu.vector_load %swap3A_930[%swap3A_931, %swap3A_932] {strides = array<i32>} : memref<40x128xf32, #tpu.memory_space<vmem>>, vector<16xf32>,
        tpu.vector_store %swap3A_930[%swap3A_931, %swap3A_932], %mul3A_926 {strides = array<i32>} : memref<40x128xf32, #tpu.memory_space<vmem>>, vector<16xf32>,
        %get3A_934 = arith.constant 0 : i32
        %get3A_935 = arith.constant 0 : i32
        %get3A_936 = tpu.memref_slice %arg11[%scan3A_309, %get3A_934, %get3A_935] : memref<5x40x128xf32, #tpu.memory_space<vmem>> -> memref<1x40x128xf32, #tpu.memory_space<vmem>>
        %get3A_937 = tpu.memref_squeeze %get3A_936 : memref<1x40x128xf32, #tpu.memory_space<vmem>> -> memref<40x128xf32, #tpu.memory_space<vmem>>
        %get3A_938 = arith.index_cast %add3A_824 : i32 to index
        %get3A_939 = arith.constant 112 : index
        %get3A_940 = tpu.vector_load %get3A_937[%get3A_938, %get3A_939] {strides = array<i32>} : memref<40x128xf32, #tpu.memory_space<vmem>>, vector<16xf32>,
        %mul3A_941 = arith.mulf %get3A_940, %gather3A_828 : vector<16xf32>
        %swap3A_942 = arith.constant 0 : i32
        %swap3A_943 = arith.constant 0 : i32
        %swap3A_944 = tpu.memref_slice %arg11[%scan3A_309, %swap3A_942, %swap3A_943] : memref<5x40x128xf32, #tpu.memory_space<vmem>> -> memref<1x40x128xf32, #tpu.memory_space<vmem>>
        %swap3A_945 = tpu.memref_squeeze %swap3A_944 : memref<1x40x128xf32, #tpu.memory_space<vmem>> -> memref<40x128xf32, #tpu.memory_space<vmem>>
        %swap3A_946 = arith.index_cast %add3A_824 : i32 to index
        %swap3A_947 = arith.constant 112 : index
        %swap3A_948 = tpu.vector_load %swap3A_945[%swap3A_946, %swap3A_947] {strides = array<i32>} : memref<40x128xf32, #tpu.memory_space<vmem>>, vector<16xf32>,
        tpu.vector_store %swap3A_945[%swap3A_946, %swap3A_947], %mul3A_941 {strides = array<i32>} : memref<40x128xf32, #tpu.memory_space<vmem>>, vector<16xf32>,
        %scan3A_949 = arith.constant 4 : i32
        %scan3A_950 = arith.addi %scan3A_434, %scan3A_949 : i32
        %mul3A_951 = arith.constant 1 : i32
        %mul3A_952 = arith.muli %scan3A_950, %mul3A_951 : i32
        %add3A_953 = arith.constant 0 : i32
        %add3A_954 = arith.addi %add3A_953, %mul3A_952 : i32
        %add3A_955 = arith.constant 256 : i32
        %add3A_956 = arith.addi %add3A_955, %add3A_954 : i32
        %broadcast_in_dim3A_957 = vector.broadcast %add3A_956 : i32 to vector<16xi32>
        %gather3A_958 = tpu.vector_load_idx %arg10[%broadcast_in_dim3A_957] : memref<640xf32, #tpu.memory_space<vmem>>[vector<16xi32>], vector<16xf32>,
        %get3A_959 = arith.constant 0 : i32
        %get3A_960 = arith.constant 0 : i32
        %get3A_961 = tpu.memref_slice %arg11[%scan3A_309, %get3A_959, %get3A_960] : memref<5x40x128xf32, #tpu.memory_space<vmem>> -> memref<1x40x128xf32, #tpu.memory_space<vmem>>
        %get3A_962 = tpu.memref_squeeze %get3A_961 : memref<1x40x128xf32, #tpu.memory_space<vmem>> -> memref<40x128xf32, #tpu.memory_space<vmem>>
        %get3A_963 = arith.index_cast %add3A_954 : i32 to index
        %get3A_964 = arith.constant 0 : index
        %get3A_965 = tpu.vector_load %get3A_962[%get3A_963, %get3A_964] {strides = array<i32>} : memref<40x128xf32, #tpu.memory_space<vmem>>, vector<16xf32>,
        %mul3A_966 = arith.mulf %get3A_965, %gather3A_958 : vector<16xf32>
        %swap3A_967 = arith.constant 0 : i32
        %swap3A_968 = arith.constant 0 : i32
        %swap3A_969 = tpu.memref_slice %arg11[%scan3A_309, %swap3A_967, %swap3A_968] : memref<5x40x128xf32, #tpu.memory_space<vmem>> -> memref<1x40x128xf32, #tpu.memory_space<vmem>>
        %swap3A_970 = tpu.memref_squeeze %swap3A_969 : memref<1x40x128xf32, #tpu.memory_space<vmem>> -> memref<40x128xf32, #tpu.memory_space<vmem>>
        %swap3A_971 = arith.index_cast %add3A_954 : i32 to index
        %swap3A_972 = arith.constant 0 : index
        %swap3A_973 = tpu.vector_load %swap3A_970[%swap3A_971, %swap3A_972] {strides = array<i32>} : memref<40x128xf32, #tpu.memory_space<vmem>>, vector<16xf32>,
        tpu.vector_store %swap3A_970[%swap3A_971, %swap3A_972], %mul3A_966 {strides = array<i32>} : memref<40x128xf32, #tpu.memory_space<vmem>>, vector<16xf32>,
        %get3A_974 = arith.constant 0 : i32
        %get3A_975 = arith.constant 0 : i32
        %get3A_976 = tpu.memref_slice %arg11[%scan3A_309, %get3A_974, %get3A_975] : memref<5x40x128xf32, #tpu.memory_space<vmem>> -> memref<1x40x128xf32, #tpu.memory_space<vmem>>
        %get3A_977 = tpu.memref_squeeze %get3A_976 : memref<1x40x128xf32, #tpu.memory_space<vmem>> -> memref<40x128xf32, #tpu.memory_space<vmem>>
        %get3A_978 = arith.index_cast %add3A_954 : i32 to index
        %get3A_979 = arith.constant 16 : index
        %get3A_980 = tpu.vector_load %get3A_977[%get3A_978, %get3A_979] {strides = array<i32>} : memref<40x128xf32, #tpu.memory_space<vmem>>, vector<16xf32>,
        %mul3A_981 = arith.mulf %get3A_980, %gather3A_958 : vector<16xf32>
        %swap3A_982 = arith.constant 0 : i32
        %swap3A_983 = arith.constant 0 : i32
        %swap3A_984 = tpu.memref_slice %arg11[%scan3A_309, %swap3A_982, %swap3A_983] : memref<5x40x128xf32, #tpu.memory_space<vmem>> -> memref<1x40x128xf32, #tpu.memory_space<vmem>>
        %swap3A_985 = tpu.memref_squeeze %swap3A_984 : memref<1x40x128xf32, #tpu.memory_space<vmem>> -> memref<40x128xf32, #tpu.memory_space<vmem>>
        %swap3A_986 = arith.index_cast %add3A_954 : i32 to index
        %swap3A_987 = arith.constant 16 : index
        %swap3A_988 = tpu.vector_load %swap3A_985[%swap3A_986, %swap3A_987] {strides = array<i32>} : memref<40x128xf32, #tpu.memory_space<vmem>>, vector<16xf32>,
        tpu.vector_store %swap3A_985[%swap3A_986, %swap3A_987], %mul3A_981 {strides = array<i32>} : memref<40x128xf32, #tpu.memory_space<vmem>>, vector<16xf32>,
        %get3A_989 = arith.constant 0 : i32
        %get3A_990 = arith.constant 0 : i32
        %get3A_991 = tpu.memref_slice %arg11[%scan3A_309, %get3A_989, %get3A_990] : memref<5x40x128xf32, #tpu.memory_space<vmem>> -> memref<1x40x128xf32, #tpu.memory_space<vmem>>
        %get3A_992 = tpu.memref_squeeze %get3A_991 : memref<1x40x128xf32, #tpu.memory_space<vmem>> -> memref<40x128xf32, #tpu.memory_space<vmem>>
        %get3A_993 = arith.index_cast %add3A_954 : i32 to index
        %get3A_994 = arith.constant 32 : index
        %get3A_995 = tpu.vector_load %get3A_992[%get3A_993, %get3A_994] {strides = array<i32>} : memref<40x128xf32, #tpu.memory_space<vmem>>, vector<16xf32>,
        %mul3A_996 = arith.mulf %get3A_995, %gather3A_958 : vector<16xf32>
        %swap3A_997 = arith.constant 0 : i32
        %swap3A_998 = arith.constant 0 : i32
        %swap3A_999 = tpu.memref_slice %arg11[%scan3A_309, %swap3A_997, %swap3A_998] : memref<5x40x128xf32, #tpu.memory_space<vmem>> -> memref<1x40x128xf32, #tpu.memory_space<vmem>>
        %swap3A_1000 = tpu.memref_squeeze %swap3A_999 : memref<1x40x128xf32, #tpu.memory_space<vmem>> -> memref<40x128xf32, #tpu.memory_space<vmem>>
        %swap3A_1001 = arith.index_cast %add3A_954 : i32 to index
        %swap3A_1002 = arith.constant 32 : index
        %swap3A_1003 = tpu.vector_load %swap3A_1000[%swap3A_1001, %swap3A_1002] {strides = array<i32>} : memref<40x128xf32, #tpu.memory_space<vmem>>, vector<16xf32>,
        tpu.vector_store %swap3A_1000[%swap3A_1001, %swap3A_1002], %mul3A_996 {strides = array<i32>} : memref<40x128xf32, #tpu.memory_space<vmem>>, vector<16xf32>,
        %get3A_1004 = arith.constant 0 : i32
        %get3A_1005 = arith.constant 0 : i32
        %get3A_1006 = tpu.memref_slice %arg11[%scan3A_309, %get3A_1004, %get3A_1005] : memref<5x40x128xf32, #tpu.memory_space<vmem>> -> memref<1x40x128xf32, #tpu.memory_space<vmem>>
        %get3A_1007 = tpu.memref_squeeze %get3A_1006 : memref<1x40x128xf32, #tpu.memory_space<vmem>> -> memref<40x128xf32, #tpu.memory_space<vmem>>
        %get3A_1008 = arith.index_cast %add3A_954 : i32 to index
        %get3A_1009 = arith.constant 48 : index
        %get3A_1010 = tpu.vector_load %get3A_1007[%get3A_1008, %get3A_1009] {strides = array<i32>} : memref<40x128xf32, #tpu.memory_space<vmem>>, vector<16xf32>,
        %mul3A_1011 = arith.mulf %get3A_1010, %gather3A_958 : vector<16xf32>
        %swap3A_1012 = arith.constant 0 : i32
        %swap3A_1013 = arith.constant 0 : i32
        %swap3A_1014 = tpu.memref_slice %arg11[%scan3A_309, %swap3A_1012, %swap3A_1013] : memref<5x40x128xf32, #tpu.memory_space<vmem>> -> memref<1x40x128xf32, #tpu.memory_space<vmem>>
        %swap3A_1015 = tpu.memref_squeeze %swap3A_1014 : memref<1x40x128xf32, #tpu.memory_space<vmem>> -> memref<40x128xf32, #tpu.memory_space<vmem>>
        %swap3A_1016 = arith.index_cast %add3A_954 : i32 to index
        %swap3A_1017 = arith.constant 48 : index
        %swap3A_1018 = tpu.vector_load %swap3A_1015[%swap3A_1016, %swap3A_1017] {strides = array<i32>} : memref<40x128xf32, #tpu.memory_space<vmem>>, vector<16xf32>,
        tpu.vector_store %swap3A_1015[%swap3A_1016, %swap3A_1017], %mul3A_1011 {strides = array<i32>} : memref<40x128xf32, #tpu.memory_space<vmem>>, vector<16xf32>,
        %get3A_1019 = arith.constant 0 : i32
        %get3A_1020 = arith.constant 0 : i32
        %get3A_1021 = tpu.memref_slice %arg11[%scan3A_309, %get3A_1019, %get3A_1020] : memref<5x40x128xf32, #tpu.memory_space<vmem>> -> memref<1x40x128xf32, #tpu.memory_space<vmem>>
        %get3A_1022 = tpu.memref_squeeze %get3A_1021 : memref<1x40x128xf32, #tpu.memory_space<vmem>> -> memref<40x128xf32, #tpu.memory_space<vmem>>
        %get3A_1023 = arith.index_cast %add3A_954 : i32 to index
        %get3A_1024 = arith.constant 64 : index
        %get3A_1025 = tpu.vector_load %get3A_1022[%get3A_1023, %get3A_1024] {strides = array<i32>} : memref<40x128xf32, #tpu.memory_space<vmem>>, vector<16xf32>,
        %mul3A_1026 = arith.mulf %get3A_1025, %gather3A_958 : vector<16xf32>
        %swap3A_1027 = arith.constant 0 : i32
        %swap3A_1028 = arith.constant 0 : i32
        %swap3A_1029 = tpu.memref_slice %arg11[%scan3A_309, %swap3A_1027, %swap3A_1028] : memref<5x40x128xf32, #tpu.memory_space<vmem>> -> memref<1x40x128xf32, #tpu.memory_space<vmem>>
        %swap3A_1030 = tpu.memref_squeeze %swap3A_1029 : memref<1x40x128xf32, #tpu.memory_space<vmem>> -> memref<40x128xf32, #tpu.memory_space<vmem>>
        %swap3A_1031 = arith.index_cast %add3A_954 : i32 to index
        %swap3A_1032 = arith.constant 64 : index
        %swap3A_1033 = tpu.vector_load %swap3A_1030[%swap3A_1031, %swap3A_1032] {strides = array<i32>} : memref<40x128xf32, #tpu.memory_space<vmem>>, vector<16xf32>,
        tpu.vector_store %swap3A_1030[%swap3A_1031, %swap3A_1032], %mul3A_1026 {strides = array<i32>} : memref<40x128xf32, #tpu.memory_space<vmem>>, vector<16xf32>,
        %get3A_1034 = arith.constant 0 : i32
        %get3A_1035 = arith.constant 0 : i32
        %get3A_1036 = tpu.memref_slice %arg11[%scan3A_309, %get3A_1034, %get3A_1035] : memref<5x40x128xf32, #tpu.memory_space<vmem>> -> memref<1x40x128xf32, #tpu.memory_space<vmem>>
        %get3A_1037 = tpu.memref_squeeze %get3A_1036 : memref<1x40x128xf32, #tpu.memory_space<vmem>> -> memref<40x128xf32, #tpu.memory_space<vmem>>
        %get3A_1038 = arith.index_cast %add3A_954 : i32 to index
        %get3A_1039 = arith.constant 80 : index
        %get3A_1040 = tpu.vector_load %get3A_1037[%get3A_1038, %get3A_1039] {strides = array<i32>} : memref<40x128xf32, #tpu.memory_space<vmem>>, vector<16xf32>,
        %mul3A_1041 = arith.mulf %get3A_1040, %gather3A_958 : vector<16xf32>
        %swap3A_1042 = arith.constant 0 : i32
        %swap3A_1043 = arith.constant 0 : i32
        %swap3A_1044 = tpu.memref_slice %arg11[%scan3A_309, %swap3A_1042, %swap3A_1043] : memref<5x40x128xf32, #tpu.memory_space<vmem>> -> memref<1x40x128xf32, #tpu.memory_space<vmem>>
        %swap3A_1045 = tpu.memref_squeeze %swap3A_1044 : memref<1x40x128xf32, #tpu.memory_space<vmem>> -> memref<40x128xf32, #tpu.memory_space<vmem>>
        %swap3A_1046 = arith.index_cast %add3A_954 : i32 to index
        %swap3A_1047 = arith.constant 80 : index
        %swap3A_1048 = tpu.vector_load %swap3A_1045[%swap3A_1046, %swap3A_1047] {strides = array<i32>} : memref<40x128xf32, #tpu.memory_space<vmem>>, vector<16xf32>,
        tpu.vector_store %swap3A_1045[%swap3A_1046, %swap3A_1047], %mul3A_1041 {strides = array<i32>} : memref<40x128xf32, #tpu.memory_space<vmem>>, vector<16xf32>,
        %get3A_1049 = arith.constant 0 : i32
        %get3A_1050 = arith.constant 0 : i32
        %get3A_1051 = tpu.memref_slice %arg11[%scan3A_309, %get3A_1049, %get3A_1050] : memref<5x40x128xf32, #tpu.memory_space<vmem>> -> memref<1x40x128xf32, #tpu.memory_space<vmem>>
        %get3A_1052 = tpu.memref_squeeze %get3A_1051 : memref<1x40x128xf32, #tpu.memory_space<vmem>> -> memref<40x128xf32, #tpu.memory_space<vmem>>
        %get3A_1053 = arith.index_cast %add3A_954 : i32 to index
        %get3A_1054 = arith.constant 96 : index
        %get3A_1055 = tpu.vector_load %get3A_1052[%get3A_1053, %get3A_1054] {strides = array<i32>} : memref<40x128xf32, #tpu.memory_space<vmem>>, vector<16xf32>,
        %mul3A_1056 = arith.mulf %get3A_1055, %gather3A_958 : vector<16xf32>
        %swap3A_1057 = arith.constant 0 : i32
        %swap3A_1058 = arith.constant 0 : i32
        %swap3A_1059 = tpu.memref_slice %arg11[%scan3A_309, %swap3A_1057, %swap3A_1058] : memref<5x40x128xf32, #tpu.memory_space<vmem>> -> memref<1x40x128xf32, #tpu.memory_space<vmem>>
        %swap3A_1060 = tpu.memref_squeeze %swap3A_1059 : memref<1x40x128xf32, #tpu.memory_space<vmem>> -> memref<40x128xf32, #tpu.memory_space<vmem>>
        %swap3A_1061 = arith.index_cast %add3A_954 : i32 to index
        %swap3A_1062 = arith.constant 96 : index
        %swap3A_1063 = tpu.vector_load %swap3A_1060[%swap3A_1061, %swap3A_1062] {strides = array<i32>} : memref<40x128xf32, #tpu.memory_space<vmem>>, vector<16xf32>,
        tpu.vector_store %swap3A_1060[%swap3A_1061, %swap3A_1062], %mul3A_1056 {strides = array<i32>} : memref<40x128xf32, #tpu.memory_space<vmem>>, vector<16xf32>,
        %get3A_1064 = arith.constant 0 : i32
        %get3A_1065 = arith.constant 0 : i32
        %get3A_1066 = tpu.memref_slice %arg11[%scan3A_309, %get3A_1064, %get3A_1065] : memref<5x40x128xf32, #tpu.memory_space<vmem>> -> memref<1x40x128xf32, #tpu.memory_space<vmem>>
        %get3A_1067 = tpu.memref_squeeze %get3A_1066 : memref<1x40x128xf32, #tpu.memory_space<vmem>> -> memref<40x128xf32, #tpu.memory_space<vmem>>
        %get3A_1068 = arith.index_cast %add3A_954 : i32 to index
        %get3A_1069 = arith.constant 112 : index
        %get3A_1070 = tpu.vector_load %get3A_1067[%get3A_1068, %get3A_1069] {strides = array<i32>} : memref<40x128xf32, #tpu.memory_space<vmem>>, vector<16xf32>,
        %mul3A_1071 = arith.mulf %get3A_1070, %gather3A_958 : vector<16xf32>
        %swap3A_1072 = arith.constant 0 : i32
        %swap3A_1073 = arith.constant 0 : i32
        %swap3A_1074 = tpu.memref_slice %arg11[%scan3A_309, %swap3A_1072, %swap3A_1073] : memref<5x40x128xf32, #tpu.memory_space<vmem>> -> memref<1x40x128xf32, #tpu.memory_space<vmem>>
        %swap3A_1075 = tpu.memref_squeeze %swap3A_1074 : memref<1x40x128xf32, #tpu.memory_space<vmem>> -> memref<40x128xf32, #tpu.memory_space<vmem>>
        %swap3A_1076 = arith.index_cast %add3A_954 : i32 to index
        %swap3A_1077 = arith.constant 112 : index
        %swap3A_1078 = tpu.vector_load %swap3A_1075[%swap3A_1076, %swap3A_1077] {strides = array<i32>} : memref<40x128xf32, #tpu.memory_space<vmem>>, vector<16xf32>,
        tpu.vector_store %swap3A_1075[%swap3A_1076, %swap3A_1077], %mul3A_1071 {strides = array<i32>} : memref<40x128xf32, #tpu.memory_space<vmem>>, vector<16xf32>,
      }
      %scan3A_314 = arith.constant 40 : i32
      %dma_start3A_315 = arith.constant 2 : i32
      %dma_start3A_316 = arith.constant 0 : i32
      %dma_start3A_317 = arith.constant 0 : i32
      %dma_start3A_318 = tpu.memref_slice %arg11[%dma_start3A_315, %dma_start3A_316, %dma_start3A_317] : memref<5x40x128xf32, #tpu.memory_space<vmem>> -> memref<1x40x128xf32, #tpu.memory_space<vmem>>
      %dma_start3A_319 = tpu.memref_squeeze %dma_start3A_318 : memref<1x40x128xf32, #tpu.memory_space<vmem>> -> memref<40x128xf32, #tpu.memory_space<vmem>>
      %dma_start3A_320 = arith.constant 0 : i32
      %dma_start3A_321 = tpu.memref_slice %arg9[%add3A_273, %dma_start3A_320] : memref<250x40xi32, #tpu.memory_space<vmem>> -> memref<1x40xi32, #tpu.memory_space<vmem>>
      %dma_start3A_322 = tpu.memref_squeeze %dma_start3A_321 : memref<1x40xi32, #tpu.memory_space<vmem>> -> memref<40xi32, #tpu.memory_space<vmem>>
      %dma_start3A_323 = arith.constant 0 : i32
      %dma_start3A_324 = arith.constant 0 : i32
      %dma_start3A_325 = tpu.memref_slice %arg12[%dma_start3A_323, %dma_start3A_324] : memref<10000x128xf32, #tpu.memory_space<vmem_shared>> -> memref<10000x128xf32, #tpu.memory_space<vmem_shared>>
      tpu.enqueue_indirect_dma source(%dma_start3A_319 : memref<40x128xf32, #tpu.memory_space<vmem>>) target(%dma_start3A_325 : memref<10000x128xf32, #tpu.memory_space<vmem_shared>>) offsets(%dma_start3A_322 : memref<40xi32, #tpu.memory_space<vmem>>) semaphore(%arg20 : memref<!tpu.dma_semaphore, #tpu.memory_space<semaphore_mem>>) {add = true}
      %add3A_326 = arith.constant 3 : i32
      %add3A_327 = arith.addi %add3A_164, %add3A_326 : i32
      %dma_wait3A_328 = arith.constant 3 : i32
      %dma_wait3A_329 = arith.constant 0 : i32
      %dma_wait3A_330 = arith.constant 0 : i32
      %dma_wait3A_331 = tpu.memref_slice %arg11[%dma_wait3A_328, %dma_wait3A_329, %dma_wait3A_330] : memref<5x40x128xf32, #tpu.memory_space<vmem>> -> memref<1x40x128xf32, #tpu.memory_space<vmem>>
      %dma_wait3A_332 = tpu.memref_squeeze %dma_wait3A_331 : memref<1x40x128xf32, #tpu.memory_space<vmem>> -> memref<40x128xf32, #tpu.memory_space<vmem>>
      %dma_wait3A_333 = arith.constant 0 : i32
      %dma_wait3A_334 = arith.constant 0 : i32
      %dma_wait3A_335 = tpu.memref_slice %arg2[%dma_wait3A_333, %dma_wait3A_334] : memref<10000x128xf32, #tpu.memory_space<hbm>> -> memref<40x128xf32, #tpu.memory_space<hbm>>
      %dma_wait3A_336 = arith.constant 0 : i32
      %dma_wait3A_337 = arith.constant 0 : i32
      %dma_wait3A_338 = tpu.memref_slice %arg11[%dma_wait3A_328, %dma_wait3A_336, %dma_wait3A_337] : memref<5x40x128xf32, #tpu.memory_space<vmem>> -> memref<1x40x128xf32, #tpu.memory_space<vmem>>
      %dma_wait3A_339 = tpu.memref_squeeze %dma_wait3A_338 : memref<1x40x128xf32, #tpu.memory_space<vmem>> -> memref<40x128xf32, #tpu.memory_space<vmem>>
      %dma_wait3A_340 = arith.constant 0 : i32
      %dma_wait3A_341 = arith.constant 0 : i32
      %dma_wait3A_342 = tpu.memref_slice %arg2[%dma_wait3A_340, %dma_wait3A_341] : memref<10000x128xf32, #tpu.memory_space<hbm>> -> memref<40x128xf32, #tpu.memory_space<hbm>>
      tpu.wait_dma2 semaphore(%arg16 : memref<!tpu.dma_semaphore, #tpu.memory_space<semaphore_mem>>) src(%dma_wait3A_342 : memref<40x128xf32, #tpu.memory_space<hbm>>) dst(%dma_wait3A_339 : memref<40x128xf32, #tpu.memory_space<vmem>>)
      %dma_wait3A_343 = arith.constant 0 : i32
      %dma_wait3A_344 = arith.constant 0 : i32
      %dma_wait3A_345 = arith.constant 0 : i32
      %dma_wait3A_346 = arith.constant 384 : i32
      %dma_wait3A_347 = tpu.memref_slice %arg10[%dma_wait3A_346] : memref<640xf32, #tpu.memory_space<vmem>> -> memref<40xf32, #tpu.memory_space<vmem>>
      %dma_wait3A_348 = arith.constant 0 : i32
      %dma_wait3A_349 = tpu.memref_slice %arg5[%dma_wait3A_343, %dma_wait3A_344, %dma_wait3A_345, %dma_wait3A_348] : memref<2x16x250x40xf32, #tpu.memory_space<hbm>> -> memref<1x1x1x40xf32, #tpu.memory_space<hbm>>
      %dma_wait3A_350 = tpu.memref_squeeze %dma_wait3A_349 : memref<1x1x1x40xf32, #tpu.memory_space<hbm>> -> memref<40xf32, #tpu.memory_space<hbm>>
      %dma_wait3A_351 = arith.constant 384 : i32
      %dma_wait3A_352 = tpu.memref_slice %arg10[%dma_wait3A_351] : memref<640xf32, #tpu.memory_space<vmem>> -> memref<40xf32, #tpu.memory_space<vmem>>
      %dma_wait3A_353 = arith.constant 0 : i32
      %dma_wait3A_354 = tpu.memref_slice %arg5[%dma_wait3A_343, %dma_wait3A_344, %dma_wait3A_345, %dma_wait3A_353] : memref<2x16x250x40xf32, #tpu.memory_space<hbm>> -> memref<1x1x1x40xf32, #tpu.memory_space<hbm>>
      %dma_wait3A_355 = tpu.memref_squeeze %dma_wait3A_354 : memref<1x1x1x40xf32, #tpu.memory_space<hbm>> -> memref<40xf32, #tpu.memory_space<hbm>>
      tpu.wait_dma2 semaphore(%arg16 : memref<!tpu.dma_semaphore, #tpu.memory_space<semaphore_mem>>) src(%dma_wait3A_355 : memref<40xf32, #tpu.memory_space<hbm>>) dst(%dma_wait3A_352 : memref<40xf32, #tpu.memory_space<vmem>>)
      %add3A_356 = arith.constant 3 : i32
      %add3A_357 = arith.addi %add3A_327, %add3A_356 : i32
      %lt3A_358 = arith.constant 250 : i32
      %lt3A_359 = arith.cmpi slt, %add3A_357, %lt3A_358 : i32
      %convert_element_type3A_360 = arith.extui %lt3A_359 : i1 to i32
      %cond3A_361 = arith.constant 0 : i32
      %cond3A_362 = arith.cmpi ne, %convert_element_type3A_360, %cond3A_361 : i32
      scf.if %cond3A_362 {
        %add3A_434 = arith.constant 3 : i32
        %add3A_435 = arith.addi %add3A_327, %add3A_434 : i32
        %ge3A = arith.constant 5 : i32
        %ge3A_436 = arith.cmpi sge, %add3A_435, %ge3A : i32
        %convert_element_type3A_437 = arith.extui %ge3A_436 : i1 to i32
        %cond3A_438 = arith.constant 0 : i32
        %cond3A_439 = arith.cmpi ne, %convert_element_type3A_437, %cond3A_438 : i32
        scf.if %cond3A_439 {
          %dma_wait3A_463 = arith.constant 1 : i32
          %dma_wait3A_464 = arith.constant 0 : i32
          %dma_wait3A_465 = arith.constant 0 : i32
          %dma_wait3A_466 = tpu.memref_slice %arg11[%dma_wait3A_463, %dma_wait3A_464, %dma_wait3A_465] : memref<5x40x128xf32, #tpu.memory_space<vmem>> -> memref<1x40x128xf32, #tpu.memory_space<vmem>>
          %dma_wait3A_467 = tpu.memref_squeeze %dma_wait3A_466 : memref<1x40x128xf32, #tpu.memory_space<vmem>> -> memref<40x128xf32, #tpu.memory_space<vmem>>
          %dma_wait3A_468 = arith.constant 0 : i32
          %dma_wait3A_469 = arith.constant 0 : i32
          %dma_wait3A_470 = tpu.memref_slice %arg12[%dma_wait3A_468, %dma_wait3A_469] : memref<10000x128xf32, #tpu.memory_space<vmem_shared>> -> memref<40x128xf32, #tpu.memory_space<vmem_shared>>
          %dma_wait3A_471 = arith.constant 0 : i32
          %dma_wait3A_472 = arith.constant 0 : i32
          %dma_wait3A_473 = tpu.memref_slice %arg12[%dma_wait3A_471, %dma_wait3A_472] : memref<10000x128xf32, #tpu.memory_space<vmem_shared>> -> memref<40x128xf32, #tpu.memory_space<vmem_shared>>
          %dma_wait3A_474 = arith.constant 0 : i32
          %dma_wait3A_475 = arith.constant 0 : i32
          %dma_wait3A_476 = tpu.memref_slice %arg11[%dma_wait3A_463, %dma_wait3A_474, %dma_wait3A_475] : memref<5x40x128xf32, #tpu.memory_space<vmem>> -> memref<1x40x128xf32, #tpu.memory_space<vmem>>
          %dma_wait3A_477 = tpu.memref_squeeze %dma_wait3A_476 : memref<1x40x128xf32, #tpu.memory_space<vmem>> -> memref<40x128xf32, #tpu.memory_space<vmem>>
          tpu.wait_dma2 semaphore(%arg19 : memref<!tpu.dma_semaphore, #tpu.memory_space<semaphore_mem>>) src(%dma_wait3A_477 : memref<40x128xf32, #tpu.memory_space<vmem>>) dst(%dma_wait3A_473 : memref<40x128xf32, #tpu.memory_space<vmem_shared>>)
        } else {
        }
        %add3A_440 = arith.constant 3 : i32
        %add3A_441 = arith.addi %add3A_327, %add3A_440 : i32
        %dma_start3A_442 = arith.constant 1 : i32
        %dma_start3A_443 = arith.constant 0 : i32
        %dma_start3A_444 = arith.constant 0 : i32
        %dma_start3A_445 = tpu.memref_slice %arg11[%dma_start3A_442, %dma_start3A_443, %dma_start3A_444] : memref<5x40x128xf32, #tpu.memory_space<vmem>> -> memref<1x40x128xf32, #tpu.memory_space<vmem>>
        %dma_start3A_446 = tpu.memref_squeeze %dma_start3A_445 : memref<1x40x128xf32, #tpu.memory_space<vmem>> -> memref<40x128xf32, #tpu.memory_space<vmem>>
        %dma_start3A_447 = arith.constant 0 : i32
        %dma_start3A_448 = tpu.memref_slice %arg8[%add3A_441, %dma_start3A_447] : memref<250x40xi32, #tpu.memory_space<vmem>> -> memref<1x40xi32, #tpu.memory_space<vmem>>
        %dma_start3A_449 = tpu.memref_squeeze %dma_start3A_448 : memref<1x40xi32, #tpu.memory_space<vmem>> -> memref<40xi32, #tpu.memory_space<vmem>>
        %dma_start3A_450 = arith.constant 0 : i32
        %dma_start3A_451 = arith.constant 0 : i32
        %dma_start3A_452 = tpu.memref_slice %arg2[%dma_start3A_450, %dma_start3A_451] : memref<10000x128xf32, #tpu.memory_space<hbm>> -> memref<10000x128xf32, #tpu.memory_space<hbm>>
        tpu.enqueue_indirect_dma source(%dma_start3A_452 : memref<10000x128xf32, #tpu.memory_space<hbm>>) target(%dma_start3A_446 : memref<40x128xf32, #tpu.memory_space<vmem>>) offsets(%dma_start3A_449 : memref<40xi32, #tpu.memory_space<vmem>>) semaphore(%arg14 : memref<!tpu.dma_semaphore, #tpu.memory_space<semaphore_mem>>)
        %dma_start3A_453 = arith.constant 128 : i32
        %dma_start3A_454 = tpu.memref_slice %arg10[%dma_start3A_453] : memref<640xf32, #tpu.memory_space<vmem>> -> memref<40xf32, #tpu.memory_space<vmem>>
        %dma_start3A_455 = arith.constant 0 : i32
        %dma_start3A_456 = tpu.memref_slice %arg5[%arg0, %arg1, %add3A_441, %dma_start3A_455] : memref<2x16x250x40xf32, #tpu.memory_space<hbm>> -> memref<1x1x1x40xf32, #tpu.memory_space<hbm>>
        %dma_start3A_457 = tpu.memref_squeeze %dma_start3A_456 : memref<1x1x1x40xf32, #tpu.memory_space<hbm>> -> memref<40xf32, #tpu.memory_space<hbm>>
        %dma_start3A_458 = arith.constant 128 : i32
        %dma_start3A_459 = tpu.memref_slice %arg10[%dma_start3A_458] : memref<640xf32, #tpu.memory_space<vmem>> -> memref<40xf32, #tpu.memory_space<vmem>>
        %dma_start3A_460 = arith.constant 0 : i32
        %dma_start3A_461 = tpu.memref_slice %arg5[%arg0, %arg1, %add3A_441, %dma_start3A_460] : memref<2x16x250x40xf32, #tpu.memory_space<hbm>> -> memref<1x1x1x40xf32, #tpu.memory_space<hbm>>
        %dma_start3A_462 = tpu.memref_squeeze %dma_start3A_461 : memref<1x1x1x40xf32, #tpu.memory_space<hbm>> -> memref<40xf32, #tpu.memory_space<hbm>>
        tpu.enqueue_dma source(%dma_start3A_462 : memref<40xf32, #tpu.memory_space<hbm>>) target(%dma_start3A_459 : memref<40xf32, #tpu.memory_space<vmem>>) target_semaphore(%arg14 : memref<!tpu.dma_semaphore, #tpu.memory_space<semaphore_mem>>)
      } else {
      }
      %scan3A_363 = arith.constant 3 : i32
      %scan3A_364 = arith.constant 0 : i32
      %scan3A_365 = arith.constant 40 : i32
      %scan3A_366 = arith.addi %scan3A_364, %scan3A_365 : i32
      %scan3A_367 = arith.constant 5 : i32
      scf.for %scan3A_434 = %scan3A_364 to %scan3A_366 step %scan3A_367  : i32 {
        %mul3A_435 = arith.constant 1 : i32
        %mul3A_436 = arith.muli %scan3A_434, %mul3A_435 : i32
        %add3A_437 = arith.constant 0 : i32
        %add3A_438 = arith.addi %add3A_437, %mul3A_436 : i32
        %add3A_439 = arith.constant 384 : i32
        %add3A_440 = arith.addi %add3A_439, %add3A_438 : i32
        %broadcast_in_dim3A = vector.broadcast %add3A_440 : i32 to vector<16xi32>
        %gather3A = tpu.vector_load_idx %arg10[%broadcast_in_dim3A] : memref<640xf32, #tpu.memory_space<vmem>>[vector<16xi32>], vector<16xf32>,
        %get3A = arith.constant 0 : i32
        %get3A_441 = arith.constant 0 : i32
        %get3A_442 = tpu.memref_slice %arg11[%scan3A_363, %get3A, %get3A_441] : memref<5x40x128xf32, #tpu.memory_space<vmem>> -> memref<1x40x128xf32, #tpu.memory_space<vmem>>
        %get3A_443 = tpu.memref_squeeze %get3A_442 : memref<1x40x128xf32, #tpu.memory_space<vmem>> -> memref<40x128xf32, #tpu.memory_space<vmem>>
        %get3A_444 = arith.index_cast %add3A_438 : i32 to index
        %get3A_445 = arith.constant 0 : index
        %get3A_446 = tpu.vector_load %get3A_443[%get3A_444, %get3A_445] {strides = array<i32>} : memref<40x128xf32, #tpu.memory_space<vmem>>, vector<16xf32>,
        %mul3A_447 = arith.mulf %get3A_446, %gather3A : vector<16xf32>
        %swap3A = arith.constant 0 : i32
        %swap3A_448 = arith.constant 0 : i32
        %swap3A_449 = tpu.memref_slice %arg11[%scan3A_363, %swap3A, %swap3A_448] : memref<5x40x128xf32, #tpu.memory_space<vmem>> -> memref<1x40x128xf32, #tpu.memory_space<vmem>>
        %swap3A_450 = tpu.memref_squeeze %swap3A_449 : memref<1x40x128xf32, #tpu.memory_space<vmem>> -> memref<40x128xf32, #tpu.memory_space<vmem>>
        %swap3A_451 = arith.index_cast %add3A_438 : i32 to index
        %swap3A_452 = arith.constant 0 : index
        %swap3A_453 = tpu.vector_load %swap3A_450[%swap3A_451, %swap3A_452] {strides = array<i32>} : memref<40x128xf32, #tpu.memory_space<vmem>>, vector<16xf32>,
        tpu.vector_store %swap3A_450[%swap3A_451, %swap3A_452], %mul3A_447 {strides = array<i32>} : memref<40x128xf32, #tpu.memory_space<vmem>>, vector<16xf32>,
        %get3A_454 = arith.constant 0 : i32
        %get3A_455 = arith.constant 0 : i32
        %get3A_456 = tpu.memref_slice %arg11[%scan3A_363, %get3A_454, %get3A_455] : memref<5x40x128xf32, #tpu.memory_space<vmem>> -> memref<1x40x128xf32, #tpu.memory_space<vmem>>
        %get3A_457 = tpu.memref_squeeze %get3A_456 : memref<1x40x128xf32, #tpu.memory_space<vmem>> -> memref<40x128xf32, #tpu.memory_space<vmem>>
        %get3A_458 = arith.index_cast %add3A_438 : i32 to index
        %get3A_459 = arith.constant 16 : index
        %get3A_460 = tpu.vector_load %get3A_457[%get3A_458, %get3A_459] {strides = array<i32>} : memref<40x128xf32, #tpu.memory_space<vmem>>, vector<16xf32>,
        %mul3A_461 = arith.mulf %get3A_460, %gather3A : vector<16xf32>
        %swap3A_462 = arith.constant 0 : i32
        %swap3A_463 = arith.constant 0 : i32
        %swap3A_464 = tpu.memref_slice %arg11[%scan3A_363, %swap3A_462, %swap3A_463] : memref<5x40x128xf32, #tpu.memory_space<vmem>> -> memref<1x40x128xf32, #tpu.memory_space<vmem>>
        %swap3A_465 = tpu.memref_squeeze %swap3A_464 : memref<1x40x128xf32, #tpu.memory_space<vmem>> -> memref<40x128xf32, #tpu.memory_space<vmem>>
        %swap3A_466 = arith.index_cast %add3A_438 : i32 to index
        %swap3A_467 = arith.constant 16 : index
        %swap3A_468 = tpu.vector_load %swap3A_465[%swap3A_466, %swap3A_467] {strides = array<i32>} : memref<40x128xf32, #tpu.memory_space<vmem>>, vector<16xf32>,
        tpu.vector_store %swap3A_465[%swap3A_466, %swap3A_467], %mul3A_461 {strides = array<i32>} : memref<40x128xf32, #tpu.memory_space<vmem>>, vector<16xf32>,
        %get3A_469 = arith.constant 0 : i32
        %get3A_470 = arith.constant 0 : i32
        %get3A_471 = tpu.memref_slice %arg11[%scan3A_363, %get3A_469, %get3A_470] : memref<5x40x128xf32, #tpu.memory_space<vmem>> -> memref<1x40x128xf32, #tpu.memory_space<vmem>>
        %get3A_472 = tpu.memref_squeeze %get3A_471 : memref<1x40x128xf32, #tpu.memory_space<vmem>> -> memref<40x128xf32, #tpu.memory_space<vmem>>
        %get3A_473 = arith.index_cast %add3A_438 : i32 to index
        %get3A_474 = arith.constant 32 : index
        %get3A_475 = tpu.vector_load %get3A_472[%get3A_473, %get3A_474] {strides = array<i32>} : memref<40x128xf32, #tpu.memory_space<vmem>>, vector<16xf32>,
        %mul3A_476 = arith.mulf %get3A_475, %gather3A : vector<16xf32>
        %swap3A_477 = arith.constant 0 : i32
        %swap3A_478 = arith.constant 0 : i32
        %swap3A_479 = tpu.memref_slice %arg11[%scan3A_363, %swap3A_477, %swap3A_478] : memref<5x40x128xf32, #tpu.memory_space<vmem>> -> memref<1x40x128xf32, #tpu.memory_space<vmem>>
        %swap3A_480 = tpu.memref_squeeze %swap3A_479 : memref<1x40x128xf32, #tpu.memory_space<vmem>> -> memref<40x128xf32, #tpu.memory_space<vmem>>
        %swap3A_481 = arith.index_cast %add3A_438 : i32 to index
        %swap3A_482 = arith.constant 32 : index
        %swap3A_483 = tpu.vector_load %swap3A_480[%swap3A_481, %swap3A_482] {strides = array<i32>} : memref<40x128xf32, #tpu.memory_space<vmem>>, vector<16xf32>,
        tpu.vector_store %swap3A_480[%swap3A_481, %swap3A_482], %mul3A_476 {strides = array<i32>} : memref<40x128xf32, #tpu.memory_space<vmem>>, vector<16xf32>,
        %get3A_484 = arith.constant 0 : i32
        %get3A_485 = arith.constant 0 : i32
        %get3A_486 = tpu.memref_slice %arg11[%scan3A_363, %get3A_484, %get3A_485] : memref<5x40x128xf32, #tpu.memory_space<vmem>> -> memref<1x40x128xf32, #tpu.memory_space<vmem>>
        %get3A_487 = tpu.memref_squeeze %get3A_486 : memref<1x40x128xf32, #tpu.memory_space<vmem>> -> memref<40x128xf32, #tpu.memory_space<vmem>>
        %get3A_488 = arith.index_cast %add3A_438 : i32 to index
        %get3A_489 = arith.constant 48 : index
        %get3A_490 = tpu.vector_load %get3A_487[%get3A_488, %get3A_489] {strides = array<i32>} : memref<40x128xf32, #tpu.memory_space<vmem>>, vector<16xf32>,
        %mul3A_491 = arith.mulf %get3A_490, %gather3A : vector<16xf32>
        %swap3A_492 = arith.constant 0 : i32
        %swap3A_493 = arith.constant 0 : i32
        %swap3A_494 = tpu.memref_slice %arg11[%scan3A_363, %swap3A_492, %swap3A_493] : memref<5x40x128xf32, #tpu.memory_space<vmem>> -> memref<1x40x128xf32, #tpu.memory_space<vmem>>
        %swap3A_495 = tpu.memref_squeeze %swap3A_494 : memref<1x40x128xf32, #tpu.memory_space<vmem>> -> memref<40x128xf32, #tpu.memory_space<vmem>>
        %swap3A_496 = arith.index_cast %add3A_438 : i32 to index
        %swap3A_497 = arith.constant 48 : index
        %swap3A_498 = tpu.vector_load %swap3A_495[%swap3A_496, %swap3A_497] {strides = array<i32>} : memref<40x128xf32, #tpu.memory_space<vmem>>, vector<16xf32>,
        tpu.vector_store %swap3A_495[%swap3A_496, %swap3A_497], %mul3A_491 {strides = array<i32>} : memref<40x128xf32, #tpu.memory_space<vmem>>, vector<16xf32>,
        %get3A_499 = arith.constant 0 : i32
        %get3A_500 = arith.constant 0 : i32
        %get3A_501 = tpu.memref_slice %arg11[%scan3A_363, %get3A_499, %get3A_500] : memref<5x40x128xf32, #tpu.memory_space<vmem>> -> memref<1x40x128xf32, #tpu.memory_space<vmem>>
        %get3A_502 = tpu.memref_squeeze %get3A_501 : memref<1x40x128xf32, #tpu.memory_space<vmem>> -> memref<40x128xf32, #tpu.memory_space<vmem>>
        %get3A_503 = arith.index_cast %add3A_438 : i32 to index
        %get3A_504 = arith.constant 64 : index
        %get3A_505 = tpu.vector_load %get3A_502[%get3A_503, %get3A_504] {strides = array<i32>} : memref<40x128xf32, #tpu.memory_space<vmem>>, vector<16xf32>,
        %mul3A_506 = arith.mulf %get3A_505, %gather3A : vector<16xf32>
        %swap3A_507 = arith.constant 0 : i32
        %swap3A_508 = arith.constant 0 : i32
        %swap3A_509 = tpu.memref_slice %arg11[%scan3A_363, %swap3A_507, %swap3A_508] : memref<5x40x128xf32, #tpu.memory_space<vmem>> -> memref<1x40x128xf32, #tpu.memory_space<vmem>>
        %swap3A_510 = tpu.memref_squeeze %swap3A_509 : memref<1x40x128xf32, #tpu.memory_space<vmem>> -> memref<40x128xf32, #tpu.memory_space<vmem>>
        %swap3A_511 = arith.index_cast %add3A_438 : i32 to index
        %swap3A_512 = arith.constant 64 : index
        %swap3A_513 = tpu.vector_load %swap3A_510[%swap3A_511, %swap3A_512] {strides = array<i32>} : memref<40x128xf32, #tpu.memory_space<vmem>>, vector<16xf32>,
        tpu.vector_store %swap3A_510[%swap3A_511, %swap3A_512], %mul3A_506 {strides = array<i32>} : memref<40x128xf32, #tpu.memory_space<vmem>>, vector<16xf32>,
        %get3A_514 = arith.constant 0 : i32
        %get3A_515 = arith.constant 0 : i32
        %get3A_516 = tpu.memref_slice %arg11[%scan3A_363, %get3A_514, %get3A_515] : memref<5x40x128xf32, #tpu.memory_space<vmem>> -> memref<1x40x128xf32, #tpu.memory_space<vmem>>
        %get3A_517 = tpu.memref_squeeze %get3A_516 : memref<1x40x128xf32, #tpu.memory_space<vmem>> -> memref<40x128xf32, #tpu.memory_space<vmem>>
        %get3A_518 = arith.index_cast %add3A_438 : i32 to index
        %get3A_519 = arith.constant 80 : index
        %get3A_520 = tpu.vector_load %get3A_517[%get3A_518, %get3A_519] {strides = array<i32>} : memref<40x128xf32, #tpu.memory_space<vmem>>, vector<16xf32>,
        %mul3A_521 = arith.mulf %get3A_520, %gather3A : vector<16xf32>
        %swap3A_522 = arith.constant 0 : i32
        %swap3A_523 = arith.constant 0 : i32
        %swap3A_524 = tpu.memref_slice %arg11[%scan3A_363, %swap3A_522, %swap3A_523] : memref<5x40x128xf32, #tpu.memory_space<vmem>> -> memref<1x40x128xf32, #tpu.memory_space<vmem>>
        %swap3A_525 = tpu.memref_squeeze %swap3A_524 : memref<1x40x128xf32, #tpu.memory_space<vmem>> -> memref<40x128xf32, #tpu.memory_space<vmem>>
        %swap3A_526 = arith.index_cast %add3A_438 : i32 to index
        %swap3A_527 = arith.constant 80 : index
        %swap3A_528 = tpu.vector_load %swap3A_525[%swap3A_526, %swap3A_527] {strides = array<i32>} : memref<40x128xf32, #tpu.memory_space<vmem>>, vector<16xf32>,
        tpu.vector_store %swap3A_525[%swap3A_526, %swap3A_527], %mul3A_521 {strides = array<i32>} : memref<40x128xf32, #tpu.memory_space<vmem>>, vector<16xf32>,
        %get3A_529 = arith.constant 0 : i32
        %get3A_530 = arith.constant 0 : i32
        %get3A_531 = tpu.memref_slice %arg11[%scan3A_363, %get3A_529, %get3A_530] : memref<5x40x128xf32, #tpu.memory_space<vmem>> -> memref<1x40x128xf32, #tpu.memory_space<vmem>>
        %get3A_532 = tpu.memref_squeeze %get3A_531 : memref<1x40x128xf32, #tpu.memory_space<vmem>> -> memref<40x128xf32, #tpu.memory_space<vmem>>
        %get3A_533 = arith.index_cast %add3A_438 : i32 to index
        %get3A_534 = arith.constant 96 : index
        %get3A_535 = tpu.vector_load %get3A_532[%get3A_533, %get3A_534] {strides = array<i32>} : memref<40x128xf32, #tpu.memory_space<vmem>>, vector<16xf32>,
        %mul3A_536 = arith.mulf %get3A_535, %gather3A : vector<16xf32>
        %swap3A_537 = arith.constant 0 : i32
        %swap3A_538 = arith.constant 0 : i32
        %swap3A_539 = tpu.memref_slice %arg11[%scan3A_363, %swap3A_537, %swap3A_538] : memref<5x40x128xf32, #tpu.memory_space<vmem>> -> memref<1x40x128xf32, #tpu.memory_space<vmem>>
        %swap3A_540 = tpu.memref_squeeze %swap3A_539 : memref<1x40x128xf32, #tpu.memory_space<vmem>> -> memref<40x128xf32, #tpu.memory_space<vmem>>
        %swap3A_541 = arith.index_cast %add3A_438 : i32 to index
        %swap3A_542 = arith.constant 96 : index
        %swap3A_543 = tpu.vector_load %swap3A_540[%swap3A_541, %swap3A_542] {strides = array<i32>} : memref<40x128xf32, #tpu.memory_space<vmem>>, vector<16xf32>,
        tpu.vector_store %swap3A_540[%swap3A_541, %swap3A_542], %mul3A_536 {strides = array<i32>} : memref<40x128xf32, #tpu.memory_space<vmem>>, vector<16xf32>,
        %get3A_544 = arith.constant 0 : i32
        %get3A_545 = arith.constant 0 : i32
        %get3A_546 = tpu.memref_slice %arg11[%scan3A_363, %get3A_544, %get3A_545] : memref<5x40x128xf32, #tpu.memory_space<vmem>> -> memref<1x40x128xf32, #tpu.memory_space<vmem>>
        %get3A_547 = tpu.memref_squeeze %get3A_546 : memref<1x40x128xf32, #tpu.memory_space<vmem>> -> memref<40x128xf32, #tpu.memory_space<vmem>>
        %get3A_548 = arith.index_cast %add3A_438 : i32 to index
        %get3A_549 = arith.constant 112 : index
        %get3A_550 = tpu.vector_load %get3A_547[%get3A_548, %get3A_549] {strides = array<i32>} : memref<40x128xf32, #tpu.memory_space<vmem>>, vector<16xf32>,
        %mul3A_551 = arith.mulf %get3A_550, %gather3A : vector<16xf32>
        %swap3A_552 = arith.constant 0 : i32
        %swap3A_553 = arith.constant 0 : i32
        %swap3A_554 = tpu.memref_slice %arg11[%scan3A_363, %swap3A_552, %swap3A_553] : memref<5x40x128xf32, #tpu.memory_space<vmem>> -> memref<1x40x128xf32, #tpu.memory_space<vmem>>
        %swap3A_555 = tpu.memref_squeeze %swap3A_554 : memref<1x40x128xf32, #tpu.memory_space<vmem>> -> memref<40x128xf32, #tpu.memory_space<vmem>>
        %swap3A_556 = arith.index_cast %add3A_438 : i32 to index
        %swap3A_557 = arith.constant 112 : index
        %swap3A_558 = tpu.vector_load %swap3A_555[%swap3A_556, %swap3A_557] {strides = array<i32>} : memref<40x128xf32, #tpu.memory_space<vmem>>, vector<16xf32>,
        tpu.vector_store %swap3A_555[%swap3A_556, %swap3A_557], %mul3A_551 {strides = array<i32>} : memref<40x128xf32, #tpu.memory_space<vmem>>, vector<16xf32>,
        %scan3A_559 = arith.constant 1 : i32
        %scan3A_560 = arith.addi %scan3A_434, %scan3A_559 : i32
        %mul3A_561 = arith.constant 1 : i32
        %mul3A_562 = arith.muli %scan3A_560, %mul3A_561 : i32
        %add3A_563 = arith.constant 0 : i32
        %add3A_564 = arith.addi %add3A_563, %mul3A_562 : i32
        %add3A_565 = arith.constant 384 : i32
        %add3A_566 = arith.addi %add3A_565, %add3A_564 : i32
        %broadcast_in_dim3A_567 = vector.broadcast %add3A_566 : i32 to vector<16xi32>
        %gather3A_568 = tpu.vector_load_idx %arg10[%broadcast_in_dim3A_567] : memref<640xf32, #tpu.memory_space<vmem>>[vector<16xi32>], vector<16xf32>,
        %get3A_569 = arith.constant 0 : i32
        %get3A_570 = arith.constant 0 : i32
        %get3A_571 = tpu.memref_slice %arg11[%scan3A_363, %get3A_569, %get3A_570] : memref<5x40x128xf32, #tpu.memory_space<vmem>> -> memref<1x40x128xf32, #tpu.memory_space<vmem>>
        %get3A_572 = tpu.memref_squeeze %get3A_571 : memref<1x40x128xf32, #tpu.memory_space<vmem>> -> memref<40x128xf32, #tpu.memory_space<vmem>>
        %get3A_573 = arith.index_cast %add3A_564 : i32 to index
        %get3A_574 = arith.constant 0 : index
        %get3A_575 = tpu.vector_load %get3A_572[%get3A_573, %get3A_574] {strides = array<i32>} : memref<40x128xf32, #tpu.memory_space<vmem>>, vector<16xf32>,
        %mul3A_576 = arith.mulf %get3A_575, %gather3A_568 : vector<16xf32>
        %swap3A_577 = arith.constant 0 : i32
        %swap3A_578 = arith.constant 0 : i32
        %swap3A_579 = tpu.memref_slice %arg11[%scan3A_363, %swap3A_577, %swap3A_578] : memref<5x40x128xf32, #tpu.memory_space<vmem>> -> memref<1x40x128xf32, #tpu.memory_space<vmem>>
        %swap3A_580 = tpu.memref_squeeze %swap3A_579 : memref<1x40x128xf32, #tpu.memory_space<vmem>> -> memref<40x128xf32, #tpu.memory_space<vmem>>
        %swap3A_581 = arith.index_cast %add3A_564 : i32 to index
        %swap3A_582 = arith.constant 0 : index
        %swap3A_583 = tpu.vector_load %swap3A_580[%swap3A_581, %swap3A_582] {strides = array<i32>} : memref<40x128xf32, #tpu.memory_space<vmem>>, vector<16xf32>,
        tpu.vector_store %swap3A_580[%swap3A_581, %swap3A_582], %mul3A_576 {strides = array<i32>} : memref<40x128xf32, #tpu.memory_space<vmem>>, vector<16xf32>,
        %get3A_584 = arith.constant 0 : i32
        %get3A_585 = arith.constant 0 : i32
        %get3A_586 = tpu.memref_slice %arg11[%scan3A_363, %get3A_584, %get3A_585] : memref<5x40x128xf32, #tpu.memory_space<vmem>> -> memref<1x40x128xf32, #tpu.memory_space<vmem>>
        %get3A_587 = tpu.memref_squeeze %get3A_586 : memref<1x40x128xf32, #tpu.memory_space<vmem>> -> memref<40x128xf32, #tpu.memory_space<vmem>>
        %get3A_588 = arith.index_cast %add3A_564 : i32 to index
        %get3A_589 = arith.constant 16 : index
        %get3A_590 = tpu.vector_load %get3A_587[%get3A_588, %get3A_589] {strides = array<i32>} : memref<40x128xf32, #tpu.memory_space<vmem>>, vector<16xf32>,
        %mul3A_591 = arith.mulf %get3A_590, %gather3A_568 : vector<16xf32>
        %swap3A_592 = arith.constant 0 : i32
        %swap3A_593 = arith.constant 0 : i32
        %swap3A_594 = tpu.memref_slice %arg11[%scan3A_363, %swap3A_592, %swap3A_593] : memref<5x40x128xf32, #tpu.memory_space<vmem>> -> memref<1x40x128xf32, #tpu.memory_space<vmem>>
        %swap3A_595 = tpu.memref_squeeze %swap3A_594 : memref<1x40x128xf32, #tpu.memory_space<vmem>> -> memref<40x128xf32, #tpu.memory_space<vmem>>
        %swap3A_596 = arith.index_cast %add3A_564 : i32 to index
        %swap3A_597 = arith.constant 16 : index
        %swap3A_598 = tpu.vector_load %swap3A_595[%swap3A_596, %swap3A_597] {strides = array<i32>} : memref<40x128xf32, #tpu.memory_space<vmem>>, vector<16xf32>,
        tpu.vector_store %swap3A_595[%swap3A_596, %swap3A_597], %mul3A_591 {strides = array<i32>} : memref<40x128xf32, #tpu.memory_space<vmem>>, vector<16xf32>,
        %get3A_599 = arith.constant 0 : i32
        %get3A_600 = arith.constant 0 : i32
        %get3A_601 = tpu.memref_slice %arg11[%scan3A_363, %get3A_599, %get3A_600] : memref<5x40x128xf32, #tpu.memory_space<vmem>> -> memref<1x40x128xf32, #tpu.memory_space<vmem>>
        %get3A_602 = tpu.memref_squeeze %get3A_601 : memref<1x40x128xf32, #tpu.memory_space<vmem>> -> memref<40x128xf32, #tpu.memory_space<vmem>>
        %get3A_603 = arith.index_cast %add3A_564 : i32 to index
        %get3A_604 = arith.constant 32 : index
        %get3A_605 = tpu.vector_load %get3A_602[%get3A_603, %get3A_604] {strides = array<i32>} : memref<40x128xf32, #tpu.memory_space<vmem>>, vector<16xf32>,
        %mul3A_606 = arith.mulf %get3A_605, %gather3A_568 : vector<16xf32>
        %swap3A_607 = arith.constant 0 : i32
        %swap3A_608 = arith.constant 0 : i32
        %swap3A_609 = tpu.memref_slice %arg11[%scan3A_363, %swap3A_607, %swap3A_608] : memref<5x40x128xf32, #tpu.memory_space<vmem>> -> memref<1x40x128xf32, #tpu.memory_space<vmem>>
        %swap3A_610 = tpu.memref_squeeze %swap3A_609 : memref<1x40x128xf32, #tpu.memory_space<vmem>> -> memref<40x128xf32, #tpu.memory_space<vmem>>
        %swap3A_611 = arith.index_cast %add3A_564 : i32 to index
        %swap3A_612 = arith.constant 32 : index
        %swap3A_613 = tpu.vector_load %swap3A_610[%swap3A_611, %swap3A_612] {strides = array<i32>} : memref<40x128xf32, #tpu.memory_space<vmem>>, vector<16xf32>,
        tpu.vector_store %swap3A_610[%swap3A_611, %swap3A_612], %mul3A_606 {strides = array<i32>} : memref<40x128xf32, #tpu.memory_space<vmem>>, vector<16xf32>,
        %get3A_614 = arith.constant 0 : i32
        %get3A_615 = arith.constant 0 : i32
        %get3A_616 = tpu.memref_slice %arg11[%scan3A_363, %get3A_614, %get3A_615] : memref<5x40x128xf32, #tpu.memory_space<vmem>> -> memref<1x40x128xf32, #tpu.memory_space<vmem>>
        %get3A_617 = tpu.memref_squeeze %get3A_616 : memref<1x40x128xf32, #tpu.memory_space<vmem>> -> memref<40x128xf32, #tpu.memory_space<vmem>>
        %get3A_618 = arith.index_cast %add3A_564 : i32 to index
        %get3A_619 = arith.constant 48 : index
        %get3A_620 = tpu.vector_load %get3A_617[%get3A_618, %get3A_619] {strides = array<i32>} : memref<40x128xf32, #tpu.memory_space<vmem>>, vector<16xf32>,
        %mul3A_621 = arith.mulf %get3A_620, %gather3A_568 : vector<16xf32>
        %swap3A_622 = arith.constant 0 : i32
        %swap3A_623 = arith.constant 0 : i32
        %swap3A_624 = tpu.memref_slice %arg11[%scan3A_363, %swap3A_622, %swap3A_623] : memref<5x40x128xf32, #tpu.memory_space<vmem>> -> memref<1x40x128xf32, #tpu.memory_space<vmem>>
        %swap3A_625 = tpu.memref_squeeze %swap3A_624 : memref<1x40x128xf32, #tpu.memory_space<vmem>> -> memref<40x128xf32, #tpu.memory_space<vmem>>
        %swap3A_626 = arith.index_cast %add3A_564 : i32 to index
        %swap3A_627 = arith.constant 48 : index
        %swap3A_628 = tpu.vector_load %swap3A_625[%swap3A_626, %swap3A_627] {strides = array<i32>} : memref<40x128xf32, #tpu.memory_space<vmem>>, vector<16xf32>,
        tpu.vector_store %swap3A_625[%swap3A_626, %swap3A_627], %mul3A_621 {strides = array<i32>} : memref<40x128xf32, #tpu.memory_space<vmem>>, vector<16xf32>,
        %get3A_629 = arith.constant 0 : i32
        %get3A_630 = arith.constant 0 : i32
        %get3A_631 = tpu.memref_slice %arg11[%scan3A_363, %get3A_629, %get3A_630] : memref<5x40x128xf32, #tpu.memory_space<vmem>> -> memref<1x40x128xf32, #tpu.memory_space<vmem>>
        %get3A_632 = tpu.memref_squeeze %get3A_631 : memref<1x40x128xf32, #tpu.memory_space<vmem>> -> memref<40x128xf32, #tpu.memory_space<vmem>>
        %get3A_633 = arith.index_cast %add3A_564 : i32 to index
        %get3A_634 = arith.constant 64 : index
        %get3A_635 = tpu.vector_load %get3A_632[%get3A_633, %get3A_634] {strides = array<i32>} : memref<40x128xf32, #tpu.memory_space<vmem>>, vector<16xf32>,
        %mul3A_636 = arith.mulf %get3A_635, %gather3A_568 : vector<16xf32>
        %swap3A_637 = arith.constant 0 : i32
        %swap3A_638 = arith.constant 0 : i32
        %swap3A_639 = tpu.memref_slice %arg11[%scan3A_363, %swap3A_637, %swap3A_638] : memref<5x40x128xf32, #tpu.memory_space<vmem>> -> memref<1x40x128xf32, #tpu.memory_space<vmem>>
        %swap3A_640 = tpu.memref_squeeze %swap3A_639 : memref<1x40x128xf32, #tpu.memory_space<vmem>> -> memref<40x128xf32, #tpu.memory_space<vmem>>
        %swap3A_641 = arith.index_cast %add3A_564 : i32 to index
        %swap3A_642 = arith.constant 64 : index
        %swap3A_643 = tpu.vector_load %swap3A_640[%swap3A_641, %swap3A_642] {strides = array<i32>} : memref<40x128xf32, #tpu.memory_space<vmem>>, vector<16xf32>,
        tpu.vector_store %swap3A_640[%swap3A_641, %swap3A_642], %mul3A_636 {strides = array<i32>} : memref<40x128xf32, #tpu.memory_space<vmem>>, vector<16xf32>,
        %get3A_644 = arith.constant 0 : i32
        %get3A_645 = arith.constant 0 : i32
        %get3A_646 = tpu.memref_slice %arg11[%scan3A_363, %get3A_644, %get3A_645] : memref<5x40x128xf32, #tpu.memory_space<vmem>> -> memref<1x40x128xf32, #tpu.memory_space<vmem>>
        %get3A_647 = tpu.memref_squeeze %get3A_646 : memref<1x40x128xf32, #tpu.memory_space<vmem>> -> memref<40x128xf32, #tpu.memory_space<vmem>>
        %get3A_648 = arith.index_cast %add3A_564 : i32 to index
        %get3A_649 = arith.constant 80 : index
        %get3A_650 = tpu.vector_load %get3A_647[%get3A_648, %get3A_649] {strides = array<i32>} : memref<40x128xf32, #tpu.memory_space<vmem>>, vector<16xf32>,
        %mul3A_651 = arith.mulf %get3A_650, %gather3A_568 : vector<16xf32>
        %swap3A_652 = arith.constant 0 : i32
        %swap3A_653 = arith.constant 0 : i32
        %swap3A_654 = tpu.memref_slice %arg11[%scan3A_363, %swap3A_652, %swap3A_653] : memref<5x40x128xf32, #tpu.memory_space<vmem>> -> memref<1x40x128xf32, #tpu.memory_space<vmem>>
        %swap3A_655 = tpu.memref_squeeze %swap3A_654 : memref<1x40x128xf32, #tpu.memory_space<vmem>> -> memref<40x128xf32, #tpu.memory_space<vmem>>
        %swap3A_656 = arith.index_cast %add3A_564 : i32 to index
        %swap3A_657 = arith.constant 80 : index
        %swap3A_658 = tpu.vector_load %swap3A_655[%swap3A_656, %swap3A_657] {strides = array<i32>} : memref<40x128xf32, #tpu.memory_space<vmem>>, vector<16xf32>,
        tpu.vector_store %swap3A_655[%swap3A_656, %swap3A_657], %mul3A_651 {strides = array<i32>} : memref<40x128xf32, #tpu.memory_space<vmem>>, vector<16xf32>,
        %get3A_659 = arith.constant 0 : i32
        %get3A_660 = arith.constant 0 : i32
        %get3A_661 = tpu.memref_slice %arg11[%scan3A_363, %get3A_659, %get3A_660] : memref<5x40x128xf32, #tpu.memory_space<vmem>> -> memref<1x40x128xf32, #tpu.memory_space<vmem>>
        %get3A_662 = tpu.memref_squeeze %get3A_661 : memref<1x40x128xf32, #tpu.memory_space<vmem>> -> memref<40x128xf32, #tpu.memory_space<vmem>>
        %get3A_663 = arith.index_cast %add3A_564 : i32 to index
        %get3A_664 = arith.constant 96 : index
        %get3A_665 = tpu.vector_load %get3A_662[%get3A_663, %get3A_664] {strides = array<i32>} : memref<40x128xf32, #tpu.memory_space<vmem>>, vector<16xf32>,
        %mul3A_666 = arith.mulf %get3A_665, %gather3A_568 : vector<16xf32>
        %swap3A_667 = arith.constant 0 : i32
        %swap3A_668 = arith.constant 0 : i32
        %swap3A_669 = tpu.memref_slice %arg11[%scan3A_363, %swap3A_667, %swap3A_668] : memref<5x40x128xf32, #tpu.memory_space<vmem>> -> memref<1x40x128xf32, #tpu.memory_space<vmem>>
        %swap3A_670 = tpu.memref_squeeze %swap3A_669 : memref<1x40x128xf32, #tpu.memory_space<vmem>> -> memref<40x128xf32, #tpu.memory_space<vmem>>
        %swap3A_671 = arith.index_cast %add3A_564 : i32 to index
        %swap3A_672 = arith.constant 96 : index
        %swap3A_673 = tpu.vector_load %swap3A_670[%swap3A_671, %swap3A_672] {strides = array<i32>} : memref<40x128xf32, #tpu.memory_space<vmem>>, vector<16xf32>,
        tpu.vector_store %swap3A_670[%swap3A_671, %swap3A_672], %mul3A_666 {strides = array<i32>} : memref<40x128xf32, #tpu.memory_space<vmem>>, vector<16xf32>,
        %get3A_674 = arith.constant 0 : i32
        %get3A_675 = arith.constant 0 : i32
        %get3A_676 = tpu.memref_slice %arg11[%scan3A_363, %get3A_674, %get3A_675] : memref<5x40x128xf32, #tpu.memory_space<vmem>> -> memref<1x40x128xf32, #tpu.memory_space<vmem>>
        %get3A_677 = tpu.memref_squeeze %get3A_676 : memref<1x40x128xf32, #tpu.memory_space<vmem>> -> memref<40x128xf32, #tpu.memory_space<vmem>>
        %get3A_678 = arith.index_cast %add3A_564 : i32 to index
        %get3A_679 = arith.constant 112 : index
        %get3A_680 = tpu.vector_load %get3A_677[%get3A_678, %get3A_679] {strides = array<i32>} : memref<40x128xf32, #tpu.memory_space<vmem>>, vector<16xf32>,
        %mul3A_681 = arith.mulf %get3A_680, %gather3A_568 : vector<16xf32>
        %swap3A_682 = arith.constant 0 : i32
        %swap3A_683 = arith.constant 0 : i32
        %swap3A_684 = tpu.memref_slice %arg11[%scan3A_363, %swap3A_682, %swap3A_683] : memref<5x40x128xf32, #tpu.memory_space<vmem>> -> memref<1x40x128xf32, #tpu.memory_space<vmem>>
        %swap3A_685 = tpu.memref_squeeze %swap3A_684 : memref<1x40x128xf32, #tpu.memory_space<vmem>> -> memref<40x128xf32, #tpu.memory_space<vmem>>
        %swap3A_686 = arith.index_cast %add3A_564 : i32 to index
        %swap3A_687 = arith.constant 112 : index
        %swap3A_688 = tpu.vector_load %swap3A_685[%swap3A_686, %swap3A_687] {strides = array<i32>} : memref<40x128xf32, #tpu.memory_space<vmem>>, vector<16xf32>,
        tpu.vector_store %swap3A_685[%swap3A_686, %swap3A_687], %mul3A_681 {strides = array<i32>} : memref<40x128xf32, #tpu.memory_space<vmem>>, vector<16xf32>,
        %scan3A_689 = arith.constant 2 : i32
        %scan3A_690 = arith.addi %scan3A_434, %scan3A_689 : i32
        %mul3A_691 = arith.constant 1 : i32
        %mul3A_692 = arith.muli %scan3A_690, %mul3A_691 : i32
        %add3A_693 = arith.constant 0 : i32
        %add3A_694 = arith.addi %add3A_693, %mul3A_692 : i32
        %add3A_695 = arith.constant 384 : i32
        %add3A_696 = arith.addi %add3A_695, %add3A_694 : i32
        %broadcast_in_dim3A_697 = vector.broadcast %add3A_696 : i32 to vector<16xi32>
        %gather3A_698 = tpu.vector_load_idx %arg10[%broadcast_in_dim3A_697] : memref<640xf32, #tpu.memory_space<vmem>>[vector<16xi32>], vector<16xf32>,
        %get3A_699 = arith.constant 0 : i32
        %get3A_700 = arith.constant 0 : i32
        %get3A_701 = tpu.memref_slice %arg11[%scan3A_363, %get3A_699, %get3A_700] : memref<5x40x128xf32, #tpu.memory_space<vmem>> -> memref<1x40x128xf32, #tpu.memory_space<vmem>>
        %get3A_702 = tpu.memref_squeeze %get3A_701 : memref<1x40x128xf32, #tpu.memory_space<vmem>> -> memref<40x128xf32, #tpu.memory_space<vmem>>
        %get3A_703 = arith.index_cast %add3A_694 : i32 to index
        %get3A_704 = arith.constant 0 : index
        %get3A_705 = tpu.vector_load %get3A_702[%get3A_703, %get3A_704] {strides = array<i32>} : memref<40x128xf32, #tpu.memory_space<vmem>>, vector<16xf32>,
        %mul3A_706 = arith.mulf %get3A_705, %gather3A_698 : vector<16xf32>
        %swap3A_707 = arith.constant 0 : i32
        %swap3A_708 = arith.constant 0 : i32
        %swap3A_709 = tpu.memref_slice %arg11[%scan3A_363, %swap3A_707, %swap3A_708] : memref<5x40x128xf32, #tpu.memory_space<vmem>> -> memref<1x40x128xf32, #tpu.memory_space<vmem>>
        %swap3A_710 = tpu.memref_squeeze %swap3A_709 : memref<1x40x128xf32, #tpu.memory_space<vmem>> -> memref<40x128xf32, #tpu.memory_space<vmem>>
        %swap3A_711 = arith.index_cast %add3A_694 : i32 to index
        %swap3A_712 = arith.constant 0 : index
        %swap3A_713 = tpu.vector_load %swap3A_710[%swap3A_711, %swap3A_712] {strides = array<i32>} : memref<40x128xf32, #tpu.memory_space<vmem>>, vector<16xf32>,
        tpu.vector_store %swap3A_710[%swap3A_711, %swap3A_712], %mul3A_706 {strides = array<i32>} : memref<40x128xf32, #tpu.memory_space<vmem>>, vector<16xf32>,
        %get3A_714 = arith.constant 0 : i32
        %get3A_715 = arith.constant 0 : i32
        %get3A_716 = tpu.memref_slice %arg11[%scan3A_363, %get3A_714, %get3A_715] : memref<5x40x128xf32, #tpu.memory_space<vmem>> -> memref<1x40x128xf32, #tpu.memory_space<vmem>>
        %get3A_717 = tpu.memref_squeeze %get3A_716 : memref<1x40x128xf32, #tpu.memory_space<vmem>> -> memref<40x128xf32, #tpu.memory_space<vmem>>
        %get3A_718 = arith.index_cast %add3A_694 : i32 to index
        %get3A_719 = arith.constant 16 : index
        %get3A_720 = tpu.vector_load %get3A_717[%get3A_718, %get3A_719] {strides = array<i32>} : memref<40x128xf32, #tpu.memory_space<vmem>>, vector<16xf32>,
        %mul3A_721 = arith.mulf %get3A_720, %gather3A_698 : vector<16xf32>
        %swap3A_722 = arith.constant 0 : i32
        %swap3A_723 = arith.constant 0 : i32
        %swap3A_724 = tpu.memref_slice %arg11[%scan3A_363, %swap3A_722, %swap3A_723] : memref<5x40x128xf32, #tpu.memory_space<vmem>> -> memref<1x40x128xf32, #tpu.memory_space<vmem>>
        %swap3A_725 = tpu.memref_squeeze %swap3A_724 : memref<1x40x128xf32, #tpu.memory_space<vmem>> -> memref<40x128xf32, #tpu.memory_space<vmem>>
        %swap3A_726 = arith.index_cast %add3A_694 : i32 to index
        %swap3A_727 = arith.constant 16 : index
        %swap3A_728 = tpu.vector_load %swap3A_725[%swap3A_726, %swap3A_727] {strides = array<i32>} : memref<40x128xf32, #tpu.memory_space<vmem>>, vector<16xf32>,
        tpu.vector_store %swap3A_725[%swap3A_726, %swap3A_727], %mul3A_721 {strides = array<i32>} : memref<40x128xf32, #tpu.memory_space<vmem>>, vector<16xf32>,
        %get3A_729 = arith.constant 0 : i32
        %get3A_730 = arith.constant 0 : i32
        %get3A_731 = tpu.memref_slice %arg11[%scan3A_363, %get3A_729, %get3A_730] : memref<5x40x128xf32, #tpu.memory_space<vmem>> -> memref<1x40x128xf32, #tpu.memory_space<vmem>>
        %get3A_732 = tpu.memref_squeeze %get3A_731 : memref<1x40x128xf32, #tpu.memory_space<vmem>> -> memref<40x128xf32, #tpu.memory_space<vmem>>
        %get3A_733 = arith.index_cast %add3A_694 : i32 to index
        %get3A_734 = arith.constant 32 : index
        %get3A_735 = tpu.vector_load %get3A_732[%get3A_733, %get3A_734] {strides = array<i32>} : memref<40x128xf32, #tpu.memory_space<vmem>>, vector<16xf32>,
        %mul3A_736 = arith.mulf %get3A_735, %gather3A_698 : vector<16xf32>
        %swap3A_737 = arith.constant 0 : i32
        %swap3A_738 = arith.constant 0 : i32
        %swap3A_739 = tpu.memref_slice %arg11[%scan3A_363, %swap3A_737, %swap3A_738] : memref<5x40x128xf32, #tpu.memory_space<vmem>> -> memref<1x40x128xf32, #tpu.memory_space<vmem>>
        %swap3A_740 = tpu.memref_squeeze %swap3A_739 : memref<1x40x128xf32, #tpu.memory_space<vmem>> -> memref<40x128xf32, #tpu.memory_space<vmem>>
        %swap3A_741 = arith.index_cast %add3A_694 : i32 to index
        %swap3A_742 = arith.constant 32 : index
        %swap3A_743 = tpu.vector_load %swap3A_740[%swap3A_741, %swap3A_742] {strides = array<i32>} : memref<40x128xf32, #tpu.memory_space<vmem>>, vector<16xf32>,
        tpu.vector_store %swap3A_740[%swap3A_741, %swap3A_742], %mul3A_736 {strides = array<i32>} : memref<40x128xf32, #tpu.memory_space<vmem>>, vector<16xf32>,
        %get3A_744 = arith.constant 0 : i32
        %get3A_745 = arith.constant 0 : i32
        %get3A_746 = tpu.memref_slice %arg11[%scan3A_363, %get3A_744, %get3A_745] : memref<5x40x128xf32, #tpu.memory_space<vmem>> -> memref<1x40x128xf32, #tpu.memory_space<vmem>>
        %get3A_747 = tpu.memref_squeeze %get3A_746 : memref<1x40x128xf32, #tpu.memory_space<vmem>> -> memref<40x128xf32, #tpu.memory_space<vmem>>
        %get3A_748 = arith.index_cast %add3A_694 : i32 to index
        %get3A_749 = arith.constant 48 : index
        %get3A_750 = tpu.vector_load %get3A_747[%get3A_748, %get3A_749] {strides = array<i32>} : memref<40x128xf32, #tpu.memory_space<vmem>>, vector<16xf32>,
        %mul3A_751 = arith.mulf %get3A_750, %gather3A_698 : vector<16xf32>
        %swap3A_752 = arith.constant 0 : i32
        %swap3A_753 = arith.constant 0 : i32
        %swap3A_754 = tpu.memref_slice %arg11[%scan3A_363, %swap3A_752, %swap3A_753] : memref<5x40x128xf32, #tpu.memory_space<vmem>> -> memref<1x40x128xf32, #tpu.memory_space<vmem>>
        %swap3A_755 = tpu.memref_squeeze %swap3A_754 : memref<1x40x128xf32, #tpu.memory_space<vmem>> -> memref<40x128xf32, #tpu.memory_space<vmem>>
        %swap3A_756 = arith.index_cast %add3A_694 : i32 to index
        %swap3A_757 = arith.constant 48 : index
        %swap3A_758 = tpu.vector_load %swap3A_755[%swap3A_756, %swap3A_757] {strides = array<i32>} : memref<40x128xf32, #tpu.memory_space<vmem>>, vector<16xf32>,
        tpu.vector_store %swap3A_755[%swap3A_756, %swap3A_757], %mul3A_751 {strides = array<i32>} : memref<40x128xf32, #tpu.memory_space<vmem>>, vector<16xf32>,
        %get3A_759 = arith.constant 0 : i32
        %get3A_760 = arith.constant 0 : i32
        %get3A_761 = tpu.memref_slice %arg11[%scan3A_363, %get3A_759, %get3A_760] : memref<5x40x128xf32, #tpu.memory_space<vmem>> -> memref<1x40x128xf32, #tpu.memory_space<vmem>>
        %get3A_762 = tpu.memref_squeeze %get3A_761 : memref<1x40x128xf32, #tpu.memory_space<vmem>> -> memref<40x128xf32, #tpu.memory_space<vmem>>
        %get3A_763 = arith.index_cast %add3A_694 : i32 to index
        %get3A_764 = arith.constant 64 : index
        %get3A_765 = tpu.vector_load %get3A_762[%get3A_763, %get3A_764] {strides = array<i32>} : memref<40x128xf32, #tpu.memory_space<vmem>>, vector<16xf32>,
        %mul3A_766 = arith.mulf %get3A_765, %gather3A_698 : vector<16xf32>
        %swap3A_767 = arith.constant 0 : i32
        %swap3A_768 = arith.constant 0 : i32
        %swap3A_769 = tpu.memref_slice %arg11[%scan3A_363, %swap3A_767, %swap3A_768] : memref<5x40x128xf32, #tpu.memory_space<vmem>> -> memref<1x40x128xf32, #tpu.memory_space<vmem>>
        %swap3A_770 = tpu.memref_squeeze %swap3A_769 : memref<1x40x128xf32, #tpu.memory_space<vmem>> -> memref<40x128xf32, #tpu.memory_space<vmem>>
        %swap3A_771 = arith.index_cast %add3A_694 : i32 to index
        %swap3A_772 = arith.constant 64 : index
        %swap3A_773 = tpu.vector_load %swap3A_770[%swap3A_771, %swap3A_772] {strides = array<i32>} : memref<40x128xf32, #tpu.memory_space<vmem>>, vector<16xf32>,
        tpu.vector_store %swap3A_770[%swap3A_771, %swap3A_772], %mul3A_766 {strides = array<i32>} : memref<40x128xf32, #tpu.memory_space<vmem>>, vector<16xf32>,
        %get3A_774 = arith.constant 0 : i32
        %get3A_775 = arith.constant 0 : i32
        %get3A_776 = tpu.memref_slice %arg11[%scan3A_363, %get3A_774, %get3A_775] : memref<5x40x128xf32, #tpu.memory_space<vmem>> -> memref<1x40x128xf32, #tpu.memory_space<vmem>>
        %get3A_777 = tpu.memref_squeeze %get3A_776 : memref<1x40x128xf32, #tpu.memory_space<vmem>> -> memref<40x128xf32, #tpu.memory_space<vmem>>
        %get3A_778 = arith.index_cast %add3A_694 : i32 to index
        %get3A_779 = arith.constant 80 : index
        %get3A_780 = tpu.vector_load %get3A_777[%get3A_778, %get3A_779] {strides = array<i32>} : memref<40x128xf32, #tpu.memory_space<vmem>>, vector<16xf32>,
        %mul3A_781 = arith.mulf %get3A_780, %gather3A_698 : vector<16xf32>
        %swap3A_782 = arith.constant 0 : i32
        %swap3A_783 = arith.constant 0 : i32
        %swap3A_784 = tpu.memref_slice %arg11[%scan3A_363, %swap3A_782, %swap3A_783] : memref<5x40x128xf32, #tpu.memory_space<vmem>> -> memref<1x40x128xf32, #tpu.memory_space<vmem>>
        %swap3A_785 = tpu.memref_squeeze %swap3A_784 : memref<1x40x128xf32, #tpu.memory_space<vmem>> -> memref<40x128xf32, #tpu.memory_space<vmem>>
        %swap3A_786 = arith.index_cast %add3A_694 : i32 to index
        %swap3A_787 = arith.constant 80 : index
        %swap3A_788 = tpu.vector_load %swap3A_785[%swap3A_786, %swap3A_787] {strides = array<i32>} : memref<40x128xf32, #tpu.memory_space<vmem>>, vector<16xf32>,
        tpu.vector_store %swap3A_785[%swap3A_786, %swap3A_787], %mul3A_781 {strides = array<i32>} : memref<40x128xf32, #tpu.memory_space<vmem>>, vector<16xf32>,
        %get3A_789 = arith.constant 0 : i32
        %get3A_790 = arith.constant 0 : i32
        %get3A_791 = tpu.memref_slice %arg11[%scan3A_363, %get3A_789, %get3A_790] : memref<5x40x128xf32, #tpu.memory_space<vmem>> -> memref<1x40x128xf32, #tpu.memory_space<vmem>>
        %get3A_792 = tpu.memref_squeeze %get3A_791 : memref<1x40x128xf32, #tpu.memory_space<vmem>> -> memref<40x128xf32, #tpu.memory_space<vmem>>
        %get3A_793 = arith.index_cast %add3A_694 : i32 to index
        %get3A_794 = arith.constant 96 : index
        %get3A_795 = tpu.vector_load %get3A_792[%get3A_793, %get3A_794] {strides = array<i32>} : memref<40x128xf32, #tpu.memory_space<vmem>>, vector<16xf32>,
        %mul3A_796 = arith.mulf %get3A_795, %gather3A_698 : vector<16xf32>
        %swap3A_797 = arith.constant 0 : i32
        %swap3A_798 = arith.constant 0 : i32
        %swap3A_799 = tpu.memref_slice %arg11[%scan3A_363, %swap3A_797, %swap3A_798] : memref<5x40x128xf32, #tpu.memory_space<vmem>> -> memref<1x40x128xf32, #tpu.memory_space<vmem>>
        %swap3A_800 = tpu.memref_squeeze %swap3A_799 : memref<1x40x128xf32, #tpu.memory_space<vmem>> -> memref<40x128xf32, #tpu.memory_space<vmem>>
        %swap3A_801 = arith.index_cast %add3A_694 : i32 to index
        %swap3A_802 = arith.constant 96 : index
        %swap3A_803 = tpu.vector_load %swap3A_800[%swap3A_801, %swap3A_802] {strides = array<i32>} : memref<40x128xf32, #tpu.memory_space<vmem>>, vector<16xf32>,
        tpu.vector_store %swap3A_800[%swap3A_801, %swap3A_802], %mul3A_796 {strides = array<i32>} : memref<40x128xf32, #tpu.memory_space<vmem>>, vector<16xf32>,
        %get3A_804 = arith.constant 0 : i32
        %get3A_805 = arith.constant 0 : i32
        %get3A_806 = tpu.memref_slice %arg11[%scan3A_363, %get3A_804, %get3A_805] : memref<5x40x128xf32, #tpu.memory_space<vmem>> -> memref<1x40x128xf32, #tpu.memory_space<vmem>>
        %get3A_807 = tpu.memref_squeeze %get3A_806 : memref<1x40x128xf32, #tpu.memory_space<vmem>> -> memref<40x128xf32, #tpu.memory_space<vmem>>
        %get3A_808 = arith.index_cast %add3A_694 : i32 to index
        %get3A_809 = arith.constant 112 : index
        %get3A_810 = tpu.vector_load %get3A_807[%get3A_808, %get3A_809] {strides = array<i32>} : memref<40x128xf32, #tpu.memory_space<vmem>>, vector<16xf32>,
        %mul3A_811 = arith.mulf %get3A_810, %gather3A_698 : vector<16xf32>
        %swap3A_812 = arith.constant 0 : i32
        %swap3A_813 = arith.constant 0 : i32
        %swap3A_814 = tpu.memref_slice %arg11[%scan3A_363, %swap3A_812, %swap3A_813] : memref<5x40x128xf32, #tpu.memory_space<vmem>> -> memref<1x40x128xf32, #tpu.memory_space<vmem>>
        %swap3A_815 = tpu.memref_squeeze %swap3A_814 : memref<1x40x128xf32, #tpu.memory_space<vmem>> -> memref<40x128xf32, #tpu.memory_space<vmem>>
        %swap3A_816 = arith.index_cast %add3A_694 : i32 to index
        %swap3A_817 = arith.constant 112 : index
        %swap3A_818 = tpu.vector_load %swap3A_815[%swap3A_816, %swap3A_817] {strides = array<i32>} : memref<40x128xf32, #tpu.memory_space<vmem>>, vector<16xf32>,
        tpu.vector_store %swap3A_815[%swap3A_816, %swap3A_817], %mul3A_811 {strides = array<i32>} : memref<40x128xf32, #tpu.memory_space<vmem>>, vector<16xf32>,
        %scan3A_819 = arith.constant 3 : i32
        %scan3A_820 = arith.addi %scan3A_434, %scan3A_819 : i32
        %mul3A_821 = arith.constant 1 : i32
        %mul3A_822 = arith.muli %scan3A_820, %mul3A_821 : i32
        %add3A_823 = arith.constant 0 : i32
        %add3A_824 = arith.addi %add3A_823, %mul3A_822 : i32
        %add3A_825 = arith.constant 384 : i32
        %add3A_826 = arith.addi %add3A_825, %add3A_824 : i32
        %broadcast_in_dim3A_827 = vector.broadcast %add3A_826 : i32 to vector<16xi32>
        %gather3A_828 = tpu.vector_load_idx %arg10[%broadcast_in_dim3A_827] : memref<640xf32, #tpu.memory_space<vmem>>[vector<16xi32>], vector<16xf32>,
        %get3A_829 = arith.constant 0 : i32
        %get3A_830 = arith.constant 0 : i32
        %get3A_831 = tpu.memref_slice %arg11[%scan3A_363, %get3A_829, %get3A_830] : memref<5x40x128xf32, #tpu.memory_space<vmem>> -> memref<1x40x128xf32, #tpu.memory_space<vmem>>
        %get3A_832 = tpu.memref_squeeze %get3A_831 : memref<1x40x128xf32, #tpu.memory_space<vmem>> -> memref<40x128xf32, #tpu.memory_space<vmem>>
        %get3A_833 = arith.index_cast %add3A_824 : i32 to index
        %get3A_834 = arith.constant 0 : index
        %get3A_835 = tpu.vector_load %get3A_832[%get3A_833, %get3A_834] {strides = array<i32>} : memref<40x128xf32, #tpu.memory_space<vmem>>, vector<16xf32>,
        %mul3A_836 = arith.mulf %get3A_835, %gather3A_828 : vector<16xf32>
        %swap3A_837 = arith.constant 0 : i32
        %swap3A_838 = arith.constant 0 : i32
        %swap3A_839 = tpu.memref_slice %arg11[%scan3A_363, %swap3A_837, %swap3A_838] : memref<5x40x128xf32, #tpu.memory_space<vmem>> -> memref<1x40x128xf32, #tpu.memory_space<vmem>>
        %swap3A_840 = tpu.memref_squeeze %swap3A_839 : memref<1x40x128xf32, #tpu.memory_space<vmem>> -> memref<40x128xf32, #tpu.memory_space<vmem>>
        %swap3A_841 = arith.index_cast %add3A_824 : i32 to index
        %swap3A_842 = arith.constant 0 : index
        %swap3A_843 = tpu.vector_load %swap3A_840[%swap3A_841, %swap3A_842] {strides = array<i32>} : memref<40x128xf32, #tpu.memory_space<vmem>>, vector<16xf32>,
        tpu.vector_store %swap3A_840[%swap3A_841, %swap3A_842], %mul3A_836 {strides = array<i32>} : memref<40x128xf32, #tpu.memory_space<vmem>>, vector<16xf32>,
        %get3A_844 = arith.constant 0 : i32
        %get3A_845 = arith.constant 0 : i32
        %get3A_846 = tpu.memref_slice %arg11[%scan3A_363, %get3A_844, %get3A_845] : memref<5x40x128xf32, #tpu.memory_space<vmem>> -> memref<1x40x128xf32, #tpu.memory_space<vmem>>
        %get3A_847 = tpu.memref_squeeze %get3A_846 : memref<1x40x128xf32, #tpu.memory_space<vmem>> -> memref<40x128xf32, #tpu.memory_space<vmem>>
        %get3A_848 = arith.index_cast %add3A_824 : i32 to index
        %get3A_849 = arith.constant 16 : index
        %get3A_850 = tpu.vector_load %get3A_847[%get3A_848, %get3A_849] {strides = array<i32>} : memref<40x128xf32, #tpu.memory_space<vmem>>, vector<16xf32>,
        %mul3A_851 = arith.mulf %get3A_850, %gather3A_828 : vector<16xf32>
        %swap3A_852 = arith.constant 0 : i32
        %swap3A_853 = arith.constant 0 : i32
        %swap3A_854 = tpu.memref_slice %arg11[%scan3A_363, %swap3A_852, %swap3A_853] : memref<5x40x128xf32, #tpu.memory_space<vmem>> -> memref<1x40x128xf32, #tpu.memory_space<vmem>>
        %swap3A_855 = tpu.memref_squeeze %swap3A_854 : memref<1x40x128xf32, #tpu.memory_space<vmem>> -> memref<40x128xf32, #tpu.memory_space<vmem>>
        %swap3A_856 = arith.index_cast %add3A_824 : i32 to index
        %swap3A_857 = arith.constant 16 : index
        %swap3A_858 = tpu.vector_load %swap3A_855[%swap3A_856, %swap3A_857] {strides = array<i32>} : memref<40x128xf32, #tpu.memory_space<vmem>>, vector<16xf32>,
        tpu.vector_store %swap3A_855[%swap3A_856, %swap3A_857], %mul3A_851 {strides = array<i32>} : memref<40x128xf32, #tpu.memory_space<vmem>>, vector<16xf32>,
        %get3A_859 = arith.constant 0 : i32
        %get3A_860 = arith.constant 0 : i32
        %get3A_861 = tpu.memref_slice %arg11[%scan3A_363, %get3A_859, %get3A_860] : memref<5x40x128xf32, #tpu.memory_space<vmem>> -> memref<1x40x128xf32, #tpu.memory_space<vmem>>
        %get3A_862 = tpu.memref_squeeze %get3A_861 : memref<1x40x128xf32, #tpu.memory_space<vmem>> -> memref<40x128xf32, #tpu.memory_space<vmem>>
        %get3A_863 = arith.index_cast %add3A_824 : i32 to index
        %get3A_864 = arith.constant 32 : index
        %get3A_865 = tpu.vector_load %get3A_862[%get3A_863, %get3A_864] {strides = array<i32>} : memref<40x128xf32, #tpu.memory_space<vmem>>, vector<16xf32>,
        %mul3A_866 = arith.mulf %get3A_865, %gather3A_828 : vector<16xf32>
        %swap3A_867 = arith.constant 0 : i32
        %swap3A_868 = arith.constant 0 : i32
        %swap3A_869 = tpu.memref_slice %arg11[%scan3A_363, %swap3A_867, %swap3A_868] : memref<5x40x128xf32, #tpu.memory_space<vmem>> -> memref<1x40x128xf32, #tpu.memory_space<vmem>>
        %swap3A_870 = tpu.memref_squeeze %swap3A_869 : memref<1x40x128xf32, #tpu.memory_space<vmem>> -> memref<40x128xf32, #tpu.memory_space<vmem>>
        %swap3A_871 = arith.index_cast %add3A_824 : i32 to index
        %swap3A_872 = arith.constant 32 : index
        %swap3A_873 = tpu.vector_load %swap3A_870[%swap3A_871, %swap3A_872] {strides = array<i32>} : memref<40x128xf32, #tpu.memory_space<vmem>>, vector<16xf32>,
        tpu.vector_store %swap3A_870[%swap3A_871, %swap3A_872], %mul3A_866 {strides = array<i32>} : memref<40x128xf32, #tpu.memory_space<vmem>>, vector<16xf32>,
        %get3A_874 = arith.constant 0 : i32
        %get3A_875 = arith.constant 0 : i32
        %get3A_876 = tpu.memref_slice %arg11[%scan3A_363, %get3A_874, %get3A_875] : memref<5x40x128xf32, #tpu.memory_space<vmem>> -> memref<1x40x128xf32, #tpu.memory_space<vmem>>
        %get3A_877 = tpu.memref_squeeze %get3A_876 : memref<1x40x128xf32, #tpu.memory_space<vmem>> -> memref<40x128xf32, #tpu.memory_space<vmem>>
        %get3A_878 = arith.index_cast %add3A_824 : i32 to index
        %get3A_879 = arith.constant 48 : index
        %get3A_880 = tpu.vector_load %get3A_877[%get3A_878, %get3A_879] {strides = array<i32>} : memref<40x128xf32, #tpu.memory_space<vmem>>, vector<16xf32>,
        %mul3A_881 = arith.mulf %get3A_880, %gather3A_828 : vector<16xf32>
        %swap3A_882 = arith.constant 0 : i32
        %swap3A_883 = arith.constant 0 : i32
        %swap3A_884 = tpu.memref_slice %arg11[%scan3A_363, %swap3A_882, %swap3A_883] : memref<5x40x128xf32, #tpu.memory_space<vmem>> -> memref<1x40x128xf32, #tpu.memory_space<vmem>>
        %swap3A_885 = tpu.memref_squeeze %swap3A_884 : memref<1x40x128xf32, #tpu.memory_space<vmem>> -> memref<40x128xf32, #tpu.memory_space<vmem>>
        %swap3A_886 = arith.index_cast %add3A_824 : i32 to index
        %swap3A_887 = arith.constant 48 : index
        %swap3A_888 = tpu.vector_load %swap3A_885[%swap3A_886, %swap3A_887] {strides = array<i32>} : memref<40x128xf32, #tpu.memory_space<vmem>>, vector<16xf32>,
        tpu.vector_store %swap3A_885[%swap3A_886, %swap3A_887], %mul3A_881 {strides = array<i32>} : memref<40x128xf32, #tpu.memory_space<vmem>>, vector<16xf32>,
        %get3A_889 = arith.constant 0 : i32
        %get3A_890 = arith.constant 0 : i32
        %get3A_891 = tpu.memref_slice %arg11[%scan3A_363, %get3A_889, %get3A_890] : memref<5x40x128xf32, #tpu.memory_space<vmem>> -> memref<1x40x128xf32, #tpu.memory_space<vmem>>
        %get3A_892 = tpu.memref_squeeze %get3A_891 : memref<1x40x128xf32, #tpu.memory_space<vmem>> -> memref<40x128xf32, #tpu.memory_space<vmem>>
        %get3A_893 = arith.index_cast %add3A_824 : i32 to index
        %get3A_894 = arith.constant 64 : index
        %get3A_895 = tpu.vector_load %get3A_892[%get3A_893, %get3A_894] {strides = array<i32>} : memref<40x128xf32, #tpu.memory_space<vmem>>, vector<16xf32>,
        %mul3A_896 = arith.mulf %get3A_895, %gather3A_828 : vector<16xf32>
        %swap3A_897 = arith.constant 0 : i32
        %swap3A_898 = arith.constant 0 : i32
        %swap3A_899 = tpu.memref_slice %arg11[%scan3A_363, %swap3A_897, %swap3A_898] : memref<5x40x128xf32, #tpu.memory_space<vmem>> -> memref<1x40x128xf32, #tpu.memory_space<vmem>>
        %swap3A_900 = tpu.memref_squeeze %swap3A_899 : memref<1x40x128xf32, #tpu.memory_space<vmem>> -> memref<40x128xf32, #tpu.memory_space<vmem>>
        %swap3A_901 = arith.index_cast %add3A_824 : i32 to index
        %swap3A_902 = arith.constant 64 : index
        %swap3A_903 = tpu.vector_load %swap3A_900[%swap3A_901, %swap3A_902] {strides = array<i32>} : memref<40x128xf32, #tpu.memory_space<vmem>>, vector<16xf32>,
        tpu.vector_store %swap3A_900[%swap3A_901, %swap3A_902], %mul3A_896 {strides = array<i32>} : memref<40x128xf32, #tpu.memory_space<vmem>>, vector<16xf32>,
        %get3A_904 = arith.constant 0 : i32
        %get3A_905 = arith.constant 0 : i32
        %get3A_906 = tpu.memref_slice %arg11[%scan3A_363, %get3A_904, %get3A_905] : memref<5x40x128xf32, #tpu.memory_space<vmem>> -> memref<1x40x128xf32, #tpu.memory_space<vmem>>
        %get3A_907 = tpu.memref_squeeze %get3A_906 : memref<1x40x128xf32, #tpu.memory_space<vmem>> -> memref<40x128xf32, #tpu.memory_space<vmem>>
        %get3A_908 = arith.index_cast %add3A_824 : i32 to index
        %get3A_909 = arith.constant 80 : index
        %get3A_910 = tpu.vector_load %get3A_907[%get3A_908, %get3A_909] {strides = array<i32>} : memref<40x128xf32, #tpu.memory_space<vmem>>, vector<16xf32>,
        %mul3A_911 = arith.mulf %get3A_910, %gather3A_828 : vector<16xf32>
        %swap3A_912 = arith.constant 0 : i32
        %swap3A_913 = arith.constant 0 : i32
        %swap3A_914 = tpu.memref_slice %arg11[%scan3A_363, %swap3A_912, %swap3A_913] : memref<5x40x128xf32, #tpu.memory_space<vmem>> -> memref<1x40x128xf32, #tpu.memory_space<vmem>>
        %swap3A_915 = tpu.memref_squeeze %swap3A_914 : memref<1x40x128xf32, #tpu.memory_space<vmem>> -> memref<40x128xf32, #tpu.memory_space<vmem>>
        %swap3A_916 = arith.index_cast %add3A_824 : i32 to index
        %swap3A_917 = arith.constant 80 : index
        %swap3A_918 = tpu.vector_load %swap3A_915[%swap3A_916, %swap3A_917] {strides = array<i32>} : memref<40x128xf32, #tpu.memory_space<vmem>>, vector<16xf32>,
        tpu.vector_store %swap3A_915[%swap3A_916, %swap3A_917], %mul3A_911 {strides = array<i32>} : memref<40x128xf32, #tpu.memory_space<vmem>>, vector<16xf32>,
        %get3A_919 = arith.constant 0 : i32
        %get3A_920 = arith.constant 0 : i32
        %get3A_921 = tpu.memref_slice %arg11[%scan3A_363, %get3A_919, %get3A_920] : memref<5x40x128xf32, #tpu.memory_space<vmem>> -> memref<1x40x128xf32, #tpu.memory_space<vmem>>
        %get3A_922 = tpu.memref_squeeze %get3A_921 : memref<1x40x128xf32, #tpu.memory_space<vmem>> -> memref<40x128xf32, #tpu.memory_space<vmem>>
        %get3A_923 = arith.index_cast %add3A_824 : i32 to index
        %get3A_924 = arith.constant 96 : index
        %get3A_925 = tpu.vector_load %get3A_922[%get3A_923, %get3A_924] {strides = array<i32>} : memref<40x128xf32, #tpu.memory_space<vmem>>, vector<16xf32>,
        %mul3A_926 = arith.mulf %get3A_925, %gather3A_828 : vector<16xf32>
        %swap3A_927 = arith.constant 0 : i32
        %swap3A_928 = arith.constant 0 : i32
        %swap3A_929 = tpu.memref_slice %arg11[%scan3A_363, %swap3A_927, %swap3A_928] : memref<5x40x128xf32, #tpu.memory_space<vmem>> -> memref<1x40x128xf32, #tpu.memory_space<vmem>>
        %swap3A_930 = tpu.memref_squeeze %swap3A_929 : memref<1x40x128xf32, #tpu.memory_space<vmem>> -> memref<40x128xf32, #tpu.memory_space<vmem>>
        %swap3A_931 = arith.index_cast %add3A_824 : i32 to index
        %swap3A_932 = arith.constant 96 : index
        %swap3A_933 = tpu.vector_load %swap3A_930[%swap3A_931, %swap3A_932] {strides = array<i32>} : memref<40x128xf32, #tpu.memory_space<vmem>>, vector<16xf32>,
        tpu.vector_store %swap3A_930[%swap3A_931, %swap3A_932], %mul3A_926 {strides = array<i32>} : memref<40x128xf32, #tpu.memory_space<vmem>>, vector<16xf32>,
        %get3A_934 = arith.constant 0 : i32
        %get3A_935 = arith.constant 0 : i32
        %get3A_936 = tpu.memref_slice %arg11[%scan3A_363, %get3A_934, %get3A_935] : memref<5x40x128xf32, #tpu.memory_space<vmem>> -> memref<1x40x128xf32, #tpu.memory_space<vmem>>
        %get3A_937 = tpu.memref_squeeze %get3A_936 : memref<1x40x128xf32, #tpu.memory_space<vmem>> -> memref<40x128xf32, #tpu.memory_space<vmem>>
        %get3A_938 = arith.index_cast %add3A_824 : i32 to index
        %get3A_939 = arith.constant 112 : index
        %get3A_940 = tpu.vector_load %get3A_937[%get3A_938, %get3A_939] {strides = array<i32>} : memref<40x128xf32, #tpu.memory_space<vmem>>, vector<16xf32>,
        %mul3A_941 = arith.mulf %get3A_940, %gather3A_828 : vector<16xf32>
        %swap3A_942 = arith.constant 0 : i32
        %swap3A_943 = arith.constant 0 : i32
        %swap3A_944 = tpu.memref_slice %arg11[%scan3A_363, %swap3A_942, %swap3A_943] : memref<5x40x128xf32, #tpu.memory_space<vmem>> -> memref<1x40x128xf32, #tpu.memory_space<vmem>>
        %swap3A_945 = tpu.memref_squeeze %swap3A_944 : memref<1x40x128xf32, #tpu.memory_space<vmem>> -> memref<40x128xf32, #tpu.memory_space<vmem>>
        %swap3A_946 = arith.index_cast %add3A_824 : i32 to index
        %swap3A_947 = arith.constant 112 : index
        %swap3A_948 = tpu.vector_load %swap3A_945[%swap3A_946, %swap3A_947] {strides = array<i32>} : memref<40x128xf32, #tpu.memory_space<vmem>>, vector<16xf32>,
        tpu.vector_store %swap3A_945[%swap3A_946, %swap3A_947], %mul3A_941 {strides = array<i32>} : memref<40x128xf32, #tpu.memory_space<vmem>>, vector<16xf32>,
        %scan3A_949 = arith.constant 4 : i32
        %scan3A_950 = arith.addi %scan3A_434, %scan3A_949 : i32
        %mul3A_951 = arith.constant 1 : i32
        %mul3A_952 = arith.muli %scan3A_950, %mul3A_951 : i32
        %add3A_953 = arith.constant 0 : i32
        %add3A_954 = arith.addi %add3A_953, %mul3A_952 : i32
        %add3A_955 = arith.constant 384 : i32
        %add3A_956 = arith.addi %add3A_955, %add3A_954 : i32
        %broadcast_in_dim3A_957 = vector.broadcast %add3A_956 : i32 to vector<16xi32>
        %gather3A_958 = tpu.vector_load_idx %arg10[%broadcast_in_dim3A_957] : memref<640xf32, #tpu.memory_space<vmem>>[vector<16xi32>], vector<16xf32>,
        %get3A_959 = arith.constant 0 : i32
        %get3A_960 = arith.constant 0 : i32
        %get3A_961 = tpu.memref_slice %arg11[%scan3A_363, %get3A_959, %get3A_960] : memref<5x40x128xf32, #tpu.memory_space<vmem>> -> memref<1x40x128xf32, #tpu.memory_space<vmem>>
        %get3A_962 = tpu.memref_squeeze %get3A_961 : memref<1x40x128xf32, #tpu.memory_space<vmem>> -> memref<40x128xf32, #tpu.memory_space<vmem>>
        %get3A_963 = arith.index_cast %add3A_954 : i32 to index
        %get3A_964 = arith.constant 0 : index
        %get3A_965 = tpu.vector_load %get3A_962[%get3A_963, %get3A_964] {strides = array<i32>} : memref<40x128xf32, #tpu.memory_space<vmem>>, vector<16xf32>,
        %mul3A_966 = arith.mulf %get3A_965, %gather3A_958 : vector<16xf32>
        %swap3A_967 = arith.constant 0 : i32
        %swap3A_968 = arith.constant 0 : i32
        %swap3A_969 = tpu.memref_slice %arg11[%scan3A_363, %swap3A_967, %swap3A_968] : memref<5x40x128xf32, #tpu.memory_space<vmem>> -> memref<1x40x128xf32, #tpu.memory_space<vmem>>
        %swap3A_970 = tpu.memref_squeeze %swap3A_969 : memref<1x40x128xf32, #tpu.memory_space<vmem>> -> memref<40x128xf32, #tpu.memory_space<vmem>>
        %swap3A_971 = arith.index_cast %add3A_954 : i32 to index
        %swap3A_972 = arith.constant 0 : index
        %swap3A_973 = tpu.vector_load %swap3A_970[%swap3A_971, %swap3A_972] {strides = array<i32>} : memref<40x128xf32, #tpu.memory_space<vmem>>, vector<16xf32>,
        tpu.vector_store %swap3A_970[%swap3A_971, %swap3A_972], %mul3A_966 {strides = array<i32>} : memref<40x128xf32, #tpu.memory_space<vmem>>, vector<16xf32>,
        %get3A_974 = arith.constant 0 : i32
        %get3A_975 = arith.constant 0 : i32
        %get3A_976 = tpu.memref_slice %arg11[%scan3A_363, %get3A_974, %get3A_975] : memref<5x40x128xf32, #tpu.memory_space<vmem>> -> memref<1x40x128xf32, #tpu.memory_space<vmem>>
        %get3A_977 = tpu.memref_squeeze %get3A_976 : memref<1x40x128xf32, #tpu.memory_space<vmem>> -> memref<40x128xf32, #tpu.memory_space<vmem>>
        %get3A_978 = arith.index_cast %add3A_954 : i32 to index
        %get3A_979 = arith.constant 16 : index
        %get3A_980 = tpu.vector_load %get3A_977[%get3A_978, %get3A_979] {strides = array<i32>} : memref<40x128xf32, #tpu.memory_space<vmem>>, vector<16xf32>,
        %mul3A_981 = arith.mulf %get3A_980, %gather3A_958 : vector<16xf32>
        %swap3A_982 = arith.constant 0 : i32
        %swap3A_983 = arith.constant 0 : i32
        %swap3A_984 = tpu.memref_slice %arg11[%scan3A_363, %swap3A_982, %swap3A_983] : memref<5x40x128xf32, #tpu.memory_space<vmem>> -> memref<1x40x128xf32, #tpu.memory_space<vmem>>
        %swap3A_985 = tpu.memref_squeeze %swap3A_984 : memref<1x40x128xf32, #tpu.memory_space<vmem>> -> memref<40x128xf32, #tpu.memory_space<vmem>>
        %swap3A_986 = arith.index_cast %add3A_954 : i32 to index
        %swap3A_987 = arith.constant 16 : index
        %swap3A_988 = tpu.vector_load %swap3A_985[%swap3A_986, %swap3A_987] {strides = array<i32>} : memref<40x128xf32, #tpu.memory_space<vmem>>, vector<16xf32>,
        tpu.vector_store %swap3A_985[%swap3A_986, %swap3A_987], %mul3A_981 {strides = array<i32>} : memref<40x128xf32, #tpu.memory_space<vmem>>, vector<16xf32>,
        %get3A_989 = arith.constant 0 : i32
        %get3A_990 = arith.constant 0 : i32
        %get3A_991 = tpu.memref_slice %arg11[%scan3A_363, %get3A_989, %get3A_990] : memref<5x40x128xf32, #tpu.memory_space<vmem>> -> memref<1x40x128xf32, #tpu.memory_space<vmem>>
        %get3A_992 = tpu.memref_squeeze %get3A_991 : memref<1x40x128xf32, #tpu.memory_space<vmem>> -> memref<40x128xf32, #tpu.memory_space<vmem>>
        %get3A_993 = arith.index_cast %add3A_954 : i32 to index
        %get3A_994 = arith.constant 32 : index
        %get3A_995 = tpu.vector_load %get3A_992[%get3A_993, %get3A_994] {strides = array<i32>} : memref<40x128xf32, #tpu.memory_space<vmem>>, vector<16xf32>,
        %mul3A_996 = arith.mulf %get3A_995, %gather3A_958 : vector<16xf32>
        %swap3A_997 = arith.constant 0 : i32
        %swap3A_998 = arith.constant 0 : i32
        %swap3A_999 = tpu.memref_slice %arg11[%scan3A_363, %swap3A_997, %swap3A_998] : memref<5x40x128xf32, #tpu.memory_space<vmem>> -> memref<1x40x128xf32, #tpu.memory_space<vmem>>
        %swap3A_1000 = tpu.memref_squeeze %swap3A_999 : memref<1x40x128xf32, #tpu.memory_space<vmem>> -> memref<40x128xf32, #tpu.memory_space<vmem>>
        %swap3A_1001 = arith.index_cast %add3A_954 : i32 to index
        %swap3A_1002 = arith.constant 32 : index
        %swap3A_1003 = tpu.vector_load %swap3A_1000[%swap3A_1001, %swap3A_1002] {strides = array<i32>} : memref<40x128xf32, #tpu.memory_space<vmem>>, vector<16xf32>,
        tpu.vector_store %swap3A_1000[%swap3A_1001, %swap3A_1002], %mul3A_996 {strides = array<i32>} : memref<40x128xf32, #tpu.memory_space<vmem>>, vector<16xf32>,
        %get3A_1004 = arith.constant 0 : i32
        %get3A_1005 = arith.constant 0 : i32
        %get3A_1006 = tpu.memref_slice %arg11[%scan3A_363, %get3A_1004, %get3A_1005] : memref<5x40x128xf32, #tpu.memory_space<vmem>> -> memref<1x40x128xf32, #tpu.memory_space<vmem>>
        %get3A_1007 = tpu.memref_squeeze %get3A_1006 : memref<1x40x128xf32, #tpu.memory_space<vmem>> -> memref<40x128xf32, #tpu.memory_space<vmem>>
        %get3A_1008 = arith.index_cast %add3A_954 : i32 to index
        %get3A_1009 = arith.constant 48 : index
        %get3A_1010 = tpu.vector_load %get3A_1007[%get3A_1008, %get3A_1009] {strides = array<i32>} : memref<40x128xf32, #tpu.memory_space<vmem>>, vector<16xf32>,
        %mul3A_1011 = arith.mulf %get3A_1010, %gather3A_958 : vector<16xf32>
        %swap3A_1012 = arith.constant 0 : i32
        %swap3A_1013 = arith.constant 0 : i32
        %swap3A_1014 = tpu.memref_slice %arg11[%scan3A_363, %swap3A_1012, %swap3A_1013] : memref<5x40x128xf32, #tpu.memory_space<vmem>> -> memref<1x40x128xf32, #tpu.memory_space<vmem>>
        %swap3A_1015 = tpu.memref_squeeze %swap3A_1014 : memref<1x40x128xf32, #tpu.memory_space<vmem>> -> memref<40x128xf32, #tpu.memory_space<vmem>>
        %swap3A_1016 = arith.index_cast %add3A_954 : i32 to index
        %swap3A_1017 = arith.constant 48 : index
        %swap3A_1018 = tpu.vector_load %swap3A_1015[%swap3A_1016, %swap3A_1017] {strides = array<i32>} : memref<40x128xf32, #tpu.memory_space<vmem>>, vector<16xf32>,
        tpu.vector_store %swap3A_1015[%swap3A_1016, %swap3A_1017], %mul3A_1011 {strides = array<i32>} : memref<40x128xf32, #tpu.memory_space<vmem>>, vector<16xf32>,
        %get3A_1019 = arith.constant 0 : i32
        %get3A_1020 = arith.constant 0 : i32
        %get3A_1021 = tpu.memref_slice %arg11[%scan3A_363, %get3A_1019, %get3A_1020] : memref<5x40x128xf32, #tpu.memory_space<vmem>> -> memref<1x40x128xf32, #tpu.memory_space<vmem>>
        %get3A_1022 = tpu.memref_squeeze %get3A_1021 : memref<1x40x128xf32, #tpu.memory_space<vmem>> -> memref<40x128xf32, #tpu.memory_space<vmem>>
        %get3A_1023 = arith.index_cast %add3A_954 : i32 to index
        %get3A_1024 = arith.constant 64 : index
        %get3A_1025 = tpu.vector_load %get3A_1022[%get3A_1023, %get3A_1024] {strides = array<i32>} : memref<40x128xf32, #tpu.memory_space<vmem>>, vector<16xf32>,
        %mul3A_1026 = arith.mulf %get3A_1025, %gather3A_958 : vector<16xf32>
        %swap3A_1027 = arith.constant 0 : i32
        %swap3A_1028 = arith.constant 0 : i32
        %swap3A_1029 = tpu.memref_slice %arg11[%scan3A_363, %swap3A_1027, %swap3A_1028] : memref<5x40x128xf32, #tpu.memory_space<vmem>> -> memref<1x40x128xf32, #tpu.memory_space<vmem>>
        %swap3A_1030 = tpu.memref_squeeze %swap3A_1029 : memref<1x40x128xf32, #tpu.memory_space<vmem>> -> memref<40x128xf32, #tpu.memory_space<vmem>>
        %swap3A_1031 = arith.index_cast %add3A_954 : i32 to index
        %swap3A_1032 = arith.constant 64 : index
        %swap3A_1033 = tpu.vector_load %swap3A_1030[%swap3A_1031, %swap3A_1032] {strides = array<i32>} : memref<40x128xf32, #tpu.memory_space<vmem>>, vector<16xf32>,
        tpu.vector_store %swap3A_1030[%swap3A_1031, %swap3A_1032], %mul3A_1026 {strides = array<i32>} : memref<40x128xf32, #tpu.memory_space<vmem>>, vector<16xf32>,
        %get3A_1034 = arith.constant 0 : i32
        %get3A_1035 = arith.constant 0 : i32
        %get3A_1036 = tpu.memref_slice %arg11[%scan3A_363, %get3A_1034, %get3A_1035] : memref<5x40x128xf32, #tpu.memory_space<vmem>> -> memref<1x40x128xf32, #tpu.memory_space<vmem>>
        %get3A_1037 = tpu.memref_squeeze %get3A_1036 : memref<1x40x128xf32, #tpu.memory_space<vmem>> -> memref<40x128xf32, #tpu.memory_space<vmem>>
        %get3A_1038 = arith.index_cast %add3A_954 : i32 to index
        %get3A_1039 = arith.constant 80 : index
        %get3A_1040 = tpu.vector_load %get3A_1037[%get3A_1038, %get3A_1039] {strides = array<i32>} : memref<40x128xf32, #tpu.memory_space<vmem>>, vector<16xf32>,
        %mul3A_1041 = arith.mulf %get3A_1040, %gather3A_958 : vector<16xf32>
        %swap3A_1042 = arith.constant 0 : i32
        %swap3A_1043 = arith.constant 0 : i32
        %swap3A_1044 = tpu.memref_slice %arg11[%scan3A_363, %swap3A_1042, %swap3A_1043] : memref<5x40x128xf32, #tpu.memory_space<vmem>> -> memref<1x40x128xf32, #tpu.memory_space<vmem>>
        %swap3A_1045 = tpu.memref_squeeze %swap3A_1044 : memref<1x40x128xf32, #tpu.memory_space<vmem>> -> memref<40x128xf32, #tpu.memory_space<vmem>>
        %swap3A_1046 = arith.index_cast %add3A_954 : i32 to index
        %swap3A_1047 = arith.constant 80 : index
        %swap3A_1048 = tpu.vector_load %swap3A_1045[%swap3A_1046, %swap3A_1047] {strides = array<i32>} : memref<40x128xf32, #tpu.memory_space<vmem>>, vector<16xf32>,
        tpu.vector_store %swap3A_1045[%swap3A_1046, %swap3A_1047], %mul3A_1041 {strides = array<i32>} : memref<40x128xf32, #tpu.memory_space<vmem>>, vector<16xf32>,
        %get3A_1049 = arith.constant 0 : i32
        %get3A_1050 = arith.constant 0 : i32
        %get3A_1051 = tpu.memref_slice %arg11[%scan3A_363, %get3A_1049, %get3A_1050] : memref<5x40x128xf32, #tpu.memory_space<vmem>> -> memref<1x40x128xf32, #tpu.memory_space<vmem>>
        %get3A_1052 = tpu.memref_squeeze %get3A_1051 : memref<1x40x128xf32, #tpu.memory_space<vmem>> -> memref<40x128xf32, #tpu.memory_space<vmem>>
        %get3A_1053 = arith.index_cast %add3A_954 : i32 to index
        %get3A_1054 = arith.constant 96 : index
        %get3A_1055 = tpu.vector_load %get3A_1052[%get3A_1053, %get3A_1054] {strides = array<i32>} : memref<40x128xf32, #tpu.memory_space<vmem>>, vector<16xf32>,
        %mul3A_1056 = arith.mulf %get3A_1055, %gather3A_958 : vector<16xf32>
        %swap3A_1057 = arith.constant 0 : i32
        %swap3A_1058 = arith.constant 0 : i32
        %swap3A_1059 = tpu.memref_slice %arg11[%scan3A_363, %swap3A_1057, %swap3A_1058] : memref<5x40x128xf32, #tpu.memory_space<vmem>> -> memref<1x40x128xf32, #tpu.memory_space<vmem>>
        %swap3A_1060 = tpu.memref_squeeze %swap3A_1059 : memref<1x40x128xf32, #tpu.memory_space<vmem>> -> memref<40x128xf32, #tpu.memory_space<vmem>>
        %swap3A_1061 = arith.index_cast %add3A_954 : i32 to index
        %swap3A_1062 = arith.constant 96 : index
        %swap3A_1063 = tpu.vector_load %swap3A_1060[%swap3A_1061, %swap3A_1062] {strides = array<i32>} : memref<40x128xf32, #tpu.memory_space<vmem>>, vector<16xf32>,
        tpu.vector_store %swap3A_1060[%swap3A_1061, %swap3A_1062], %mul3A_1056 {strides = array<i32>} : memref<40x128xf32, #tpu.memory_space<vmem>>, vector<16xf32>,
        %get3A_1064 = arith.constant 0 : i32
        %get3A_1065 = arith.constant 0 : i32
        %get3A_1066 = tpu.memref_slice %arg11[%scan3A_363, %get3A_1064, %get3A_1065] : memref<5x40x128xf32, #tpu.memory_space<vmem>> -> memref<1x40x128xf32, #tpu.memory_space<vmem>>
        %get3A_1067 = tpu.memref_squeeze %get3A_1066 : memref<1x40x128xf32, #tpu.memory_space<vmem>> -> memref<40x128xf32, #tpu.memory_space<vmem>>
        %get3A_1068 = arith.index_cast %add3A_954 : i32 to index
        %get3A_1069 = arith.constant 112 : index
        %get3A_1070 = tpu.vector_load %get3A_1067[%get3A_1068, %get3A_1069] {strides = array<i32>} : memref<40x128xf32, #tpu.memory_space<vmem>>, vector<16xf32>,
        %mul3A_1071 = arith.mulf %get3A_1070, %gather3A_958 : vector<16xf32>
        %swap3A_1072 = arith.constant 0 : i32
        %swap3A_1073 = arith.constant 0 : i32
        %swap3A_1074 = tpu.memref_slice %arg11[%scan3A_363, %swap3A_1072, %swap3A_1073] : memref<5x40x128xf32, #tpu.memory_space<vmem>> -> memref<1x40x128xf32, #tpu.memory_space<vmem>>
        %swap3A_1075 = tpu.memref_squeeze %swap3A_1074 : memref<1x40x128xf32, #tpu.memory_space<vmem>> -> memref<40x128xf32, #tpu.memory_space<vmem>>
        %swap3A_1076 = arith.index_cast %add3A_954 : i32 to index
        %swap3A_1077 = arith.constant 112 : index
        %swap3A_1078 = tpu.vector_load %swap3A_1075[%swap3A_1076, %swap3A_1077] {strides = array<i32>} : memref<40x128xf32, #tpu.memory_space<vmem>>, vector<16xf32>,
        tpu.vector_store %swap3A_1075[%swap3A_1076, %swap3A_1077], %mul3A_1071 {strides = array<i32>} : memref<40x128xf32, #tpu.memory_space<vmem>>, vector<16xf32>,
      }
      %scan3A_368 = arith.constant 40 : i32
      %dma_start3A_369 = arith.constant 3 : i32
      %dma_start3A_370 = arith.constant 0 : i32
      %dma_start3A_371 = arith.constant 0 : i32
      %dma_start3A_372 = tpu.memref_slice %arg11[%dma_start3A_369, %dma_start3A_370, %dma_start3A_371] : memref<5x40x128xf32, #tpu.memory_space<vmem>> -> memref<1x40x128xf32, #tpu.memory_space<vmem>>
      %dma_start3A_373 = tpu.memref_squeeze %dma_start3A_372 : memref<1x40x128xf32, #tpu.memory_space<vmem>> -> memref<40x128xf32, #tpu.memory_space<vmem>>
      %dma_start3A_374 = arith.constant 0 : i32
      %dma_start3A_375 = tpu.memref_slice %arg9[%add3A_327, %dma_start3A_374] : memref<250x40xi32, #tpu.memory_space<vmem>> -> memref<1x40xi32, #tpu.memory_space<vmem>>
      %dma_start3A_376 = tpu.memref_squeeze %dma_start3A_375 : memref<1x40xi32, #tpu.memory_space<vmem>> -> memref<40xi32, #tpu.memory_space<vmem>>
      %dma_start3A_377 = arith.constant 0 : i32
      %dma_start3A_378 = arith.constant 0 : i32
      %dma_start3A_379 = tpu.memref_slice %arg12[%dma_start3A_377, %dma_start3A_378] : memref<10000x128xf32, #tpu.memory_space<vmem_shared>> -> memref<10000x128xf32, #tpu.memory_space<vmem_shared>>
      tpu.enqueue_indirect_dma source(%dma_start3A_373 : memref<40x128xf32, #tpu.memory_space<vmem>>) target(%dma_start3A_379 : memref<10000x128xf32, #tpu.memory_space<vmem_shared>>) offsets(%dma_start3A_376 : memref<40xi32, #tpu.memory_space<vmem>>) semaphore(%arg21 : memref<!tpu.dma_semaphore, #tpu.memory_space<semaphore_mem>>) {add = true}
      %add3A_380 = arith.constant 4 : i32
      %add3A_381 = arith.addi %add3A_164, %add3A_380 : i32
      %dma_wait3A_382 = arith.constant 4 : i32
      %dma_wait3A_383 = arith.constant 0 : i32
      %dma_wait3A_384 = arith.constant 0 : i32
      %dma_wait3A_385 = tpu.memref_slice %arg11[%dma_wait3A_382, %dma_wait3A_383, %dma_wait3A_384] : memref<5x40x128xf32, #tpu.memory_space<vmem>> -> memref<1x40x128xf32, #tpu.memory_space<vmem>>
      %dma_wait3A_386 = tpu.memref_squeeze %dma_wait3A_385 : memref<1x40x128xf32, #tpu.memory_space<vmem>> -> memref<40x128xf32, #tpu.memory_space<vmem>>
      %dma_wait3A_387 = arith.constant 0 : i32
      %dma_wait3A_388 = arith.constant 0 : i32
      %dma_wait3A_389 = tpu.memref_slice %arg2[%dma_wait3A_387, %dma_wait3A_388] : memref<10000x128xf32, #tpu.memory_space<hbm>> -> memref<40x128xf32, #tpu.memory_space<hbm>>
      %dma_wait3A_390 = arith.constant 0 : i32
      %dma_wait3A_391 = arith.constant 0 : i32
      %dma_wait3A_392 = tpu.memref_slice %arg11[%dma_wait3A_382, %dma_wait3A_390, %dma_wait3A_391] : memref<5x40x128xf32, #tpu.memory_space<vmem>> -> memref<1x40x128xf32, #tpu.memory_space<vmem>>
      %dma_wait3A_393 = tpu.memref_squeeze %dma_wait3A_392 : memref<1x40x128xf32, #tpu.memory_space<vmem>> -> memref<40x128xf32, #tpu.memory_space<vmem>>
      %dma_wait3A_394 = arith.constant 0 : i32
      %dma_wait3A_395 = arith.constant 0 : i32
      %dma_wait3A_396 = tpu.memref_slice %arg2[%dma_wait3A_394, %dma_wait3A_395] : memref<10000x128xf32, #tpu.memory_space<hbm>> -> memref<40x128xf32, #tpu.memory_space<hbm>>
      tpu.wait_dma2 semaphore(%arg17 : memref<!tpu.dma_semaphore, #tpu.memory_space<semaphore_mem>>) src(%dma_wait3A_396 : memref<40x128xf32, #tpu.memory_space<hbm>>) dst(%dma_wait3A_393 : memref<40x128xf32, #tpu.memory_space<vmem>>)
      %dma_wait3A_397 = arith.constant 0 : i32
      %dma_wait3A_398 = arith.constant 0 : i32
      %dma_wait3A_399 = arith.constant 0 : i32
      %dma_wait3A_400 = arith.constant 512 : i32
      %dma_wait3A_401 = tpu.memref_slice %arg10[%dma_wait3A_400] : memref<640xf32, #tpu.memory_space<vmem>> -> memref<40xf32, #tpu.memory_space<vmem>>
      %dma_wait3A_402 = arith.constant 0 : i32
      %dma_wait3A_403 = tpu.memref_slice %arg5[%dma_wait3A_397, %dma_wait3A_398, %dma_wait3A_399, %dma_wait3A_402] : memref<2x16x250x40xf32, #tpu.memory_space<hbm>> -> memref<1x1x1x40xf32, #tpu.memory_space<hbm>>
      %dma_wait3A_404 = tpu.memref_squeeze %dma_wait3A_403 : memref<1x1x1x40xf32, #tpu.memory_space<hbm>> -> memref<40xf32, #tpu.memory_space<hbm>>
      %dma_wait3A_405 = arith.constant 512 : i32
      %dma_wait3A_406 = tpu.memref_slice %arg10[%dma_wait3A_405] : memref<640xf32, #tpu.memory_space<vmem>> -> memref<40xf32, #tpu.memory_space<vmem>>
      %dma_wait3A_407 = arith.constant 0 : i32
      %dma_wait3A_408 = tpu.memref_slice %arg5[%dma_wait3A_397, %dma_wait3A_398, %dma_wait3A_399, %dma_wait3A_407] : memref<2x16x250x40xf32, #tpu.memory_space<hbm>> -> memref<1x1x1x40xf32, #tpu.memory_space<hbm>>
      %dma_wait3A_409 = tpu.memref_squeeze %dma_wait3A_408 : memref<1x1x1x40xf32, #tpu.memory_space<hbm>> -> memref<40xf32, #tpu.memory_space<hbm>>
      tpu.wait_dma2 semaphore(%arg17 : memref<!tpu.dma_semaphore, #tpu.memory_space<semaphore_mem>>) src(%dma_wait3A_409 : memref<40xf32, #tpu.memory_space<hbm>>) dst(%dma_wait3A_406 : memref<40xf32, #tpu.memory_space<vmem>>)
      %add3A_410 = arith.constant 3 : i32
      %add3A_411 = arith.addi %add3A_381, %add3A_410 : i32
      %lt3A_412 = arith.constant 250 : i32
      %lt3A_413 = arith.cmpi slt, %add3A_411, %lt3A_412 : i32
      %convert_element_type3A_414 = arith.extui %lt3A_413 : i1 to i32
      %cond3A_415 = arith.constant 0 : i32
      %cond3A_416 = arith.cmpi ne, %convert_element_type3A_414, %cond3A_415 : i32
      scf.if %cond3A_416 {
        %add3A_434 = arith.constant 3 : i32
        %add3A_435 = arith.addi %add3A_381, %add3A_434 : i32
        %ge3A = arith.constant 5 : i32
        %ge3A_436 = arith.cmpi sge, %add3A_435, %ge3A : i32
        %convert_element_type3A_437 = arith.extui %ge3A_436 : i1 to i32
        %cond3A_438 = arith.constant 0 : i32
        %cond3A_439 = arith.cmpi ne, %convert_element_type3A_437, %cond3A_438 : i32
        scf.if %cond3A_439 {
          %dma_wait3A_463 = arith.constant 2 : i32
          %dma_wait3A_464 = arith.constant 0 : i32
          %dma_wait3A_465 = arith.constant 0 : i32
          %dma_wait3A_466 = tpu.memref_slice %arg11[%dma_wait3A_463, %dma_wait3A_464, %dma_wait3A_465] : memref<5x40x128xf32, #tpu.memory_space<vmem>> -> memref<1x40x128xf32, #tpu.memory_space<vmem>>
          %dma_wait3A_467 = tpu.memref_squeeze %dma_wait3A_466 : memref<1x40x128xf32, #tpu.memory_space<vmem>> -> memref<40x128xf32, #tpu.memory_space<vmem>>
          %dma_wait3A_468 = arith.constant 0 : i32
          %dma_wait3A_469 = arith.constant 0 : i32
          %dma_wait3A_470 = tpu.memref_slice %arg12[%dma_wait3A_468, %dma_wait3A_469] : memref<10000x128xf32, #tpu.memory_space<vmem_shared>> -> memref<40x128xf32, #tpu.memory_space<vmem_shared>>
          %dma_wait3A_471 = arith.constant 0 : i32
          %dma_wait3A_472 = arith.constant 0 : i32
          %dma_wait3A_473 = tpu.memref_slice %arg12[%dma_wait3A_471, %dma_wait3A_472] : memref<10000x128xf32, #tpu.memory_space<vmem_shared>> -> memref<40x128xf32, #tpu.memory_space<vmem_shared>>
          %dma_wait3A_474 = arith.constant 0 : i32
          %dma_wait3A_475 = arith.constant 0 : i32
          %dma_wait3A_476 = tpu.memref_slice %arg11[%dma_wait3A_463, %dma_wait3A_474, %dma_wait3A_475] : memref<5x40x128xf32, #tpu.memory_space<vmem>> -> memref<1x40x128xf32, #tpu.memory_space<vmem>>
          %dma_wait3A_477 = tpu.memref_squeeze %dma_wait3A_476 : memref<1x40x128xf32, #tpu.memory_space<vmem>> -> memref<40x128xf32, #tpu.memory_space<vmem>>
          tpu.wait_dma2 semaphore(%arg20 : memref<!tpu.dma_semaphore, #tpu.memory_space<semaphore_mem>>) src(%dma_wait3A_477 : memref<40x128xf32, #tpu.memory_space<vmem>>) dst(%dma_wait3A_473 : memref<40x128xf32, #tpu.memory_space<vmem_shared>>)
        } else {
        }
        %add3A_440 = arith.constant 3 : i32
        %add3A_441 = arith.addi %add3A_381, %add3A_440 : i32
        %dma_start3A_442 = arith.constant 2 : i32
        %dma_start3A_443 = arith.constant 0 : i32
        %dma_start3A_444 = arith.constant 0 : i32
        %dma_start3A_445 = tpu.memref_slice %arg11[%dma_start3A_442, %dma_start3A_443, %dma_start3A_444] : memref<5x40x128xf32, #tpu.memory_space<vmem>> -> memref<1x40x128xf32, #tpu.memory_space<vmem>>
        %dma_start3A_446 = tpu.memref_squeeze %dma_start3A_445 : memref<1x40x128xf32, #tpu.memory_space<vmem>> -> memref<40x128xf32, #tpu.memory_space<vmem>>
        %dma_start3A_447 = arith.constant 0 : i32
        %dma_start3A_448 = tpu.memref_slice %arg8[%add3A_441, %dma_start3A_447] : memref<250x40xi32, #tpu.memory_space<vmem>> -> memref<1x40xi32, #tpu.memory_space<vmem>>
        %dma_start3A_449 = tpu.memref_squeeze %dma_start3A_448 : memref<1x40xi32, #tpu.memory_space<vmem>> -> memref<40xi32, #tpu.memory_space<vmem>>
        %dma_start3A_450 = arith.constant 0 : i32
        %dma_start3A_451 = arith.constant 0 : i32
        %dma_start3A_452 = tpu.memref_slice %arg2[%dma_start3A_450, %dma_start3A_451] : memref<10000x128xf32, #tpu.memory_space<hbm>> -> memref<10000x128xf32, #tpu.memory_space<hbm>>
        tpu.enqueue_indirect_dma source(%dma_start3A_452 : memref<10000x128xf32, #tpu.memory_space<hbm>>) target(%dma_start3A_446 : memref<40x128xf32, #tpu.memory_space<vmem>>) offsets(%dma_start3A_449 : memref<40xi32, #tpu.memory_space<vmem>>) semaphore(%arg15 : memref<!tpu.dma_semaphore, #tpu.memory_space<semaphore_mem>>)
        %dma_start3A_453 = arith.constant 256 : i32
        %dma_start3A_454 = tpu.memref_slice %arg10[%dma_start3A_453] : memref<640xf32, #tpu.memory_space<vmem>> -> memref<40xf32, #tpu.memory_space<vmem>>
        %dma_start3A_455 = arith.constant 0 : i32
        %dma_start3A_456 = tpu.memref_slice %arg5[%arg0, %arg1, %add3A_441, %dma_start3A_455] : memref<2x16x250x40xf32, #tpu.memory_space<hbm>> -> memref<1x1x1x40xf32, #tpu.memory_space<hbm>>
        %dma_start3A_457 = tpu.memref_squeeze %dma_start3A_456 : memref<1x1x1x40xf32, #tpu.memory_space<hbm>> -> memref<40xf32, #tpu.memory_space<hbm>>
        %dma_start3A_458 = arith.constant 256 : i32
        %dma_start3A_459 = tpu.memref_slice %arg10[%dma_start3A_458] : memref<640xf32, #tpu.memory_space<vmem>> -> memref<40xf32, #tpu.memory_space<vmem>>
        %dma_start3A_460 = arith.constant 0 : i32
        %dma_start3A_461 = tpu.memref_slice %arg5[%arg0, %arg1, %add3A_441, %dma_start3A_460] : memref<2x16x250x40xf32, #tpu.memory_space<hbm>> -> memref<1x1x1x40xf32, #tpu.memory_space<hbm>>
        %dma_start3A_462 = tpu.memref_squeeze %dma_start3A_461 : memref<1x1x1x40xf32, #tpu.memory_space<hbm>> -> memref<40xf32, #tpu.memory_space<hbm>>
        tpu.enqueue_dma source(%dma_start3A_462 : memref<40xf32, #tpu.memory_space<hbm>>) target(%dma_start3A_459 : memref<40xf32, #tpu.memory_space<vmem>>) target_semaphore(%arg15 : memref<!tpu.dma_semaphore, #tpu.memory_space<semaphore_mem>>)
      } else {
      }
      %scan3A_417 = arith.constant 4 : i32
      %scan3A_418 = arith.constant 0 : i32
      %scan3A_419 = arith.constant 40 : i32
      %scan3A_420 = arith.addi %scan3A_418, %scan3A_419 : i32
      %scan3A_421 = arith.constant 5 : i32
      scf.for %scan3A_434 = %scan3A_418 to %scan3A_420 step %scan3A_421  : i32 {
        %mul3A_435 = arith.constant 1 : i32
        %mul3A_436 = arith.muli %scan3A_434, %mul3A_435 : i32
        %add3A_437 = arith.constant 0 : i32
        %add3A_438 = arith.addi %add3A_437, %mul3A_436 : i32
        %add3A_439 = arith.constant 512 : i32
        %add3A_440 = arith.addi %add3A_439, %add3A_438 : i32
        %broadcast_in_dim3A = vector.broadcast %add3A_440 : i32 to vector<16xi32>
        %gather3A = tpu.vector_load_idx %arg10[%broadcast_in_dim3A] : memref<640xf32, #tpu.memory_space<vmem>>[vector<16xi32>], vector<16xf32>,
        %get3A = arith.constant 0 : i32
        %get3A_441 = arith.constant 0 : i32
        %get3A_442 = tpu.memref_slice %arg11[%scan3A_417, %get3A, %get3A_441] : memref<5x40x128xf32, #tpu.memory_space<vmem>> -> memref<1x40x128xf32, #tpu.memory_space<vmem>>
        %get3A_443 = tpu.memref_squeeze %get3A_442 : memref<1x40x128xf32, #tpu.memory_space<vmem>> -> memref<40x128xf32, #tpu.memory_space<vmem>>
        %get3A_444 = arith.index_cast %add3A_438 : i32 to index
        %get3A_445 = arith.constant 0 : index
        %get3A_446 = tpu.vector_load %get3A_443[%get3A_444, %get3A_445] {strides = array<i32>} : memref<40x128xf32, #tpu.memory_space<vmem>>, vector<16xf32>,
        %mul3A_447 = arith.mulf %get3A_446, %gather3A : vector<16xf32>
        %swap3A = arith.constant 0 : i32
        %swap3A_448 = arith.constant 0 : i32
        %swap3A_449 = tpu.memref_slice %arg11[%scan3A_417, %swap3A, %swap3A_448] : memref<5x40x128xf32, #tpu.memory_space<vmem>> -> memref<1x40x128xf32, #tpu.memory_space<vmem>>
        %swap3A_450 = tpu.memref_squeeze %swap3A_449 : memref<1x40x128xf32, #tpu.memory_space<vmem>> -> memref<40x128xf32, #tpu.memory_space<vmem>>
        %swap3A_451 = arith.index_cast %add3A_438 : i32 to index
        %swap3A_452 = arith.constant 0 : index
        %swap3A_453 = tpu.vector_load %swap3A_450[%swap3A_451, %swap3A_452] {strides = array<i32>} : memref<40x128xf32, #tpu.memory_space<vmem>>, vector<16xf32>,
        tpu.vector_store %swap3A_450[%swap3A_451, %swap3A_452], %mul3A_447 {strides = array<i32>} : memref<40x128xf32, #tpu.memory_space<vmem>>, vector<16xf32>,
        %get3A_454 = arith.constant 0 : i32
        %get3A_455 = arith.constant 0 : i32
        %get3A_456 = tpu.memref_slice %arg11[%scan3A_417, %get3A_454, %get3A_455] : memref<5x40x128xf32, #tpu.memory_space<vmem>> -> memref<1x40x128xf32, #tpu.memory_space<vmem>>
        %get3A_457 = tpu.memref_squeeze %get3A_456 : memref<1x40x128xf32, #tpu.memory_space<vmem>> -> memref<40x128xf32, #tpu.memory_space<vmem>>
        %get3A_458 = arith.index_cast %add3A_438 : i32 to index
        %get3A_459 = arith.constant 16 : index
        %get3A_460 = tpu.vector_load %get3A_457[%get3A_458, %get3A_459] {strides = array<i32>} : memref<40x128xf32, #tpu.memory_space<vmem>>, vector<16xf32>,
        %mul3A_461 = arith.mulf %get3A_460, %gather3A : vector<16xf32>
        %swap3A_462 = arith.constant 0 : i32
        %swap3A_463 = arith.constant 0 : i32
        %swap3A_464 = tpu.memref_slice %arg11[%scan3A_417, %swap3A_462, %swap3A_463] : memref<5x40x128xf32, #tpu.memory_space<vmem>> -> memref<1x40x128xf32, #tpu.memory_space<vmem>>
        %swap3A_465 = tpu.memref_squeeze %swap3A_464 : memref<1x40x128xf32, #tpu.memory_space<vmem>> -> memref<40x128xf32, #tpu.memory_space<vmem>>
        %swap3A_466 = arith.index_cast %add3A_438 : i32 to index
        %swap3A_467 = arith.constant 16 : index
        %swap3A_468 = tpu.vector_load %swap3A_465[%swap3A_466, %swap3A_467] {strides = array<i32>} : memref<40x128xf32, #tpu.memory_space<vmem>>, vector<16xf32>,
        tpu.vector_store %swap3A_465[%swap3A_466, %swap3A_467], %mul3A_461 {strides = array<i32>} : memref<40x128xf32, #tpu.memory_space<vmem>>, vector<16xf32>,
        %get3A_469 = arith.constant 0 : i32
        %get3A_470 = arith.constant 0 : i32
        %get3A_471 = tpu.memref_slice %arg11[%scan3A_417, %get3A_469, %get3A_470] : memref<5x40x128xf32, #tpu.memory_space<vmem>> -> memref<1x40x128xf32, #tpu.memory_space<vmem>>
        %get3A_472 = tpu.memref_squeeze %get3A_471 : memref<1x40x128xf32, #tpu.memory_space<vmem>> -> memref<40x128xf32, #tpu.memory_space<vmem>>
        %get3A_473 = arith.index_cast %add3A_438 : i32 to index
        %get3A_474 = arith.constant 32 : index
        %get3A_475 = tpu.vector_load %get3A_472[%get3A_473, %get3A_474] {strides = array<i32>} : memref<40x128xf32, #tpu.memory_space<vmem>>, vector<16xf32>,
        %mul3A_476 = arith.mulf %get3A_475, %gather3A : vector<16xf32>
        %swap3A_477 = arith.constant 0 : i32
        %swap3A_478 = arith.constant 0 : i32
        %swap3A_479 = tpu.memref_slice %arg11[%scan3A_417, %swap3A_477, %swap3A_478] : memref<5x40x128xf32, #tpu.memory_space<vmem>> -> memref<1x40x128xf32, #tpu.memory_space<vmem>>
        %swap3A_480 = tpu.memref_squeeze %swap3A_479 : memref<1x40x128xf32, #tpu.memory_space<vmem>> -> memref<40x128xf32, #tpu.memory_space<vmem>>
        %swap3A_481 = arith.index_cast %add3A_438 : i32 to index
        %swap3A_482 = arith.constant 32 : index
        %swap3A_483 = tpu.vector_load %swap3A_480[%swap3A_481, %swap3A_482] {strides = array<i32>} : memref<40x128xf32, #tpu.memory_space<vmem>>, vector<16xf32>,
        tpu.vector_store %swap3A_480[%swap3A_481, %swap3A_482], %mul3A_476 {strides = array<i32>} : memref<40x128xf32, #tpu.memory_space<vmem>>, vector<16xf32>,
        %get3A_484 = arith.constant 0 : i32
        %get3A_485 = arith.constant 0 : i32
        %get3A_486 = tpu.memref_slice %arg11[%scan3A_417, %get3A_484, %get3A_485] : memref<5x40x128xf32, #tpu.memory_space<vmem>> -> memref<1x40x128xf32, #tpu.memory_space<vmem>>
        %get3A_487 = tpu.memref_squeeze %get3A_486 : memref<1x40x128xf32, #tpu.memory_space<vmem>> -> memref<40x128xf32, #tpu.memory_space<vmem>>
        %get3A_488 = arith.index_cast %add3A_438 : i32 to index
        %get3A_489 = arith.constant 48 : index
        %get3A_490 = tpu.vector_load %get3A_487[%get3A_488, %get3A_489] {strides = array<i32>} : memref<40x128xf32, #tpu.memory_space<vmem>>, vector<16xf32>,
        %mul3A_491 = arith.mulf %get3A_490, %gather3A : vector<16xf32>
        %swap3A_492 = arith.constant 0 : i32
        %swap3A_493 = arith.constant 0 : i32
        %swap3A_494 = tpu.memref_slice %arg11[%scan3A_417, %swap3A_492, %swap3A_493] : memref<5x40x128xf32, #tpu.memory_space<vmem>> -> memref<1x40x128xf32, #tpu.memory_space<vmem>>
        %swap3A_495 = tpu.memref_squeeze %swap3A_494 : memref<1x40x128xf32, #tpu.memory_space<vmem>> -> memref<40x128xf32, #tpu.memory_space<vmem>>
        %swap3A_496 = arith.index_cast %add3A_438 : i32 to index
        %swap3A_497 = arith.constant 48 : index
        %swap3A_498 = tpu.vector_load %swap3A_495[%swap3A_496, %swap3A_497] {strides = array<i32>} : memref<40x128xf32, #tpu.memory_space<vmem>>, vector<16xf32>,
        tpu.vector_store %swap3A_495[%swap3A_496, %swap3A_497], %mul3A_491 {strides = array<i32>} : memref<40x128xf32, #tpu.memory_space<vmem>>, vector<16xf32>,
        %get3A_499 = arith.constant 0 : i32
        %get3A_500 = arith.constant 0 : i32
        %get3A_501 = tpu.memref_slice %arg11[%scan3A_417, %get3A_499, %get3A_500] : memref<5x40x128xf32, #tpu.memory_space<vmem>> -> memref<1x40x128xf32, #tpu.memory_space<vmem>>
        %get3A_502 = tpu.memref_squeeze %get3A_501 : memref<1x40x128xf32, #tpu.memory_space<vmem>> -> memref<40x128xf32, #tpu.memory_space<vmem>>
        %get3A_503 = arith.index_cast %add3A_438 : i32 to index
        %get3A_504 = arith.constant 64 : index
        %get3A_505 = tpu.vector_load %get3A_502[%get3A_503, %get3A_504] {strides = array<i32>} : memref<40x128xf32, #tpu.memory_space<vmem>>, vector<16xf32>,
        %mul3A_506 = arith.mulf %get3A_505, %gather3A : vector<16xf32>
        %swap3A_507 = arith.constant 0 : i32
        %swap3A_508 = arith.constant 0 : i32
        %swap3A_509 = tpu.memref_slice %arg11[%scan3A_417, %swap3A_507, %swap3A_508] : memref<5x40x128xf32, #tpu.memory_space<vmem>> -> memref<1x40x128xf32, #tpu.memory_space<vmem>>
        %swap3A_510 = tpu.memref_squeeze %swap3A_509 : memref<1x40x128xf32, #tpu.memory_space<vmem>> -> memref<40x128xf32, #tpu.memory_space<vmem>>
        %swap3A_511 = arith.index_cast %add3A_438 : i32 to index
        %swap3A_512 = arith.constant 64 : index
        %swap3A_513 = tpu.vector_load %swap3A_510[%swap3A_511, %swap3A_512] {strides = array<i32>} : memref<40x128xf32, #tpu.memory_space<vmem>>, vector<16xf32>,
        tpu.vector_store %swap3A_510[%swap3A_511, %swap3A_512], %mul3A_506 {strides = array<i32>} : memref<40x128xf32, #tpu.memory_space<vmem>>, vector<16xf32>,
        %get3A_514 = arith.constant 0 : i32
        %get3A_515 = arith.constant 0 : i32
        %get3A_516 = tpu.memref_slice %arg11[%scan3A_417, %get3A_514, %get3A_515] : memref<5x40x128xf32, #tpu.memory_space<vmem>> -> memref<1x40x128xf32, #tpu.memory_space<vmem>>
        %get3A_517 = tpu.memref_squeeze %get3A_516 : memref<1x40x128xf32, #tpu.memory_space<vmem>> -> memref<40x128xf32, #tpu.memory_space<vmem>>
        %get3A_518 = arith.index_cast %add3A_438 : i32 to index
        %get3A_519 = arith.constant 80 : index
        %get3A_520 = tpu.vector_load %get3A_517[%get3A_518, %get3A_519] {strides = array<i32>} : memref<40x128xf32, #tpu.memory_space<vmem>>, vector<16xf32>,
        %mul3A_521 = arith.mulf %get3A_520, %gather3A : vector<16xf32>
        %swap3A_522 = arith.constant 0 : i32
        %swap3A_523 = arith.constant 0 : i32
        %swap3A_524 = tpu.memref_slice %arg11[%scan3A_417, %swap3A_522, %swap3A_523] : memref<5x40x128xf32, #tpu.memory_space<vmem>> -> memref<1x40x128xf32, #tpu.memory_space<vmem>>
        %swap3A_525 = tpu.memref_squeeze %swap3A_524 : memref<1x40x128xf32, #tpu.memory_space<vmem>> -> memref<40x128xf32, #tpu.memory_space<vmem>>
        %swap3A_526 = arith.index_cast %add3A_438 : i32 to index
        %swap3A_527 = arith.constant 80 : index
        %swap3A_528 = tpu.vector_load %swap3A_525[%swap3A_526, %swap3A_527] {strides = array<i32>} : memref<40x128xf32, #tpu.memory_space<vmem>>, vector<16xf32>,
        tpu.vector_store %swap3A_525[%swap3A_526, %swap3A_527], %mul3A_521 {strides = array<i32>} : memref<40x128xf32, #tpu.memory_space<vmem>>, vector<16xf32>,
        %get3A_529 = arith.constant 0 : i32
        %get3A_530 = arith.constant 0 : i32
        %get3A_531 = tpu.memref_slice %arg11[%scan3A_417, %get3A_529, %get3A_530] : memref<5x40x128xf32, #tpu.memory_space<vmem>> -> memref<1x40x128xf32, #tpu.memory_space<vmem>>
        %get3A_532 = tpu.memref_squeeze %get3A_531 : memref<1x40x128xf32, #tpu.memory_space<vmem>> -> memref<40x128xf32, #tpu.memory_space<vmem>>
        %get3A_533 = arith.index_cast %add3A_438 : i32 to index
        %get3A_534 = arith.constant 96 : index
        %get3A_535 = tpu.vector_load %get3A_532[%get3A_533, %get3A_534] {strides = array<i32>} : memref<40x128xf32, #tpu.memory_space<vmem>>, vector<16xf32>,
        %mul3A_536 = arith.mulf %get3A_535, %gather3A : vector<16xf32>
        %swap3A_537 = arith.constant 0 : i32
        %swap3A_538 = arith.constant 0 : i32
        %swap3A_539 = tpu.memref_slice %arg11[%scan3A_417, %swap3A_537, %swap3A_538] : memref<5x40x128xf32, #tpu.memory_space<vmem>> -> memref<1x40x128xf32, #tpu.memory_space<vmem>>
        %swap3A_540 = tpu.memref_squeeze %swap3A_539 : memref<1x40x128xf32, #tpu.memory_space<vmem>> -> memref<40x128xf32, #tpu.memory_space<vmem>>
        %swap3A_541 = arith.index_cast %add3A_438 : i32 to index
        %swap3A_542 = arith.constant 96 : index
        %swap3A_543 = tpu.vector_load %swap3A_540[%swap3A_541, %swap3A_542] {strides = array<i32>} : memref<40x128xf32, #tpu.memory_space<vmem>>, vector<16xf32>,
        tpu.vector_store %swap3A_540[%swap3A_541, %swap3A_542], %mul3A_536 {strides = array<i32>} : memref<40x128xf32, #tpu.memory_space<vmem>>, vector<16xf32>,
        %get3A_544 = arith.constant 0 : i32
        %get3A_545 = arith.constant 0 : i32
        %get3A_546 = tpu.memref_slice %arg11[%scan3A_417, %get3A_544, %get3A_545] : memref<5x40x128xf32, #tpu.memory_space<vmem>> -> memref<1x40x128xf32, #tpu.memory_space<vmem>>
        %get3A_547 = tpu.memref_squeeze %get3A_546 : memref<1x40x128xf32, #tpu.memory_space<vmem>> -> memref<40x128xf32, #tpu.memory_space<vmem>>
        %get3A_548 = arith.index_cast %add3A_438 : i32 to index
        %get3A_549 = arith.constant 112 : index
        %get3A_550 = tpu.vector_load %get3A_547[%get3A_548, %get3A_549] {strides = array<i32>} : memref<40x128xf32, #tpu.memory_space<vmem>>, vector<16xf32>,
        %mul3A_551 = arith.mulf %get3A_550, %gather3A : vector<16xf32>
        %swap3A_552 = arith.constant 0 : i32
        %swap3A_553 = arith.constant 0 : i32
        %swap3A_554 = tpu.memref_slice %arg11[%scan3A_417, %swap3A_552, %swap3A_553] : memref<5x40x128xf32, #tpu.memory_space<vmem>> -> memref<1x40x128xf32, #tpu.memory_space<vmem>>
        %swap3A_555 = tpu.memref_squeeze %swap3A_554 : memref<1x40x128xf32, #tpu.memory_space<vmem>> -> memref<40x128xf32, #tpu.memory_space<vmem>>
        %swap3A_556 = arith.index_cast %add3A_438 : i32 to index
        %swap3A_557 = arith.constant 112 : index
        %swap3A_558 = tpu.vector_load %swap3A_555[%swap3A_556, %swap3A_557] {strides = array<i32>} : memref<40x128xf32, #tpu.memory_space<vmem>>, vector<16xf32>,
        tpu.vector_store %swap3A_555[%swap3A_556, %swap3A_557], %mul3A_551 {strides = array<i32>} : memref<40x128xf32, #tpu.memory_space<vmem>>, vector<16xf32>,
        %scan3A_559 = arith.constant 1 : i32
        %scan3A_560 = arith.addi %scan3A_434, %scan3A_559 : i32
        %mul3A_561 = arith.constant 1 : i32
        %mul3A_562 = arith.muli %scan3A_560, %mul3A_561 : i32
        %add3A_563 = arith.constant 0 : i32
        %add3A_564 = arith.addi %add3A_563, %mul3A_562 : i32
        %add3A_565 = arith.constant 512 : i32
        %add3A_566 = arith.addi %add3A_565, %add3A_564 : i32
        %broadcast_in_dim3A_567 = vector.broadcast %add3A_566 : i32 to vector<16xi32>
        %gather3A_568 = tpu.vector_load_idx %arg10[%broadcast_in_dim3A_567] : memref<640xf32, #tpu.memory_space<vmem>>[vector<16xi32>], vector<16xf32>,
        %get3A_569 = arith.constant 0 : i32
        %get3A_570 = arith.constant 0 : i32
        %get3A_571 = tpu.memref_slice %arg11[%scan3A_417, %get3A_569, %get3A_570] : memref<5x40x128xf32, #tpu.memory_space<vmem>> -> memref<1x40x128xf32, #tpu.memory_space<vmem>>
        %get3A_572 = tpu.memref_squeeze %get3A_571 : memref<1x40x128xf32, #tpu.memory_space<vmem>> -> memref<40x128xf32, #tpu.memory_space<vmem>>
        %get3A_573 = arith.index_cast %add3A_564 : i32 to index
        %get3A_574 = arith.constant 0 : index
        %get3A_575 = tpu.vector_load %get3A_572[%get3A_573, %get3A_574] {strides = array<i32>} : memref<40x128xf32, #tpu.memory_space<vmem>>, vector<16xf32>,
        %mul3A_576 = arith.mulf %get3A_575, %gather3A_568 : vector<16xf32>
        %swap3A_577 = arith.constant 0 : i32
        %swap3A_578 = arith.constant 0 : i32
        %swap3A_579 = tpu.memref_slice %arg11[%scan3A_417, %swap3A_577, %swap3A_578] : memref<5x40x128xf32, #tpu.memory_space<vmem>> -> memref<1x40x128xf32, #tpu.memory_space<vmem>>
        %swap3A_580 = tpu.memref_squeeze %swap3A_579 : memref<1x40x128xf32, #tpu.memory_space<vmem>> -> memref<40x128xf32, #tpu.memory_space<vmem>>
        %swap3A_581 = arith.index_cast %add3A_564 : i32 to index
        %swap3A_582 = arith.constant 0 : index
        %swap3A_583 = tpu.vector_load %swap3A_580[%swap3A_581, %swap3A_582] {strides = array<i32>} : memref<40x128xf32, #tpu.memory_space<vmem>>, vector<16xf32>,
        tpu.vector_store %swap3A_580[%swap3A_581, %swap3A_582], %mul3A_576 {strides = array<i32>} : memref<40x128xf32, #tpu.memory_space<vmem>>, vector<16xf32>,
        %get3A_584 = arith.constant 0 : i32
        %get3A_585 = arith.constant 0 : i32
        %get3A_586 = tpu.memref_slice %arg11[%scan3A_417, %get3A_584, %get3A_585] : memref<5x40x128xf32, #tpu.memory_space<vmem>> -> memref<1x40x128xf32, #tpu.memory_space<vmem>>
        %get3A_587 = tpu.memref_squeeze %get3A_586 : memref<1x40x128xf32, #tpu.memory_space<vmem>> -> memref<40x128xf32, #tpu.memory_space<vmem>>
        %get3A_588 = arith.index_cast %add3A_564 : i32 to index
        %get3A_589 = arith.constant 16 : index
        %get3A_590 = tpu.vector_load %get3A_587[%get3A_588, %get3A_589] {strides = array<i32>} : memref<40x128xf32, #tpu.memory_space<vmem>>, vector<16xf32>,
        %mul3A_591 = arith.mulf %get3A_590, %gather3A_568 : vector<16xf32>
        %swap3A_592 = arith.constant 0 : i32
        %swap3A_593 = arith.constant 0 : i32
        %swap3A_594 = tpu.memref_slice %arg11[%scan3A_417, %swap3A_592, %swap3A_593] : memref<5x40x128xf32, #tpu.memory_space<vmem>> -> memref<1x40x128xf32, #tpu.memory_space<vmem>>
        %swap3A_595 = tpu.memref_squeeze %swap3A_594 : memref<1x40x128xf32, #tpu.memory_space<vmem>> -> memref<40x128xf32, #tpu.memory_space<vmem>>
        %swap3A_596 = arith.index_cast %add3A_564 : i32 to index
        %swap3A_597 = arith.constant 16 : index
        %swap3A_598 = tpu.vector_load %swap3A_595[%swap3A_596, %swap3A_597] {strides = array<i32>} : memref<40x128xf32, #tpu.memory_space<vmem>>, vector<16xf32>,
        tpu.vector_store %swap3A_595[%swap3A_596, %swap3A_597], %mul3A_591 {strides = array<i32>} : memref<40x128xf32, #tpu.memory_space<vmem>>, vector<16xf32>,
        %get3A_599 = arith.constant 0 : i32
        %get3A_600 = arith.constant 0 : i32
        %get3A_601 = tpu.memref_slice %arg11[%scan3A_417, %get3A_599, %get3A_600] : memref<5x40x128xf32, #tpu.memory_space<vmem>> -> memref<1x40x128xf32, #tpu.memory_space<vmem>>
        %get3A_602 = tpu.memref_squeeze %get3A_601 : memref<1x40x128xf32, #tpu.memory_space<vmem>> -> memref<40x128xf32, #tpu.memory_space<vmem>>
        %get3A_603 = arith.index_cast %add3A_564 : i32 to index
        %get3A_604 = arith.constant 32 : index
        %get3A_605 = tpu.vector_load %get3A_602[%get3A_603, %get3A_604] {strides = array<i32>} : memref<40x128xf32, #tpu.memory_space<vmem>>, vector<16xf32>,
        %mul3A_606 = arith.mulf %get3A_605, %gather3A_568 : vector<16xf32>
        %swap3A_607 = arith.constant 0 : i32
        %swap3A_608 = arith.constant 0 : i32
        %swap3A_609 = tpu.memref_slice %arg11[%scan3A_417, %swap3A_607, %swap3A_608] : memref<5x40x128xf32, #tpu.memory_space<vmem>> -> memref<1x40x128xf32, #tpu.memory_space<vmem>>
        %swap3A_610 = tpu.memref_squeeze %swap3A_609 : memref<1x40x128xf32, #tpu.memory_space<vmem>> -> memref<40x128xf32, #tpu.memory_space<vmem>>
        %swap3A_611 = arith.index_cast %add3A_564 : i32 to index
        %swap3A_612 = arith.constant 32 : index
        %swap3A_613 = tpu.vector_load %swap3A_610[%swap3A_611, %swap3A_612] {strides = array<i32>} : memref<40x128xf32, #tpu.memory_space<vmem>>, vector<16xf32>,
        tpu.vector_store %swap3A_610[%swap3A_611, %swap3A_612], %mul3A_606 {strides = array<i32>} : memref<40x128xf32, #tpu.memory_space<vmem>>, vector<16xf32>,
        %get3A_614 = arith.constant 0 : i32
        %get3A_615 = arith.constant 0 : i32
        %get3A_616 = tpu.memref_slice %arg11[%scan3A_417, %get3A_614, %get3A_615] : memref<5x40x128xf32, #tpu.memory_space<vmem>> -> memref<1x40x128xf32, #tpu.memory_space<vmem>>
        %get3A_617 = tpu.memref_squeeze %get3A_616 : memref<1x40x128xf32, #tpu.memory_space<vmem>> -> memref<40x128xf32, #tpu.memory_space<vmem>>
        %get3A_618 = arith.index_cast %add3A_564 : i32 to index
        %get3A_619 = arith.constant 48 : index
        %get3A_620 = tpu.vector_load %get3A_617[%get3A_618, %get3A_619] {strides = array<i32>} : memref<40x128xf32, #tpu.memory_space<vmem>>, vector<16xf32>,
        %mul3A_621 = arith.mulf %get3A_620, %gather3A_568 : vector<16xf32>
        %swap3A_622 = arith.constant 0 : i32
        %swap3A_623 = arith.constant 0 : i32
        %swap3A_624 = tpu.memref_slice %arg11[%scan3A_417, %swap3A_622, %swap3A_623] : memref<5x40x128xf32, #tpu.memory_space<vmem>> -> memref<1x40x128xf32, #tpu.memory_space<vmem>>
        %swap3A_625 = tpu.memref_squeeze %swap3A_624 : memref<1x40x128xf32, #tpu.memory_space<vmem>> -> memref<40x128xf32, #tpu.memory_space<vmem>>
        %swap3A_626 = arith.index_cast %add3A_564 : i32 to index
        %swap3A_627 = arith.constant 48 : index
        %swap3A_628 = tpu.vector_load %swap3A_625[%swap3A_626, %swap3A_627] {strides = array<i32>} : memref<40x128xf32, #tpu.memory_space<vmem>>, vector<16xf32>,
        tpu.vector_store %swap3A_625[%swap3A_626, %swap3A_627], %mul3A_621 {strides = array<i32>} : memref<40x128xf32, #tpu.memory_space<vmem>>, vector<16xf32>,
        %get3A_629 = arith.constant 0 : i32
        %get3A_630 = arith.constant 0 : i32
        %get3A_631 = tpu.memref_slice %arg11[%scan3A_417, %get3A_629, %get3A_630] : memref<5x40x128xf32, #tpu.memory_space<vmem>> -> memref<1x40x128xf32, #tpu.memory_space<vmem>>
        %get3A_632 = tpu.memref_squeeze %get3A_631 : memref<1x40x128xf32, #tpu.memory_space<vmem>> -> memref<40x128xf32, #tpu.memory_space<vmem>>
        %get3A_633 = arith.index_cast %add3A_564 : i32 to index
        %get3A_634 = arith.constant 64 : index
        %get3A_635 = tpu.vector_load %get3A_632[%get3A_633, %get3A_634] {strides = array<i32>} : memref<40x128xf32, #tpu.memory_space<vmem>>, vector<16xf32>,
        %mul3A_636 = arith.mulf %get3A_635, %gather3A_568 : vector<16xf32>
        %swap3A_637 = arith.constant 0 : i32
        %swap3A_638 = arith.constant 0 : i32
        %swap3A_639 = tpu.memref_slice %arg11[%scan3A_417, %swap3A_637, %swap3A_638] : memref<5x40x128xf32, #tpu.memory_space<vmem>> -> memref<1x40x128xf32, #tpu.memory_space<vmem>>
        %swap3A_640 = tpu.memref_squeeze %swap3A_639 : memref<1x40x128xf32, #tpu.memory_space<vmem>> -> memref<40x128xf32, #tpu.memory_space<vmem>>
        %swap3A_641 = arith.index_cast %add3A_564 : i32 to index
        %swap3A_642 = arith.constant 64 : index
        %swap3A_643 = tpu.vector_load %swap3A_640[%swap3A_641, %swap3A_642] {strides = array<i32>} : memref<40x128xf32, #tpu.memory_space<vmem>>, vector<16xf32>,
        tpu.vector_store %swap3A_640[%swap3A_641, %swap3A_642], %mul3A_636 {strides = array<i32>} : memref<40x128xf32, #tpu.memory_space<vmem>>, vector<16xf32>,
        %get3A_644 = arith.constant 0 : i32
        %get3A_645 = arith.constant 0 : i32
        %get3A_646 = tpu.memref_slice %arg11[%scan3A_417, %get3A_644, %get3A_645] : memref<5x40x128xf32, #tpu.memory_space<vmem>> -> memref<1x40x128xf32, #tpu.memory_space<vmem>>
        %get3A_647 = tpu.memref_squeeze %get3A_646 : memref<1x40x128xf32, #tpu.memory_space<vmem>> -> memref<40x128xf32, #tpu.memory_space<vmem>>
        %get3A_648 = arith.index_cast %add3A_564 : i32 to index
        %get3A_649 = arith.constant 80 : index
        %get3A_650 = tpu.vector_load %get3A_647[%get3A_648, %get3A_649] {strides = array<i32>} : memref<40x128xf32, #tpu.memory_space<vmem>>, vector<16xf32>,
        %mul3A_651 = arith.mulf %get3A_650, %gather3A_568 : vector<16xf32>
        %swap3A_652 = arith.constant 0 : i32
        %swap3A_653 = arith.constant 0 : i32
        %swap3A_654 = tpu.memref_slice %arg11[%scan3A_417, %swap3A_652, %swap3A_653] : memref<5x40x128xf32, #tpu.memory_space<vmem>> -> memref<1x40x128xf32, #tpu.memory_space<vmem>>
        %swap3A_655 = tpu.memref_squeeze %swap3A_654 : memref<1x40x128xf32, #tpu.memory_space<vmem>> -> memref<40x128xf32, #tpu.memory_space<vmem>>
        %swap3A_656 = arith.index_cast %add3A_564 : i32 to index
        %swap3A_657 = arith.constant 80 : index
        %swap3A_658 = tpu.vector_load %swap3A_655[%swap3A_656, %swap3A_657] {strides = array<i32>} : memref<40x128xf32, #tpu.memory_space<vmem>>, vector<16xf32>,
        tpu.vector_store %swap3A_655[%swap3A_656, %swap3A_657], %mul3A_651 {strides = array<i32>} : memref<40x128xf32, #tpu.memory_space<vmem>>, vector<16xf32>,
        %get3A_659 = arith.constant 0 : i32
        %get3A_660 = arith.constant 0 : i32
        %get3A_661 = tpu.memref_slice %arg11[%scan3A_417, %get3A_659, %get3A_660] : memref<5x40x128xf32, #tpu.memory_space<vmem>> -> memref<1x40x128xf32, #tpu.memory_space<vmem>>
        %get3A_662 = tpu.memref_squeeze %get3A_661 : memref<1x40x128xf32, #tpu.memory_space<vmem>> -> memref<40x128xf32, #tpu.memory_space<vmem>>
        %get3A_663 = arith.index_cast %add3A_564 : i32 to index
        %get3A_664 = arith.constant 96 : index
        %get3A_665 = tpu.vector_load %get3A_662[%get3A_663, %get3A_664] {strides = array<i32>} : memref<40x128xf32, #tpu.memory_space<vmem>>, vector<16xf32>,
        %mul3A_666 = arith.mulf %get3A_665, %gather3A_568 : vector<16xf32>
        %swap3A_667 = arith.constant 0 : i32
        %swap3A_668 = arith.constant 0 : i32
        %swap3A_669 = tpu.memref_slice %arg11[%scan3A_417, %swap3A_667, %swap3A_668] : memref<5x40x128xf32, #tpu.memory_space<vmem>> -> memref<1x40x128xf32, #tpu.memory_space<vmem>>
        %swap3A_670 = tpu.memref_squeeze %swap3A_669 : memref<1x40x128xf32, #tpu.memory_space<vmem>> -> memref<40x128xf32, #tpu.memory_space<vmem>>
        %swap3A_671 = arith.index_cast %add3A_564 : i32 to index
        %swap3A_672 = arith.constant 96 : index
        %swap3A_673 = tpu.vector_load %swap3A_670[%swap3A_671, %swap3A_672] {strides = array<i32>} : memref<40x128xf32, #tpu.memory_space<vmem>>, vector<16xf32>,
        tpu.vector_store %swap3A_670[%swap3A_671, %swap3A_672], %mul3A_666 {strides = array<i32>} : memref<40x128xf32, #tpu.memory_space<vmem>>, vector<16xf32>,
        %get3A_674 = arith.constant 0 : i32
        %get3A_675 = arith.constant 0 : i32
        %get3A_676 = tpu.memref_slice %arg11[%scan3A_417, %get3A_674, %get3A_675] : memref<5x40x128xf32, #tpu.memory_space<vmem>> -> memref<1x40x128xf32, #tpu.memory_space<vmem>>
        %get3A_677 = tpu.memref_squeeze %get3A_676 : memref<1x40x128xf32, #tpu.memory_space<vmem>> -> memref<40x128xf32, #tpu.memory_space<vmem>>
        %get3A_678 = arith.index_cast %add3A_564 : i32 to index
        %get3A_679 = arith.constant 112 : index
        %get3A_680 = tpu.vector_load %get3A_677[%get3A_678, %get3A_679] {strides = array<i32>} : memref<40x128xf32, #tpu.memory_space<vmem>>, vector<16xf32>,
        %mul3A_681 = arith.mulf %get3A_680, %gather3A_568 : vector<16xf32>
        %swap3A_682 = arith.constant 0 : i32
        %swap3A_683 = arith.constant 0 : i32
        %swap3A_684 = tpu.memref_slice %arg11[%scan3A_417, %swap3A_682, %swap3A_683] : memref<5x40x128xf32, #tpu.memory_space<vmem>> -> memref<1x40x128xf32, #tpu.memory_space<vmem>>
        %swap3A_685 = tpu.memref_squeeze %swap3A_684 : memref<1x40x128xf32, #tpu.memory_space<vmem>> -> memref<40x128xf32, #tpu.memory_space<vmem>>
        %swap3A_686 = arith.index_cast %add3A_564 : i32 to index
        %swap3A_687 = arith.constant 112 : index
        %swap3A_688 = tpu.vector_load %swap3A_685[%swap3A_686, %swap3A_687] {strides = array<i32>} : memref<40x128xf32, #tpu.memory_space<vmem>>, vector<16xf32>,
        tpu.vector_store %swap3A_685[%swap3A_686, %swap3A_687], %mul3A_681 {strides = array<i32>} : memref<40x128xf32, #tpu.memory_space<vmem>>, vector<16xf32>,
        %scan3A_689 = arith.constant 2 : i32
        %scan3A_690 = arith.addi %scan3A_434, %scan3A_689 : i32
        %mul3A_691 = arith.constant 1 : i32
        %mul3A_692 = arith.muli %scan3A_690, %mul3A_691 : i32
        %add3A_693 = arith.constant 0 : i32
        %add3A_694 = arith.addi %add3A_693, %mul3A_692 : i32
        %add3A_695 = arith.constant 512 : i32
        %add3A_696 = arith.addi %add3A_695, %add3A_694 : i32
        %broadcast_in_dim3A_697 = vector.broadcast %add3A_696 : i32 to vector<16xi32>
        %gather3A_698 = tpu.vector_load_idx %arg10[%broadcast_in_dim3A_697] : memref<640xf32, #tpu.memory_space<vmem>>[vector<16xi32>], vector<16xf32>,
        %get3A_699 = arith.constant 0 : i32
        %get3A_700 = arith.constant 0 : i32
        %get3A_701 = tpu.memref_slice %arg11[%scan3A_417, %get3A_699, %get3A_700] : memref<5x40x128xf32, #tpu.memory_space<vmem>> -> memref<1x40x128xf32, #tpu.memory_space<vmem>>
        %get3A_702 = tpu.memref_squeeze %get3A_701 : memref<1x40x128xf32, #tpu.memory_space<vmem>> -> memref<40x128xf32, #tpu.memory_space<vmem>>
        %get3A_703 = arith.index_cast %add3A_694 : i32 to index
        %get3A_704 = arith.constant 0 : index
        %get3A_705 = tpu.vector_load %get3A_702[%get3A_703, %get3A_704] {strides = array<i32>} : memref<40x128xf32, #tpu.memory_space<vmem>>, vector<16xf32>,
        %mul3A_706 = arith.mulf %get3A_705, %gather3A_698 : vector<16xf32>
        %swap3A_707 = arith.constant 0 : i32
        %swap3A_708 = arith.constant 0 : i32
        %swap3A_709 = tpu.memref_slice %arg11[%scan3A_417, %swap3A_707, %swap3A_708] : memref<5x40x128xf32, #tpu.memory_space<vmem>> -> memref<1x40x128xf32, #tpu.memory_space<vmem>>
        %swap3A_710 = tpu.memref_squeeze %swap3A_709 : memref<1x40x128xf32, #tpu.memory_space<vmem>> -> memref<40x128xf32, #tpu.memory_space<vmem>>
        %swap3A_711 = arith.index_cast %add3A_694 : i32 to index
        %swap3A_712 = arith.constant 0 : index
        %swap3A_713 = tpu.vector_load %swap3A_710[%swap3A_711, %swap3A_712] {strides = array<i32>} : memref<40x128xf32, #tpu.memory_space<vmem>>, vector<16xf32>,
        tpu.vector_store %swap3A_710[%swap3A_711, %swap3A_712], %mul3A_706 {strides = array<i32>} : memref<40x128xf32, #tpu.memory_space<vmem>>, vector<16xf32>,
        %get3A_714 = arith.constant 0 : i32
        %get3A_715 = arith.constant 0 : i32
        %get3A_716 = tpu.memref_slice %arg11[%scan3A_417, %get3A_714, %get3A_715] : memref<5x40x128xf32, #tpu.memory_space<vmem>> -> memref<1x40x128xf32, #tpu.memory_space<vmem>>
        %get3A_717 = tpu.memref_squeeze %get3A_716 : memref<1x40x128xf32, #tpu.memory_space<vmem>> -> memref<40x128xf32, #tpu.memory_space<vmem>>
        %get3A_718 = arith.index_cast %add3A_694 : i32 to index
        %get3A_719 = arith.constant 16 : index
        %get3A_720 = tpu.vector_load %get3A_717[%get3A_718, %get3A_719] {strides = array<i32>} : memref<40x128xf32, #tpu.memory_space<vmem>>, vector<16xf32>,
        %mul3A_721 = arith.mulf %get3A_720, %gather3A_698 : vector<16xf32>
        %swap3A_722 = arith.constant 0 : i32
        %swap3A_723 = arith.constant 0 : i32
        %swap3A_724 = tpu.memref_slice %arg11[%scan3A_417, %swap3A_722, %swap3A_723] : memref<5x40x128xf32, #tpu.memory_space<vmem>> -> memref<1x40x128xf32, #tpu.memory_space<vmem>>
        %swap3A_725 = tpu.memref_squeeze %swap3A_724 : memref<1x40x128xf32, #tpu.memory_space<vmem>> -> memref<40x128xf32, #tpu.memory_space<vmem>>
        %swap3A_726 = arith.index_cast %add3A_694 : i32 to index
        %swap3A_727 = arith.constant 16 : index
        %swap3A_728 = tpu.vector_load %swap3A_725[%swap3A_726, %swap3A_727] {strides = array<i32>} : memref<40x128xf32, #tpu.memory_space<vmem>>, vector<16xf32>,
        tpu.vector_store %swap3A_725[%swap3A_726, %swap3A_727], %mul3A_721 {strides = array<i32>} : memref<40x128xf32, #tpu.memory_space<vmem>>, vector<16xf32>,
        %get3A_729 = arith.constant 0 : i32
        %get3A_730 = arith.constant 0 : i32
        %get3A_731 = tpu.memref_slice %arg11[%scan3A_417, %get3A_729, %get3A_730] : memref<5x40x128xf32, #tpu.memory_space<vmem>> -> memref<1x40x128xf32, #tpu.memory_space<vmem>>
        %get3A_732 = tpu.memref_squeeze %get3A_731 : memref<1x40x128xf32, #tpu.memory_space<vmem>> -> memref<40x128xf32, #tpu.memory_space<vmem>>
        %get3A_733 = arith.index_cast %add3A_694 : i32 to index
        %get3A_734 = arith.constant 32 : index
        %get3A_735 = tpu.vector_load %get3A_732[%get3A_733, %get3A_734] {strides = array<i32>} : memref<40x128xf32, #tpu.memory_space<vmem>>, vector<16xf32>,
        %mul3A_736 = arith.mulf %get3A_735, %gather3A_698 : vector<16xf32>
        %swap3A_737 = arith.constant 0 : i32
        %swap3A_738 = arith.constant 0 : i32
        %swap3A_739 = tpu.memref_slice %arg11[%scan3A_417, %swap3A_737, %swap3A_738] : memref<5x40x128xf32, #tpu.memory_space<vmem>> -> memref<1x40x128xf32, #tpu.memory_space<vmem>>
        %swap3A_740 = tpu.memref_squeeze %swap3A_739 : memref<1x40x128xf32, #tpu.memory_space<vmem>> -> memref<40x128xf32, #tpu.memory_space<vmem>>
        %swap3A_741 = arith.index_cast %add3A_694 : i32 to index
        %swap3A_742 = arith.constant 32 : index
        %swap3A_743 = tpu.vector_load %swap3A_740[%swap3A_741, %swap3A_742] {strides = array<i32>} : memref<40x128xf32, #tpu.memory_space<vmem>>, vector<16xf32>,
        tpu.vector_store %swap3A_740[%swap3A_741, %swap3A_742], %mul3A_736 {strides = array<i32>} : memref<40x128xf32, #tpu.memory_space<vmem>>, vector<16xf32>,
        %get3A_744 = arith.constant 0 : i32
        %get3A_745 = arith.constant 0 : i32
        %get3A_746 = tpu.memref_slice %arg11[%scan3A_417, %get3A_744, %get3A_745] : memref<5x40x128xf32, #tpu.memory_space<vmem>> -> memref<1x40x128xf32, #tpu.memory_space<vmem>>
        %get3A_747 = tpu.memref_squeeze %get3A_746 : memref<1x40x128xf32, #tpu.memory_space<vmem>> -> memref<40x128xf32, #tpu.memory_space<vmem>>
        %get3A_748 = arith.index_cast %add3A_694 : i32 to index
        %get3A_749 = arith.constant 48 : index
        %get3A_750 = tpu.vector_load %get3A_747[%get3A_748, %get3A_749] {strides = array<i32>} : memref<40x128xf32, #tpu.memory_space<vmem>>, vector<16xf32>,
        %mul3A_751 = arith.mulf %get3A_750, %gather3A_698 : vector<16xf32>
        %swap3A_752 = arith.constant 0 : i32
        %swap3A_753 = arith.constant 0 : i32
        %swap3A_754 = tpu.memref_slice %arg11[%scan3A_417, %swap3A_752, %swap3A_753] : memref<5x40x128xf32, #tpu.memory_space<vmem>> -> memref<1x40x128xf32, #tpu.memory_space<vmem>>
        %swap3A_755 = tpu.memref_squeeze %swap3A_754 : memref<1x40x128xf32, #tpu.memory_space<vmem>> -> memref<40x128xf32, #tpu.memory_space<vmem>>
        %swap3A_756 = arith.index_cast %add3A_694 : i32 to index
        %swap3A_757 = arith.constant 48 : index
        %swap3A_758 = tpu.vector_load %swap3A_755[%swap3A_756, %swap3A_757] {strides = array<i32>} : memref<40x128xf32, #tpu.memory_space<vmem>>, vector<16xf32>,
        tpu.vector_store %swap3A_755[%swap3A_756, %swap3A_757], %mul3A_751 {strides = array<i32>} : memref<40x128xf32, #tpu.memory_space<vmem>>, vector<16xf32>,
        %get3A_759 = arith.constant 0 : i32
        %get3A_760 = arith.constant 0 : i32
        %get3A_761 = tpu.memref_slice %arg11[%scan3A_417, %get3A_759, %get3A_760] : memref<5x40x128xf32, #tpu.memory_space<vmem>> -> memref<1x40x128xf32, #tpu.memory_space<vmem>>
        %get3A_762 = tpu.memref_squeeze %get3A_761 : memref<1x40x128xf32, #tpu.memory_space<vmem>> -> memref<40x128xf32, #tpu.memory_space<vmem>>
        %get3A_763 = arith.index_cast %add3A_694 : i32 to index
        %get3A_764 = arith.constant 64 : index
        %get3A_765 = tpu.vector_load %get3A_762[%get3A_763, %get3A_764] {strides = array<i32>} : memref<40x128xf32, #tpu.memory_space<vmem>>, vector<16xf32>,
        %mul3A_766 = arith.mulf %get3A_765, %gather3A_698 : vector<16xf32>
        %swap3A_767 = arith.constant 0 : i32
        %swap3A_768 = arith.constant 0 : i32
        %swap3A_769 = tpu.memref_slice %arg11[%scan3A_417, %swap3A_767, %swap3A_768] : memref<5x40x128xf32, #tpu.memory_space<vmem>> -> memref<1x40x128xf32, #tpu.memory_space<vmem>>
        %swap3A_770 = tpu.memref_squeeze %swap3A_769 : memref<1x40x128xf32, #tpu.memory_space<vmem>> -> memref<40x128xf32, #tpu.memory_space<vmem>>
        %swap3A_771 = arith.index_cast %add3A_694 : i32 to index
        %swap3A_772 = arith.constant 64 : index
        %swap3A_773 = tpu.vector_load %swap3A_770[%swap3A_771, %swap3A_772] {strides = array<i32>} : memref<40x128xf32, #tpu.memory_space<vmem>>, vector<16xf32>,
        tpu.vector_store %swap3A_770[%swap3A_771, %swap3A_772], %mul3A_766 {strides = array<i32>} : memref<40x128xf32, #tpu.memory_space<vmem>>, vector<16xf32>,
        %get3A_774 = arith.constant 0 : i32
        %get3A_775 = arith.constant 0 : i32
        %get3A_776 = tpu.memref_slice %arg11[%scan3A_417, %get3A_774, %get3A_775] : memref<5x40x128xf32, #tpu.memory_space<vmem>> -> memref<1x40x128xf32, #tpu.memory_space<vmem>>
        %get3A_777 = tpu.memref_squeeze %get3A_776 : memref<1x40x128xf32, #tpu.memory_space<vmem>> -> memref<40x128xf32, #tpu.memory_space<vmem>>
        %get3A_778 = arith.index_cast %add3A_694 : i32 to index
        %get3A_779 = arith.constant 80 : index
        %get3A_780 = tpu.vector_load %get3A_777[%get3A_778, %get3A_779] {strides = array<i32>} : memref<40x128xf32, #tpu.memory_space<vmem>>, vector<16xf32>,
        %mul3A_781 = arith.mulf %get3A_780, %gather3A_698 : vector<16xf32>
        %swap3A_782 = arith.constant 0 : i32
        %swap3A_783 = arith.constant 0 : i32
        %swap3A_784 = tpu.memref_slice %arg11[%scan3A_417, %swap3A_782, %swap3A_783] : memref<5x40x128xf32, #tpu.memory_space<vmem>> -> memref<1x40x128xf32, #tpu.memory_space<vmem>>
        %swap3A_785 = tpu.memref_squeeze %swap3A_784 : memref<1x40x128xf32, #tpu.memory_space<vmem>> -> memref<40x128xf32, #tpu.memory_space<vmem>>
        %swap3A_786 = arith.index_cast %add3A_694 : i32 to index
        %swap3A_787 = arith.constant 80 : index
        %swap3A_788 = tpu.vector_load %swap3A_785[%swap3A_786, %swap3A_787] {strides = array<i32>} : memref<40x128xf32, #tpu.memory_space<vmem>>, vector<16xf32>,
        tpu.vector_store %swap3A_785[%swap3A_786, %swap3A_787], %mul3A_781 {strides = array<i32>} : memref<40x128xf32, #tpu.memory_space<vmem>>, vector<16xf32>,
        %get3A_789 = arith.constant 0 : i32
        %get3A_790 = arith.constant 0 : i32
        %get3A_791 = tpu.memref_slice %arg11[%scan3A_417, %get3A_789, %get3A_790] : memref<5x40x128xf32, #tpu.memory_space<vmem>> -> memref<1x40x128xf32, #tpu.memory_space<vmem>>
        %get3A_792 = tpu.memref_squeeze %get3A_791 : memref<1x40x128xf32, #tpu.memory_space<vmem>> -> memref<40x128xf32, #tpu.memory_space<vmem>>
        %get3A_793 = arith.index_cast %add3A_694 : i32 to index
        %get3A_794 = arith.constant 96 : index
        %get3A_795 = tpu.vector_load %get3A_792[%get3A_793, %get3A_794] {strides = array<i32>} : memref<40x128xf32, #tpu.memory_space<vmem>>, vector<16xf32>,
        %mul3A_796 = arith.mulf %get3A_795, %gather3A_698 : vector<16xf32>
        %swap3A_797 = arith.constant 0 : i32
        %swap3A_798 = arith.constant 0 : i32
        %swap3A_799 = tpu.memref_slice %arg11[%scan3A_417, %swap3A_797, %swap3A_798] : memref<5x40x128xf32, #tpu.memory_space<vmem>> -> memref<1x40x128xf32, #tpu.memory_space<vmem>>
        %swap3A_800 = tpu.memref_squeeze %swap3A_799 : memref<1x40x128xf32, #tpu.memory_space<vmem>> -> memref<40x128xf32, #tpu.memory_space<vmem>>
        %swap3A_801 = arith.index_cast %add3A_694 : i32 to index
        %swap3A_802 = arith.constant 96 : index
        %swap3A_803 = tpu.vector_load %swap3A_800[%swap3A_801, %swap3A_802] {strides = array<i32>} : memref<40x128xf32, #tpu.memory_space<vmem>>, vector<16xf32>,
        tpu.vector_store %swap3A_800[%swap3A_801, %swap3A_802], %mul3A_796 {strides = array<i32>} : memref<40x128xf32, #tpu.memory_space<vmem>>, vector<16xf32>,
        %get3A_804 = arith.constant 0 : i32
        %get3A_805 = arith.constant 0 : i32
        %get3A_806 = tpu.memref_slice %arg11[%scan3A_417, %get3A_804, %get3A_805] : memref<5x40x128xf32, #tpu.memory_space<vmem>> -> memref<1x40x128xf32, #tpu.memory_space<vmem>>
        %get3A_807 = tpu.memref_squeeze %get3A_806 : memref<1x40x128xf32, #tpu.memory_space<vmem>> -> memref<40x128xf32, #tpu.memory_space<vmem>>
        %get3A_808 = arith.index_cast %add3A_694 : i32 to index
        %get3A_809 = arith.constant 112 : index
        %get3A_810 = tpu.vector_load %get3A_807[%get3A_808, %get3A_809] {strides = array<i32>} : memref<40x128xf32, #tpu.memory_space<vmem>>, vector<16xf32>,
        %mul3A_811 = arith.mulf %get3A_810, %gather3A_698 : vector<16xf32>
        %swap3A_812 = arith.constant 0 : i32
        %swap3A_813 = arith.constant 0 : i32
        %swap3A_814 = tpu.memref_slice %arg11[%scan3A_417, %swap3A_812, %swap3A_813] : memref<5x40x128xf32, #tpu.memory_space<vmem>> -> memref<1x40x128xf32, #tpu.memory_space<vmem>>
        %swap3A_815 = tpu.memref_squeeze %swap3A_814 : memref<1x40x128xf32, #tpu.memory_space<vmem>> -> memref<40x128xf32, #tpu.memory_space<vmem>>
        %swap3A_816 = arith.index_cast %add3A_694 : i32 to index
        %swap3A_817 = arith.constant 112 : index
        %swap3A_818 = tpu.vector_load %swap3A_815[%swap3A_816, %swap3A_817] {strides = array<i32>} : memref<40x128xf32, #tpu.memory_space<vmem>>, vector<16xf32>,
        tpu.vector_store %swap3A_815[%swap3A_816, %swap3A_817], %mul3A_811 {strides = array<i32>} : memref<40x128xf32, #tpu.memory_space<vmem>>, vector<16xf32>,
        %scan3A_819 = arith.constant 3 : i32
        %scan3A_820 = arith.addi %scan3A_434, %scan3A_819 : i32
        %mul3A_821 = arith.constant 1 : i32
        %mul3A_822 = arith.muli %scan3A_820, %mul3A_821 : i32
        %add3A_823 = arith.constant 0 : i32
        %add3A_824 = arith.addi %add3A_823, %mul3A_822 : i32
        %add3A_825 = arith.constant 512 : i32
        %add3A_826 = arith.addi %add3A_825, %add3A_824 : i32
        %broadcast_in_dim3A_827 = vector.broadcast %add3A_826 : i32 to vector<16xi32>
        %gather3A_828 = tpu.vector_load_idx %arg10[%broadcast_in_dim3A_827] : memref<640xf32, #tpu.memory_space<vmem>>[vector<16xi32>], vector<16xf32>,
        %get3A_829 = arith.constant 0 : i32
        %get3A_830 = arith.constant 0 : i32
        %get3A_831 = tpu.memref_slice %arg11[%scan3A_417, %get3A_829, %get3A_830] : memref<5x40x128xf32, #tpu.memory_space<vmem>> -> memref<1x40x128xf32, #tpu.memory_space<vmem>>
        %get3A_832 = tpu.memref_squeeze %get3A_831 : memref<1x40x128xf32, #tpu.memory_space<vmem>> -> memref<40x128xf32, #tpu.memory_space<vmem>>
        %get3A_833 = arith.index_cast %add3A_824 : i32 to index
        %get3A_834 = arith.constant 0 : index
        %get3A_835 = tpu.vector_load %get3A_832[%get3A_833, %get3A_834] {strides = array<i32>} : memref<40x128xf32, #tpu.memory_space<vmem>>, vector<16xf32>,
        %mul3A_836 = arith.mulf %get3A_835, %gather3A_828 : vector<16xf32>
        %swap3A_837 = arith.constant 0 : i32
        %swap3A_838 = arith.constant 0 : i32
        %swap3A_839 = tpu.memref_slice %arg11[%scan3A_417, %swap3A_837, %swap3A_838] : memref<5x40x128xf32, #tpu.memory_space<vmem>> -> memref<1x40x128xf32, #tpu.memory_space<vmem>>
        %swap3A_840 = tpu.memref_squeeze %swap3A_839 : memref<1x40x128xf32, #tpu.memory_space<vmem>> -> memref<40x128xf32, #tpu.memory_space<vmem>>
        %swap3A_841 = arith.index_cast %add3A_824 : i32 to index
        %swap3A_842 = arith.constant 0 : index
        %swap3A_843 = tpu.vector_load %swap3A_840[%swap3A_841, %swap3A_842] {strides = array<i32>} : memref<40x128xf32, #tpu.memory_space<vmem>>, vector<16xf32>,
        tpu.vector_store %swap3A_840[%swap3A_841, %swap3A_842], %mul3A_836 {strides = array<i32>} : memref<40x128xf32, #tpu.memory_space<vmem>>, vector<16xf32>,
        %get3A_844 = arith.constant 0 : i32
        %get3A_845 = arith.constant 0 : i32
        %get3A_846 = tpu.memref_slice %arg11[%scan3A_417, %get3A_844, %get3A_845] : memref<5x40x128xf32, #tpu.memory_space<vmem>> -> memref<1x40x128xf32, #tpu.memory_space<vmem>>
        %get3A_847 = tpu.memref_squeeze %get3A_846 : memref<1x40x128xf32, #tpu.memory_space<vmem>> -> memref<40x128xf32, #tpu.memory_space<vmem>>
        %get3A_848 = arith.index_cast %add3A_824 : i32 to index
        %get3A_849 = arith.constant 16 : index
        %get3A_850 = tpu.vector_load %get3A_847[%get3A_848, %get3A_849] {strides = array<i32>} : memref<40x128xf32, #tpu.memory_space<vmem>>, vector<16xf32>,
        %mul3A_851 = arith.mulf %get3A_850, %gather3A_828 : vector<16xf32>
        %swap3A_852 = arith.constant 0 : i32
        %swap3A_853 = arith.constant 0 : i32
        %swap3A_854 = tpu.memref_slice %arg11[%scan3A_417, %swap3A_852, %swap3A_853] : memref<5x40x128xf32, #tpu.memory_space<vmem>> -> memref<1x40x128xf32, #tpu.memory_space<vmem>>
        %swap3A_855 = tpu.memref_squeeze %swap3A_854 : memref<1x40x128xf32, #tpu.memory_space<vmem>> -> memref<40x128xf32, #tpu.memory_space<vmem>>
        %swap3A_856 = arith.index_cast %add3A_824 : i32 to index
        %swap3A_857 = arith.constant 16 : index
        %swap3A_858 = tpu.vector_load %swap3A_855[%swap3A_856, %swap3A_857] {strides = array<i32>} : memref<40x128xf32, #tpu.memory_space<vmem>>, vector<16xf32>,
        tpu.vector_store %swap3A_855[%swap3A_856, %swap3A_857], %mul3A_851 {strides = array<i32>} : memref<40x128xf32, #tpu.memory_space<vmem>>, vector<16xf32>,
        %get3A_859 = arith.constant 0 : i32
        %get3A_860 = arith.constant 0 : i32
        %get3A_861 = tpu.memref_slice %arg11[%scan3A_417, %get3A_859, %get3A_860] : memref<5x40x128xf32, #tpu.memory_space<vmem>> -> memref<1x40x128xf32, #tpu.memory_space<vmem>>
        %get3A_862 = tpu.memref_squeeze %get3A_861 : memref<1x40x128xf32, #tpu.memory_space<vmem>> -> memref<40x128xf32, #tpu.memory_space<vmem>>
        %get3A_863 = arith.index_cast %add3A_824 : i32 to index
        %get3A_864 = arith.constant 32 : index
        %get3A_865 = tpu.vector_load %get3A_862[%get3A_863, %get3A_864] {strides = array<i32>} : memref<40x128xf32, #tpu.memory_space<vmem>>, vector<16xf32>,
        %mul3A_866 = arith.mulf %get3A_865, %gather3A_828 : vector<16xf32>
        %swap3A_867 = arith.constant 0 : i32
        %swap3A_868 = arith.constant 0 : i32
        %swap3A_869 = tpu.memref_slice %arg11[%scan3A_417, %swap3A_867, %swap3A_868] : memref<5x40x128xf32, #tpu.memory_space<vmem>> -> memref<1x40x128xf32, #tpu.memory_space<vmem>>
        %swap3A_870 = tpu.memref_squeeze %swap3A_869 : memref<1x40x128xf32, #tpu.memory_space<vmem>> -> memref<40x128xf32, #tpu.memory_space<vmem>>
        %swap3A_871 = arith.index_cast %add3A_824 : i32 to index
        %swap3A_872 = arith.constant 32 : index
        %swap3A_873 = tpu.vector_load %swap3A_870[%swap3A_871, %swap3A_872] {strides = array<i32>} : memref<40x128xf32, #tpu.memory_space<vmem>>, vector<16xf32>,
        tpu.vector_store %swap3A_870[%swap3A_871, %swap3A_872], %mul3A_866 {strides = array<i32>} : memref<40x128xf32, #tpu.memory_space<vmem>>, vector<16xf32>,
        %get3A_874 = arith.constant 0 : i32
        %get3A_875 = arith.constant 0 : i32
        %get3A_876 = tpu.memref_slice %arg11[%scan3A_417, %get3A_874, %get3A_875] : memref<5x40x128xf32, #tpu.memory_space<vmem>> -> memref<1x40x128xf32, #tpu.memory_space<vmem>>
        %get3A_877 = tpu.memref_squeeze %get3A_876 : memref<1x40x128xf32, #tpu.memory_space<vmem>> -> memref<40x128xf32, #tpu.memory_space<vmem>>
        %get3A_878 = arith.index_cast %add3A_824 : i32 to index
        %get3A_879 = arith.constant 48 : index
        %get3A_880 = tpu.vector_load %get3A_877[%get3A_878, %get3A_879] {strides = array<i32>} : memref<40x128xf32, #tpu.memory_space<vmem>>, vector<16xf32>,
        %mul3A_881 = arith.mulf %get3A_880, %gather3A_828 : vector<16xf32>
        %swap3A_882 = arith.constant 0 : i32
        %swap3A_883 = arith.constant 0 : i32
        %swap3A_884 = tpu.memref_slice %arg11[%scan3A_417, %swap3A_882, %swap3A_883] : memref<5x40x128xf32, #tpu.memory_space<vmem>> -> memref<1x40x128xf32, #tpu.memory_space<vmem>>
        %swap3A_885 = tpu.memref_squeeze %swap3A_884 : memref<1x40x128xf32, #tpu.memory_space<vmem>> -> memref<40x128xf32, #tpu.memory_space<vmem>>
        %swap3A_886 = arith.index_cast %add3A_824 : i32 to index
        %swap3A_887 = arith.constant 48 : index
        %swap3A_888 = tpu.vector_load %swap3A_885[%swap3A_886, %swap3A_887] {strides = array<i32>} : memref<40x128xf32, #tpu.memory_space<vmem>>, vector<16xf32>,
        tpu.vector_store %swap3A_885[%swap3A_886, %swap3A_887], %mul3A_881 {strides = array<i32>} : memref<40x128xf32, #tpu.memory_space<vmem>>, vector<16xf32>,
        %get3A_889 = arith.constant 0 : i32
        %get3A_890 = arith.constant 0 : i32
        %get3A_891 = tpu.memref_slice %arg11[%scan3A_417, %get3A_889, %get3A_890] : memref<5x40x128xf32, #tpu.memory_space<vmem>> -> memref<1x40x128xf32, #tpu.memory_space<vmem>>
        %get3A_892 = tpu.memref_squeeze %get3A_891 : memref<1x40x128xf32, #tpu.memory_space<vmem>> -> memref<40x128xf32, #tpu.memory_space<vmem>>
        %get3A_893 = arith.index_cast %add3A_824 : i32 to index
        %get3A_894 = arith.constant 64 : index
        %get3A_895 = tpu.vector_load %get3A_892[%get3A_893, %get3A_894] {strides = array<i32>} : memref<40x128xf32, #tpu.memory_space<vmem>>, vector<16xf32>,
        %mul3A_896 = arith.mulf %get3A_895, %gather3A_828 : vector<16xf32>
        %swap3A_897 = arith.constant 0 : i32
        %swap3A_898 = arith.constant 0 : i32
        %swap3A_899 = tpu.memref_slice %arg11[%scan3A_417, %swap3A_897, %swap3A_898] : memref<5x40x128xf32, #tpu.memory_space<vmem>> -> memref<1x40x128xf32, #tpu.memory_space<vmem>>
        %swap3A_900 = tpu.memref_squeeze %swap3A_899 : memref<1x40x128xf32, #tpu.memory_space<vmem>> -> memref<40x128xf32, #tpu.memory_space<vmem>>
        %swap3A_901 = arith.index_cast %add3A_824 : i32 to index
        %swap3A_902 = arith.constant 64 : index
        %swap3A_903 = tpu.vector_load %swap3A_900[%swap3A_901, %swap3A_902] {strides = array<i32>} : memref<40x128xf32, #tpu.memory_space<vmem>>, vector<16xf32>,
        tpu.vector_store %swap3A_900[%swap3A_901, %swap3A_902], %mul3A_896 {strides = array<i32>} : memref<40x128xf32, #tpu.memory_space<vmem>>, vector<16xf32>,
        %get3A_904 = arith.constant 0 : i32
        %get3A_905 = arith.constant 0 : i32
        %get3A_906 = tpu.memref_slice %arg11[%scan3A_417, %get3A_904, %get3A_905] : memref<5x40x128xf32, #tpu.memory_space<vmem>> -> memref<1x40x128xf32, #tpu.memory_space<vmem>>
        %get3A_907 = tpu.memref_squeeze %get3A_906 : memref<1x40x128xf32, #tpu.memory_space<vmem>> -> memref<40x128xf32, #tpu.memory_space<vmem>>
        %get3A_908 = arith.index_cast %add3A_824 : i32 to index
        %get3A_909 = arith.constant 80 : index
        %get3A_910 = tpu.vector_load %get3A_907[%get3A_908, %get3A_909] {strides = array<i32>} : memref<40x128xf32, #tpu.memory_space<vmem>>, vector<16xf32>,
        %mul3A_911 = arith.mulf %get3A_910, %gather3A_828 : vector<16xf32>
        %swap3A_912 = arith.constant 0 : i32
        %swap3A_913 = arith.constant 0 : i32
        %swap3A_914 = tpu.memref_slice %arg11[%scan3A_417, %swap3A_912, %swap3A_913] : memref<5x40x128xf32, #tpu.memory_space<vmem>> -> memref<1x40x128xf32, #tpu.memory_space<vmem>>
        %swap3A_915 = tpu.memref_squeeze %swap3A_914 : memref<1x40x128xf32, #tpu.memory_space<vmem>> -> memref<40x128xf32, #tpu.memory_space<vmem>>
        %swap3A_916 = arith.index_cast %add3A_824 : i32 to index
        %swap3A_917 = arith.constant 80 : index
        %swap3A_918 = tpu.vector_load %swap3A_915[%swap3A_916, %swap3A_917] {strides = array<i32>} : memref<40x128xf32, #tpu.memory_space<vmem>>, vector<16xf32>,
        tpu.vector_store %swap3A_915[%swap3A_916, %swap3A_917], %mul3A_911 {strides = array<i32>} : memref<40x128xf32, #tpu.memory_space<vmem>>, vector<16xf32>,
        %get3A_919 = arith.constant 0 : i32
        %get3A_920 = arith.constant 0 : i32
        %get3A_921 = tpu.memref_slice %arg11[%scan3A_417, %get3A_919, %get3A_920] : memref<5x40x128xf32, #tpu.memory_space<vmem>> -> memref<1x40x128xf32, #tpu.memory_space<vmem>>
        %get3A_922 = tpu.memref_squeeze %get3A_921 : memref<1x40x128xf32, #tpu.memory_space<vmem>> -> memref<40x128xf32, #tpu.memory_space<vmem>>
        %get3A_923 = arith.index_cast %add3A_824 : i32 to index
        %get3A_924 = arith.constant 96 : index
        %get3A_925 = tpu.vector_load %get3A_922[%get3A_923, %get3A_924] {strides = array<i32>} : memref<40x128xf32, #tpu.memory_space<vmem>>, vector<16xf32>,
        %mul3A_926 = arith.mulf %get3A_925, %gather3A_828 : vector<16xf32>
        %swap3A_927 = arith.constant 0 : i32
        %swap3A_928 = arith.constant 0 : i32
        %swap3A_929 = tpu.memref_slice %arg11[%scan3A_417, %swap3A_927, %swap3A_928] : memref<5x40x128xf32, #tpu.memory_space<vmem>> -> memref<1x40x128xf32, #tpu.memory_space<vmem>>
        %swap3A_930 = tpu.memref_squeeze %swap3A_929 : memref<1x40x128xf32, #tpu.memory_space<vmem>> -> memref<40x128xf32, #tpu.memory_space<vmem>>
        %swap3A_931 = arith.index_cast %add3A_824 : i32 to index
        %swap3A_932 = arith.constant 96 : index
        %swap3A_933 = tpu.vector_load %swap3A_930[%swap3A_931, %swap3A_932] {strides = array<i32>} : memref<40x128xf32, #tpu.memory_space<vmem>>, vector<16xf32>,
        tpu.vector_store %swap3A_930[%swap3A_931, %swap3A_932], %mul3A_926 {strides = array<i32>} : memref<40x128xf32, #tpu.memory_space<vmem>>, vector<16xf32>,
        %get3A_934 = arith.constant 0 : i32
        %get3A_935 = arith.constant 0 : i32
        %get3A_936 = tpu.memref_slice %arg11[%scan3A_417, %get3A_934, %get3A_935] : memref<5x40x128xf32, #tpu.memory_space<vmem>> -> memref<1x40x128xf32, #tpu.memory_space<vmem>>
        %get3A_937 = tpu.memref_squeeze %get3A_936 : memref<1x40x128xf32, #tpu.memory_space<vmem>> -> memref<40x128xf32, #tpu.memory_space<vmem>>
        %get3A_938 = arith.index_cast %add3A_824 : i32 to index
        %get3A_939 = arith.constant 112 : index
        %get3A_940 = tpu.vector_load %get3A_937[%get3A_938, %get3A_939] {strides = array<i32>} : memref<40x128xf32, #tpu.memory_space<vmem>>, vector<16xf32>,
        %mul3A_941 = arith.mulf %get3A_940, %gather3A_828 : vector<16xf32>
        %swap3A_942 = arith.constant 0 : i32
        %swap3A_943 = arith.constant 0 : i32
        %swap3A_944 = tpu.memref_slice %arg11[%scan3A_417, %swap3A_942, %swap3A_943] : memref<5x40x128xf32, #tpu.memory_space<vmem>> -> memref<1x40x128xf32, #tpu.memory_space<vmem>>
        %swap3A_945 = tpu.memref_squeeze %swap3A_944 : memref<1x40x128xf32, #tpu.memory_space<vmem>> -> memref<40x128xf32, #tpu.memory_space<vmem>>
        %swap3A_946 = arith.index_cast %add3A_824 : i32 to index
        %swap3A_947 = arith.constant 112 : index
        %swap3A_948 = tpu.vector_load %swap3A_945[%swap3A_946, %swap3A_947] {strides = array<i32>} : memref<40x128xf32, #tpu.memory_space<vmem>>, vector<16xf32>,
        tpu.vector_store %swap3A_945[%swap3A_946, %swap3A_947], %mul3A_941 {strides = array<i32>} : memref<40x128xf32, #tpu.memory_space<vmem>>, vector<16xf32>,
        %scan3A_949 = arith.constant 4 : i32
        %scan3A_950 = arith.addi %scan3A_434, %scan3A_949 : i32
        %mul3A_951 = arith.constant 1 : i32
        %mul3A_952 = arith.muli %scan3A_950, %mul3A_951 : i32
        %add3A_953 = arith.constant 0 : i32
        %add3A_954 = arith.addi %add3A_953, %mul3A_952 : i32
        %add3A_955 = arith.constant 512 : i32
        %add3A_956 = arith.addi %add3A_955, %add3A_954 : i32
        %broadcast_in_dim3A_957 = vector.broadcast %add3A_956 : i32 to vector<16xi32>
        %gather3A_958 = tpu.vector_load_idx %arg10[%broadcast_in_dim3A_957] : memref<640xf32, #tpu.memory_space<vmem>>[vector<16xi32>], vector<16xf32>,
        %get3A_959 = arith.constant 0 : i32
        %get3A_960 = arith.constant 0 : i32
        %get3A_961 = tpu.memref_slice %arg11[%scan3A_417, %get3A_959, %get3A_960] : memref<5x40x128xf32, #tpu.memory_space<vmem>> -> memref<1x40x128xf32, #tpu.memory_space<vmem>>
        %get3A_962 = tpu.memref_squeeze %get3A_961 : memref<1x40x128xf32, #tpu.memory_space<vmem>> -> memref<40x128xf32, #tpu.memory_space<vmem>>
        %get3A_963 = arith.index_cast %add3A_954 : i32 to index
        %get3A_964 = arith.constant 0 : index
        %get3A_965 = tpu.vector_load %get3A_962[%get3A_963, %get3A_964] {strides = array<i32>} : memref<40x128xf32, #tpu.memory_space<vmem>>, vector<16xf32>,
        %mul3A_966 = arith.mulf %get3A_965, %gather3A_958 : vector<16xf32>
        %swap3A_967 = arith.constant 0 : i32
        %swap3A_968 = arith.constant 0 : i32
        %swap3A_969 = tpu.memref_slice %arg11[%scan3A_417, %swap3A_967, %swap3A_968] : memref<5x40x128xf32, #tpu.memory_space<vmem>> -> memref<1x40x128xf32, #tpu.memory_space<vmem>>
        %swap3A_970 = tpu.memref_squeeze %swap3A_969 : memref<1x40x128xf32, #tpu.memory_space<vmem>> -> memref<40x128xf32, #tpu.memory_space<vmem>>
        %swap3A_971 = arith.index_cast %add3A_954 : i32 to index
        %swap3A_972 = arith.constant 0 : index
        %swap3A_973 = tpu.vector_load %swap3A_970[%swap3A_971, %swap3A_972] {strides = array<i32>} : memref<40x128xf32, #tpu.memory_space<vmem>>, vector<16xf32>,
        tpu.vector_store %swap3A_970[%swap3A_971, %swap3A_972], %mul3A_966 {strides = array<i32>} : memref<40x128xf32, #tpu.memory_space<vmem>>, vector<16xf32>,
        %get3A_974 = arith.constant 0 : i32
        %get3A_975 = arith.constant 0 : i32
        %get3A_976 = tpu.memref_slice %arg11[%scan3A_417, %get3A_974, %get3A_975] : memref<5x40x128xf32, #tpu.memory_space<vmem>> -> memref<1x40x128xf32, #tpu.memory_space<vmem>>
        %get3A_977 = tpu.memref_squeeze %get3A_976 : memref<1x40x128xf32, #tpu.memory_space<vmem>> -> memref<40x128xf32, #tpu.memory_space<vmem>>
        %get3A_978 = arith.index_cast %add3A_954 : i32 to index
        %get3A_979 = arith.constant 16 : index
        %get3A_980 = tpu.vector_load %get3A_977[%get3A_978, %get3A_979] {strides = array<i32>} : memref<40x128xf32, #tpu.memory_space<vmem>>, vector<16xf32>,
        %mul3A_981 = arith.mulf %get3A_980, %gather3A_958 : vector<16xf32>
        %swap3A_982 = arith.constant 0 : i32
        %swap3A_983 = arith.constant 0 : i32
        %swap3A_984 = tpu.memref_slice %arg11[%scan3A_417, %swap3A_982, %swap3A_983] : memref<5x40x128xf32, #tpu.memory_space<vmem>> -> memref<1x40x128xf32, #tpu.memory_space<vmem>>
        %swap3A_985 = tpu.memref_squeeze %swap3A_984 : memref<1x40x128xf32, #tpu.memory_space<vmem>> -> memref<40x128xf32, #tpu.memory_space<vmem>>
        %swap3A_986 = arith.index_cast %add3A_954 : i32 to index
        %swap3A_987 = arith.constant 16 : index
        %swap3A_988 = tpu.vector_load %swap3A_985[%swap3A_986, %swap3A_987] {strides = array<i32>} : memref<40x128xf32, #tpu.memory_space<vmem>>, vector<16xf32>,
        tpu.vector_store %swap3A_985[%swap3A_986, %swap3A_987], %mul3A_981 {strides = array<i32>} : memref<40x128xf32, #tpu.memory_space<vmem>>, vector<16xf32>,
        %get3A_989 = arith.constant 0 : i32
        %get3A_990 = arith.constant 0 : i32
        %get3A_991 = tpu.memref_slice %arg11[%scan3A_417, %get3A_989, %get3A_990] : memref<5x40x128xf32, #tpu.memory_space<vmem>> -> memref<1x40x128xf32, #tpu.memory_space<vmem>>
        %get3A_992 = tpu.memref_squeeze %get3A_991 : memref<1x40x128xf32, #tpu.memory_space<vmem>> -> memref<40x128xf32, #tpu.memory_space<vmem>>
        %get3A_993 = arith.index_cast %add3A_954 : i32 to index
        %get3A_994 = arith.constant 32 : index
        %get3A_995 = tpu.vector_load %get3A_992[%get3A_993, %get3A_994] {strides = array<i32>} : memref<40x128xf32, #tpu.memory_space<vmem>>, vector<16xf32>,
        %mul3A_996 = arith.mulf %get3A_995, %gather3A_958 : vector<16xf32>
        %swap3A_997 = arith.constant 0 : i32
        %swap3A_998 = arith.constant 0 : i32
        %swap3A_999 = tpu.memref_slice %arg11[%scan3A_417, %swap3A_997, %swap3A_998] : memref<5x40x128xf32, #tpu.memory_space<vmem>> -> memref<1x40x128xf32, #tpu.memory_space<vmem>>
        %swap3A_1000 = tpu.memref_squeeze %swap3A_999 : memref<1x40x128xf32, #tpu.memory_space<vmem>> -> memref<40x128xf32, #tpu.memory_space<vmem>>
        %swap3A_1001 = arith.index_cast %add3A_954 : i32 to index
        %swap3A_1002 = arith.constant 32 : index
        %swap3A_1003 = tpu.vector_load %swap3A_1000[%swap3A_1001, %swap3A_1002] {strides = array<i32>} : memref<40x128xf32, #tpu.memory_space<vmem>>, vector<16xf32>,
        tpu.vector_store %swap3A_1000[%swap3A_1001, %swap3A_1002], %mul3A_996 {strides = array<i32>} : memref<40x128xf32, #tpu.memory_space<vmem>>, vector<16xf32>,
        %get3A_1004 = arith.constant 0 : i32
        %get3A_1005 = arith.constant 0 : i32
        %get3A_1006 = tpu.memref_slice %arg11[%scan3A_417, %get3A_1004, %get3A_1005] : memref<5x40x128xf32, #tpu.memory_space<vmem>> -> memref<1x40x128xf32, #tpu.memory_space<vmem>>
        %get3A_1007 = tpu.memref_squeeze %get3A_1006 : memref<1x40x128xf32, #tpu.memory_space<vmem>> -> memref<40x128xf32, #tpu.memory_space<vmem>>
        %get3A_1008 = arith.index_cast %add3A_954 : i32 to index
        %get3A_1009 = arith.constant 48 : index
        %get3A_1010 = tpu.vector_load %get3A_1007[%get3A_1008, %get3A_1009] {strides = array<i32>} : memref<40x128xf32, #tpu.memory_space<vmem>>, vector<16xf32>,
        %mul3A_1011 = arith.mulf %get3A_1010, %gather3A_958 : vector<16xf32>
        %swap3A_1012 = arith.constant 0 : i32
        %swap3A_1013 = arith.constant 0 : i32
        %swap3A_1014 = tpu.memref_slice %arg11[%scan3A_417, %swap3A_1012, %swap3A_1013] : memref<5x40x128xf32, #tpu.memory_space<vmem>> -> memref<1x40x128xf32, #tpu.memory_space<vmem>>
        %swap3A_1015 = tpu.memref_squeeze %swap3A_1014 : memref<1x40x128xf32, #tpu.memory_space<vmem>> -> memref<40x128xf32, #tpu.memory_space<vmem>>
        %swap3A_1016 = arith.index_cast %add3A_954 : i32 to index
        %swap3A_1017 = arith.constant 48 : index
        %swap3A_1018 = tpu.vector_load %swap3A_1015[%swap3A_1016, %swap3A_1017] {strides = array<i32>} : memref<40x128xf32, #tpu.memory_space<vmem>>, vector<16xf32>,
        tpu.vector_store %swap3A_1015[%swap3A_1016, %swap3A_1017], %mul3A_1011 {strides = array<i32>} : memref<40x128xf32, #tpu.memory_space<vmem>>, vector<16xf32>,
        %get3A_1019 = arith.constant 0 : i32
        %get3A_1020 = arith.constant 0 : i32
        %get3A_1021 = tpu.memref_slice %arg11[%scan3A_417, %get3A_1019, %get3A_1020] : memref<5x40x128xf32, #tpu.memory_space<vmem>> -> memref<1x40x128xf32, #tpu.memory_space<vmem>>
        %get3A_1022 = tpu.memref_squeeze %get3A_1021 : memref<1x40x128xf32, #tpu.memory_space<vmem>> -> memref<40x128xf32, #tpu.memory_space<vmem>>
        %get3A_1023 = arith.index_cast %add3A_954 : i32 to index
        %get3A_1024 = arith.constant 64 : index
        %get3A_1025 = tpu.vector_load %get3A_1022[%get3A_1023, %get3A_1024] {strides = array<i32>} : memref<40x128xf32, #tpu.memory_space<vmem>>, vector<16xf32>,
        %mul3A_1026 = arith.mulf %get3A_1025, %gather3A_958 : vector<16xf32>
        %swap3A_1027 = arith.constant 0 : i32
        %swap3A_1028 = arith.constant 0 : i32
        %swap3A_1029 = tpu.memref_slice %arg11[%scan3A_417, %swap3A_1027, %swap3A_1028] : memref<5x40x128xf32, #tpu.memory_space<vmem>> -> memref<1x40x128xf32, #tpu.memory_space<vmem>>
        %swap3A_1030 = tpu.memref_squeeze %swap3A_1029 : memref<1x40x128xf32, #tpu.memory_space<vmem>> -> memref<40x128xf32, #tpu.memory_space<vmem>>
        %swap3A_1031 = arith.index_cast %add3A_954 : i32 to index
        %swap3A_1032 = arith.constant 64 : index
        %swap3A_1033 = tpu.vector_load %swap3A_1030[%swap3A_1031, %swap3A_1032] {strides = array<i32>} : memref<40x128xf32, #tpu.memory_space<vmem>>, vector<16xf32>,
        tpu.vector_store %swap3A_1030[%swap3A_1031, %swap3A_1032], %mul3A_1026 {strides = array<i32>} : memref<40x128xf32, #tpu.memory_space<vmem>>, vector<16xf32>,
        %get3A_1034 = arith.constant 0 : i32
        %get3A_1035 = arith.constant 0 : i32
        %get3A_1036 = tpu.memref_slice %arg11[%scan3A_417, %get3A_1034, %get3A_1035] : memref<5x40x128xf32, #tpu.memory_space<vmem>> -> memref<1x40x128xf32, #tpu.memory_space<vmem>>
        %get3A_1037 = tpu.memref_squeeze %get3A_1036 : memref<1x40x128xf32, #tpu.memory_space<vmem>> -> memref<40x128xf32, #tpu.memory_space<vmem>>
        %get3A_1038 = arith.index_cast %add3A_954 : i32 to index
        %get3A_1039 = arith.constant 80 : index
        %get3A_1040 = tpu.vector_load %get3A_1037[%get3A_1038, %get3A_1039] {strides = array<i32>} : memref<40x128xf32, #tpu.memory_space<vmem>>, vector<16xf32>,
        %mul3A_1041 = arith.mulf %get3A_1040, %gather3A_958 : vector<16xf32>
        %swap3A_1042 = arith.constant 0 : i32
        %swap3A_1043 = arith.constant 0 : i32
        %swap3A_1044 = tpu.memref_slice %arg11[%scan3A_417, %swap3A_1042, %swap3A_1043] : memref<5x40x128xf32, #tpu.memory_space<vmem>> -> memref<1x40x128xf32, #tpu.memory_space<vmem>>
        %swap3A_1045 = tpu.memref_squeeze %swap3A_1044 : memref<1x40x128xf32, #tpu.memory_space<vmem>> -> memref<40x128xf32, #tpu.memory_space<vmem>>
        %swap3A_1046 = arith.index_cast %add3A_954 : i32 to index
        %swap3A_1047 = arith.constant 80 : index
        %swap3A_1048 = tpu.vector_load %swap3A_1045[%swap3A_1046, %swap3A_1047] {strides = array<i32>} : memref<40x128xf32, #tpu.memory_space<vmem>>, vector<16xf32>,
        tpu.vector_store %swap3A_1045[%swap3A_1046, %swap3A_1047], %mul3A_1041 {strides = array<i32>} : memref<40x128xf32, #tpu.memory_space<vmem>>, vector<16xf32>,
        %get3A_1049 = arith.constant 0 : i32
        %get3A_1050 = arith.constant 0 : i32
        %get3A_1051 = tpu.memref_slice %arg11[%scan3A_417, %get3A_1049, %get3A_1050] : memref<5x40x128xf32, #tpu.memory_space<vmem>> -> memref<1x40x128xf32, #tpu.memory_space<vmem>>
        %get3A_1052 = tpu.memref_squeeze %get3A_1051 : memref<1x40x128xf32, #tpu.memory_space<vmem>> -> memref<40x128xf32, #tpu.memory_space<vmem>>
        %get3A_1053 = arith.index_cast %add3A_954 : i32 to index
        %get3A_1054 = arith.constant 96 : index
        %get3A_1055 = tpu.vector_load %get3A_1052[%get3A_1053, %get3A_1054] {strides = array<i32>} : memref<40x128xf32, #tpu.memory_space<vmem>>, vector<16xf32>,
        %mul3A_1056 = arith.mulf %get3A_1055, %gather3A_958 : vector<16xf32>
        %swap3A_1057 = arith.constant 0 : i32
        %swap3A_1058 = arith.constant 0 : i32
        %swap3A_1059 = tpu.memref_slice %arg11[%scan3A_417, %swap3A_1057, %swap3A_1058] : memref<5x40x128xf32, #tpu.memory_space<vmem>> -> memref<1x40x128xf32, #tpu.memory_space<vmem>>
        %swap3A_1060 = tpu.memref_squeeze %swap3A_1059 : memref<1x40x128xf32, #tpu.memory_space<vmem>> -> memref<40x128xf32, #tpu.memory_space<vmem>>
        %swap3A_1061 = arith.index_cast %add3A_954 : i32 to index
        %swap3A_1062 = arith.constant 96 : index
        %swap3A_1063 = tpu.vector_load %swap3A_1060[%swap3A_1061, %swap3A_1062] {strides = array<i32>} : memref<40x128xf32, #tpu.memory_space<vmem>>, vector<16xf32>,
        tpu.vector_store %swap3A_1060[%swap3A_1061, %swap3A_1062], %mul3A_1056 {strides = array<i32>} : memref<40x128xf32, #tpu.memory_space<vmem>>, vector<16xf32>,
        %get3A_1064 = arith.constant 0 : i32
        %get3A_1065 = arith.constant 0 : i32
        %get3A_1066 = tpu.memref_slice %arg11[%scan3A_417, %get3A_1064, %get3A_1065] : memref<5x40x128xf32, #tpu.memory_space<vmem>> -> memref<1x40x128xf32, #tpu.memory_space<vmem>>
        %get3A_1067 = tpu.memref_squeeze %get3A_1066 : memref<1x40x128xf32, #tpu.memory_space<vmem>> -> memref<40x128xf32, #tpu.memory_space<vmem>>
        %get3A_1068 = arith.index_cast %add3A_954 : i32 to index
        %get3A_1069 = arith.constant 112 : index
        %get3A_1070 = tpu.vector_load %get3A_1067[%get3A_1068, %get3A_1069] {strides = array<i32>} : memref<40x128xf32, #tpu.memory_space<vmem>>, vector<16xf32>,
        %mul3A_1071 = arith.mulf %get3A_1070, %gather3A_958 : vector<16xf32>
        %swap3A_1072 = arith.constant 0 : i32
        %swap3A_1073 = arith.constant 0 : i32
        %swap3A_1074 = tpu.memref_slice %arg11[%scan3A_417, %swap3A_1072, %swap3A_1073] : memref<5x40x128xf32, #tpu.memory_space<vmem>> -> memref<1x40x128xf32, #tpu.memory_space<vmem>>
        %swap3A_1075 = tpu.memref_squeeze %swap3A_1074 : memref<1x40x128xf32, #tpu.memory_space<vmem>> -> memref<40x128xf32, #tpu.memory_space<vmem>>
        %swap3A_1076 = arith.index_cast %add3A_954 : i32 to index
        %swap3A_1077 = arith.constant 112 : index
        %swap3A_1078 = tpu.vector_load %swap3A_1075[%swap3A_1076, %swap3A_1077] {strides = array<i32>} : memref<40x128xf32, #tpu.memory_space<vmem>>, vector<16xf32>,
        tpu.vector_store %swap3A_1075[%swap3A_1076, %swap3A_1077], %mul3A_1071 {strides = array<i32>} : memref<40x128xf32, #tpu.memory_space<vmem>>, vector<16xf32>,
      }
      %scan3A_422 = arith.constant 40 : i32
      %dma_start3A_423 = arith.constant 4 : i32
      %dma_start3A_424 = arith.constant 0 : i32
      %dma_start3A_425 = arith.constant 0 : i32
      %dma_start3A_426 = tpu.memref_slice %arg11[%dma_start3A_423, %dma_start3A_424, %dma_start3A_425] : memref<5x40x128xf32, #tpu.memory_space<vmem>> -> memref<1x40x128xf32, #tpu.memory_space<vmem>>
      %dma_start3A_427 = tpu.memref_squeeze %dma_start3A_426 : memref<1x40x128xf32, #tpu.memory_space<vmem>> -> memref<40x128xf32, #tpu.memory_space<vmem>>
      %dma_start3A_428 = arith.constant 0 : i32
      %dma_start3A_429 = tpu.memref_slice %arg9[%add3A_381, %dma_start3A_428] : memref<250x40xi32, #tpu.memory_space<vmem>> -> memref<1x40xi32, #tpu.memory_space<vmem>>
      %dma_start3A_430 = tpu.memref_squeeze %dma_start3A_429 : memref<1x40xi32, #tpu.memory_space<vmem>> -> memref<40xi32, #tpu.memory_space<vmem>>
      %dma_start3A_431 = arith.constant 0 : i32
      %dma_start3A_432 = arith.constant 0 : i32
      %dma_start3A_433 = tpu.memref_slice %arg12[%dma_start3A_431, %dma_start3A_432] : memref<10000x128xf32, #tpu.memory_space<vmem_shared>> -> memref<10000x128xf32, #tpu.memory_space<vmem_shared>>
      tpu.enqueue_indirect_dma source(%dma_start3A_427 : memref<40x128xf32, #tpu.memory_space<vmem>>) target(%dma_start3A_433 : memref<10000x128xf32, #tpu.memory_space<vmem_shared>>) offsets(%dma_start3A_430 : memref<40xi32, #tpu.memory_space<vmem>>) semaphore(%arg22 : memref<!tpu.dma_semaphore, #tpu.memory_space<semaphore_mem>>) {add = true}
    }
    %scan3A_76 = arith.constant 50 : i32
    %dma_wait3A = arith.constant 0 : i32
    %dma_wait3A_77 = arith.constant 0 : i32
    %dma_wait3A_78 = arith.constant 0 : i32
    %dma_wait3A_79 = tpu.memref_slice %arg11[%dma_wait3A, %dma_wait3A_77, %dma_wait3A_78] : memref<5x40x128xf32, #tpu.memory_space<vmem>> -> memref<1x40x128xf32, #tpu.memory_space<vmem>>
    %dma_wait3A_80 = tpu.memref_squeeze %dma_wait3A_79 : memref<1x40x128xf32, #tpu.memory_space<vmem>> -> memref<40x128xf32, #tpu.memory_space<vmem>>
    %dma_wait3A_81 = arith.constant 0 : i32
    %dma_wait3A_82 = arith.constant 0 : i32
    %dma_wait3A_83 = tpu.memref_slice %arg12[%dma_wait3A_81, %dma_wait3A_82] : memref<10000x128xf32, #tpu.memory_space<vmem_shared>> -> memref<40x128xf32, #tpu.memory_space<vmem_shared>>
    %dma_wait3A_84 = arith.constant 0 : i32
    %dma_wait3A_85 = arith.constant 0 : i32
    %dma_wait3A_86 = tpu.memref_slice %arg12[%dma_wait3A_84, %dma_wait3A_85] : memref<10000x128xf32, #tpu.memory_space<vmem_shared>> -> memref<40x128xf32, #tpu.memory_space<vmem_shared>>
    %dma_wait3A_87 = arith.constant 0 : i32
    %dma_wait3A_88 = arith.constant 0 : i32
    %dma_wait3A_89 = tpu.memref_slice %arg11[%dma_wait3A, %dma_wait3A_87, %dma_wait3A_88] : memref<5x40x128xf32, #tpu.memory_space<vmem>> -> memref<1x40x128xf32, #tpu.memory_space<vmem>>
    %dma_wait3A_90 = tpu.memref_squeeze %dma_wait3A_89 : memref<1x40x128xf32, #tpu.memory_space<vmem>> -> memref<40x128xf32, #tpu.memory_space<vmem>>
    tpu.wait_dma2 semaphore(%arg18 : memref<!tpu.dma_semaphore, #tpu.memory_space<semaphore_mem>>) src(%dma_wait3A_90 : memref<40x128xf32, #tpu.memory_space<vmem>>) dst(%dma_wait3A_86 : memref<40x128xf32, #tpu.memory_space<vmem_shared>>)
    %dma_wait3A_91 = arith.constant 1 : i32
    %dma_wait3A_92 = arith.constant 0 : i32
    %dma_wait3A_93 = arith.constant 0 : i32
    %dma_wait3A_94 = tpu.memref_slice %arg11[%dma_wait3A_91, %dma_wait3A_92, %dma_wait3A_93] : memref<5x40x128xf32, #tpu.memory_space<vmem>> -> memref<1x40x128xf32, #tpu.memory_space<vmem>>
    %dma_wait3A_95 = tpu.memref_squeeze %dma_wait3A_94 : memref<1x40x128xf32, #tpu.memory_space<vmem>> -> memref<40x128xf32, #tpu.memory_space<vmem>>
    %dma_wait3A_96 = arith.constant 0 : i32
    %dma_wait3A_97 = arith.constant 0 : i32
    %dma_wait3A_98 = tpu.memref_slice %arg12[%dma_wait3A_96, %dma_wait3A_97] : memref<10000x128xf32, #tpu.memory_space<vmem_shared>> -> memref<40x128xf32, #tpu.memory_space<vmem_shared>>
    %dma_wait3A_99 = arith.constant 0 : i32
    %dma_wait3A_100 = arith.constant 0 : i32
    %dma_wait3A_101 = tpu.memref_slice %arg12[%dma_wait3A_99, %dma_wait3A_100] : memref<10000x128xf32, #tpu.memory_space<vmem_shared>> -> memref<40x128xf32, #tpu.memory_space<vmem_shared>>
    %dma_wait3A_102 = arith.constant 0 : i32
    %dma_wait3A_103 = arith.constant 0 : i32
    %dma_wait3A_104 = tpu.memref_slice %arg11[%dma_wait3A_91, %dma_wait3A_102, %dma_wait3A_103] : memref<5x40x128xf32, #tpu.memory_space<vmem>> -> memref<1x40x128xf32, #tpu.memory_space<vmem>>
    %dma_wait3A_105 = tpu.memref_squeeze %dma_wait3A_104 : memref<1x40x128xf32, #tpu.memory_space<vmem>> -> memref<40x128xf32, #tpu.memory_space<vmem>>
    tpu.wait_dma2 semaphore(%arg19 : memref<!tpu.dma_semaphore, #tpu.memory_space<semaphore_mem>>) src(%dma_wait3A_105 : memref<40x128xf32, #tpu.memory_space<vmem>>) dst(%dma_wait3A_101 : memref<40x128xf32, #tpu.memory_space<vmem_shared>>)
    %dma_wait3A_106 = arith.constant 2 : i32
    %dma_wait3A_107 = arith.constant 0 : i32
    %dma_wait3A_108 = arith.constant 0 : i32
    %dma_wait3A_109 = tpu.memref_slice %arg11[%dma_wait3A_106, %dma_wait3A_107, %dma_wait3A_108] : memref<5x40x128xf32, #tpu.memory_space<vmem>> -> memref<1x40x128xf32, #tpu.memory_space<vmem>>
    %dma_wait3A_110 = tpu.memref_squeeze %dma_wait3A_109 : memref<1x40x128xf32, #tpu.memory_space<vmem>> -> memref<40x128xf32, #tpu.memory_space<vmem>>
    %dma_wait3A_111 = arith.constant 0 : i32
    %dma_wait3A_112 = arith.constant 0 : i32
    %dma_wait3A_113 = tpu.memref_slice %arg12[%dma_wait3A_111, %dma_wait3A_112] : memref<10000x128xf32, #tpu.memory_space<vmem_shared>> -> memref<40x128xf32, #tpu.memory_space<vmem_shared>>
    %dma_wait3A_114 = arith.constant 0 : i32
    %dma_wait3A_115 = arith.constant 0 : i32
    %dma_wait3A_116 = tpu.memref_slice %arg12[%dma_wait3A_114, %dma_wait3A_115] : memref<10000x128xf32, #tpu.memory_space<vmem_shared>> -> memref<40x128xf32, #tpu.memory_space<vmem_shared>>
    %dma_wait3A_117 = arith.constant 0 : i32
    %dma_wait3A_118 = arith.constant 0 : i32
    %dma_wait3A_119 = tpu.memref_slice %arg11[%dma_wait3A_106, %dma_wait3A_117, %dma_wait3A_118] : memref<5x40x128xf32, #tpu.memory_space<vmem>> -> memref<1x40x128xf32, #tpu.memory_space<vmem>>
    %dma_wait3A_120 = tpu.memref_squeeze %dma_wait3A_119 : memref<1x40x128xf32, #tpu.memory_space<vmem>> -> memref<40x128xf32, #tpu.memory_space<vmem>>
    tpu.wait_dma2 semaphore(%arg20 : memref<!tpu.dma_semaphore, #tpu.memory_space<semaphore_mem>>) src(%dma_wait3A_120 : memref<40x128xf32, #tpu.memory_space<vmem>>) dst(%dma_wait3A_116 : memref<40x128xf32, #tpu.memory_space<vmem_shared>>)
    %dma_wait3A_121 = arith.constant 3 : i32
    %dma_wait3A_122 = arith.constant 0 : i32
    %dma_wait3A_123 = arith.constant 0 : i32
    %dma_wait3A_124 = tpu.memref_slice %arg11[%dma_wait3A_121, %dma_wait3A_122, %dma_wait3A_123] : memref<5x40x128xf32, #tpu.memory_space<vmem>> -> memref<1x40x128xf32, #tpu.memory_space<vmem>>
    %dma_wait3A_125 = tpu.memref_squeeze %dma_wait3A_124 : memref<1x40x128xf32, #tpu.memory_space<vmem>> -> memref<40x128xf32, #tpu.memory_space<vmem>>
    %dma_wait3A_126 = arith.constant 0 : i32
    %dma_wait3A_127 = arith.constant 0 : i32
    %dma_wait3A_128 = tpu.memref_slice %arg12[%dma_wait3A_126, %dma_wait3A_127] : memref<10000x128xf32, #tpu.memory_space<vmem_shared>> -> memref<40x128xf32, #tpu.memory_space<vmem_shared>>
    %dma_wait3A_129 = arith.constant 0 : i32
    %dma_wait3A_130 = arith.constant 0 : i32
    %dma_wait3A_131 = tpu.memref_slice %arg12[%dma_wait3A_129, %dma_wait3A_130] : memref<10000x128xf32, #tpu.memory_space<vmem_shared>> -> memref<40x128xf32, #tpu.memory_space<vmem_shared>>
    %dma_wait3A_132 = arith.constant 0 : i32
    %dma_wait3A_133 = arith.constant 0 : i32
    %dma_wait3A_134 = tpu.memref_slice %arg11[%dma_wait3A_121, %dma_wait3A_132, %dma_wait3A_133] : memref<5x40x128xf32, #tpu.memory_space<vmem>> -> memref<1x40x128xf32, #tpu.memory_space<vmem>>
    %dma_wait3A_135 = tpu.memref_squeeze %dma_wait3A_134 : memref<1x40x128xf32, #tpu.memory_space<vmem>> -> memref<40x128xf32, #tpu.memory_space<vmem>>
    tpu.wait_dma2 semaphore(%arg21 : memref<!tpu.dma_semaphore, #tpu.memory_space<semaphore_mem>>) src(%dma_wait3A_135 : memref<40x128xf32, #tpu.memory_space<vmem>>) dst(%dma_wait3A_131 : memref<40x128xf32, #tpu.memory_space<vmem_shared>>)
    %dma_wait3A_136 = arith.constant 4 : i32
    %dma_wait3A_137 = arith.constant 0 : i32
    %dma_wait3A_138 = arith.constant 0 : i32
    %dma_wait3A_139 = tpu.memref_slice %arg11[%dma_wait3A_136, %dma_wait3A_137, %dma_wait3A_138] : memref<5x40x128xf32, #tpu.memory_space<vmem>> -> memref<1x40x128xf32, #tpu.memory_space<vmem>>
    %dma_wait3A_140 = tpu.memref_squeeze %dma_wait3A_139 : memref<1x40x128xf32, #tpu.memory_space<vmem>> -> memref<40x128xf32, #tpu.memory_space<vmem>>
    %dma_wait3A_141 = arith.constant 0 : i32
    %dma_wait3A_142 = arith.constant 0 : i32
    %dma_wait3A_143 = tpu.memref_slice %arg12[%dma_wait3A_141, %dma_wait3A_142] : memref<10000x128xf32, #tpu.memory_space<vmem_shared>> -> memref<40x128xf32, #tpu.memory_space<vmem_shared>>
    %dma_wait3A_144 = arith.constant 0 : i32
    %dma_wait3A_145 = arith.constant 0 : i32
    %dma_wait3A_146 = tpu.memref_slice %arg12[%dma_wait3A_144, %dma_wait3A_145] : memref<10000x128xf32, #tpu.memory_space<vmem_shared>> -> memref<40x128xf32, #tpu.memory_space<vmem_shared>>
    %dma_wait3A_147 = arith.constant 0 : i32
    %dma_wait3A_148 = arith.constant 0 : i32
    %dma_wait3A_149 = tpu.memref_slice %arg11[%dma_wait3A_136, %dma_wait3A_147, %dma_wait3A_148] : memref<5x40x128xf32, #tpu.memory_space<vmem>> -> memref<1x40x128xf32, #tpu.memory_space<vmem>>
    %dma_wait3A_150 = tpu.memref_squeeze %dma_wait3A_149 : memref<1x40x128xf32, #tpu.memory_space<vmem>> -> memref<40x128xf32, #tpu.memory_space<vmem>>
    tpu.wait_dma2 semaphore(%arg22 : memref<!tpu.dma_semaphore, #tpu.memory_space<semaphore_mem>>) src(%dma_wait3A_150 : memref<40x128xf32, #tpu.memory_space<vmem>>) dst(%dma_wait3A_146 : memref<40x128xf32, #tpu.memory_space<vmem_shared>>)
    %barrier3A_151 = arith.constant 0 : index
    tpu.barrier barrier_id(%barrier3A_151)
    %mul3A_152 = arith.constant 624 : i32
    %mul3A_153 = arith.muli %arg1, %mul3A_152 : i32
    %mul3A_154 = arith.constant 624 : i32
    %mul3A_155 = arith.muli %arg1, %mul3A_154 : i32
    "tpu.region"() ({
      %run_scoped3A = tpu.sem_alloc : memref<!tpu.dma_semaphore, #tpu.memory_space<semaphore_mem>>
      %dma_start3A_161 = arith.constant 0 : i32
      %dma_start3A_162 = tpu.memref_slice %arg7[%arg0, %mul3A_155, %dma_start3A_161] : memref<2x10000x128xf32, #tpu.memory_space<hbm>> -> memref<1x624x128xf32, #tpu.memory_space<hbm>>
      %dma_start3A_163 = tpu.memref_squeeze %dma_start3A_162 : memref<1x624x128xf32, #tpu.memory_space<hbm>> -> memref<624x128xf32, #tpu.memory_space<hbm>>
      %dma_start3A_164 = arith.constant 0 : i32
      %dma_start3A_165 = tpu.memref_slice %arg12[%mul3A_153, %dma_start3A_164] : memref<10000x128xf32, #tpu.memory_space<vmem_shared>> -> memref<624x128xf32, #tpu.memory_space<vmem_shared>>
      tpu.enqueue_dma source(%dma_start3A_165 : memref<624x128xf32, #tpu.memory_space<vmem_shared>>) target(%dma_start3A_163 : memref<624x128xf32, #tpu.memory_space<hbm>>) target_semaphore(%run_scoped3A : memref<!tpu.dma_semaphore, #tpu.memory_space<semaphore_mem>>)
      %dma_wait3A_166 = arith.constant 0 : i32
      %dma_wait3A_167 = tpu.memref_slice %arg7[%arg0, %mul3A_155, %dma_wait3A_166] : memref<2x10000x128xf32, #tpu.memory_space<hbm>> -> memref<1x624x128xf32, #tpu.memory_space<hbm>>
      %dma_wait3A_168 = tpu.memref_squeeze %dma_wait3A_167 : memref<1x624x128xf32, #tpu.memory_space<hbm>> -> memref<624x128xf32, #tpu.memory_space<hbm>>
      %dma_wait3A_169 = arith.constant 0 : i32
      %dma_wait3A_170 = tpu.memref_slice %arg12[%mul3A_153, %dma_wait3A_169] : memref<10000x128xf32, #tpu.memory_space<vmem_shared>> -> memref<624x128xf32, #tpu.memory_space<vmem_shared>>
      tpu.wait_dma2 semaphore(%run_scoped3A : memref<!tpu.dma_semaphore, #tpu.memory_space<semaphore_mem>>) src(%dma_wait3A_170 : memref<624x128xf32, #tpu.memory_space<vmem_shared>>) dst(%dma_wait3A_168 : memref<624x128xf32, #tpu.memory_space<hbm>>)
      tpu.yield
    }) : () -> ()
    %eq3A_156 = arith.constant 15 : i32
    %eq3A_157 = arith.cmpi eq, %arg1, %eq3A_156 : i32
    %convert_element_type3A_158 = arith.extui %eq3A_157 : i1 to i32
    %cond3A_159 = arith.constant 0 : i32
    %cond3A_160 = arith.cmpi ne, %convert_element_type3A_158, %cond3A_159 : i32
    scf.if %cond3A_160 {
      "tpu.region"() ({
        %run_scoped3A = tpu.sem_alloc : memref<!tpu.dma_semaphore, #tpu.memory_space<semaphore_mem>>
        %dma_start3A_161 = arith.constant 9984 : i32
        %dma_start3A_162 = arith.constant 0 : i32
        %dma_start3A_163 = tpu.memref_slice %arg7[%arg0, %dma_start3A_161, %dma_start3A_162] : memref<2x10000x128xf32, #tpu.memory_space<hbm>> -> memref<1x16x128xf32, #tpu.memory_space<hbm>>
        %dma_start3A_164 = tpu.memref_squeeze %dma_start3A_163 : memref<1x16x128xf32, #tpu.memory_space<hbm>> -> memref<16x128xf32, #tpu.memory_space<hbm>>
        %dma_start3A_165 = arith.constant 9984 : i32
        %dma_start3A_166 = arith.constant 0 : i32
        %dma_start3A_167 = tpu.memref_slice %arg12[%dma_start3A_165, %dma_start3A_166] : memref<10000x128xf32, #tpu.memory_space<vmem_shared>> -> memref<16x128xf32, #tpu.memory_space<vmem_shared>>
        tpu.enqueue_dma source(%dma_start3A_167 : memref<16x128xf32, #tpu.memory_space<vmem_shared>>) target(%dma_start3A_164 : memref<16x128xf32, #tpu.memory_space<hbm>>) target_semaphore(%run_scoped3A : memref<!tpu.dma_semaphore, #tpu.memory_space<semaphore_mem>>)
        %dma_wait3A_168 = arith.constant 9984 : i32
        %dma_wait3A_169 = arith.constant 0 : i32
        %dma_wait3A_170 = tpu.memref_slice %arg7[%arg0, %dma_wait3A_168, %dma_wait3A_169] : memref<2x10000x128xf32, #tpu.memory_space<hbm>> -> memref<1x16x128xf32, #tpu.memory_space<hbm>>
        %dma_wait3A_171 = tpu.memref_squeeze %dma_wait3A_170 : memref<1x16x128xf32, #tpu.memory_space<hbm>> -> memref<16x128xf32, #tpu.memory_space<hbm>>
        %dma_wait3A_172 = arith.constant 9984 : i32
        %dma_wait3A_173 = arith.constant 0 : i32
        %dma_wait3A_174 = tpu.memref_slice %arg12[%dma_wait3A_172, %dma_wait3A_173] : memref<10000x128xf32, #tpu.memory_space<vmem_shared>> -> memref<16x128xf32, #tpu.memory_space<vmem_shared>>
        tpu.wait_dma2 semaphore(%run_scoped3A : memref<!tpu.dma_semaphore, #tpu.memory_space<semaphore_mem>>) src(%dma_wait3A_174 : memref<16x128xf32, #tpu.memory_space<vmem_shared>>) dst(%dma_wait3A_171 : memref<16x128xf32, #tpu.memory_space<hbm>>)
        tpu.yield
      }) : () -> ()
    } else {
    }
    return
  }
}

module attributes {stable_mosaic.version = 14 : i64} {
  func.func @_mm_body(%arg0: i32, %arg1: memref<2x1000x128xf32, #tpu.memory_space<vmem>>, %arg2: memref<128x128xf32, #tpu.memory_space<vmem>>, %arg3: memref<1000x128xf32, #tpu.memory_space<vmem>>) attributes {dimension_semantics = [#tpu.dimension_semantics<arbitrary>], iteration_bounds = array<i64: 10>, scalar_prefetch = 0 : i64, scratch_operands = 0 : i64, tpu.core_type = #tpu.core_type<tc>, window_params = [{transform_indices = @transform_0, window_bounds = array<i64: 2, 1000, 128>}, {pipeline_mode = #tpu.pipeline_mode<synchronous>, transform_indices = @transform_1, window_bounds = array<i64: 128, 128>}, {transform_indices = @transform_2, window_bounds = array<i64: 1000, 128>}]} {
    %get3A = arith.constant 0 : index
    %get3A_0 = arith.constant 0 : index
    %get3A_1 = arith.constant 0 : index
    %get3A_2 = vector.load %arg1[%get3A, %get3A_0, %get3A_1] : memref<2x1000x128xf32, #tpu.memory_space<vmem>>, vector<1x1000x128xf32>
    %get3A_3 = vector.shape_cast %get3A_2 : vector<1x1000x128xf32> to vector<1000x128xf32>
    %get3A_4 = arith.constant 1 : index
    %get3A_5 = arith.constant 0 : index
    %get3A_6 = arith.constant 0 : index
    %get3A_7 = vector.load %arg1[%get3A_4, %get3A_5, %get3A_6] : memref<2x1000x128xf32, #tpu.memory_space<vmem>>, vector<1x1000x128xf32>
    %get3A_8 = vector.shape_cast %get3A_7 : vector<1x1000x128xf32> to vector<1000x128xf32>
    %add3A = arith.addf %get3A_3, %get3A_8 : vector<1000x128xf32>
    %get3A_9 = arith.constant 0 : index
    %get3A_10 = arith.constant 0 : index
    %get3A_11 = vector.load %arg2[%get3A_9, %get3A_10] : memref<128x128xf32, #tpu.memory_space<vmem>>, vector<128x128xf32>
    %dot_general3A = arith.constant dense<0.000000e+00> : vector<1000x128xf32>
    %dot_general3A_12 = tpu.matmul %add3A, %get3A_11, %dot_general3A {dimension_numbers = #tpu.dot_dimension_numbers<[1], [0], [0], [1], [0, 0, 1, 1], [], []>, transpose_lhs_hint = false} : vector<1000x128xf32>, vector<128x128xf32>, vector<1000x128xf32> -> vector<1000x128xf32>
    %max3A = arith.constant 0.000000e+00 : f32
    %max3A_13 = vector.broadcast %max3A : f32 to vector<1000x128xf32>
    %max3A_14 = arith.maximumf %dot_general3A_12, %max3A_13 : vector<1000x128xf32>
    %swap3A = arith.constant 0 : index
    %swap3A_15 = arith.constant 0 : index
    %swap3A_16 = vector.load %arg3[%swap3A, %swap3A_15] : memref<1000x128xf32, #tpu.memory_space<vmem>>, vector<1000x128xf32>
    tpu.vector_store %arg3[%swap3A, %swap3A_15], %max3A_14 {strides = array<i32>} : memref<1000x128xf32, #tpu.memory_space<vmem>>, vector<1000x128xf32>,
    return
  }
  func.func @transform_0(%arg0: i32) -> (i32, i32, i32) {
    %c0_i32 = arith.constant 0 : i32
    %c0_i32_0 = arith.constant 0 : i32
    %c0_i32_1 = arith.constant 0 : i32
    return %c0_i32, %arg0, %c0_i32_0 : i32, i32, i32
  }
  func.func @transform_1(%arg0: i32) -> (i32, i32) {
    %c0_i32 = arith.constant 0 : i32
    %c0_i32_0 = arith.constant 0 : i32
    %c0_i32_1 = arith.constant 0 : i32
    return %c0_i32, %c0_i32_0 : i32, i32
  }
  func.func @transform_2(%arg0: i32) -> (i32, i32) {
    %c0_i32 = arith.constant 0 : i32
    %c0_i32_0 = arith.constant 0 : i32
    return %arg0, %c0_i32 : i32, i32
  }
}

</mosaic_0001>

<sc_bundles>
// kernel: kernel.4.cloned.1.call-start
scs
__scs_entry_jumppad:
0x0: {  	(pc) =	sbr.rel $0x88, $3  }
0x1: {  	(tag) =	ssettag $0x0;
	lr =	simm.s32 $0x1  }
0x2: {  	[smem:$0x3F9D] =	sst lr;
	_ =	strace $0xD0000000  }
0x3: {  	_ = 	snop  }
0x4: {  	_ = 	snop  }
0x5: {  	_ = 	snop  }
0x6: {  	_ = 	snop  }
0x7: {  	_ = 	snop  }
__scs_overlays_trampoline_lowered:
0x8: {  	[smem:$0x3FAC] =	sst s0  }
0x9: {  	[smem:$0x3FAD] =	sst s1  }
0xa: {  	[smem:$0x3FAE] =	sst s2  }
0xb: {  	[smem:$0x3FAF] =	sst s3  }
0xc: {  	[smem:$0x3FB0] =	sst s4  }
0xd: {  	[smem:$0x3FB1] =	sst s5  }
0xe: {  	[smem:$0x3FB2] =	sst s6  }
0xf: {  	[smem:$0x3FB3] =	sst s7  }
0x10: {  	[smem:$0x3FB4] =	sst s8  }
0x11: {  	[smem:$0x3FB5] =	sst s9;
	s0 =	simm.s32 @!p0 $0x0  }
0x12: {  	s1 =	sld [smem:$0x3F9B];
	s0 =	simm.s32 @p0 $0x1  }
0x13: {  	[smem:$0x3FB6] =	sst s0;
	s0 =	simm.s32 @!p1 $0x0  }
0x14: {  	s2 =	sld [smem:$0x3F9A];
	s0 =	simm.s32 @p1 $0x1  }
0x15: {  	[smem:$0x3FB7] =	sst s0;
	s0 =	simm.s32 @!p2 $0x0  }
0x16: {  	s3 =	sld [smem:$0x3FDB];
	s0 =	simm.s32 @p2 $0x1  }
0x17: {  	s4 =	simm.s32 $0x1BF5;
	[smem:$0x3FB9] =	sst s0  }
0x18: {  	s0 =	sld [smem:$0x3F9C];
	_ =	swait.ge [sflag:s4], $0x0  }
0x19: {  	s7 =	sld [smem:$0x3F9D]  }
0x1a: {  	s8 =	sadd.s32 $0xFFFFE003, lr  }
0x1b: {  	s9 =	sadd.s32 $0xFFFFFEF7, lr;
	s5 =	simm.s32 $0xFFFFFFFF;
	p2 =	slt.u32 s8, $0xFFFFF086  }
0x1c: {  	p1 =	slt.u32 s9, $0xF7A;
	s5 =	simm.s32 @!p2 $0x0  }
0x1d: {  	s5 =	simm.s32 @p1 $0x1;
	p0 =	seq.s32 s7, s2  }
0x1e: {  	s7 =	smul.u32 @!p0 $0xF7A, s2;
	p2 =	seq.s32 @!p0 s5, $0x0  }
0x1f: {  	s9 =	smul.u32 $0xF7A, s1;
	s8 =	simm.s32 @!p0 $0x1BF5;
	p2 =	por !p2, p0  }
0x20: {  	[sflag:s8] =	ssyncset.s32 @!p0 $0xFFFFF086;
	s6 =	sadd.s32 @!p0 s3, s7;
	s7 =	simm.s32 @!p0 $0x108  }
0x21: {  	s3 =	sadd.s32 s3, s9;
	s6 =	sadd.s32 @!p0 $0x88, s6;
	s7 =	simm.s32 @p2 $0x1082  }
0x22: {  	[simem:s7], [sflag:s8] =	dma.local @!p0 [hbm:s6], $0xF7A  }
0x23: {  	s9 =	sor.u32 $0xD0000000, s2;
	s6 =	simm.s32 $0x108;
	_ =	swait.ge @!p0 [sflag:s8], $0x0  }
0x24: {  	s3 =	sadd.s32 $0x88, s3;
	s6 =	simm.s32 @!p1 $0x1082;
	[sflag:s4] =	ssyncset.s32 $0xFFFFF086  }
0x25: {  	[simem:s6], [sflag:s4] =	dma.local [hbm:s3], $0xF7A  }
0x26: {  	[smem:$0x3F9D] =	sst s1;
	(tag) =	ssettag s2;
	_ =	strace s9  }
0x27: {  	s1 =	sld [smem:$0x3FAD]  }
0x28: {  	s2 =	sld [smem:$0x3FAE]  }
0x29: {  	s4 =	sld [smem:$0x3FB0]  }
0x2a: {  	p0 =	seq.s32 s5, $0x0;
	s5 =	sld [smem:$0x3FB1]  }
0x2b: {  	s6 =	sld [smem:$0x3FB2]  }
0x2c: {  	s7 =	sld [smem:$0x3FB3]  }
0x2d: {  	s3 =	simm.s32 $0x108;
	s8 =	sld [smem:$0x3FB4]  }
0x2e: {  	s3 =	simm.s32 @!p0 $0x1082;
	s9 =	sld [smem:$0x3FB5]  }
0x2f: {  	lr =	sadd.s32 s0, s3;
	s0 =	sld [smem:$0x3FAC]  }
0x30: {  	s3 =	sld [smem:$0x3FAF]  }
0x31: {  	[smem:$0x3FB8] =	sst s10  }
0x32: {  	s10 =	sld [smem:$0x3FB6];
	_ =	sdelay $0x3  }
0x33: {  	p0 =	seq.s32 s10, $0x1;
	s10 =	sld [smem:$0x3FB8];
	_ =	sdelay $0x3  }
0x34: {  	[smem:$0x3FB8] =	sst s10  }
0x35: {  	s10 =	sld [smem:$0x3FB7];
	_ =	sdelay $0x3  }
0x36: {  	p1 =	seq.s32 s10, $0x1;
	s10 =	sld [smem:$0x3FB8];
	_ =	sdelay $0x3  }
0x37: {  	[smem:$0x3FB8] =	sst s10  }
0x38: {  	s10 =	sld [smem:$0x3FB9]  }
0x39: {  	_ = 	snop;
	(pc) =	sbr.ind lr, $3  }
0x3a: {  	_ = 	snop  }
0x3b: {  	_ = 	snop  }
0x3c: {  	p2 =	seq.s32 s10, $0x1;
	s10 =	sld [smem:$0x3FB8]  }
0x3d: {  	_ =	shalt  }
0x3e: {  	_ =	shalt  }
0x3f: {  	_ =	shalt  }
0x40: {  	_ =	shalt  }
0x41: {  	_ =	shalt  }
0x42: {  	_ =	shalt  }
0x43: {  	_ =	shalt  }
0x44: {  	_ =	shalt  }
0x45: {  	_ =	shalt  }
0x46: {  	_ =	shalt  }
0x47: {  	_ =	shalt  }
0x48: {  	_ =	shalt  }
0x49: {  	_ =	shalt  }
0x4a: {  	_ =	shalt  }
0x4b: {  	_ =	shalt  }
0x4c: {  	_ =	shalt  }
0x4d: {  	_ =	shalt  }
0x4e: {  	_ =	shalt  }
0x4f: {  	_ =	shalt  }
0x50: {  	_ =	shalt  }
0x51: {  	_ =	shalt  }
0x52: {  	_ =	shalt  }
0x53: {  	_ =	shalt  }
0x54: {  	_ =	shalt  }
0x55: {  	_ =	shalt  }
0x56: {  	_ =	shalt  }
0x57: {  	_ =	shalt  }
0x58: {  	_ =	shalt  }
0x59: {  	_ =	shalt  }
0x5a: {  	_ =	shalt  }
0x5b: {  	_ =	shalt  }
0x5c: {  	_ =	shalt  }
0x5d: {  	_ =	shalt  }
0x5e: {  	_ =	shalt  }
0x5f: {  	_ =	shalt  }
0x60: {  	_ =	shalt  }
0x61: {  	_ =	shalt  }
0x62: {  	_ =	shalt  }
0x63: {  	_ =	shalt  }
0x64: {  	_ =	shalt  }
0x65: {  	_ =	shalt  }
0x66: {  	_ =	shalt  }
0x67: {  	_ =	shalt  }
0x68: {  	_ =	shalt  }
0x69: {  	_ =	shalt  }
0x6a: {  	_ =	shalt  }
0x6b: {  	_ =	shalt  }
0x6c: {  	_ =	shalt  }
0x6d: {  	_ =	shalt  }
0x6e: {  	_ =	shalt  }
0x6f: {  	_ =	shalt  }
0x70: {  	_ =	shalt  }
0x71: {  	_ =	shalt  }
0x72: {  	_ =	shalt  }
0x73: {  	_ =	shalt  }
0x74: {  	_ =	shalt  }
0x75: {  	_ =	shalt  }
0x76: {  	_ =	shalt  }
0x77: {  	_ =	shalt  }
0x78: {  	_ =	shalt  }
0x79: {  	_ =	shalt  }
0x7a: {  	_ =	shalt  }
0x7b: {  	_ =	shalt  }
0x7c: {  	_ =	shalt  }
0x7d: {  	_ =	shalt  }
0x7e: {  	_ =	shalt  }
0x7f: {  	_ =	shalt  }
0x80: {  	_ =	shalt  }
0x81: {  	_ =	shalt  }
0x82: {  	_ =	shalt  }
0x83: {  	_ =	shalt  }
0x84: {  	_ =	shalt  }
0x85: {  	_ =	shalt  }
0x86: {  	_ =	shalt  }
0x87: {  	_ =	shalt  }
.Lfunc_end0:
.L_simem_size_0:
called_computation_lowered:
.L_overlay_start_0:
0x88: {  	s2 =	sld [smem:$0x3FD9]  }
0x89: {  	s3 =	sld [smem:$0x3FFE];
	_ =	sdelay $0x1  }
0x8a: {  	s1 =	srdreg.scid  }
0x8b: {  	s0 =	sand.u32 $0x1, s1  }
0x8c: {  	s17 =	sshll.u32 s0, $0xA;
	s2 =	sadd.s32 s3, s2  }
0x8d: {  	s2 =	sadd.s32 s2, s17  }
0x8e: {  	[smem:$0x3FC4] =	sst s2  }
0x8f: {  	_ = 	snop  }
0x90: {  	s2 =	sld [smem:$0x3FC9]  }
0x91: {  	s18 =	sld [smem:$0x3FC7]  }
0x92: {  	s4 =	sld [smem:$0x3FD0];
	(tm) =	ssettm $0x1  }
0x93: {  	s5 =	sld [smem:$0x3FFB];
	_ =	sdelay $0x3  }
0x94: {  	_ =	strace s5  }
0x95: {  	s5 =	sld [smem:$0x3FFC];
	_ =	sdelay $0x3  }
0x96: {  	_ =	strace s5  }
0x97: {  	s5 =	sld [smem:$0x3FFD];
	_ =	sdelay $0x3  }
0x98: {  	_ =	strace s5  }
0x99: {  	_ =	strace $0x8FFFFFFF  }
0x9a: {  	s19 =	sld [smem:$0x3FDB];
	_ =	sdelay $0x1  }
0x9b: {  	s6 =	simm.s32 $_scs_section_size  }
0x9c: {  	s7 =	simm.s32 $_size__tile_overlayer_lowered;
	s8 =	simm.s32 $_tile_overlayer_lowered  }
0x9d: {  	s22 =	simm.s32 $0x1BFF;
	s21 =	sshll.u32 s8, $0x1;
	s5 =	sadd.s32 s6, s19  }
0x9e: {  	s9 =	simm.s32 $0x0;
	s20 =	sshll.u32 s7, $0x1;
	s7 =	sadd.s32 s21, s5  }
0x9f: {  	[timem:s9], [sflag:s22] =	dma.local [hbm:s7], s20  }
0xa0: {  	_ =	swait.ge [sflag:s22], s20  }
0xa1: {  	s6 =	ssub.s32 $0x0, s20;
	[sflag:s22] =	ssyncset.done $0x0  }
0xa2: {  	[sflag:s22] =	ssyncadd.s32 s6;
	_ =	sdelay $0x1  }
0xa3: {  	s23 =	simm.s32 $0x1B8B  }
0xa4: {  	_ =	swait.ge [sflag:s23], $0x1  }
0xa5: {  	[sflag:s23] =	ssyncset.done $0x0  }
0xa6: {  	s25 =	simm.s32 $0x1B8E;
	s24 =	sld [smem:$0x3FFE];
	[sflag:s23] =	ssyncadd.s32 $0xFFFFFFFF  }
0xa7: {  	s26 =	simm.s32 $execute0_lowered;
	[smem:$0x3FD2] =	sst s25  }
0xa8: {  	s7 =	sshll.u32 s26, $0x1;
	_ =	strace $0x80000046;
	[dreg:$0x1] =	wrdreg $0xFFFFFFFF  }
0xa9: {  	s28 =	simm.s32 $_size_execute0_lowered;
	s5 =	sadd.s32 s5, s7;
	[dreg:$0x0] =	wrdreg $0x0  }
0xaa: {  	s7 =	sshll.u32 s28, $0x1;
	[dreg:$0x2] =	wrdreg s5  }
0xab: {  	[dreg:$0x3] =	wrdreg s7  }
0xac: {  	[dreg:$0x4] =	wrdreg $0xC0  }
0xad: {  	_ =	task [dreg:s9], $0x5FFFF  }
0xae: {  	[dreg:$0x1] =	wrdreg $0xFFFFFFFF  }
0xaf: {  	[dreg:$0x0] =	wrdreg $0x60  }
0xb0: {  	[dreg:$0x2] =	wrdreg s2  }
0xb1: {  	[dreg:$0x3] =	wrdreg s24  }
0xb2: {  	[dreg:$0x4] =	wrdreg s18  }
0xb3: {  	[dreg:$0x5] =	wrdreg s4  }
0xb4: {  	[dreg:$0x6] =	wrdreg $0xB4A00  }
0xb5: {  	[dreg:$0x7] =	wrdreg $0x9  }
0xb6: {  	_ =	task.clear_ibuf [dreg:s9], $0x8FFFF;
	_ =	strace $0x90000046  }
0xb7: {  	s29 =	simm.s32 $0x9;
	_ =	strace $0x80000048  }
0xb8: {  	_ =	swait.ge [sflag:s29], $0x1  }
0xb9: {  	[sflag:s29] =	ssyncadd.s32 $0xFFFFFFFF  }
0xba: {  	_ =	strace $0x90000048  }
0xbb: {  	_ =	sfence  }
0xbc: {  	s30 =	sld [smem:$0x0];
	_ =	sdelay $0x2  }
0xbd: {  	s31 =	sshll.u32 s1, $0xD;
	s1 =	sshrl.u32 s1, $0x2  }
0xbe: {  	s3 =	sand.u32 $0x4000, s31;
	s1 =	sadd.s32 s1, s30  }
0xbf: {  	s0 =	sor.u32 s3, s0;
	s1 =	sshll.u32 s1, $0x11  }
0xc0: {  	s0 =	sor.u32 s1, s0  }
0xc1: {  	s0 =	sadd.s32 $0x8F2B, s0  }
0xc2: {  	[sflag:s0] =	ssyncadd.remote.s32 $0x1  }
0xc3: {  	_ =	sfence.sel $0xFFFF  }
0xc4: {  	[dreg:$0x0] =	wrdreg $0xFFFFFFFF;
	(pc) =	sbr.abs _section_cstart, $3  }
0xc5: {  	[dreg:$0x1] =	wrdreg $0xFFFFFFFF  }
0xc6: {  	_ =	task.clear_ibuf [dreg:s9], $0x2FFFF;
	_ =	strace $0x9FFFFFFF  }
0xc7: {  	(tm) =	ssettm $0x7FFFFFFF  }
tec
execute0_lowered:
.L_overlay_start_1:
0x0: {  	(tag) =	ssettag $0x1  }
0x1: {  	s1 =	rddreg [dreg:$0x0]  }
0x2: {  	s0 =	rddreg [dreg:$0x1]  }
0x3: {  	s2 =	rddreg [dreg:$0x2]  }
0x4: {  	s3 =	rddreg [dreg:$0x3]  }
0x5: {  	s4 =	rddreg [dreg:$0x4]  }
0x6: {  	s6 =	srdreg.scid;
	s16 =	stileid.u32;
	s5 =	simm.s32 $0x0  }
0x7: {  	s29 =	simm.s32 $0x78A0;
	s31 =	simm.s32 $0x1;
	s28 =	simm.s32 $0x5020  }
0x8: {  	s30 =	simm.s32 $0x3;
	s17 =	simm.s32 $0x0;
	s9 =	smul.u32 $0x13800, s16  }
0x9: {  	s7 =	sand.u32 $0x1, s6;
	[smem:$0x7FF] =	sst s5;
	s11 =	smul.u32 $0x2710, s16  }
0xa: {  	s12 =	sadd.s32 $0x13C00, s0;
	s15 =	sshll.u32 s16, $0x6;
	p0 =	sne.s32 s16, $0xF  }
0xb: {  	s6 =	ssub.s32 $0x2, s7;
	s8 =	smul.u32 $0x27100, s7;
	_ =	strace $0x80000047  }
0xc: {  	s15 =	sor.u32 $0x1C0B, s15;
	s20 =	smul.u32 $0x138800, s7;
	s10 =	sshrl.u32 s6, $0x1  }
0xd: {  	s13 =	sadd.s32 s9, s4;
	s14 =	sshrl.u32 s9, $0x3;
	[dreg:$0x7] =	wrdreg s15  }
0xe: {  	s10 =	ssub.s32 s6, s10;
	s6 =	sadd.s32 s11, s8;
	s18 =	sadd.s32 s3, s14  }
0xf: {  	s14 =	sadd.s32 $0x138000, s4;
	s3 =	sadd.s32 $0x27000, s3;
	[dreg:$0x6] =	wrdreg s18  }
0x10: {  	s7 =	sadd.s32 s9, s20;
	s11 =	sshrl.u32 s6, $0x3;
	[dreg:$0x9] =	wrdreg s3  }
0x11: {  	s22 =	sadd.s32 $0x28, s6;
	s24 =	sshrl.u32 s7, $0x3;
	s26 =	smax.u32 s10, $0x1  }
0x12: {  	s7 =	simm.s32 $0x4;
	s19 =	sadd.s32 s0, s11;
	[dreg:$0x10] =	wrdreg s26  }
0x13: {  	s10 =	simm.s32 $0x5;
	s23 =	sadd.s32 s2, s11;
	[dreg:$0x8] =	wrdreg s19  }
0x14: {  	s3 =	sshrl.u32 s22, $0x3;
	s11 =	sshrl.u32 s13, $0x3;
	[dreg:$0xb] =	wrdreg s23  }
0x15: {  	s0 =	sshrl.u32 s20, $0x3;
	s13 =	sshrl.u32 @!p0 s14, $0x3;
	[dreg:$0x11] =	wrdreg s11  }
0x16: {  	s22 =	simm.s32 $0x28;
	s21 =	sadd.s32 $0x9E00, s19;
	[dreg:$0x12] =	wrdreg s13  }
0x17: {  	s26 =	simm.s32 $0xA0A0;
	s3 =	sadd.s32 s2, s3;
	[dreg:$0xa] =	wrdreg s21  }
0x18: {  	s25 =	sadd.s32 $0xA, s23;
	s0 =	sadd.s32 s12, s0;
	[dreg:$0xc] =	wrdreg s3  }
0x19: {  	s23 =	simm.s32 $0x50A0;
	[dreg:$0xd] =	wrdreg s25;
	s3 =	sadd.s32 s12, s24  }
0x1a: {  	s0 =	sadd.s32 $0x27000, s0;
	s12 =	simm.s32 $0xB;
	s24 =	simm.s32 $0x4E20  }
0x1b: {  	s25 =	simm.s32 $0x64A0;
	s21 =	simm.s32 $0x2;
	[dreg:$0xe] =	wrdreg s3  }
0x1c: {  	[dreg:$0xf] =	wrdreg s0;
	s0 =	simm.s32 $0x8CA0;
	s3 =	simm.s32 $0x4FA0  }
.LBB2_1:
0x1d: {  	s8 =	rddreg [dreg:$0x6]  }
0x1e: {  	[spmem:s11], [sflag:s15] =	dma.local [hbm:s8], $0x2700  }
0x1f: {  	_ =	swait.ge [sflag:s12], $0x2700  }
0x20: {  	[sflag:s12] =	ssyncset.done $0x0  }
0x21: {  	s9 =	simm.s32 @!p0 $0xB;
	s8 =	rddreg [dreg:$0x9];
	[sflag:s12] =	ssyncadd.s32 $0xFFFFD900  }
0x22: {  	[spmem:s13], [sflag:s15] =	dma.local @!p0 [hbm:s8], $0x100  }
0x23: {  	_ =	swait.ge @!p0 [sflag:s9], $0x100  }
0x24: {  	[sflag:s9] =	ssyncset.done @!p0 $0x0  }
0x25: {  	[sflag:s9] =	ssyncadd.s32 @!p0 $0xFFFFFF00  }
0x26: {  	[bflag:$0x0] =	sbarrier.arrive $0xFFFF  }
0x27: {  	s9 =	rddreg [dreg:$0xa]  }
0x28: {  	[tilespmem:s5], [sflag:$0xB] =	stream.linear.gather [hbm4b:s9+s5], $0x2710, $0x38;
	[tilespmem:$0x1ED20] =	vst v63  }
0x29: {  	_ =	swait.ge [sflag:s12], $0x2710  }
0x2a: {  	[sflag:s12] =	ssyncset.done $0x0  }
0x2b: {  	s13 =	simm.s32 $0x2710;
	s11 =	rddreg [dreg:$0x8];
	[sflag:s12] =	ssyncadd.s32 $0xFFFFD8F0  }
0x2c: {  	[tilespmem:s13], [sflag:$0xB] =	stream.linear.gather [hbm4b:s11+s5], $0x2710, $0x38;
	[tilespmem:$0x1ED20] =	vst v63  }
0x2d: {  	_ =	swait.ge [sflag:s12], $0x2710  }
0x2e: {  	[sflag:s12] =	ssyncset.done $0x0  }
0x2f: {  	[sflag:s12] =	ssyncadd.s32 $0xFFFFD8F0  }
0x30: {  	[tilespmem:s23], [sflag:$0x1] =	stream.indirect.gather [hbm4b:s1+s22], $0x80, s5, s22, $0xb8;
	[tilespmem:$0x1ED20] =	vst v63  }
0x31: {  	s14 =	rddreg [dreg:$0xb]  }
0x32: {  	[tilespmem:s24], [sflag:$0x1] =	stream.linear.gather [hbm4b:s14+s5], $0x28, $0x38;
	[tilespmem:$0x1ED20] =	vst v63  }
0x33: {  	_ = 	snop  }
0x34: {  	[tilespmem:s25], [sflag:$0x2] =	stream.indirect.gather [hbm4b:s1+s22], $0x80, s22, s22, $0xb8;
	[tilespmem:$0x1ED20] =	vst v63  }
0x35: {  	s16 =	simm.s32 $0x4EA0;
	s15 =	rddreg [dreg:$0xc]  }
0x36: {  	[tilespmem:s16], [sflag:$0x2] =	stream.linear.gather [hbm4b:s15+s5], $0x28, $0x38;
	[tilespmem:$0x1ED20] =	vst v63  }
0x37: {  	s18 =	simm.s32 $0x50  }
0x38: {  	[tilespmem:s29], [sflag:$0x3] =	stream.indirect.gather [hbm4b:s1+s22], $0x80, s18, s22, $0xb8;
	[tilespmem:$0x1ED20] =	vst v63  }
0x39: {  	s20 =	simm.s32 $0x4F20;
	s9 =	simm.s32 $0x0;
	s19 =	rddreg [dreg:$0xd]  }
0x3a: {  	[tilespmem:s20], [sflag:$0x3] =	stream.linear.gather [hbm4b:s19+s5], $0x28, $0x38;
	[tilespmem:$0x1ED20] =	vst v63  }
.LBB2_2:
0x3b: {  	_ =	swait.ge [sflag:s31], $0x1400  }
0x3c: {  	[sflag:s31] =	ssyncset.done $0x0  }
0x3d: {  	[sflag:s31] =	ssyncadd.s32 $0xFFFFEC00  }
0x3e: {  	_ =	swait.ge [sflag:s31], $0x28  }
0x3f: {  	s12 =	smul.u32 $0x5, s9;
	p1 =	seq.s32 s9, $0x0;
	[sflag:s31] =	ssyncset.done $0x0  }
0x40: {  	s13 =	simm.s32 @!p1 $0x9;
	[sflag:s31] =	ssyncadd.s32 $0xFFFFFFD8  }
0x41: {  	s11 =	sadd.s32 $0x3, s12;
	_ =	swait.ge @!p1 [sflag:s13], $0x1400  }
0x42: {  	s14 =	smul.u32 $0x28, s11;
	[sflag:s13] =	ssyncset.done @!p1 $0x0  }
0x43: {  	[sflag:s13] =	ssyncadd.s32 @!p1 $0xFFFFEC00  }
0x44: {  	[tilespmem:s0], [sflag:$0x4] =	stream.indirect.gather [hbm4b:s1+s22], $0x80, s14, s22, $0xb8;
	[tilespmem:$0x1ED20] =	vst v63  }
0x45: {  	s19 =	sadd.s32 s6, s14;
	s14 =	simm.s32 $0x0  }
0x46: {  	s13 =	sshrl.u32 s19, $0x3;
	v0 =	vmov s14  }
0x47: {  	s13 =	sadd.s32 s2, s13  }
0x48: {  	[tilespmem:s3], [sflag:$0x4] =	stream.linear.gather [hbm4b:s13+s14], $0x28, $0x38;
	[tilespmem:$0x1ED20] =	vst v63  }
0x49: {  	s13 =	simm.s32 $0x51E0  }
0x4a: {  	v2 =	vld [tilespmem:s13+$0xFFFFFF30]  }
0x4b: {  	v0 =	vld.idx.msk [tilespmem:v0+s24+$0x0], $0xffff  }
0x4c: {  	v3 =	vld [tilespmem:s13+$0xFFFFFEC0]  }
0x4d: {  	v4 =	vld [tilespmem:s13+$0xFFFFFEE0]  }
0x4e: {  	v5 =	vld [tilespmem:s13+$0xFFFFFEF0]  }
0x4f: {  	v1 =	vld [tilespmem:s13+$0xFFFFFF10]  }
0x50: {  	v7 =	vld [tilespmem:s13+$0xFFFFFED0];
	v2 =	vmul.f32 v2, v0  }
0x51: {  	v6 =	vld [tilespmem:s13+$0xFFFFFF20];
	v3 =	vmul.f32 v3, v0  }
0x52: {  	v8 =	vld [tilespmem:s13+$0xFFFFFF00];
	v4 =	vmul.f32 v4, v0;
	[tilespmem:s13+$0xFFFFFF30] =	vst v2  }
0x53: {  	v2 =	vmul.f32 v5, v0;
	[tilespmem:s13+$0xFFFFFEC0] =	vst v3  }
0x54: {  	s15 =	simm.s32 $0x1;
	v1 =	vmul.f32 v1, v0;
	[tilespmem:s13+$0xFFFFFEE0] =	vst v4  }
0x55: {  	v3 =	vmul.f32 v7, v0;
	[tilespmem:s13+$0xFFFFFEF0] =	vst v2;
	v2 =	vmov s15  }
0x56: {  	v4 =	vmul.f32 v6, v0;
	[tilespmem:s13+$0xFFFFFF10] =	vst v1  }
0x57: {  	v0 =	vmul.f32 v8, v0;
	[tilespmem:s13+$0xFFFFFED0] =	vst v3  }
0x58: {  	[tilespmem:s13+$0xFFFFFF20] =	vst v4  }
0x59: {  	v1 =	vld [tilespmem:s13+$0xFFFFFF40];
	[tilespmem:s13+$0xFFFFFF00] =	vst v0  }
0x5a: {  	v0 =	vld.idx.msk [tilespmem:v2+s24+$0x0], $0xffff  }
0x5b: {  	v2 =	vld [tilespmem:s13+$0xFFFFFF60]  }
0x5c: {  	v3 =	vld [tilespmem:s13+$0xFFFFFF90]  }
0x5d: {  	v4 =	vld [tilespmem:s13+$0xFFFFFF80]  }
0x5e: {  	v5 =	vld [tilespmem:s13+$0xFFFFFF50]  }
0x5f: {  	v7 =	vld [tilespmem:s13+$0xFFFFFFB0];
	v1 =	vmul.f32 v1, v0  }
0x60: {  	v6 =	vld [tilespmem:s13+$0xFFFFFF70];
	v2 =	vmul.f32 v2, v0  }
0x61: {  	v62 =	vld [tilespmem:s13+$0xFFFFFFA0];
	[tilespmem:s13+$0xFFFFFF40] =	vst v1;
	v1 =	vmul.f32 v3, v0  }
0x62: {  	v3 =	vmul.f32 v4, v0;
	[tilespmem:s13+$0xFFFFFF60] =	vst v2  }
0x63: {  	s20 =	simm.s32 $0x2;
	v2 =	vmul.f32 v5, v0;
	[tilespmem:s13+$0xFFFFFF90] =	vst v1  }
0x64: {  	v4 =	vmul.f32 v7, v0;
	[tilespmem:s13+$0xFFFFFF80] =	vst v3;
	v3 =	vmov s20  }
0x65: {  	v1 =	vmul.f32 v6, v0;
	[tilespmem:s13+$0xFFFFFF50] =	vst v2  }
0x66: {  	v63 =	vld [tilespmem:s13+$0x20];
	v0 =	vmul.f32 v62, v0;
	[tilespmem:s13+$0xFFFFFFB0] =	vst v4  }
0x67: {  	v5 =	vld [tilespmem:s13+$0x30];
	[tilespmem:s13+$0xFFFFFF70] =	vst v1  }
0x68: {  	[tilespmem:s13+$0xFFFFFFA0] =	vst v0;
	v0 =	vld [tilespmem:s13+$0xFFFFFFC0]  }
0x69: {  	v3 =	vld.idx.msk [tilespmem:v3+s24+$0x0], $0xffff  }
0x6a: {  	v1 =	vld [tilespmem:s13+$0xFFFFFFF0]  }
0x6b: {  	v2 =	vld [tilespmem:s13+$0xFFFFFFE0]  }
0x6c: {  	v4 =	vld [tilespmem:s13+$0xFFFFFFD0]  }
0x6d: {  	v7 =	vld [tilespmem:s13+$0x0]  }
0x6e: {  	v6 =	vld [tilespmem:s13+$0x10];
	v0 =	vmul.f32 v0, v3  }
0x6f: {  	v1 =	vmul.f32 v1, v3  }
0x70: {  	v2 =	vmul.f32 v2, v3;
	[tilespmem:s13+$0xFFFFFFC0] =	vst v0  }
0x71: {  	v9 =	vmul.f32 v4, v3;
	[tilespmem:s13+$0xFFFFFFF0] =	vst v1  }
0x72: {  	s16 =	simm.s32 $0x3;
	v4 =	vmul.f32 v5, v3;
	v0 =	vmul.f32 v7, v3;
	[tilespmem:s13+$0xFFFFFFE0] =	vst v2  }
0x73: {  	s15 =	simm.s32 $0x5;
	v1 =	vmul.f32 v6, v3;
	v2 =	vmul.f32 v63, v3;
	[tilespmem:s13+$0xFFFFFFD0] =	vst v9;
	v3 =	vmov s16;
	s16 =	simm.s32 $0x51E0  }
.LBB2_3:
0x74: {  	p2 =	slt.u32 s15, $0x23  }
0x75: {  	[tilespmem:s13+$0x30] =	vst v4;
	v4 =	vld [tilespmem:s13+$0xB0];
	s16 =	sadd.s32 $0x280, s16;
	s18 =	smov.u32 s15;
	s15 =	sadd.s32 $0x5, s15  }
0x76: {  	[tilespmem:s13+$0x10] =	vst v1;
	v1 =	vld [tilespmem:s13+$0x60]  }
0x77: {  	[tilespmem:s13+$0x20] =	vst v2;
	v2 =	vld [tilespmem:s13+$0x40]  }
0x78: {  	[tilespmem:s13+$0x0] =	vst v0;
	v0 =	vld [tilespmem:s13+$0x70]  }
0x79: {  	v3 =	vld.idx.msk [tilespmem:v3+s24+$0x0], $0xffff  }
0x7a: {  	v5 =	vld [tilespmem:s13+$0x50]  }
0x7b: {  	v6 =	vld [tilespmem:s13+$0xA0]  }
0x7c: {  	v7 =	vld [tilespmem:s13+$0x80]  }
0x7d: {  	v8 =	vld [tilespmem:s13+$0x90];
	_ =	sdelay $0x1  }
0x7e: {  	v2 =	vmul.f32 v2, v3;
	v5 =	vmul.f32 v5, v3  }
0x7f: {  	v1 =	vmul.f32 v1, v3;
	v0 =	vmul.f32 v0, v3  }
0x80: {  	v4 =	vmul.f32 v4, v3;
	[tilespmem:s13+$0x40] =	vst v2;
	v2 =	vmul.f32 v7, v3  }
0x81: {  	[tilespmem:s13+$0x60] =	vst v1;
	v1 =	vmul.f32 v8, v3;
	v3 =	vmul.f32 v6, v3  }
0x82: {  	s20 =	sadd.s32 $0x4, s14;
	s14 =	smov.u32 s18;
	[tilespmem:s13+$0xB0] =	vst v4  }
0x83: {  	[tilespmem:s13+$0x90] =	vst v1;
	v1 =	vmov s20  }
0x84: {  	[tilespmem:s13+$0x70] =	vst v0;
	v0 =	vld [tilespmem:s13+$0xF0]  }
0x85: {  	[tilespmem:s13+$0x50] =	vst v5;
	v4 =	vld [tilespmem:s13+$0xC0]  }
0x86: {  	[tilespmem:s13+$0x80] =	vst v2;
	v2 =	vld [tilespmem:s13+$0x120]  }
0x87: {  	[tilespmem:s13+$0xA0] =	vst v3;
	v3 =	vld [tilespmem:s13+$0xE0]  }
0x88: {  	v1 =	vld.idx.msk [tilespmem:v1+s24+$0x0], $0xffff  }
0x89: {  	v5 =	vld [tilespmem:s13+$0xD0]  }
0x8a: {  	v6 =	vld [tilespmem:s13+$0x110]  }
0x8b: {  	v7 =	vld [tilespmem:s13+$0x100]  }
0x8c: {  	v8 =	vld [tilespmem:s13+$0x130];
	_ =	sdelay $0x1  }
0x8d: {  	v4 =	vmul.f32 v4, v1;
	v5 =	vmul.f32 v5, v1  }
0x8e: {  	v3 =	vmul.f32 v3, v1;
	v0 =	vmul.f32 v0, v1  }
0x8f: {  	v6 =	vmul.f32 v6, v1;
	[tilespmem:s13+$0xC0] =	vst v4;
	v4 =	vmul.f32 v7, v1  }
0x90: {  	v2 =	vmul.f32 v2, v1;
	[tilespmem:s13+$0xE0] =	vst v3;
	v1 =	vmul.f32 v8, v1  }
0x91: {  	[tilespmem:s13+$0xF0] =	vst v0  }
0x92: {  	v0 =	vmov s14;
	[tilespmem:s13+$0x100] =	vst v4  }
0x93: {  	v3 =	vld [tilespmem:s16+$0xFFFFFF10];
	[tilespmem:s13+$0x110] =	vst v6  }
0x94: {  	v4 =	vld [tilespmem:s16+$0xFFFFFEF0];
	[tilespmem:s13+$0x120] =	vst v2  }
0x95: {  	v2 =	vld [tilespmem:s16+$0xFFFFFF20];
	[tilespmem:s13+$0x130] =	vst v1  }
0x96: {  	v1 =	vld [tilespmem:s16+$0xFFFFFF30];
	[tilespmem:s13+$0xD0] =	vst v5;
	s13 =	smov.u32 s16  }
0x97: {  	v0 =	vld.idx.msk [tilespmem:v0+s24+$0x0], $0xffff  }
0x98: {  	v5 =	vld [tilespmem:s16+$0xFFFFFEC0]  }
0x99: {  	v6 =	vld [tilespmem:s16+$0xFFFFFEE0]  }
0x9a: {  	v7 =	vld [tilespmem:s16+$0xFFFFFED0]  }
0x9b: {  	v8 =	vld [tilespmem:s16+$0xFFFFFF00];
	_ =	sdelay $0x1  }
0x9c: {  	v1 =	vmul.f32 v1, v0;
	v5 =	vmul.f32 v5, v0  }
0x9d: {  	v2 =	vmul.f32 v2, v0;
	v6 =	vmul.f32 v6, v0  }
0x9e: {  	v4 =	vmul.f32 v4, v0;
	v7 =	vmul.f32 v7, v0;
	[tilespmem:s16+$0xFFFFFF30] =	vst v1  }
0x9f: {  	[tilespmem:s16+$0xFFFFFEC0] =	vst v5;
	v1 =	vmul.f32 v8, v0;
	v0 =	vmul.f32 v3, v0  }
0xa0: {  	s18 =	sadd.s32 $0x1, s14;
	[tilespmem:s16+$0xFFFFFEE0] =	vst v6  }
0xa1: {  	v3 =	vmov s18;
	[tilespmem:s16+$0xFFFFFEF0] =	vst v4  }
0xa2: {  	[tilespmem:s16+$0xFFFFFF10] =	vst v0;
	v0 =	vld [tilespmem:s16+$0xFFFFFFB0]  }
0xa3: {  	[tilespmem:s16+$0xFFFFFED0] =	vst v7;
	v4 =	vld [tilespmem:s16+$0xFFFFFF90]  }
0xa4: {  	[tilespmem:s16+$0xFFFFFF20] =	vst v2;
	v2 =	vld [tilespmem:s16+$0xFFFFFF70]  }
0xa5: {  	[tilespmem:s16+$0xFFFFFF00] =	vst v1;
	v1 =	vld [tilespmem:s16+$0xFFFFFF50]  }
0xa6: {  	v3 =	vld.idx.msk [tilespmem:v3+s24+$0x0], $0xffff  }
0xa7: {  	v5 =	vld [tilespmem:s16+$0xFFFFFF40]  }
0xa8: {  	v6 =	vld [tilespmem:s16+$0xFFFFFF60]  }
0xa9: {  	v7 =	vld [tilespmem:s16+$0xFFFFFF80]  }
0xaa: {  	v8 =	vld [tilespmem:s16+$0xFFFFFFA0];
	_ =	sdelay $0x1  }
0xab: {  	v1 =	vmul.f32 v1, v3;
	v5 =	vmul.f32 v5, v3  }
0xac: {  	v2 =	vmul.f32 v2, v3;
	v6 =	vmul.f32 v6, v3  }
0xad: {  	v4 =	vmul.f32 v4, v3;
	[tilespmem:s16+$0xFFFFFF40] =	vst v5;
	v5 =	vmul.f32 v7, v3  }
0xae: {  	v0 =	vmul.f32 v0, v3;
	[tilespmem:s16+$0xFFFFFF60] =	vst v6;
	v6 =	vmul.f32 v8, v3  }
0xaf: {  	s18 =	sadd.s32 $0x2, s14;
	[tilespmem:s16+$0xFFFFFF90] =	vst v4  }
0xb0: {  	v3 =	vmov s18;
	[tilespmem:s16+$0xFFFFFF80] =	vst v5  }
0xb1: {  	[tilespmem:s16+$0xFFFFFF50] =	vst v1;
	v4 =	vld [tilespmem:s16+$0x30]  }
0xb2: {  	[tilespmem:s16+$0xFFFFFF70] =	vst v2;
	v1 =	vld [tilespmem:s16+$0xFFFFFFF0]  }
0xb3: {  	[tilespmem:s16+$0xFFFFFFB0] =	vst v0;
	v0 =	vld [tilespmem:s16+$0xFFFFFFE0]  }
0xb4: {  	[tilespmem:s16+$0xFFFFFFA0] =	vst v6;
	v2 =	vld [tilespmem:s16+$0xFFFFFFD0]  }
0xb5: {  	v3 =	vld.idx.msk [tilespmem:v3+s24+$0x0], $0xffff  }
0xb6: {  	v5 =	vld [tilespmem:s16+$0xFFFFFFC0]  }
0xb7: {  	v6 =	vld [tilespmem:s16+$0x10]  }
0xb8: {  	v7 =	vld [tilespmem:s16+$0x0]  }
0xb9: {  	v8 =	vld [tilespmem:s16+$0x20];
	_ =	sdelay $0x1  }
0xba: {  	v9 =	vmul.f32 v2, v3;
	v5 =	vmul.f32 v5, v3  }
.Ltmp0:
0xbb: {  	v10 =	vmul.f32 v0, v3;
	v2 =	vmul.f32 v1, v3;
	(pc) =	sbr.rel @p2 .LBB2_3-.Ltmp0, $4  }
0xbc: {  	v1 =	vmul.f32 v6, v3;
	[tilespmem:s16+$0xFFFFFFC0] =	vst v5;
	v0 =	vmul.f32 v7, v3  }
0xbd: {  	v4 =	vmul.f32 v4, v3;
	[tilespmem:s16+$0xFFFFFFF0] =	vst v2;
	v2 =	vmul.f32 v8, v3  }
0xbe: {  	s18 =	sadd.s32 $0x3, s14;
	[tilespmem:s16+$0xFFFFFFE0] =	vst v10  }
0xbf: {  	v3 =	vmov s18;
	[tilespmem:s16+$0xFFFFFFD0] =	vst v9  }
0xc0: {  	[tilespmem:s13+$0x30] =	vst v4  }
0xc1: {  	[tilespmem:s13+$0x10] =	vst v1  }
0xc2: {  	[tilespmem:s13+$0x20] =	vst v2  }
0xc3: {  	v1 =	vld [tilespmem:s13+$0x40];
	[tilespmem:s13+$0x0] =	vst v0  }
0xc4: {  	v0 =	vld.idx.msk [tilespmem:v3+s24+$0x0], $0xffff  }
0xc5: {  	v2 =	vld [tilespmem:s13+$0x60]  }
0xc6: {  	v3 =	vld [tilespmem:s13+$0xB0]  }
0xc7: {  	v4 =	vld [tilespmem:s13+$0x90]  }
0xc8: {  	v5 =	vld [tilespmem:s13+$0x70]  }
0xc9: {  	v7 =	vld [tilespmem:s13+$0x80];
	v1 =	vmul.f32 v1, v0  }
0xca: {  	v6 =	vld [tilespmem:s13+$0x50];
	v2 =	vmul.f32 v2, v0  }
0xcb: {  	v8 =	vld [tilespmem:s13+$0xA0];
	[tilespmem:s13+$0x40] =	vst v1;
	v1 =	vmul.f32 v3, v0  }
0xcc: {  	[tilespmem:s13+$0x60] =	vst v2;
	v2 =	vmul.f32 v4, v0  }
0xcd: {  	s14 =	sadd.s32 $0x4, s14;
	v3 =	vmul.f32 v5, v0;
	[tilespmem:s13+$0xB0] =	vst v1  }
0xce: {  	v4 =	vmul.f32 v7, v0;
	[tilespmem:s13+$0x90] =	vst v2;
	v2 =	vmov s14  }
0xcf: {  	v1 =	vmul.f32 v6, v0;
	[tilespmem:s13+$0x70] =	vst v3  }
0xd0: {  	v0 =	vmul.f32 v8, v0;
	[tilespmem:s13+$0x80] =	vst v4  }
0xd1: {  	[tilespmem:s13+$0x50] =	vst v1  }
0xd2: {  	v1 =	vld [tilespmem:s13+$0xC0];
	[tilespmem:s13+$0xA0] =	vst v0  }
0xd3: {  	v0 =	vld.idx.msk [tilespmem:v2+s24+$0x0], $0xffff  }
0xd4: {  	v2 =	vld [tilespmem:s13+$0xE0]  }
0xd5: {  	v3 =	vld [tilespmem:s13+$0xF0]  }
0xd6: {  	v5 =	vld [tilespmem:s13+$0x100]  }
0xd7: {  	v6 =	vld [tilespmem:s13+$0x110]  }
0xd8: {  	v4 =	vld [tilespmem:s13+$0x120];
	v1 =	vmul.f32 v1, v0  }
0xd9: {  	v60 =	vld [tilespmem:s13+$0x130];
	v2 =	vmul.f32 v2, v0  }
0xda: {  	v7 =	vld [tilespmem:s13+$0xD0];
	v3 =	vmul.f32 v3, v0;
	[tilespmem:s13+$0xC0] =	vst v1  }
0xdb: {  	v1 =	vmul.f32 v5, v0;
	[tilespmem:s13+$0xE0] =	vst v2  }
0xdc: {  	v2 =	vmul.f32 v6, v0;
	[tilespmem:s13+$0xF0] =	vst v3  }
0xdd: {  	v3 =	vmul.f32 v4, v0;
	[tilespmem:s13+$0x100] =	vst v1  }
0xde: {  	s8 =	smul.u32 $0x320, s9;
	v1 =	vmul.f32 v60, v0;
	[tilespmem:s13+$0x110] =	vst v2  }
0xdf: {  	v0 =	vmul.f32 v7, v0;
	[tilespmem:s13+$0x120] =	vst v3  }
0xe0: {  	s14 =	sshra.s32 s8, $0x2;
	[tilespmem:s13+$0x130] =	vst v1  }
0xe1: {  	s15 =	sadd.s32 $0x2710, s14;
	[tilespmem:s13+$0xD0] =	vst v0  }
0xe2: {  	[spmem:s4] =	stream.indirect.scatter.add.f32 [tilespmem:s23], [sflag:$0x6], $0x80, s15, s22, $0xb8;
	[tilespmem:$0x1ED20] =	vst v63  }
0xe3: {  	_ =	swait.ge [sflag:s21], $0x1400  }
0xe4: {  	[sflag:s21] =	ssyncset.done $0x0  }
0xe5: {  	[sflag:s21] =	ssyncadd.s32 $0xFFFFEC00  }
0xe6: {  	_ =	swait.ge [sflag:s21], $0x28  }
0xe7: {  	s12 =	sadd.s32 $0x4, s12;
	[sflag:s21] =	ssyncset.done $0x0  }
0xe8: {  	s13 =	simm.s32 @!p1 $0xA;
	s15 =	smul.u32 $0x28, s12;
	[sflag:s21] =	ssyncadd.s32 $0xFFFFFFD8  }
0xe9: {  	_ =	swait.ge @!p1 [sflag:s13], $0x1400  }
0xea: {  	s16 =	sadd.s32 s6, s15;
	[sflag:s13] =	ssyncset.done @!p1 $0x0  }
0xeb: {  	s18 =	simm.s32 $0x80;
	[sflag:s13] =	ssyncadd.s32 @!p1 $0xFFFFEC00;
	s13 =	sshrl.u32 s16, $0x3  }
0xec: {  	v0 =	vmov s18;
	[tilespmem:s26], [sflag:$0x5] =	stream.indirect.gather [hbm4b:s1+s22], $0x80, s15, s22, $0xb8;
	[tilespmem:$0x1ED20] =	vst v63  }
0xed: {  	s13 =	sadd.s32 s2, s13  }
0xee: {  	[tilespmem:s28], [sflag:$0x5] =	stream.linear.gather [hbm4b:s13+s5], $0x28, $0x38;
	[tilespmem:$0x1ED20] =	vst v63  }
0xef: {  	s13 =	simm.s32 $0x6710  }
0xf0: {  	v2 =	vld [tilespmem:s13+$0xFFFFFE00]  }
0xf1: {  	v0 =	vld.idx.msk [tilespmem:v0+s24+$0x0], $0xffff  }
0xf2: {  	v3 =	vld [tilespmem:s13+$0xFFFFFD90]  }
0xf3: {  	v4 =	vld [tilespmem:s13+$0xFFFFFDB0]  }
0xf4: {  	v5 =	vld [tilespmem:s13+$0xFFFFFDC0]  }
0xf5: {  	v1 =	vld [tilespmem:s13+$0xFFFFFDE0]  }
0xf6: {  	v7 =	vld [tilespmem:s13+$0xFFFFFDA0];
	v2 =	vmul.f32 v2, v0  }
0xf7: {  	v6 =	vld [tilespmem:s13+$0xFFFFFDF0];
	v3 =	vmul.f32 v3, v0  }
0xf8: {  	v61 =	vld [tilespmem:s13+$0xFFFFFDD0];
	v4 =	vmul.f32 v4, v0;
	[tilespmem:s13+$0xFFFFFE00] =	vst v2  }
0xf9: {  	v2 =	vmul.f32 v5, v0;
	[tilespmem:s13+$0xFFFFFD90] =	vst v3  }
0xfa: {  	s19 =	simm.s32 $0x81;
	v1 =	vmul.f32 v1, v0;
	[tilespmem:s13+$0xFFFFFDB0] =	vst v4  }
0xfb: {  	v3 =	vmul.f32 v7, v0;
	[tilespmem:s13+$0xFFFFFDC0] =	vst v2;
	v2 =	vmov s19  }
0xfc: {  	v4 =	vmul.f32 v6, v0;
	[tilespmem:s13+$0xFFFFFDE0] =	vst v1  }
0xfd: {  	v0 =	vmul.f32 v61, v0;
	[tilespmem:s13+$0xFFFFFDA0] =	vst v3  }
0xfe: {  	[tilespmem:s13+$0xFFFFFDF0] =	vst v4  }
0xff: {  	v1 =	vld [tilespmem:s13+$0xFFFFFE10];
	[tilespmem:s13+$0xFFFFFDD0] =	vst v0  }
0x100: {  	v0 =	vld.idx.msk [tilespmem:v2+s24+$0x0], $0xffff  }
0x101: {  	v2 =	vld [tilespmem:s13+$0xFFFFFE30]  }
0x102: {  	v3 =	vld [tilespmem:s13+$0xFFFFFE60]  }
0x103: {  	v4 =	vld [tilespmem:s13+$0xFFFFFE50]  }
0x104: {  	v5 =	vld [tilespmem:s13+$0xFFFFFE20]  }
0x105: {  	v7 =	vld [tilespmem:s13+$0xFFFFFE80];
	v1 =	vmul.f32 v1, v0  }
0x106: {  	v6 =	vld [tilespmem:s13+$0xFFFFFE40];
	v2 =	vmul.f32 v2, v0  }
0x107: {  	v62 =	vld [tilespmem:s13+$0xFFFFFE70];
	[tilespmem:s13+$0xFFFFFE10] =	vst v1;
	v1 =	vmul.f32 v3, v0  }
0x108: {  	v3 =	vmul.f32 v4, v0;
	[tilespmem:s13+$0xFFFFFE30] =	vst v2  }
0x109: {  	s20 =	simm.s32 $0x82;
	v2 =	vmul.f32 v5, v0;
	[tilespmem:s13+$0xFFFFFE60] =	vst v1  }
0x10a: {  	v4 =	vmul.f32 v7, v0;
	[tilespmem:s13+$0xFFFFFE50] =	vst v3;
	v3 =	vmov s20  }
0x10b: {  	v1 =	vmul.f32 v6, v0;
	[tilespmem:s13+$0xFFFFFE20] =	vst v2  }
0x10c: {  	v63 =	vld [tilespmem:s13+$0xFFFFFEF0];
	v0 =	vmul.f32 v62, v0;
	[tilespmem:s13+$0xFFFFFE80] =	vst v4  }
0x10d: {  	v5 =	vld [tilespmem:s13+$0xFFFFFF00];
	[tilespmem:s13+$0xFFFFFE40] =	vst v1  }
0x10e: {  	[tilespmem:s13+$0xFFFFFE70] =	vst v0;
	v0 =	vld [tilespmem:s13+$0xFFFFFE90]  }
0x10f: {  	v3 =	vld.idx.msk [tilespmem:v3+s24+$0x0], $0xffff  }
0x110: {  	v1 =	vld [tilespmem:s13+$0xFFFFFEC0]  }
0x111: {  	v2 =	vld [tilespmem:s13+$0xFFFFFEB0]  }
0x112: {  	v4 =	vld [tilespmem:s13+$0xFFFFFEA0]  }
0x113: {  	v7 =	vld [tilespmem:s13+$0xFFFFFED0]  }
0x114: {  	v6 =	vld [tilespmem:s13+$0xFFFFFEE0];
	v0 =	vmul.f32 v0, v3  }
0x115: {  	v1 =	vmul.f32 v1, v3  }
0x116: {  	v2 =	vmul.f32 v2, v3;
	[tilespmem:s13+$0xFFFFFE90] =	vst v0  }
0x117: {  	v9 =	vmul.f32 v4, v3;
	[tilespmem:s13+$0xFFFFFEC0] =	vst v1  }
0x118: {  	s18 =	simm.s32 $0x83;
	v4 =	vmul.f32 v5, v3;
	v0 =	vmul.f32 v7, v3;
	[tilespmem:s13+$0xFFFFFEB0] =	vst v2  }
0x119: {  	s16 =	simm.s32 $0x0;
	s15 =	simm.s32 $0xFFFFFFFB;
	v1 =	vmul.f32 v6, v3;
	v2 =	vmul.f32 v63, v3;
	[tilespmem:s13+$0xFFFFFEA0] =	vst v9;
	v3 =	vmov s18;
	s18 =	simm.s32 $0x6710  }
.LBB2_5:
0x11a: {  	[tilespmem:s13+$0xFFFFFF00] =	vst v4;
	v4 =	vld [tilespmem:s13+$0xFFFFFF80];
	s18 =	sadd.s32 $0x280, s18;
	s20 =	smov.u32 s16;
	s16 =	sadd.s32 $0x5, s16  }
0x11b: {  	p1 =	slt.u32 s16, $0x23;
	[tilespmem:s13+$0xFFFFFEE0] =	vst v1;
	v1 =	vld [tilespmem:s13+$0xFFFFFF30]  }
0x11c: {  	[tilespmem:s13+$0xFFFFFEF0] =	vst v2;
	v2 =	vld [tilespmem:s13+$0xFFFFFF10]  }
0x11d: {  	[tilespmem:s13+$0xFFFFFED0] =	vst v0;
	v0 =	vld [tilespmem:s13+$0xFFFFFF40]  }
0x11e: {  	v3 =	vld.idx.msk [tilespmem:v3+s24+$0x0], $0xffff  }
0x11f: {  	v5 =	vld [tilespmem:s13+$0xFFFFFF20]  }
0x120: {  	v6 =	vld [tilespmem:s13+$0xFFFFFF70]  }
0x121: {  	v7 =	vld [tilespmem:s13+$0xFFFFFF50]  }
0x122: {  	v8 =	vld [tilespmem:s13+$0xFFFFFF60];
	_ =	sdelay $0x1  }
0x123: {  	v2 =	vmul.f32 v2, v3;
	v5 =	vmul.f32 v5, v3  }
0x124: {  	v1 =	vmul.f32 v1, v3;
	v0 =	vmul.f32 v0, v3  }
0x125: {  	v4 =	vmul.f32 v4, v3;
	[tilespmem:s13+$0xFFFFFF10] =	vst v2;
	v2 =	vmul.f32 v7, v3  }
0x126: {  	[tilespmem:s13+$0xFFFFFF30] =	vst v1;
	v1 =	vmul.f32 v8, v3;
	v3 =	vmul.f32 v6, v3  }
0x127: {  	s8 =	sadd.s32 $0x89, s15;
	s15 =	smov.u32 s20;
	[tilespmem:s13+$0xFFFFFF80] =	vst v4  }
0x128: {  	[tilespmem:s13+$0xFFFFFF60] =	vst v1;
	v1 =	vmov s8  }
0x129: {  	[tilespmem:s13+$0xFFFFFF40] =	vst v0;
	v0 =	vld [tilespmem:s13+$0xFFFFFFF0]  }
0x12a: {  	[tilespmem:s13+$0xFFFFFF20] =	vst v5;
	v4 =	vld [tilespmem:s13+$0xFFFFFFC0]  }
0x12b: {  	[tilespmem:s13+$0xFFFFFF50] =	vst v2;
	v2 =	vld [tilespmem:s13+$0xFFFFFF90]  }
0x12c: {  	[tilespmem:s13+$0xFFFFFF70] =	vst v3;
	v3 =	vld [tilespmem:s13+$0xFFFFFFB0]  }
0x12d: {  	v1 =	vld.idx.msk [tilespmem:v1+s24+$0x0], $0xffff  }
0x12e: {  	v5 =	vld [tilespmem:s13+$0xFFFFFFA0]  }
0x12f: {  	v6 =	vld [tilespmem:s13+$0xFFFFFFE0]  }
0x130: {  	v7 =	vld [tilespmem:s13+$0xFFFFFFD0]  }
0x131: {  	v8 =	vld [tilespmem:s13+$0x0];
	_ =	sdelay $0x1  }
0x132: {  	v2 =	vmul.f32 v2, v1;
	v5 =	vmul.f32 v5, v1  }
0x133: {  	v3 =	vmul.f32 v3, v1;
	v4 =	vmul.f32 v4, v1  }
0x134: {  	v6 =	vmul.f32 v6, v1;
	[tilespmem:s13+$0xFFFFFF90] =	vst v2;
	v2 =	vmul.f32 v7, v1  }
0x135: {  	v0 =	vmul.f32 v0, v1;
	[tilespmem:s13+$0xFFFFFFB0] =	vst v3;
	v1 =	vmul.f32 v8, v1  }
0x136: {  	s8 =	sadd.s32 $0x85, s15;
	[tilespmem:s13+$0xFFFFFFC0] =	vst v4  }
0x137: {  	v3 =	vmov s8;
	[tilespmem:s13+$0xFFFFFFD0] =	vst v2  }
0x138: {  	v2 =	vld [tilespmem:s18+$0xFFFFFDE0];
	[tilespmem:s13+$0xFFFFFFE0] =	vst v6  }
0x139: {  	v4 =	vld [tilespmem:s18+$0xFFFFFDC0];
	[tilespmem:s13+$0xFFFFFFF0] =	vst v0  }
0x13a: {  	v0 =	vld [tilespmem:s18+$0xFFFFFDF0];
	[tilespmem:s13+$0x0] =	vst v1  }
0x13b: {  	v1 =	vld [tilespmem:s18+$0xFFFFFE00];
	[tilespmem:s13+$0xFFFFFFA0] =	vst v5;
	s13 =	smov.u32 s18  }
0x13c: {  	v3 =	vld.idx.msk [tilespmem:v3+s24+$0x0], $0xffff  }
0x13d: {  	v5 =	vld [tilespmem:s18+$0xFFFFFD90]  }
0x13e: {  	v6 =	vld [tilespmem:s18+$0xFFFFFDB0]  }
0x13f: {  	v7 =	vld [tilespmem:s18+$0xFFFFFDA0]  }
0x140: {  	v8 =	vld [tilespmem:s18+$0xFFFFFDD0];
	_ =	sdelay $0x1  }
0x141: {  	v1 =	vmul.f32 v1, v3;
	v5 =	vmul.f32 v5, v3  }
0x142: {  	v0 =	vmul.f32 v0, v3;
	v6 =	vmul.f32 v6, v3  }
0x143: {  	v4 =	vmul.f32 v4, v3;
	v7 =	vmul.f32 v7, v3;
	[tilespmem:s18+$0xFFFFFE00] =	vst v1  }
0x144: {  	v2 =	vmul.f32 v2, v3;
	[tilespmem:s18+$0xFFFFFD90] =	vst v5;
	v1 =	vmul.f32 v8, v3  }
0x145: {  	s8 =	sadd.s32 $0x86, s15;
	[tilespmem:s18+$0xFFFFFDB0] =	vst v6  }
0x146: {  	v3 =	vmov s8;
	[tilespmem:s18+$0xFFFFFDC0] =	vst v4  }
0x147: {  	[tilespmem:s18+$0xFFFFFDE0] =	vst v2;
	v2 =	vld [tilespmem:s18+$0xFFFFFE80]  }
0x148: {  	[tilespmem:s18+$0xFFFFFDA0] =	vst v7;
	v4 =	vld [tilespmem:s18+$0xFFFFFE60]  }
0x149: {  	[tilespmem:s18+$0xFFFFFDF0] =	vst v0;
	v0 =	vld [tilespmem:s18+$0xFFFFFE40]  }
0x14a: {  	[tilespmem:s18+$0xFFFFFDD0] =	vst v1;
	v1 =	vld [tilespmem:s18+$0xFFFFFE20]  }
0x14b: {  	v3 =	vld.idx.msk [tilespmem:v3+s24+$0x0], $0xffff  }
0x14c: {  	v5 =	vld [tilespmem:s18+$0xFFFFFE10]  }
0x14d: {  	v6 =	vld [tilespmem:s18+$0xFFFFFE30]  }
0x14e: {  	v7 =	vld [tilespmem:s18+$0xFFFFFE50]  }
0x14f: {  	v8 =	vld [tilespmem:s18+$0xFFFFFE70];
	_ =	sdelay $0x1  }
0x150: {  	v1 =	vmul.f32 v1, v3;
	v5 =	vmul.f32 v5, v3  }
0x151: {  	v0 =	vmul.f32 v0, v3;
	v6 =	vmul.f32 v6, v3  }
0x152: {  	v4 =	vmul.f32 v4, v3;
	[tilespmem:s18+$0xFFFFFE10] =	vst v5;
	v5 =	vmul.f32 v7, v3  }
0x153: {  	v2 =	vmul.f32 v2, v3;
	[tilespmem:s18+$0xFFFFFE30] =	vst v6;
	v6 =	vmul.f32 v8, v3  }
0x154: {  	s8 =	sadd.s32 $0x87, s15;
	[tilespmem:s18+$0xFFFFFE60] =	vst v4  }
0x155: {  	v3 =	vmov s8;
	[tilespmem:s18+$0xFFFFFE50] =	vst v5  }
0x156: {  	[tilespmem:s18+$0xFFFFFE20] =	vst v1;
	v4 =	vld [tilespmem:s18+$0xFFFFFF00]  }
0x157: {  	[tilespmem:s18+$0xFFFFFE40] =	vst v0;
	v0 =	vld [tilespmem:s18+$0xFFFFFEC0]  }
0x158: {  	[tilespmem:s18+$0xFFFFFE80] =	vst v2;
	v1 =	vld [tilespmem:s18+$0xFFFFFEB0]  }
0x159: {  	[tilespmem:s18+$0xFFFFFE70] =	vst v6;
	v2 =	vld [tilespmem:s18+$0xFFFFFEA0]  }
0x15a: {  	v3 =	vld.idx.msk [tilespmem:v3+s24+$0x0], $0xffff  }
0x15b: {  	v5 =	vld [tilespmem:s18+$0xFFFFFE90]  }
0x15c: {  	v6 =	vld [tilespmem:s18+$0xFFFFFEE0]  }
0x15d: {  	v7 =	vld [tilespmem:s18+$0xFFFFFED0]  }
0x15e: {  	v8 =	vld [tilespmem:s18+$0xFFFFFEF0];
	_ =	sdelay $0x1  }
0x15f: {  	v9 =	vmul.f32 v2, v3;
	v5 =	vmul.f32 v5, v3  }
.Ltmp1:
0x160: {  	v10 =	vmul.f32 v1, v3;
	v2 =	vmul.f32 v0, v3;
	(pc) =	sbr.rel @p1 .LBB2_5-.Ltmp1, $4  }
0x161: {  	v1 =	vmul.f32 v6, v3;
	[tilespmem:s18+$0xFFFFFE90] =	vst v5;
	v0 =	vmul.f32 v7, v3  }
0x162: {  	v4 =	vmul.f32 v4, v3;
	[tilespmem:s18+$0xFFFFFEC0] =	vst v2;
	v2 =	vmul.f32 v8, v3  }
0x163: {  	s8 =	sadd.s32 $0x88, s15;
	[tilespmem:s18+$0xFFFFFEB0] =	vst v10  }
0x164: {  	v3 =	vmov s8;
	[tilespmem:s18+$0xFFFFFEA0] =	vst v9  }
0x165: {  	[tilespmem:s13+$0xFFFFFF00] =	vst v4  }
0x166: {  	[tilespmem:s13+$0xFFFFFEE0] =	vst v1  }
0x167: {  	[tilespmem:s13+$0xFFFFFEF0] =	vst v2  }
0x168: {  	v1 =	vld [tilespmem:s13+$0xFFFFFF10];
	[tilespmem:s13+$0xFFFFFED0] =	vst v0  }
0x169: {  	v0 =	vld.idx.msk [tilespmem:v3+s24+$0x0], $0xffff  }
0x16a: {  	v2 =	vld [tilespmem:s13+$0xFFFFFF30]  }
0x16b: {  	v3 =	vld [tilespmem:s13+$0xFFFFFF80]  }
0x16c: {  	v4 =	vld [tilespmem:s13+$0xFFFFFF60]  }
0x16d: {  	v5 =	vld [tilespmem:s13+$0xFFFFFF40]  }
0x16e: {  	v7 =	vld [tilespmem:s13+$0xFFFFFF50];
	v1 =	vmul.f32 v1, v0  }
0x16f: {  	v6 =	vld [tilespmem:s13+$0xFFFFFF20];
	v2 =	vmul.f32 v2, v0  }
0x170: {  	v8 =	vld [tilespmem:s13+$0xFFFFFF70];
	[tilespmem:s13+$0xFFFFFF10] =	vst v1;
	v1 =	vmul.f32 v3, v0  }
0x171: {  	[tilespmem:s13+$0xFFFFFF30] =	vst v2;
	v2 =	vmul.f32 v4, v0  }
0x172: {  	s8 =	sadd.s32 $0x89, s15;
	v3 =	vmul.f32 v5, v0;
	[tilespmem:s13+$0xFFFFFF80] =	vst v1  }
0x173: {  	v4 =	vmul.f32 v7, v0;
	[tilespmem:s13+$0xFFFFFF60] =	vst v2;
	v2 =	vmov s8  }
0x174: {  	v1 =	vmul.f32 v6, v0;
	[tilespmem:s13+$0xFFFFFF40] =	vst v3  }
0x175: {  	v0 =	vmul.f32 v8, v0;
	[tilespmem:s13+$0xFFFFFF50] =	vst v4  }
0x176: {  	[tilespmem:s13+$0xFFFFFF20] =	vst v1  }
0x177: {  	v1 =	vld [tilespmem:s13+$0xFFFFFF90];
	[tilespmem:s13+$0xFFFFFF70] =	vst v0  }
0x178: {  	v0 =	vld.idx.msk [tilespmem:v2+s24+$0x0], $0xffff  }
0x179: {  	v2 =	vld [tilespmem:s13+$0xFFFFFFB0]  }
0x17a: {  	v4 =	vld [tilespmem:s13+$0xFFFFFFC0]  }
0x17b: {  	v3 =	vld [tilespmem:s13+$0xFFFFFFF0]  }
0x17c: {  	v5 =	vld [tilespmem:s13+$0xFFFFFFD0]  }
0x17d: {  	v6 =	vld [tilespmem:s13+$0xFFFFFFE0];
	v1 =	vmul.f32 v1, v0  }
0x17e: {  	v60 =	vld [tilespmem:s13+$0x0];
	v2 =	vmul.f32 v2, v0  }
0x17f: {  	v7 =	vld [tilespmem:s13+$0xFFFFFFA0];
	v4 =	vmul.f32 v4, v0;
	[tilespmem:s13+$0xFFFFFF90] =	vst v1  }
0x180: {  	v3 =	vmul.f32 v3, v0;
	[tilespmem:s13+$0xFFFFFFB0] =	vst v2  }
0x181: {  	v1 =	vmul.f32 v5, v0;
	[tilespmem:s13+$0xFFFFFFC0] =	vst v4  }
0x182: {  	v2 =	vmul.f32 v6, v0;
	[tilespmem:s13+$0xFFFFFFF0] =	vst v3  }
0x183: {  	[tilespmem:s13+$0xFFFFFFD0] =	vst v1;
	v1 =	vmul.f32 v60, v0  }
0x184: {  	[tilespmem:s13+$0xFFFFFFE0] =	vst v2;
	v0 =	vmul.f32 v7, v0  }
0x185: {  	[tilespmem:s13+$0x0] =	vst v1  }
0x186: {  	s19 =	sadd.s32 $0x2738, s14;
	[tilespmem:s13+$0xFFFFFFA0] =	vst v0  }
0x187: {  	[spmem:s4] =	stream.indirect.scatter.add.f32 [tilespmem:s25], [sflag:$0x7], $0x80, s19, s22, $0xb8;
	[tilespmem:$0x1ED20] =	vst v63  }
0x188: {  	_ =	swait.ge [sflag:s30], $0x1400  }
0x189: {  	[sflag:s30] =	ssyncset.done $0x0  }
0x18a: {  	[sflag:s30] =	ssyncadd.s32 $0xFFFFEC00  }
0x18b: {  	_ =	swait.ge [sflag:s30], $0x28  }
0x18c: {  	p1 =	seq.s32 s9, $0x31;
	[sflag:s30] =	ssyncset.done $0x0  }
0x18d: {  	s8 =	simm.s32 @!p1 $0x6;
	[sflag:s30] =	ssyncadd.s32 $0xFFFFFFD8  }
0x18e: {  	s13 =	smul.u32 @!p1 $0xC8, s9;
	_ =	swait.ge @!p1 [sflag:s8], $0x1400  }
0x18f: {  	s20 =	simm.s32 $0x100;
	s15 =	simm.s32 @!p1 $0x28;
	[sflag:s8] =	ssyncset.done @!p1 $0x0  }
0x190: {  	s16 =	simm.s32 @!p1 $0x50A0;
	[sflag:s8] =	ssyncadd.s32 @!p1 $0xFFFFEC00;
	s8 =	sadd.s32 @!p1 $0xC8, s13  }
0x191: {  	[tilespmem:s16], [sflag:$0x1] =	stream.indirect.gather @!p1 [hbm4b:s1+s15], $0x80, s8, s15, $0xb8;
	[tilespmem:$0x1ED20] =	vst v63  }
0x192: {  	v0 =	vmov s20;
	s8 =	sadd.s32 @!p1 s6, s8  }
0x193: {  	s18 =	simm.s32 @!p1 $0x4E20;
	s8 =	sshrl.u32 @!p1 s8, $0x3  }
0x194: {  	s16 =	simm.s32 @!p1 $0x0;
	s15 =	simm.s32 $0x7B10;
	s8 =	sadd.s32 @!p1 s2, s8  }
0x195: {  	[tilespmem:s18], [sflag:$0x1] =	stream.linear.gather @!p1 [hbm4b:s8+s16], $0x28, $0x38;
	[tilespmem:$0x1ED20] =	vst v63  }
0x196: {  	v2 =	vld [tilespmem:s15+$0xFFFFFE00]  }
0x197: {  	v0 =	vld.idx.msk [tilespmem:v0+s24+$0x0], $0xffff  }
0x198: {  	v3 =	vld [tilespmem:s15+$0xFFFFFD90]  }
0x199: {  	v4 =	vld [tilespmem:s15+$0xFFFFFDB0]  }
0x19a: {  	v5 =	vld [tilespmem:s15+$0xFFFFFDC0]  }
0x19b: {  	v1 =	vld [tilespmem:s15+$0xFFFFFDE0]  }
0x19c: {  	v7 =	vld [tilespmem:s15+$0xFFFFFDA0];
	v2 =	vmul.f32 v2, v0  }
0x19d: {  	v6 =	vld [tilespmem:s15+$0xFFFFFDF0];
	v3 =	vmul.f32 v3, v0  }
0x19e: {  	v61 =	vld [tilespmem:s15+$0xFFFFFDD0];
	v4 =	vmul.f32 v4, v0;
	[tilespmem:s15+$0xFFFFFE00] =	vst v2  }
0x19f: {  	v2 =	vmul.f32 v5, v0;
	[tilespmem:s15+$0xFFFFFD90] =	vst v3  }
0x1a0: {  	s18 =	simm.s32 $0x101;
	v1 =	vmul.f32 v1, v0;
	[tilespmem:s15+$0xFFFFFDB0] =	vst v4  }
0x1a1: {  	v3 =	vmul.f32 v7, v0;
	[tilespmem:s15+$0xFFFFFDC0] =	vst v2;
	v2 =	vmov s18  }
0x1a2: {  	v4 =	vmul.f32 v6, v0;
	[tilespmem:s15+$0xFFFFFDE0] =	vst v1  }
0x1a3: {  	v0 =	vmul.f32 v61, v0;
	[tilespmem:s15+$0xFFFFFDA0] =	vst v3  }
0x1a4: {  	[tilespmem:s15+$0xFFFFFDF0] =	vst v4  }
0x1a5: {  	v1 =	vld [tilespmem:s15+$0xFFFFFE10];
	[tilespmem:s15+$0xFFFFFDD0] =	vst v0  }
0x1a6: {  	v0 =	vld.idx.msk [tilespmem:v2+s24+$0x0], $0xffff  }
0x1a7: {  	v2 =	vld [tilespmem:s15+$0xFFFFFE30]  }
0x1a8: {  	v3 =	vld [tilespmem:s15+$0xFFFFFE60]  }
0x1a9: {  	v4 =	vld [tilespmem:s15+$0xFFFFFE50]  }
0x1aa: {  	v5 =	vld [tilespmem:s15+$0xFFFFFE20]  }
0x1ab: {  	v7 =	vld [tilespmem:s15+$0xFFFFFE80];
	v1 =	vmul.f32 v1, v0  }
0x1ac: {  	v6 =	vld [tilespmem:s15+$0xFFFFFE40];
	v2 =	vmul.f32 v2, v0  }
0x1ad: {  	v62 =	vld [tilespmem:s15+$0xFFFFFE70];
	[tilespmem:s15+$0xFFFFFE10] =	vst v1;
	v1 =	vmul.f32 v3, v0  }
0x1ae: {  	v3 =	vmul.f32 v4, v0;
	[tilespmem:s15+$0xFFFFFE30] =	vst v2  }
0x1af: {  	s19 =	simm.s32 $0x102;
	v2 =	vmul.f32 v5, v0;
	[tilespmem:s15+$0xFFFFFE60] =	vst v1  }
0x1b0: {  	v4 =	vmul.f32 v7, v0;
	[tilespmem:s15+$0xFFFFFE50] =	vst v3;
	v3 =	vmov s19  }
0x1b1: {  	v1 =	vmul.f32 v6, v0;
	[tilespmem:s15+$0xFFFFFE20] =	vst v2  }
0x1b2: {  	v63 =	vld [tilespmem:s15+$0xFFFFFEF0];
	v0 =	vmul.f32 v62, v0;
	[tilespmem:s15+$0xFFFFFE80] =	vst v4  }
0x1b3: {  	v5 =	vld [tilespmem:s15+$0xFFFFFF00];
	[tilespmem:s15+$0xFFFFFE40] =	vst v1  }
0x1b4: {  	[tilespmem:s15+$0xFFFFFE70] =	vst v0;
	v0 =	vld [tilespmem:s15+$0xFFFFFE90]  }
0x1b5: {  	v3 =	vld.idx.msk [tilespmem:v3+s24+$0x0], $0xffff  }
0x1b6: {  	v1 =	vld [tilespmem:s15+$0xFFFFFEC0]  }
0x1b7: {  	v2 =	vld [tilespmem:s15+$0xFFFFFEB0]  }
0x1b8: {  	v4 =	vld [tilespmem:s15+$0xFFFFFEA0]  }
0x1b9: {  	v7 =	vld [tilespmem:s15+$0xFFFFFED0]  }
0x1ba: {  	v6 =	vld [tilespmem:s15+$0xFFFFFEE0];
	v0 =	vmul.f32 v0, v3  }
0x1bb: {  	v1 =	vmul.f32 v1, v3  }
0x1bc: {  	v2 =	vmul.f32 v2, v3;
	[tilespmem:s15+$0xFFFFFE90] =	vst v0  }
0x1bd: {  	v9 =	vmul.f32 v4, v3;
	[tilespmem:s15+$0xFFFFFEC0] =	vst v1  }
0x1be: {  	s20 =	simm.s32 $0x103;
	v4 =	vmul.f32 v5, v3;
	v0 =	vmul.f32 v7, v3;
	[tilespmem:s15+$0xFFFFFEB0] =	vst v2  }
0x1bf: {  	s16 =	simm.s32 $0xFFFFFFFB;
	s18 =	simm.s32 $0x0;
	v1 =	vmul.f32 v6, v3;
	v2 =	vmul.f32 v63, v3;
	[tilespmem:s15+$0xFFFFFEA0] =	vst v9;
	v3 =	vmov s20;
	s20 =	simm.s32 $0x7B10  }
.LBB2_7:
0x1c0: {  	[tilespmem:s15+$0xFFFFFF00] =	vst v4;
	v4 =	vld [tilespmem:s15+$0xFFFFFF80];
	s20 =	sadd.s32 $0x280, s20;
	s8 =	smov.u32 s18;
	s18 =	sadd.s32 $0x5, s18  }
0x1c1: {  	p2 =	slt.u32 s18, $0x23;
	[tilespmem:s15+$0xFFFFFEE0] =	vst v1;
	v1 =	vld [tilespmem:s15+$0xFFFFFF30]  }
0x1c2: {  	[tilespmem:s15+$0xFFFFFEF0] =	vst v2;
	v2 =	vld [tilespmem:s15+$0xFFFFFF10]  }
0x1c3: {  	[tilespmem:s15+$0xFFFFFED0] =	vst v0;
	v0 =	vld [tilespmem:s15+$0xFFFFFF40]  }
0x1c4: {  	v3 =	vld.idx.msk [tilespmem:v3+s24+$0x0], $0xffff  }
0x1c5: {  	v5 =	vld [tilespmem:s15+$0xFFFFFF20]  }
0x1c6: {  	v6 =	vld [tilespmem:s15+$0xFFFFFF70]  }
0x1c7: {  	v7 =	vld [tilespmem:s15+$0xFFFFFF50]  }
0x1c8: {  	v8 =	vld [tilespmem:s15+$0xFFFFFF60];
	_ =	sdelay $0x1  }
0x1c9: {  	v2 =	vmul.f32 v2, v3;
	v5 =	vmul.f32 v5, v3  }
0x1ca: {  	v1 =	vmul.f32 v1, v3;
	v0 =	vmul.f32 v0, v3  }
0x1cb: {  	v4 =	vmul.f32 v4, v3;
	[tilespmem:s15+$0xFFFFFF10] =	vst v2;
	v2 =	vmul.f32 v7, v3  }
0x1cc: {  	[tilespmem:s15+$0xFFFFFF30] =	vst v1;
	v1 =	vmul.f32 v8, v3;
	v3 =	vmul.f32 v6, v3  }
0x1cd: {  	s19 =	sadd.s32 $0x109, s16;
	s16 =	smov.u32 s8;
	[tilespmem:s15+$0xFFFFFF80] =	vst v4  }
0x1ce: {  	[tilespmem:s15+$0xFFFFFF60] =	vst v1;
	v1 =	vmov s19  }
0x1cf: {  	[tilespmem:s15+$0xFFFFFF40] =	vst v0;
	v0 =	vld [tilespmem:s15+$0xFFFFFFF0]  }
0x1d0: {  	[tilespmem:s15+$0xFFFFFF20] =	vst v5;
	v4 =	vld [tilespmem:s15+$0xFFFFFFC0]  }
0x1d1: {  	[tilespmem:s15+$0xFFFFFF50] =	vst v2;
	v2 =	vld [tilespmem:s15+$0xFFFFFF90]  }
0x1d2: {  	[tilespmem:s15+$0xFFFFFF70] =	vst v3;
	v3 =	vld [tilespmem:s15+$0xFFFFFFB0]  }
0x1d3: {  	v1 =	vld.idx.msk [tilespmem:v1+s24+$0x0], $0xffff  }
0x1d4: {  	v5 =	vld [tilespmem:s15+$0xFFFFFFA0]  }
0x1d5: {  	v6 =	vld [tilespmem:s15+$0xFFFFFFE0]  }
0x1d6: {  	v7 =	vld [tilespmem:s15+$0xFFFFFFD0]  }
0x1d7: {  	v8 =	vld [tilespmem:s15+$0x0];
	_ =	sdelay $0x1  }
0x1d8: {  	v2 =	vmul.f32 v2, v1;
	v5 =	vmul.f32 v5, v1  }
0x1d9: {  	v3 =	vmul.f32 v3, v1;
	v4 =	vmul.f32 v4, v1  }
0x1da: {  	v6 =	vmul.f32 v6, v1;
	[tilespmem:s15+$0xFFFFFF90] =	vst v2;
	v2 =	vmul.f32 v7, v1  }
0x1db: {  	v0 =	vmul.f32 v0, v1;
	[tilespmem:s15+$0xFFFFFFB0] =	vst v3;
	v1 =	vmul.f32 v8, v1  }
0x1dc: {  	s8 =	sadd.s32 $0x105, s16;
	[tilespmem:s15+$0xFFFFFFC0] =	vst v4  }
0x1dd: {  	v3 =	vmov s8;
	[tilespmem:s15+$0xFFFFFFD0] =	vst v2  }
0x1de: {  	v2 =	vld [tilespmem:s20+$0xFFFFFDE0];
	[tilespmem:s15+$0xFFFFFFE0] =	vst v6  }
0x1df: {  	v4 =	vld [tilespmem:s20+$0xFFFFFDC0];
	[tilespmem:s15+$0xFFFFFFF0] =	vst v0  }
0x1e0: {  	v0 =	vld [tilespmem:s20+$0xFFFFFDF0];
	[tilespmem:s15+$0x0] =	vst v1  }
0x1e1: {  	v1 =	vld [tilespmem:s20+$0xFFFFFE00];
	[tilespmem:s15+$0xFFFFFFA0] =	vst v5;
	s15 =	smov.u32 s20  }
0x1e2: {  	v3 =	vld.idx.msk [tilespmem:v3+s24+$0x0], $0xffff  }
0x1e3: {  	v5 =	vld [tilespmem:s20+$0xFFFFFD90]  }
0x1e4: {  	v6 =	vld [tilespmem:s20+$0xFFFFFDB0]  }
0x1e5: {  	v7 =	vld [tilespmem:s20+$0xFFFFFDA0]  }
0x1e6: {  	v8 =	vld [tilespmem:s20+$0xFFFFFDD0];
	_ =	sdelay $0x1  }
0x1e7: {  	v1 =	vmul.f32 v1, v3;
	v5 =	vmul.f32 v5, v3  }
0x1e8: {  	v0 =	vmul.f32 v0, v3;
	v6 =	vmul.f32 v6, v3  }
0x1e9: {  	v4 =	vmul.f32 v4, v3;
	v7 =	vmul.f32 v7, v3;
	[tilespmem:s20+$0xFFFFFE00] =	vst v1  }
0x1ea: {  	v2 =	vmul.f32 v2, v3;
	[tilespmem:s20+$0xFFFFFD90] =	vst v5;
	v1 =	vmul.f32 v8, v3  }
0x1eb: {  	s8 =	sadd.s32 $0x106, s16;
	[tilespmem:s20+$0xFFFFFDB0] =	vst v6  }
0x1ec: {  	v3 =	vmov s8;
	[tilespmem:s20+$0xFFFFFDC0] =	vst v4  }
0x1ed: {  	[tilespmem:s20+$0xFFFFFDE0] =	vst v2;
	v2 =	vld [tilespmem:s20+$0xFFFFFE80]  }
0x1ee: {  	[tilespmem:s20+$0xFFFFFDA0] =	vst v7;
	v4 =	vld [tilespmem:s20+$0xFFFFFE60]  }
0x1ef: {  	[tilespmem:s20+$0xFFFFFDF0] =	vst v0;
	v0 =	vld [tilespmem:s20+$0xFFFFFE40]  }
0x1f0: {  	[tilespmem:s20+$0xFFFFFDD0] =	vst v1;
	v1 =	vld [tilespmem:s20+$0xFFFFFE20]  }
0x1f1: {  	v3 =	vld.idx.msk [tilespmem:v3+s24+$0x0], $0xffff  }
0x1f2: {  	v5 =	vld [tilespmem:s20+$0xFFFFFE10]  }
0x1f3: {  	v6 =	vld [tilespmem:s20+$0xFFFFFE30]  }
0x1f4: {  	v7 =	vld [tilespmem:s20+$0xFFFFFE50]  }
0x1f5: {  	v8 =	vld [tilespmem:s20+$0xFFFFFE70];
	_ =	sdelay $0x1  }
0x1f6: {  	v1 =	vmul.f32 v1, v3;
	v5 =	vmul.f32 v5, v3  }
0x1f7: {  	v0 =	vmul.f32 v0, v3;
	v6 =	vmul.f32 v6, v3  }
0x1f8: {  	v4 =	vmul.f32 v4, v3;
	[tilespmem:s20+$0xFFFFFE10] =	vst v5;
	v5 =	vmul.f32 v7, v3  }
0x1f9: {  	v2 =	vmul.f32 v2, v3;
	[tilespmem:s20+$0xFFFFFE30] =	vst v6;
	v6 =	vmul.f32 v8, v3  }
0x1fa: {  	s8 =	sadd.s32 $0x107, s16;
	[tilespmem:s20+$0xFFFFFE60] =	vst v4  }
0x1fb: {  	v3 =	vmov s8;
	[tilespmem:s20+$0xFFFFFE50] =	vst v5  }
0x1fc: {  	[tilespmem:s20+$0xFFFFFE20] =	vst v1;
	v4 =	vld [tilespmem:s20+$0xFFFFFF00]  }
0x1fd: {  	[tilespmem:s20+$0xFFFFFE40] =	vst v0;
	v0 =	vld [tilespmem:s20+$0xFFFFFEC0]  }
0x1fe: {  	[tilespmem:s20+$0xFFFFFE80] =	vst v2;
	v1 =	vld [tilespmem:s20+$0xFFFFFEB0]  }
0x1ff: {  	[tilespmem:s20+$0xFFFFFE70] =	vst v6;
	v2 =	vld [tilespmem:s20+$0xFFFFFEA0]  }
0x200: {  	v3 =	vld.idx.msk [tilespmem:v3+s24+$0x0], $0xffff  }
0x201: {  	v5 =	vld [tilespmem:s20+$0xFFFFFE90]  }
0x202: {  	v6 =	vld [tilespmem:s20+$0xFFFFFEE0]  }
0x203: {  	v7 =	vld [tilespmem:s20+$0xFFFFFED0]  }
0x204: {  	v8 =	vld [tilespmem:s20+$0xFFFFFEF0];
	_ =	sdelay $0x1  }
0x205: {  	v9 =	vmul.f32 v2, v3;
	v5 =	vmul.f32 v5, v3  }
.Ltmp2:
0x206: {  	v10 =	vmul.f32 v1, v3;
	v2 =	vmul.f32 v0, v3;
	(pc) =	sbr.rel @p2 .LBB2_7-.Ltmp2, $4  }
0x207: {  	v1 =	vmul.f32 v6, v3;
	[tilespmem:s20+$0xFFFFFE90] =	vst v5;
	v0 =	vmul.f32 v7, v3  }
0x208: {  	v4 =	vmul.f32 v4, v3;
	[tilespmem:s20+$0xFFFFFEC0] =	vst v2;
	v2 =	vmul.f32 v8, v3  }
0x209: {  	s8 =	sadd.s32 $0x108, s16;
	[tilespmem:s20+$0xFFFFFEB0] =	vst v10  }
0x20a: {  	v3 =	vmov s8;
	[tilespmem:s20+$0xFFFFFEA0] =	vst v9  }
0x20b: {  	[tilespmem:s15+$0xFFFFFF00] =	vst v4  }
0x20c: {  	[tilespmem:s15+$0xFFFFFEE0] =	vst v1  }
0x20d: {  	[tilespmem:s15+$0xFFFFFEF0] =	vst v2  }
0x20e: {  	v1 =	vld [tilespmem:s15+$0xFFFFFF10];
	[tilespmem:s15+$0xFFFFFED0] =	vst v0  }
0x20f: {  	v0 =	vld.idx.msk [tilespmem:v3+s24+$0x0], $0xffff  }
0x210: {  	v2 =	vld [tilespmem:s15+$0xFFFFFF30]  }
0x211: {  	v3 =	vld [tilespmem:s15+$0xFFFFFF80]  }
0x212: {  	v4 =	vld [tilespmem:s15+$0xFFFFFF60]  }
0x213: {  	v5 =	vld [tilespmem:s15+$0xFFFFFF40]  }
0x214: {  	v7 =	vld [tilespmem:s15+$0xFFFFFF50];
	v1 =	vmul.f32 v1, v0  }
0x215: {  	v6 =	vld [tilespmem:s15+$0xFFFFFF20];
	v2 =	vmul.f32 v2, v0  }
0x216: {  	v8 =	vld [tilespmem:s15+$0xFFFFFF70];
	[tilespmem:s15+$0xFFFFFF10] =	vst v1;
	v1 =	vmul.f32 v3, v0  }
0x217: {  	[tilespmem:s15+$0xFFFFFF30] =	vst v2;
	v2 =	vmul.f32 v4, v0  }
0x218: {  	s8 =	sadd.s32 $0x109, s16;
	v3 =	vmul.f32 v5, v0;
	[tilespmem:s15+$0xFFFFFF80] =	vst v1  }
0x219: {  	v4 =	vmul.f32 v7, v0;
	[tilespmem:s15+$0xFFFFFF60] =	vst v2;
	v2 =	vmov s8  }
0x21a: {  	v1 =	vmul.f32 v6, v0;
	[tilespmem:s15+$0xFFFFFF40] =	vst v3  }
0x21b: {  	v0 =	vmul.f32 v8, v0;
	[tilespmem:s15+$0xFFFFFF50] =	vst v4  }
0x21c: {  	[tilespmem:s15+$0xFFFFFF20] =	vst v1  }
0x21d: {  	v1 =	vld [tilespmem:s15+$0xFFFFFF90];
	[tilespmem:s15+$0xFFFFFF70] =	vst v0  }
0x21e: {  	v0 =	vld.idx.msk [tilespmem:v2+s24+$0x0], $0xffff  }
0x21f: {  	v2 =	vld [tilespmem:s15+$0xFFFFFFB0]  }
0x220: {  	v4 =	vld [tilespmem:s15+$0xFFFFFFC0]  }
0x221: {  	v3 =	vld [tilespmem:s15+$0xFFFFFFF0]  }
0x222: {  	v5 =	vld [tilespmem:s15+$0xFFFFFFD0]  }
0x223: {  	v6 =	vld [tilespmem:s15+$0xFFFFFFE0];
	v1 =	vmul.f32 v1, v0  }
0x224: {  	v60 =	vld [tilespmem:s15+$0x0];
	v2 =	vmul.f32 v2, v0  }
0x225: {  	v7 =	vld [tilespmem:s15+$0xFFFFFFA0];
	v4 =	vmul.f32 v4, v0;
	[tilespmem:s15+$0xFFFFFF90] =	vst v1  }
0x226: {  	v3 =	vmul.f32 v3, v0;
	[tilespmem:s15+$0xFFFFFFB0] =	vst v2  }
0x227: {  	v1 =	vmul.f32 v5, v0;
	[tilespmem:s15+$0xFFFFFFC0] =	vst v4  }
0x228: {  	v2 =	vmul.f32 v6, v0;
	[tilespmem:s15+$0xFFFFFFF0] =	vst v3  }
0x229: {  	[tilespmem:s15+$0xFFFFFFD0] =	vst v1;
	v1 =	vmul.f32 v60, v0  }
0x22a: {  	[tilespmem:s15+$0xFFFFFFE0] =	vst v2;
	v0 =	vmul.f32 v7, v0  }
0x22b: {  	[tilespmem:s15+$0x0] =	vst v1  }
0x22c: {  	s19 =	sadd.s32 $0x2760, s14;
	[tilespmem:s15+$0xFFFFFFA0] =	vst v0  }
0x22d: {  	[spmem:s4] =	stream.indirect.scatter.add.f32 [tilespmem:s29], [sflag:$0x8], $0x80, s19, s22, $0xb8;
	[tilespmem:$0x1ED20] =	vst v63  }
0x22e: {  	_ =	swait.ge [sflag:s7], $0x1400  }
0x22f: {  	[sflag:s7] =	ssyncset.done $0x0  }
0x230: {  	[sflag:s7] =	ssyncadd.s32 $0xFFFFEC00  }
0x231: {  	_ =	swait.ge [sflag:s7], $0x28  }
0x232: {  	[sflag:s7] =	ssyncset.done $0x0  }
0x233: {  	s8 =	simm.s32 @!p1 $0x7;
	[sflag:s7] =	ssyncadd.s32 $0xFFFFFFD8  }
0x234: {  	_ =	swait.ge @!p1 [sflag:s8], $0x1400  }
0x235: {  	s14 =	simm.s32 @!p1 $0x28;
	s20 =	simm.s32 $0x180;
	[sflag:s8] =	ssyncset.done @!p1 $0x0  }
0x236: {  	s15 =	simm.s32 @!p1 $0x64A0;
	[sflag:s8] =	ssyncadd.s32 @!p1 $0xFFFFEC00;
	s8 =	sadd.s32 @!p1 $0xF0, s13  }
0x237: {  	[tilespmem:s15], [sflag:$0x2] =	stream.indirect.gather @!p1 [hbm4b:s1+s14], $0x80, s8, s14, $0xb8;
	[tilespmem:$0x1ED20] =	vst v63  }
0x238: {  	v0 =	vmov s20;
	s8 =	sadd.s32 @!p1 s6, s8  }
0x239: {  	s16 =	simm.s32 @!p1 $0x4EA0;
	s8 =	sshrl.u32 @!p1 s8, $0x3  }
0x23a: {  	s15 =	simm.s32 @!p1 $0x0;
	s14 =	simm.s32 $0x8F10;
	s8 =	sadd.s32 @!p1 s2, s8  }
0x23b: {  	[tilespmem:s16], [sflag:$0x2] =	stream.linear.gather @!p1 [hbm4b:s8+s15], $0x28, $0x38;
	[tilespmem:$0x1ED20] =	vst v63  }
0x23c: {  	v2 =	vld [tilespmem:s14+$0xFFFFFE00]  }
0x23d: {  	v0 =	vld.idx.msk [tilespmem:v0+s24+$0x0], $0xffff  }
0x23e: {  	v3 =	vld [tilespmem:s14+$0xFFFFFD90]  }
0x23f: {  	v4 =	vld [tilespmem:s14+$0xFFFFFDB0]  }
0x240: {  	v5 =	vld [tilespmem:s14+$0xFFFFFDC0]  }
0x241: {  	v1 =	vld [tilespmem:s14+$0xFFFFFDE0]  }
0x242: {  	v7 =	vld [tilespmem:s14+$0xFFFFFDA0];
	v2 =	vmul.f32 v2, v0  }
0x243: {  	v6 =	vld [tilespmem:s14+$0xFFFFFDF0];
	v3 =	vmul.f32 v3, v0  }
0x244: {  	v61 =	vld [tilespmem:s14+$0xFFFFFDD0];
	v4 =	vmul.f32 v4, v0;
	[tilespmem:s14+$0xFFFFFE00] =	vst v2  }
0x245: {  	v2 =	vmul.f32 v5, v0;
	[tilespmem:s14+$0xFFFFFD90] =	vst v3  }
0x246: {  	s18 =	simm.s32 $0x181;
	v1 =	vmul.f32 v1, v0;
	[tilespmem:s14+$0xFFFFFDB0] =	vst v4  }
0x247: {  	v3 =	vmul.f32 v7, v0;
	[tilespmem:s14+$0xFFFFFDC0] =	vst v2;
	v2 =	vmov s18  }
0x248: {  	v4 =	vmul.f32 v6, v0;
	[tilespmem:s14+$0xFFFFFDE0] =	vst v1  }
0x249: {  	v0 =	vmul.f32 v61, v0;
	[tilespmem:s14+$0xFFFFFDA0] =	vst v3  }
0x24a: {  	[tilespmem:s14+$0xFFFFFDF0] =	vst v4  }
0x24b: {  	v1 =	vld [tilespmem:s14+$0xFFFFFE10];
	[tilespmem:s14+$0xFFFFFDD0] =	vst v0  }
0x24c: {  	v0 =	vld.idx.msk [tilespmem:v2+s24+$0x0], $0xffff  }
0x24d: {  	v2 =	vld [tilespmem:s14+$0xFFFFFE30]  }
0x24e: {  	v3 =	vld [tilespmem:s14+$0xFFFFFE60]  }
0x24f: {  	v4 =	vld [tilespmem:s14+$0xFFFFFE50]  }
0x250: {  	v5 =	vld [tilespmem:s14+$0xFFFFFE20]  }
0x251: {  	v7 =	vld [tilespmem:s14+$0xFFFFFE80];
	v1 =	vmul.f32 v1, v0  }
0x252: {  	v6 =	vld [tilespmem:s14+$0xFFFFFE40];
	v2 =	vmul.f32 v2, v0  }
0x253: {  	v62 =	vld [tilespmem:s14+$0xFFFFFE70];
	[tilespmem:s14+$0xFFFFFE10] =	vst v1;
	v1 =	vmul.f32 v3, v0  }
0x254: {  	v3 =	vmul.f32 v4, v0;
	[tilespmem:s14+$0xFFFFFE30] =	vst v2  }
0x255: {  	s19 =	simm.s32 $0x182;
	v2 =	vmul.f32 v5, v0;
	[tilespmem:s14+$0xFFFFFE60] =	vst v1  }
0x256: {  	v4 =	vmul.f32 v7, v0;
	[tilespmem:s14+$0xFFFFFE50] =	vst v3;
	v3 =	vmov s19  }
0x257: {  	v1 =	vmul.f32 v6, v0;
	[tilespmem:s14+$0xFFFFFE20] =	vst v2  }
0x258: {  	v63 =	vld [tilespmem:s14+$0xFFFFFEF0];
	v0 =	vmul.f32 v62, v0;
	[tilespmem:s14+$0xFFFFFE80] =	vst v4  }
0x259: {  	v5 =	vld [tilespmem:s14+$0xFFFFFF00];
	[tilespmem:s14+$0xFFFFFE40] =	vst v1  }
0x25a: {  	[tilespmem:s14+$0xFFFFFE70] =	vst v0;
	v0 =	vld [tilespmem:s14+$0xFFFFFE90]  }
0x25b: {  	v3 =	vld.idx.msk [tilespmem:v3+s24+$0x0], $0xffff  }
0x25c: {  	v1 =	vld [tilespmem:s14+$0xFFFFFEC0]  }
0x25d: {  	v2 =	vld [tilespmem:s14+$0xFFFFFEB0]  }
0x25e: {  	v4 =	vld [tilespmem:s14+$0xFFFFFEA0]  }
0x25f: {  	v7 =	vld [tilespmem:s14+$0xFFFFFED0]  }
0x260: {  	v6 =	vld [tilespmem:s14+$0xFFFFFEE0];
	v0 =	vmul.f32 v0, v3  }
0x261: {  	v1 =	vmul.f32 v1, v3  }
0x262: {  	v2 =	vmul.f32 v2, v3;
	[tilespmem:s14+$0xFFFFFE90] =	vst v0  }
0x263: {  	v9 =	vmul.f32 v4, v3;
	[tilespmem:s14+$0xFFFFFEC0] =	vst v1  }
0x264: {  	s20 =	simm.s32 $0x183;
	v4 =	vmul.f32 v5, v3;
	v0 =	vmul.f32 v7, v3;
	[tilespmem:s14+$0xFFFFFEB0] =	vst v2  }
0x265: {  	s15 =	simm.s32 $0xFFFFFFFB;
	s16 =	simm.s32 $0x0;
	s18 =	simm.s32 $0x8F10;
	v1 =	vmul.f32 v6, v3;
	v2 =	vmul.f32 v63, v3;
	[tilespmem:s14+$0xFFFFFEA0] =	vst v9;
	v3 =	vmov s20  }
.LBB2_9:
0x266: {  	[tilespmem:s14+$0xFFFFFF00] =	vst v4;
	v4 =	vld [tilespmem:s14+$0xFFFFFF80];
	s18 =	sadd.s32 $0x280, s18;
	s8 =	smov.u32 s16;
	s16 =	sadd.s32 $0x5, s16  }
0x267: {  	p2 =	slt.u32 s16, $0x23;
	[tilespmem:s14+$0xFFFFFEE0] =	vst v1;
	v1 =	vld [tilespmem:s14+$0xFFFFFF30]  }
0x268: {  	[tilespmem:s14+$0xFFFFFEF0] =	vst v2;
	v2 =	vld [tilespmem:s14+$0xFFFFFF10]  }
0x269: {  	[tilespmem:s14+$0xFFFFFED0] =	vst v0;
	v0 =	vld [tilespmem:s14+$0xFFFFFF40]  }
0x26a: {  	v3 =	vld.idx.msk [tilespmem:v3+s24+$0x0], $0xffff  }
0x26b: {  	v5 =	vld [tilespmem:s14+$0xFFFFFF20]  }
0x26c: {  	v6 =	vld [tilespmem:s14+$0xFFFFFF70]  }
0x26d: {  	v7 =	vld [tilespmem:s14+$0xFFFFFF50]  }
0x26e: {  	v8 =	vld [tilespmem:s14+$0xFFFFFF60];
	_ =	sdelay $0x1  }
0x26f: {  	v2 =	vmul.f32 v2, v3;
	v5 =	vmul.f32 v5, v3  }
0x270: {  	v1 =	vmul.f32 v1, v3;
	v0 =	vmul.f32 v0, v3  }
0x271: {  	v4 =	vmul.f32 v4, v3;
	[tilespmem:s14+$0xFFFFFF10] =	vst v2;
	v2 =	vmul.f32 v7, v3  }
0x272: {  	[tilespmem:s14+$0xFFFFFF30] =	vst v1;
	v1 =	vmul.f32 v8, v3;
	v3 =	vmul.f32 v6, v3  }
0x273: {  	s19 =	sadd.s32 $0x189, s15;
	s15 =	smov.u32 s8;
	[tilespmem:s14+$0xFFFFFF80] =	vst v4  }
0x274: {  	[tilespmem:s14+$0xFFFFFF60] =	vst v1;
	v1 =	vmov s19  }
0x275: {  	[tilespmem:s14+$0xFFFFFF40] =	vst v0;
	v0 =	vld [tilespmem:s14+$0xFFFFFFF0]  }
0x276: {  	[tilespmem:s14+$0xFFFFFF20] =	vst v5;
	v4 =	vld [tilespmem:s14+$0xFFFFFFC0]  }
0x277: {  	[tilespmem:s14+$0xFFFFFF50] =	vst v2;
	v2 =	vld [tilespmem:s14+$0xFFFFFF90]  }
0x278: {  	[tilespmem:s14+$0xFFFFFF70] =	vst v3;
	v3 =	vld [tilespmem:s14+$0xFFFFFFB0]  }
0x279: {  	v1 =	vld.idx.msk [tilespmem:v1+s24+$0x0], $0xffff  }
0x27a: {  	v5 =	vld [tilespmem:s14+$0xFFFFFFA0]  }
0x27b: {  	v6 =	vld [tilespmem:s14+$0xFFFFFFE0]  }
0x27c: {  	v7 =	vld [tilespmem:s14+$0xFFFFFFD0]  }
0x27d: {  	v8 =	vld [tilespmem:s14+$0x0];
	_ =	sdelay $0x1  }
0x27e: {  	v2 =	vmul.f32 v2, v1;
	v5 =	vmul.f32 v5, v1  }
0x27f: {  	v3 =	vmul.f32 v3, v1;
	v4 =	vmul.f32 v4, v1  }
0x280: {  	v6 =	vmul.f32 v6, v1;
	[tilespmem:s14+$0xFFFFFF90] =	vst v2;
	v2 =	vmul.f32 v7, v1  }
0x281: {  	v0 =	vmul.f32 v0, v1;
	[tilespmem:s14+$0xFFFFFFB0] =	vst v3;
	v1 =	vmul.f32 v8, v1  }
0x282: {  	s8 =	sadd.s32 $0x185, s15;
	[tilespmem:s14+$0xFFFFFFC0] =	vst v4  }
0x283: {  	v3 =	vmov s8;
	[tilespmem:s14+$0xFFFFFFD0] =	vst v2  }
0x284: {  	v2 =	vld [tilespmem:s18+$0xFFFFFDE0];
	[tilespmem:s14+$0xFFFFFFE0] =	vst v6  }
0x285: {  	v4 =	vld [tilespmem:s18+$0xFFFFFDC0];
	[tilespmem:s14+$0xFFFFFFF0] =	vst v0  }
0x286: {  	v0 =	vld [tilespmem:s18+$0xFFFFFDF0];
	[tilespmem:s14+$0x0] =	vst v1  }
0x287: {  	v1 =	vld [tilespmem:s18+$0xFFFFFE00];
	[tilespmem:s14+$0xFFFFFFA0] =	vst v5;
	s14 =	smov.u32 s18  }
0x288: {  	v3 =	vld.idx.msk [tilespmem:v3+s24+$0x0], $0xffff  }
0x289: {  	v5 =	vld [tilespmem:s18+$0xFFFFFD90]  }
0x28a: {  	v6 =	vld [tilespmem:s18+$0xFFFFFDB0]  }
0x28b: {  	v7 =	vld [tilespmem:s18+$0xFFFFFDA0]  }
0x28c: {  	v8 =	vld [tilespmem:s18+$0xFFFFFDD0];
	_ =	sdelay $0x1  }
0x28d: {  	v1 =	vmul.f32 v1, v3;
	v5 =	vmul.f32 v5, v3  }
0x28e: {  	v0 =	vmul.f32 v0, v3;
	v6 =	vmul.f32 v6, v3  }
0x28f: {  	v4 =	vmul.f32 v4, v3;
	v7 =	vmul.f32 v7, v3;
	[tilespmem:s18+$0xFFFFFE00] =	vst v1  }
0x290: {  	v2 =	vmul.f32 v2, v3;
	[tilespmem:s18+$0xFFFFFD90] =	vst v5;
	v1 =	vmul.f32 v8, v3  }
0x291: {  	s8 =	sadd.s32 $0x186, s15;
	[tilespmem:s18+$0xFFFFFDB0] =	vst v6  }
0x292: {  	v3 =	vmov s8;
	[tilespmem:s18+$0xFFFFFDC0] =	vst v4  }
0x293: {  	[tilespmem:s18+$0xFFFFFDE0] =	vst v2;
	v2 =	vld [tilespmem:s18+$0xFFFFFE80]  }
0x294: {  	[tilespmem:s18+$0xFFFFFDA0] =	vst v7;
	v4 =	vld [tilespmem:s18+$0xFFFFFE60]  }
0x295: {  	[tilespmem:s18+$0xFFFFFDF0] =	vst v0;
	v0 =	vld [tilespmem:s18+$0xFFFFFE40]  }
0x296: {  	[tilespmem:s18+$0xFFFFFDD0] =	vst v1;
	v1 =	vld [tilespmem:s18+$0xFFFFFE20]  }
0x297: {  	v3 =	vld.idx.msk [tilespmem:v3+s24+$0x0], $0xffff  }
0x298: {  	v5 =	vld [tilespmem:s18+$0xFFFFFE10]  }
0x299: {  	v6 =	vld [tilespmem:s18+$0xFFFFFE30]  }
0x29a: {  	v7 =	vld [tilespmem:s18+$0xFFFFFE50]  }
0x29b: {  	v8 =	vld [tilespmem:s18+$0xFFFFFE70];
	_ =	sdelay $0x1  }
0x29c: {  	v1 =	vmul.f32 v1, v3;
	v5 =	vmul.f32 v5, v3  }
0x29d: {  	v0 =	vmul.f32 v0, v3;
	v6 =	vmul.f32 v6, v3  }
0x29e: {  	v4 =	vmul.f32 v4, v3;
	[tilespmem:s18+$0xFFFFFE10] =	vst v5;
	v5 =	vmul.f32 v7, v3  }
0x29f: {  	v2 =	vmul.f32 v2, v3;
	[tilespmem:s18+$0xFFFFFE30] =	vst v6;
	v6 =	vmul.f32 v8, v3  }
0x2a0: {  	s8 =	sadd.s32 $0x187, s15;
	[tilespmem:s18+$0xFFFFFE60] =	vst v4  }
0x2a1: {  	v3 =	vmov s8;
	[tilespmem:s18+$0xFFFFFE50] =	vst v5  }
0x2a2: {  	[tilespmem:s18+$0xFFFFFE20] =	vst v1;
	v4 =	vld [tilespmem:s18+$0xFFFFFF00]  }
0x2a3: {  	[tilespmem:s18+$0xFFFFFE40] =	vst v0;
	v0 =	vld [tilespmem:s18+$0xFFFFFEC0]  }
0x2a4: {  	[tilespmem:s18+$0xFFFFFE80] =	vst v2;
	v1 =	vld [tilespmem:s18+$0xFFFFFEB0]  }
0x2a5: {  	[tilespmem:s18+$0xFFFFFE70] =	vst v6;
	v2 =	vld [tilespmem:s18+$0xFFFFFEA0]  }
0x2a6: {  	v3 =	vld.idx.msk [tilespmem:v3+s24+$0x0], $0xffff  }
0x2a7: {  	v5 =	vld [tilespmem:s18+$0xFFFFFE90]  }
0x2a8: {  	v6 =	vld [tilespmem:s18+$0xFFFFFEE0]  }
0x2a9: {  	v7 =	vld [tilespmem:s18+$0xFFFFFED0]  }
0x2aa: {  	v8 =	vld [tilespmem:s18+$0xFFFFFEF0];
	_ =	sdelay $0x1  }
0x2ab: {  	v9 =	vmul.f32 v2, v3;
	v5 =	vmul.f32 v5, v3  }
.Ltmp3:
0x2ac: {  	v10 =	vmul.f32 v1, v3;
	v2 =	vmul.f32 v0, v3;
	(pc) =	sbr.rel @p2 .LBB2_9-.Ltmp3, $4  }
0x2ad: {  	v1 =	vmul.f32 v6, v3;
	[tilespmem:s18+$0xFFFFFE90] =	vst v5;
	v0 =	vmul.f32 v7, v3  }
0x2ae: {  	v4 =	vmul.f32 v4, v3;
	[tilespmem:s18+$0xFFFFFEC0] =	vst v2;
	v2 =	vmul.f32 v8, v3  }
0x2af: {  	s8 =	sadd.s32 $0x188, s15;
	[tilespmem:s18+$0xFFFFFEB0] =	vst v10  }
0x2b0: {  	v3 =	vmov s8;
	[tilespmem:s18+$0xFFFFFEA0] =	vst v9  }
0x2b1: {  	[tilespmem:s14+$0xFFFFFF00] =	vst v4  }
0x2b2: {  	[tilespmem:s14+$0xFFFFFEE0] =	vst v1  }
0x2b3: {  	[tilespmem:s14+$0xFFFFFEF0] =	vst v2  }
0x2b4: {  	v1 =	vld [tilespmem:s14+$0xFFFFFF10];
	[tilespmem:s14+$0xFFFFFED0] =	vst v0  }
0x2b5: {  	v0 =	vld.idx.msk [tilespmem:v3+s24+$0x0], $0xffff  }
0x2b6: {  	v2 =	vld [tilespmem:s14+$0xFFFFFF30]  }
0x2b7: {  	v3 =	vld [tilespmem:s14+$0xFFFFFF80]  }
0x2b8: {  	v4 =	vld [tilespmem:s14+$0xFFFFFF60]  }
0x2b9: {  	v5 =	vld [tilespmem:s14+$0xFFFFFF40]  }
0x2ba: {  	v7 =	vld [tilespmem:s14+$0xFFFFFF50];
	v1 =	vmul.f32 v1, v0  }
0x2bb: {  	v6 =	vld [tilespmem:s14+$0xFFFFFF20];
	v2 =	vmul.f32 v2, v0  }
0x2bc: {  	v8 =	vld [tilespmem:s14+$0xFFFFFF70];
	[tilespmem:s14+$0xFFFFFF10] =	vst v1;
	v1 =	vmul.f32 v3, v0  }
0x2bd: {  	[tilespmem:s14+$0xFFFFFF30] =	vst v2;
	v2 =	vmul.f32 v4, v0  }
0x2be: {  	s8 =	sadd.s32 $0x189, s15;
	v3 =	vmul.f32 v5, v0;
	[tilespmem:s14+$0xFFFFFF80] =	vst v1  }
0x2bf: {  	v4 =	vmul.f32 v7, v0;
	[tilespmem:s14+$0xFFFFFF60] =	vst v2;
	v2 =	vmov s8  }
0x2c0: {  	v1 =	vmul.f32 v6, v0;
	[tilespmem:s14+$0xFFFFFF40] =	vst v3  }
0x2c1: {  	v0 =	vmul.f32 v8, v0;
	[tilespmem:s14+$0xFFFFFF50] =	vst v4  }
0x2c2: {  	[tilespmem:s14+$0xFFFFFF20] =	vst v1  }
0x2c3: {  	v1 =	vld [tilespmem:s14+$0xFFFFFF90];
	[tilespmem:s14+$0xFFFFFF70] =	vst v0  }
0x2c4: {  	v0 =	vld.idx.msk [tilespmem:v2+s24+$0x0], $0xffff  }
0x2c5: {  	v2 =	vld [tilespmem:s14+$0xFFFFFFB0]  }
0x2c6: {  	v4 =	vld [tilespmem:s14+$0xFFFFFFC0]  }
0x2c7: {  	v3 =	vld [tilespmem:s14+$0xFFFFFFF0]  }
0x2c8: {  	v5 =	vld [tilespmem:s14+$0xFFFFFFD0]  }
0x2c9: {  	v6 =	vld [tilespmem:s14+$0xFFFFFFE0];
	v1 =	vmul.f32 v1, v0  }
0x2ca: {  	v60 =	vld [tilespmem:s14+$0x0];
	v2 =	vmul.f32 v2, v0  }
0x2cb: {  	v7 =	vld [tilespmem:s14+$0xFFFFFFA0];
	v4 =	vmul.f32 v4, v0;
	[tilespmem:s14+$0xFFFFFF90] =	vst v1  }
0x2cc: {  	v3 =	vmul.f32 v3, v0;
	[tilespmem:s14+$0xFFFFFFB0] =	vst v2  }
0x2cd: {  	v1 =	vmul.f32 v5, v0;
	[tilespmem:s14+$0xFFFFFFC0] =	vst v4  }
0x2ce: {  	v2 =	vmul.f32 v6, v0;
	[tilespmem:s14+$0xFFFFFFF0] =	vst v3  }
0x2cf: {  	s15 =	smul.u32 $0xA0, s11;
	[tilespmem:s14+$0xFFFFFFD0] =	vst v1;
	v1 =	vmul.f32 v60, v0  }
0x2d0: {  	[tilespmem:s14+$0xFFFFFFE0] =	vst v2;
	v0 =	vmul.f32 v7, v0  }
0x2d1: {  	s8 =	sshra.s32 s15, $0x2;
	[tilespmem:s14+$0x0] =	vst v1  }
0x2d2: {  	s8 =	sadd.s32 $0x2710, s8;
	[tilespmem:s14+$0xFFFFFFA0] =	vst v0  }
0x2d3: {  	[spmem:s4] =	stream.indirect.scatter.add.f32 [tilespmem:s0], [sflag:$0x9], $0x80, s8, s22, $0xb8;
	[tilespmem:$0x1ED20] =	vst v63  }
0x2d4: {  	_ =	swait.ge [sflag:s10], $0x1400  }
0x2d5: {  	[sflag:s10] =	ssyncset.done $0x0  }
0x2d6: {  	[sflag:s10] =	ssyncadd.s32 $0xFFFFEC00  }
0x2d7: {  	_ =	swait.ge [sflag:s10], $0x28  }
0x2d8: {  	[sflag:s10] =	ssyncset.done $0x0  }
0x2d9: {  	s8 =	simm.s32 @!p1 $0x8;
	[sflag:s10] =	ssyncadd.s32 $0xFFFFFFD8  }
0x2da: {  	_ =	swait.ge @!p1 [sflag:s8], $0x1400  }
0x2db: {  	s11 =	simm.s32 @!p1 $0x28;
	s16 =	simm.s32 $0x200;
	[sflag:s8] =	ssyncset.done @!p1 $0x0  }
0x2dc: {  	[sflag:s8] =	ssyncadd.s32 @!p1 $0xFFFFEC00;
	s8 =	sadd.s32 @!p1 $0x118, s13;
	s13 =	simm.s32 @!p1 $0x78A0  }
0x2dd: {  	[tilespmem:s13], [sflag:$0x3] =	stream.indirect.gather @!p1 [hbm4b:s1+s11], $0x80, s8, s11, $0xb8;
	[tilespmem:$0x1ED20] =	vst v63  }
0x2de: {  	v0 =	vmov s16;
	s8 =	sadd.s32 @!p1 s6, s8  }
0x2df: {  	s14 =	simm.s32 @!p1 $0x4F20;
	s8 =	sshrl.u32 @!p1 s8, $0x3  }
0x2e0: {  	s13 =	simm.s32 @!p1 $0x0;
	s11 =	simm.s32 $0xA0A0;
	s8 =	sadd.s32 @!p1 s2, s8  }
0x2e1: {  	[tilespmem:s14], [sflag:$0x3] =	stream.linear.gather @!p1 [hbm4b:s8+s13], $0x28, $0x38;
	[tilespmem:$0x1ED20] =	vst v63  }
0x2e2: {  	v2 =	vld [tilespmem:s11+$0x70]  }
0x2e3: {  	v0 =	vld.idx.msk [tilespmem:v0+s24+$0x0], $0xffff  }
0x2e4: {  	v3 =	vld [tilespmem:s11+$0x0]  }
0x2e5: {  	v4 =	vld [tilespmem:s11+$0x20]  }
0x2e6: {  	v5 =	vld [tilespmem:s11+$0x30]  }
0x2e7: {  	v1 =	vld [tilespmem:s11+$0x50]  }
0x2e8: {  	v7 =	vld [tilespmem:s11+$0x10];
	v2 =	vmul.f32 v2, v0  }
0x2e9: {  	v6 =	vld [tilespmem:s11+$0x60];
	v3 =	vmul.f32 v3, v0  }
0x2ea: {  	v61 =	vld [tilespmem:s11+$0x40];
	v4 =	vmul.f32 v4, v0;
	[tilespmem:s11+$0x70] =	vst v2  }
0x2eb: {  	v2 =	vmul.f32 v5, v0;
	[tilespmem:s11+$0x0] =	vst v3  }
0x2ec: {  	s18 =	simm.s32 $0x201;
	v1 =	vmul.f32 v1, v0;
	[tilespmem:s11+$0x20] =	vst v4  }
0x2ed: {  	v3 =	vmul.f32 v7, v0;
	[tilespmem:s11+$0x30] =	vst v2;
	v2 =	vmov s18  }
0x2ee: {  	v4 =	vmul.f32 v6, v0;
	[tilespmem:s11+$0x50] =	vst v1  }
0x2ef: {  	v0 =	vmul.f32 v61, v0;
	[tilespmem:s11+$0x10] =	vst v3  }
0x2f0: {  	[tilespmem:s11+$0x60] =	vst v4  }
0x2f1: {  	v1 =	vld [tilespmem:s11+$0x80];
	[tilespmem:s11+$0x40] =	vst v0  }
0x2f2: {  	v0 =	vld.idx.msk [tilespmem:v2+s24+$0x0], $0xffff  }
0x2f3: {  	v2 =	vld [tilespmem:s11+$0xA0]  }
0x2f4: {  	v3 =	vld [tilespmem:s11+$0xD0]  }
0x2f5: {  	v4 =	vld [tilespmem:s11+$0xC0]  }
0x2f6: {  	v5 =	vld [tilespmem:s11+$0x90]  }
0x2f7: {  	v7 =	vld [tilespmem:s11+$0xF0];
	v1 =	vmul.f32 v1, v0  }
0x2f8: {  	v6 =	vld [tilespmem:s11+$0xB0];
	v2 =	vmul.f32 v2, v0  }
0x2f9: {  	v62 =	vld [tilespmem:s11+$0xE0];
	[tilespmem:s11+$0x80] =	vst v1;
	v1 =	vmul.f32 v3, v0  }
0x2fa: {  	v3 =	vmul.f32 v4, v0;
	[tilespmem:s11+$0xA0] =	vst v2  }
0x2fb: {  	s19 =	simm.s32 $0x202;
	v2 =	vmul.f32 v5, v0;
	[tilespmem:s11+$0xD0] =	vst v1  }
0x2fc: {  	v4 =	vmul.f32 v7, v0;
	[tilespmem:s11+$0xC0] =	vst v3;
	v3 =	vmov s19  }
0x2fd: {  	v1 =	vmul.f32 v6, v0;
	[tilespmem:s11+$0x90] =	vst v2  }
0x2fe: {  	v63 =	vld [tilespmem:s11+$0x160];
	v0 =	vmul.f32 v62, v0;
	[tilespmem:s11+$0xF0] =	vst v4  }
0x2ff: {  	v5 =	vld [tilespmem:s11+$0x170];
	[tilespmem:s11+$0xB0] =	vst v1  }
0x300: {  	[tilespmem:s11+$0xE0] =	vst v0;
	v0 =	vld [tilespmem:s11+$0x100]  }
0x301: {  	v3 =	vld.idx.msk [tilespmem:v3+s24+$0x0], $0xffff  }
0x302: {  	v1 =	vld [tilespmem:s11+$0x130]  }
0x303: {  	v2 =	vld [tilespmem:s11+$0x120]  }
0x304: {  	v4 =	vld [tilespmem:s11+$0x110]  }
0x305: {  	v7 =	vld [tilespmem:s11+$0x140]  }
0x306: {  	v6 =	vld [tilespmem:s11+$0x150];
	v0 =	vmul.f32 v0, v3  }
0x307: {  	v1 =	vmul.f32 v1, v3  }
0x308: {  	v2 =	vmul.f32 v2, v3;
	[tilespmem:s11+$0x100] =	vst v0  }
0x309: {  	v9 =	vmul.f32 v4, v3;
	[tilespmem:s11+$0x130] =	vst v1  }
0x30a: {  	s20 =	simm.s32 $0x203;
	v4 =	vmul.f32 v5, v3;
	v0 =	vmul.f32 v7, v3;
	[tilespmem:s11+$0x120] =	vst v2  }
0x30b: {  	s15 =	simm.s32 $0xA0A0;
	s13 =	simm.s32 $0xFFFFFFFB;
	s14 =	simm.s32 $0x0;
	v1 =	vmul.f32 v6, v3;
	v2 =	vmul.f32 v63, v3;
	[tilespmem:s11+$0x110] =	vst v9;
	v3 =	vmov s20  }
.LBB2_11:
0x30c: {  	[tilespmem:s11+$0x170] =	vst v4;
	v4 =	vld [tilespmem:s11+$0x1F0];
	s15 =	sadd.s32 $0x280, s15;
	s8 =	smov.u32 s14;
	s14 =	sadd.s32 $0x5, s14  }
0x30d: {  	p1 =	slt.u32 s14, $0x23;
	[tilespmem:s11+$0x150] =	vst v1;
	v1 =	vld [tilespmem:s11+$0x1A0]  }
0x30e: {  	[tilespmem:s11+$0x160] =	vst v2;
	v2 =	vld [tilespmem:s11+$0x180]  }
0x30f: {  	[tilespmem:s11+$0x140] =	vst v0;
	v0 =	vld [tilespmem:s11+$0x1B0]  }
0x310: {  	v3 =	vld.idx.msk [tilespmem:v3+s24+$0x0], $0xffff  }
0x311: {  	v5 =	vld [tilespmem:s11+$0x190]  }
0x312: {  	v6 =	vld [tilespmem:s11+$0x1E0]  }
0x313: {  	v7 =	vld [tilespmem:s11+$0x1C0]  }
0x314: {  	v8 =	vld [tilespmem:s11+$0x1D0];
	_ =	sdelay $0x1  }
0x315: {  	v2 =	vmul.f32 v2, v3;
	v5 =	vmul.f32 v5, v3  }
0x316: {  	v1 =	vmul.f32 v1, v3;
	v0 =	vmul.f32 v0, v3  }
0x317: {  	v4 =	vmul.f32 v4, v3;
	[tilespmem:s11+$0x180] =	vst v2;
	v2 =	vmul.f32 v7, v3  }
0x318: {  	[tilespmem:s11+$0x1A0] =	vst v1;
	v1 =	vmul.f32 v8, v3;
	v3 =	vmul.f32 v6, v3  }
0x319: {  	s16 =	sadd.s32 $0x209, s13;
	s13 =	smov.u32 s8;
	[tilespmem:s11+$0x1F0] =	vst v4  }
0x31a: {  	[tilespmem:s11+$0x1D0] =	vst v1;
	v1 =	vmov s16  }
0x31b: {  	[tilespmem:s11+$0x1B0] =	vst v0;
	v0 =	vld [tilespmem:s11+$0x230]  }
0x31c: {  	[tilespmem:s11+$0x190] =	vst v5;
	v4 =	vld [tilespmem:s11+$0x200]  }
0x31d: {  	[tilespmem:s11+$0x1C0] =	vst v2;
	v2 =	vld [tilespmem:s11+$0x260]  }
0x31e: {  	[tilespmem:s11+$0x1E0] =	vst v3;
	v3 =	vld [tilespmem:s11+$0x220]  }
0x31f: {  	v1 =	vld.idx.msk [tilespmem:v1+s24+$0x0], $0xffff  }
0x320: {  	v5 =	vld [tilespmem:s11+$0x210]  }
0x321: {  	v6 =	vld [tilespmem:s11+$0x250]  }
0x322: {  	v7 =	vld [tilespmem:s11+$0x240]  }
0x323: {  	v8 =	vld [tilespmem:s11+$0x270];
	_ =	sdelay $0x1  }
0x324: {  	v4 =	vmul.f32 v4, v1;
	v5 =	vmul.f32 v5, v1  }
0x325: {  	v3 =	vmul.f32 v3, v1;
	v0 =	vmul.f32 v0, v1  }
0x326: {  	v6 =	vmul.f32 v6, v1;
	[tilespmem:s11+$0x200] =	vst v4;
	v4 =	vmul.f32 v7, v1  }
0x327: {  	v2 =	vmul.f32 v2, v1;
	[tilespmem:s11+$0x220] =	vst v3;
	v1 =	vmul.f32 v8, v1  }
0x328: {  	s8 =	sadd.s32 $0x205, s13;
	[tilespmem:s11+$0x230] =	vst v0  }
0x329: {  	v0 =	vmov s8;
	[tilespmem:s11+$0x240] =	vst v4  }
0x32a: {  	v3 =	vld [tilespmem:s15+$0x50];
	[tilespmem:s11+$0x250] =	vst v6  }
0x32b: {  	v4 =	vld [tilespmem:s15+$0x30];
	[tilespmem:s11+$0x260] =	vst v2  }
0x32c: {  	v2 =	vld [tilespmem:s15+$0x60];
	[tilespmem:s11+$0x270] =	vst v1  }
0x32d: {  	v1 =	vld [tilespmem:s15+$0x70];
	[tilespmem:s11+$0x210] =	vst v5;
	s11 =	smov.u32 s15  }
0x32e: {  	v0 =	vld.idx.msk [tilespmem:v0+s24+$0x0], $0xffff  }
0x32f: {  	v5 =	vld [tilespmem:s15+$0x0]  }
0x330: {  	v6 =	vld [tilespmem:s15+$0x20]  }
0x331: {  	v7 =	vld [tilespmem:s15+$0x10]  }
0x332: {  	v8 =	vld [tilespmem:s15+$0x40];
	_ =	sdelay $0x1  }
0x333: {  	v1 =	vmul.f32 v1, v0;
	v5 =	vmul.f32 v5, v0  }
0x334: {  	v2 =	vmul.f32 v2, v0;
	v6 =	vmul.f32 v6, v0  }
0x335: {  	v4 =	vmul.f32 v4, v0;
	v7 =	vmul.f32 v7, v0;
	[tilespmem:s15+$0x70] =	vst v1  }
0x336: {  	[tilespmem:s15+$0x0] =	vst v5;
	v1 =	vmul.f32 v8, v0;
	v0 =	vmul.f32 v3, v0  }
0x337: {  	s8 =	sadd.s32 $0x206, s13;
	[tilespmem:s15+$0x20] =	vst v6  }
0x338: {  	v3 =	vmov s8;
	[tilespmem:s15+$0x30] =	vst v4  }
0x339: {  	[tilespmem:s15+$0x50] =	vst v0;
	v0 =	vld [tilespmem:s15+$0xF0]  }
0x33a: {  	[tilespmem:s15+$0x10] =	vst v7;
	v4 =	vld [tilespmem:s15+$0xD0]  }
0x33b: {  	[tilespmem:s15+$0x60] =	vst v2;
	v2 =	vld [tilespmem:s15+$0xB0]  }
0x33c: {  	[tilespmem:s15+$0x40] =	vst v1;
	v1 =	vld [tilespmem:s15+$0x90]  }
0x33d: {  	v3 =	vld.idx.msk [tilespmem:v3+s24+$0x0], $0xffff  }
0x33e: {  	v5 =	vld [tilespmem:s15+$0x80]  }
0x33f: {  	v6 =	vld [tilespmem:s15+$0xA0]  }
0x340: {  	v7 =	vld [tilespmem:s15+$0xC0]  }
0x341: {  	v8 =	vld [tilespmem:s15+$0xE0];
	_ =	sdelay $0x1  }
0x342: {  	v1 =	vmul.f32 v1, v3;
	v5 =	vmul.f32 v5, v3  }
0x343: {  	v2 =	vmul.f32 v2, v3;
	v6 =	vmul.f32 v6, v3  }
0x344: {  	v4 =	vmul.f32 v4, v3;
	[tilespmem:s15+$0x80] =	vst v5;
	v5 =	vmul.f32 v7, v3  }
0x345: {  	v0 =	vmul.f32 v0, v3;
	[tilespmem:s15+$0xA0] =	vst v6;
	v6 =	vmul.f32 v8, v3  }
0x346: {  	s8 =	sadd.s32 $0x207, s13;
	[tilespmem:s15+$0xD0] =	vst v4  }
0x347: {  	v3 =	vmov s8;
	[tilespmem:s15+$0xC0] =	vst v5  }
0x348: {  	[tilespmem:s15+$0x90] =	vst v1;
	v4 =	vld [tilespmem:s15+$0x170]  }
0x349: {  	[tilespmem:s15+$0xB0] =	vst v2;
	v1 =	vld [tilespmem:s15+$0x130]  }
0x34a: {  	[tilespmem:s15+$0xF0] =	vst v0;
	v0 =	vld [tilespmem:s15+$0x120]  }
0x34b: {  	[tilespmem:s15+$0xE0] =	vst v6;
	v2 =	vld [tilespmem:s15+$0x110]  }
0x34c: {  	v3 =	vld.idx.msk [tilespmem:v3+s24+$0x0], $0xffff  }
0x34d: {  	v5 =	vld [tilespmem:s15+$0x100]  }
0x34e: {  	v6 =	vld [tilespmem:s15+$0x150]  }
0x34f: {  	v7 =	vld [tilespmem:s15+$0x140]  }
0x350: {  	v8 =	vld [tilespmem:s15+$0x160];
	_ =	sdelay $0x1  }
0x351: {  	v9 =	vmul.f32 v2, v3;
	v5 =	vmul.f32 v5, v3  }
.Ltmp4:
0x352: {  	v10 =	vmul.f32 v0, v3;
	v2 =	vmul.f32 v1, v3;
	(pc) =	sbr.rel @p1 .LBB2_11-.Ltmp4, $4  }
0x353: {  	v1 =	vmul.f32 v6, v3;
	[tilespmem:s15+$0x100] =	vst v5;
	v0 =	vmul.f32 v7, v3  }
0x354: {  	v4 =	vmul.f32 v4, v3;
	[tilespmem:s15+$0x130] =	vst v2;
	v2 =	vmul.f32 v8, v3  }
0x355: {  	s8 =	sadd.s32 $0x208, s13;
	[tilespmem:s15+$0x120] =	vst v10  }
0x356: {  	v3 =	vmov s8;
	[tilespmem:s15+$0x110] =	vst v9  }
0x357: {  	[tilespmem:s11+$0x170] =	vst v4  }
0x358: {  	[tilespmem:s11+$0x150] =	vst v1  }
0x359: {  	[tilespmem:s11+$0x160] =	vst v2  }
0x35a: {  	v42 =	vld [tilespmem:s11+$0x180];
	[tilespmem:s11+$0x140] =	vst v0  }
0x35b: {  	v0 =	vld.idx.msk [tilespmem:v3+s24+$0x0], $0xffff  }
0x35c: {  	v43 =	vld [tilespmem:s11+$0x1A0]  }
0x35d: {  	v44 =	vld [tilespmem:s11+$0x1F0]  }
0x35e: {  	v45 =	vld [tilespmem:s11+$0x1D0]  }
0x35f: {  	v5 =	vld [tilespmem:s11+$0x1B0]  }
0x360: {  	v6 =	vld [tilespmem:s11+$0x190];
	v1 =	vmul.f32 v42, v0  }
0x361: {  	v7 =	vld [tilespmem:s11+$0x1C0];
	v2 =	vmul.f32 v43, v0  }
0x362: {  	v8 =	vld [tilespmem:s11+$0x1E0];
	v46 =	vmul.f32 v44, v0;
	[tilespmem:s11+$0x180] =	vst v1  }
0x363: {  	v47 =	vmul.f32 v45, v0;
	[tilespmem:s11+$0x1A0] =	vst v2  }
0x364: {  	s8 =	sadd.s32 $0x209, s13;
	v48 =	vmul.f32 v5, v0;
	[tilespmem:s11+$0x1F0] =	vst v46  }
0x365: {  	v50 =	vmov s8;
	v49 =	vmul.f32 v6, v0;
	[tilespmem:s11+$0x1D0] =	vst v47  }
0x366: {  	v51 =	vmul.f32 v7, v0;
	[tilespmem:s11+$0x1B0] =	vst v48  }
0x367: {  	v0 =	vmul.f32 v8, v0;
	[tilespmem:s11+$0x190] =	vst v49  }
0x368: {  	[tilespmem:s11+$0x1C0] =	vst v51  }
0x369: {  	v52 =	vld [tilespmem:s11+$0x200];
	[tilespmem:s11+$0x1E0] =	vst v0  }
0x36a: {  	v0 =	vld.idx.msk [tilespmem:v50+s24+$0x0], $0xffff  }
0x36b: {  	v54 =	vld [tilespmem:s11+$0x220]  }
0x36c: {  	v53 =	vld [tilespmem:s11+$0x230]  }
0x36d: {  	v56 =	vld [tilespmem:s11+$0x240]  }
0x36e: {  	v57 =	vld [tilespmem:s11+$0x250]  }
0x36f: {  	v55 =	vld [tilespmem:s11+$0x260];
	v1 =	vmul.f32 v52, v0  }
0x370: {  	v59 =	vld [tilespmem:s11+$0x270];
	v2 =	vmul.f32 v54, v0  }
0x371: {  	v58 =	vld [tilespmem:s11+$0x210];
	v3 =	vmul.f32 v53, v0;
	[tilespmem:s11+$0x200] =	vst v1  }
0x372: {  	v60 =	vmul.f32 v56, v0;
	[tilespmem:s11+$0x220] =	vst v2  }
0x373: {  	s9 =	sadd.s32 $0x1, s9;
	v61 =	vmul.f32 v57, v0;
	[tilespmem:s11+$0x230] =	vst v3  }
0x374: {  	s20 =	smul.u32 $0xA0, s12;
	p1 =	sne.s32 s9, $0x32;
	v62 =	vmul.f32 v55, v0;
	[tilespmem:s11+$0x240] =	vst v60  }
.Ltmp5:
0x375: {  	v63 =	vmul.f32 v59, v0;
	[tilespmem:s11+$0x250] =	vst v61;
	(pc) =	sbr.rel @p1 .LBB2_2-.Ltmp5, $4  }
0x376: {  	v0 =	vmul.f32 v58, v0;
	[tilespmem:s11+$0x260] =	vst v62  }
0x377: {  	s8 =	sshra.s32 s20, $0x2;
	[tilespmem:s11+$0x270] =	vst v63  }
0x378: {  	s8 =	sadd.s32 $0x2710, s8;
	[tilespmem:s11+$0x210] =	vst v0  }
0x379: {  	[spmem:s4] =	stream.indirect.scatter.add.f32 [tilespmem:s26], [sflag:$0xA], $0x80, s8, s22, $0xb8;
	[tilespmem:$0x1ED20] =	vst v63  }
0x37a: {  	s8 =	simm.s32 $0x6  }
0x37b: {  	_ =	swait.ge [sflag:s8], $0x1400  }
0x37c: {  	[sflag:s8] =	ssyncset.done $0x0  }
0x37d: {  	s15 =	simm.s32 $0x7;
	[sflag:s8] =	ssyncadd.s32 $0xFFFFEC00  }
0x37e: {  	_ =	swait.ge [sflag:s15], $0x1400  }
0x37f: {  	[sflag:s15] =	ssyncset.done $0x0  }
0x380: {  	s16 =	simm.s32 $0x8;
	[sflag:s15] =	ssyncadd.s32 $0xFFFFEC00  }
0x381: {  	_ =	swait.ge [sflag:s16], $0x1400  }
0x382: {  	[sflag:s16] =	ssyncset.done $0x0  }
0x383: {  	s18 =	simm.s32 $0x9;
	[sflag:s16] =	ssyncadd.s32 $0xFFFFEC00  }
0x384: {  	_ =	swait.ge [sflag:s18], $0x1400  }
0x385: {  	[sflag:s18] =	ssyncset.done $0x0  }
0x386: {  	s19 =	simm.s32 $0xA;
	[sflag:s18] =	ssyncadd.s32 $0xFFFFEC00  }
0x387: {  	_ =	swait.ge [sflag:s19], $0x1400  }
0x388: {  	[sflag:s19] =	ssyncset.done $0x0  }
0x389: {  	[sflag:s19] =	ssyncadd.s32 $0xFFFFEC00  }
0x38a: {  	[bflag:$0x0] =	sbarrier.arrive $0xFFFF  }
0x38b: {  	s15 =	rddreg [dreg:$0x7]  }
0x38c: {  	s20 =	rddreg [dreg:$0xe]  }
0x38d: {  	s12 =	simm.s32 $0xB;
	s11 =	rddreg [dreg:$0x11]  }
0x38e: {  	[hbm:s20], [sflag:s15] =	dma.local [spmem:s11], $0x2700  }
0x38f: {  	_ =	swait.ge [sflag:s12], $0x2700  }
0x390: {  	[sflag:s12] =	ssyncset.done $0x0;
	s8 =	rddreg [dreg:$0xf]  }
0x391: {  	s13 =	rddreg [dreg:$0x12];
	[sflag:s12] =	ssyncadd.s32 $0xFFFFD900  }
0x392: {  	[hbm:s8], [sflag:s15] =	dma.local @!p0 [spmem:s13], $0x100  }
0x393: {  	s8 =	simm.s32 @!p0 $0xB  }
0x394: {  	_ =	swait.ge @!p0 [sflag:s8], $0x100  }
0x395: {  	s17 =	sadd.s32 $0x1, s17;
	s9 =	rddreg [dreg:$0x10]  }
0x396: {  	p1 =	sne.s32 s17, s9  }
.Ltmp6:
0x397: {  	_ = 	snop;
	(pc) =	sbr.rel @p1 .LBB2_1-.Ltmp6, $3  }
0x398: {  	_ =	sdelay $0x1  }
0x399: {  	[sflag:s8] =	ssyncset.done @!p0 $0x0  }
0x39a: {  	[sflag:s8] =	ssyncadd.s32 @!p0 $0xFFFFFF00  }
0x39b: {  	_ =	sfence.sel $0x180000  }
0x39c: {  	[bflag:$0x0] =	sbarrier.arrive $0xFFFF  }
0x39d: {  	_ =	strace $0x90000047  }
0x39e: {  	s0 =	stileid.u32;
	[bflag:$0x2] =	sbarrier.arrive $0xFFFF  }
0x39f: {  	p0 =	sne.s32 s0, $0x0;
	s0 =	rddreg [dreg:$0x5]  }
0x3a0: {  	s0 =	sadd.s32 @!p0 $0x100000, s0  }
0x3a1: {  	[sflag:s0] =	ssyncadd.tile.s32 @!p0 $0x1;
	_ =	shalt  }
.Lfunc_end2:
_tile_overlayer_lowered:
.L_overlay_start_2:
0x3a2: {  	(tag) =	ssettag $0x2  }
0x3a3: {  	s0 =	rddreg [dreg:$0x0];
	s2 =	stileid.u32  }
0x3a4: {  	s1 =	rddreg [dreg:$0x1];
	p0 =	sne.s32 s2, $0x0  }
0x3a5: {  	s3 =	rddreg [dreg:$0x2];
	[bflag:$0x3] =	sbarrier.arrive $0xFFFF;
	s2 =	simm.s32 @!p0 $0x1C0B  }
0x3a6: {  	[timem:s3], [sflag:s2] =	dma.local @!p0 [hbm:s0], s1  }
0x3a7: {  	s0 =	simm.s32 @!p0 $0xB  }
0x3a8: {  	_ =	swait.ge @!p0 [sflag:s0], s1  }
0x3a9: {  	s1 =	ssub.s32 @!p0 $0x0, s1;
	[sflag:s0] =	ssyncset.done @!p0 $0x0  }
0x3aa: {  	[sflag:s0] =	ssyncadd.s32 @!p0 s1  }
0x3ab: {  	[bflag:$0x3] =	sbarrier.arrive $0xFFFF  }
0x3ac: {  	_ =	shalt  }

</sc_bundles>
